<compile_context>
chip_gen: v7x
topology: tpu7x:2x2x1
jax: 0.10.2.dev20260603
libtpu: 0.0.44.dev20260713+nightly
codegen_flags: <defaults>
</compile_context>

<pallas_src>
import jax
import jax.numpy as jnp
from jax import lax
from jax.experimental import pallas as pl
from jax.experimental.pallas import tpu as pltpu
from jax.experimental.pallas import tpu_sc as plsc

N = 10000
E = 320000
D = 128
NC, NS, L = 2, 16, 16
NW = NC * NS
EPT = 10240
E_PAD = NW * EPT
CH = 64
SUP = 8
NSUP = EPT // (SUP * CH)
N_PAD = 10240
RPT = N_PAD // NS
HW = D // 2


def _proj_body(x_ref, wt_ref, a2_ref, h_ref, sds_ref):
    h = jnp.dot(x_ref[...], wt_ref[...], preferred_element_type=jnp.float32)
    h_ref[...] = h
    sds_ref[...] = jnp.dot(h, a2_ref[...], preferred_element_type=jnp.float32)


def _ed_body(ea_ref, bd_ref, ed_ref):
    ed_ref[...] = jnp.dot(ea_ref[...], bd_ref[...],
                          preferred_element_type=jnp.float32)


def _sc_body(h_hbm, sd_hbm, ss_hbm, dst_hbm, src_hbm, ed_hbm,
             zatt_hbm, zden_hbm,
             att_out, den_out,
             sd_v, ss_v, dst_v, src_v, ed_v, ex_v, rows_v, scaled_v,
             att_sh, den_sh,
             gsem0, gsem1, gsem2, gsem3, ssem0, ssem1, stsem):
    c = lax.axis_index("c")
    s = lax.axis_index("s")
    wid = s * NC + c

    pltpu.sync_copy(sd_hbm, sd_v)
    pltpu.sync_copy(ss_hbm, ss_v)
    pltpu.sync_copy(zatt_hbm.at[pl.ds(s * RPT, RPT)],
                    att_sh.at[pl.ds(s * RPT, RPT)])
    pltpu.sync_copy(zden_hbm.at[pl.ds(s * RPT, RPT)],
                    den_sh.at[pl.ds(s * RPT, RPT)])
    plsc.subcore_barrier()

    lane = lax.iota(jnp.int32, L)

    def stage_start(k, b):
        pltpu.async_copy(dst_hbm.at[wid, k], dst_v.at[b], stsem)
        pltpu.async_copy(src_hbm.at[wid, k], src_v.at[b], stsem)
        pltpu.async_copy(ed_hbm.at[wid, k], ed_v.at[b], stsem)

    def stage_wait(k, b):
        pltpu.make_async_copy(dst_hbm.at[wid, k], dst_v.at[b], stsem).wait()
        pltpu.make_async_copy(src_hbm.at[wid, k], src_v.at[b], stsem).wait()
        pltpu.make_async_copy(ed_hbm.at[wid, k], ed_v.at[b], stsem).wait()

    def gsem(p):
        return gsem0 if p == 0 else gsem1

    def gsemh(p):
        return gsem2 if p == 0 else gsem3

    def ssem(p):
        return ssem0 if p == 0 else ssem1

    def compute_ex(k, b, j, p):
        for g in range(CH // L):
            di = dst_v[b, j, pl.ds(g * L, L)]
            si = src_v[b, j, pl.ds(g * L, L)]
            sc = (plsc.load_gather(sd_v, [di])
                  + plsc.load_gather(ss_v, [si])
                  + ed_v[b, j, pl.ds(g * L, L)])
            sc = jnp.where(sc >= 0.0, sc, 0.2 * sc)
            ex = jnp.exp(sc)
            gid = wid * EPT + (k * SUP + j) * CH + g * L + lane
            ex_v[p, pl.ds(g * L, L)] = jnp.where(gid < E, ex, 0.0)

    HC = CH // 2

    def gather_start(b, j, p):
        pltpu.async_copy(h_hbm.at[src_v.at[b, j, pl.ds(0, HC)]],
                         rows_v.at[p, pl.ds(0, HC)], gsem(p))
        pltpu.async_copy(h_hbm.at[src_v.at[b, j, pl.ds(HC, HC)]],
                         rows_v.at[p, pl.ds(HC, HC)], gsemh(p))

    def gather_wait(b, j, p):
        pltpu.make_async_copy(
            h_hbm.at[src_v.at[b, j, pl.ds(0, HC)]],
            rows_v.at[p, pl.ds(0, HC)], gsem(p)).wait()
        pltpu.make_async_copy(
            h_hbm.at[src_v.at[b, j, pl.ds(HC, HC)]],
            rows_v.at[p, pl.ds(HC, HC)], gsemh(p)).wait()

    def scatter_start(b, j, p):
        pltpu.async_copy(scaled_v.at[p], att_sh.at[dst_v.at[b, j]], ssem(p),
                         add=True)
        pltpu.async_copy(ex_v.at[p], den_sh.at[dst_v.at[b, j]], ssem(p),
                         add=True)

    def scatter_wait(b, j, p):
        pltpu.make_async_copy(
            scaled_v.at[p], att_sh.at[dst_v.at[b, j]], ssem(p)).wait()
        pltpu.make_async_copy(
            ex_v.at[p], den_sh.at[dst_v.at[b, j]], ssem(p)).wait()

    def scale(p):
        def edge_body(e, carry2):
            bv = plsc.load_gather(ex_v.at[p], [jnp.zeros((L,), jnp.int32) + e])
            for g in range(HW // L):
                v = rows_v[p, e, pl.ds(g * L, L)]
                lo = lax.bitcast_convert_type(v << 16, jnp.float32)
                hi = lax.bitcast_convert_type(v & jnp.int32(-65536),
                                              jnp.float32)
                scaled_v[p, e, pl.ds(g * L, L)] = lo * bv
                scaled_v[p, e, pl.ds(HW + g * L, L)] = hi * bv
            return carry2

        lax.fori_loop(0, CH, edge_body, 0, unroll=8)

    stage_start(0, 0)

    def sup_body(k, carry):
        b = lax.rem(k, 2)
        stage_wait(k, b)

        @pl.when(k < NSUP - 1)
        def _():
            stage_start(k + 1, 1 - b)

        compute_ex(k, b, 0, 0)
        gather_start(b, 0, 0)

        def pair_body(mm, carry1):
            for p in (0, 1):
                j = 2 * mm + p
                q = 1 - p
                gather_wait(b, j, p)
                scale(p)
                scatter_start(b, j, p)
                if p == 0:
                    @pl.when(mm > 0)
                    def _():
                        scatter_wait(b, j - 1, q)
                else:
                    scatter_wait(b, j - 1, q)

                if p == 0:
                    compute_ex(k, b, j + 1, q)
                    gather_start(b, j + 1, q)
                else:
                    @pl.when(mm < SUP // 2 - 1)
                    def _():
                        compute_ex(k, b, j + 1, q)
                        gather_start(b, j + 1, q)
            return carry1

        lax.fori_loop(0, SUP // 2, pair_body, 0)
        scatter_wait(b, SUP - 1, 1)
        return carry

    lax.fori_loop(0, NSUP, sup_body, 0)

    plsc.subcore_barrier()

    pltpu.sync_copy(att_sh.at[pl.ds(s * RPT, RPT)],
                    att_out.at[c, pl.ds(s * RPT, RPT)])
    pltpu.sync_copy(den_sh.at[pl.ds(s * RPT, RPT)],
                    den_out.at[c, pl.ds(s * RPT, RPT)])


def _fin_body(h_ref, a0_ref, a1_ref, d0_ref, d1_ref, w1t_ref, b1_ref,
              w2t_ref, b2_ref, g1_ref, be1_ref, g2_ref, be2_ref, out_ref):
    att = a0_ref[...] + a1_ref[...]
    den = jnp.maximum(d0_ref[...] + d1_ref[...], 1e-16)
    v = h_ref[...] + att / den
    mu = jnp.mean(v, axis=-1, keepdims=True)
    var = jnp.var(v, axis=-1, keepdims=True)
    h1 = (v - mu) / jnp.sqrt(var + 1e-5) * g1_ref[...] + be1_ref[...]
    ff = jnp.maximum(
        jnp.dot(h1, w1t_ref[...], preferred_element_type=jnp.float32)
        + b1_ref[...], 0.0)
    ff = jnp.dot(ff, w2t_ref[...],
                 preferred_element_type=jnp.float32) + b2_ref[...]
    v2 = h1 + ff
    mu2 = jnp.mean(v2, axis=-1, keepdims=True)
    var2 = jnp.var(v2, axis=-1, keepdims=True)
    out_ref[...] = ((v2 - mu2) / jnp.sqrt(var2 + 1e-5) * g2_ref[...]
                    + be2_ref[...])


def kernel(x, edge_index, edge_attr, W_node, att_w, ln1_g, ln1_b, W1, b1,
           W2, b2, ln2_g, ln2_b):
    f32 = jnp.float32

    a_dst, a_src, a_edge = att_w[:D], att_w[D:2 * D], att_w[2 * D:]
    a2 = jnp.zeros((D, 8), f32).at[:, 0].set(a_dst).at[:, 1].set(a_src)
    bd = jnp.zeros((D, 8), f32)
    for g in range(8):
        bd = bd.at[16 * g:16 * (g + 1), g].set(a_edge)

    B1 = 1000
    h, sds = pl.pallas_call(
        _proj_body,
        grid=(N // B1,),
        in_specs=[pl.BlockSpec((B1, D), lambda i: (i, 0)),
                  pl.BlockSpec((D, D), lambda i: (0, 0)),
                  pl.BlockSpec((D, 8), lambda i: (0, 0))],
        out_specs=[pl.BlockSpec((B1, D), lambda i: (i, 0)),
                   pl.BlockSpec((B1, 8), lambda i: (i, 0))],
        out_shape=[jax.ShapeDtypeStruct((N, D), f32),
                   jax.ShapeDtypeStruct((N, 8), f32)],
    )(x, W_node.T, a2)
    sd = sds[:, 0]
    ss = sds[:, 1]

    hb = jnp.stack([h[:, :HW], h[:, HW:]], axis=-1).astype(jnp.bfloat16)
    h_pack = lax.bitcast_convert_type(hb, jnp.int32)

    B2 = 1000
    ea_r = edge_attr.reshape(E // 8, D)
    ed_r = pl.pallas_call(
        _ed_body,
        grid=(E // 8 // B2,),
        in_specs=[pl.BlockSpec((B2, D), lambda i: (i, 0)),
                  pl.BlockSpec((D, 8), lambda i: (0, 0))],
        out_specs=pl.BlockSpec((B2, 8), lambda i: (i, 0)),
        out_shape=jax.ShapeDtypeStruct((E // 8, 8), f32),
    )(ea_r, bd).reshape(E)

    pad = E_PAD - E
    dst = jnp.pad(edge_index[0].astype(jnp.int32), (0, pad)).reshape(
        NW, NSUP, SUP, CH)
    src = jnp.pad(edge_index[1].astype(jnp.int32), (0, pad)).reshape(
        NW, NSUP, SUP, CH)
    ed = jnp.pad(ed_r, (0, pad)).reshape(NW, NSUP, SUP, CH)
    zatt = jnp.zeros((N_PAD, D), f32)
    zden = jnp.zeros((N_PAD,), f32)

    mesh = plsc.VectorSubcoreMesh(core_axis_name="c", subcore_axis_name="s",
                                  num_cores=NC, num_subcores=NS)
    att_acc, den_acc = pl.kernel(
        _sc_body,
        out_type=[jax.ShapeDtypeStruct((NC, N_PAD, D), f32),
                  jax.ShapeDtypeStruct((NC, N_PAD), f32)],
        mesh=mesh,
        compiler_params=pltpu.CompilerParams(needs_layout_passes=False,
                                             use_tc_tiling_on_sc=False),
        scratch_types=[
            pltpu.VMEM((N,), f32),
            pltpu.VMEM((N,), f32),
            pltpu.VMEM((2, SUP, CH), jnp.int32),
            pltpu.VMEM((2, SUP, CH), jnp.int32),
            pltpu.VMEM((2, SUP, CH), f32),
            pltpu.VMEM((2, CH), f32),
            pltpu.VMEM((2, CH, HW), jnp.int32),
            pltpu.VMEM((2, CH, D), f32),
            pltpu.VMEM_SHARED((N_PAD, D), f32),
            pltpu.VMEM_SHARED((N_PAD,), f32),
            pltpu.SemaphoreType.DMA,
            pltpu.SemaphoreType.DMA,
            pltpu.SemaphoreType.DMA,
            pltpu.SemaphoreType.DMA,
            pltpu.SemaphoreType.DMA,
            pltpu.SemaphoreType.DMA,
            pltpu.SemaphoreType.DMA,
        ],
    )(h_pack, sd, ss, dst, src, ed, zatt, zden)

    B3 = 1000
    out = pl.pallas_call(
        _fin_body,
        grid=(N // B3,),
        in_specs=[pl.BlockSpec((B3, D), lambda i: (i, 0)),
                  pl.BlockSpec((B3, D), lambda i: (i, 0)),
                  pl.BlockSpec((B3, D), lambda i: (i, 0)),
                  pl.BlockSpec((B3, 1), lambda i: (i, 0)),
                  pl.BlockSpec((B3, 1), lambda i: (i, 0)),
                  pl.BlockSpec((D, 2 * D), lambda i: (0, 0)),
                  pl.BlockSpec((1, 2 * D), lambda i: (0, 0)),
                  pl.BlockSpec((2 * D, D), lambda i: (0, 0)),
                  pl.BlockSpec((1, D), lambda i: (0, 0)),
                  pl.BlockSpec((1, D), lambda i: (0, 0)),
                  pl.BlockSpec((1, D), lambda i: (0, 0)),
                  pl.BlockSpec((1, D), lambda i: (0, 0)),
                  pl.BlockSpec((1, D), lambda i: (0, 0))],
        out_specs=pl.BlockSpec((B3, D), lambda i: (i, 0)),
        out_shape=jax.ShapeDtypeStruct((N, D), f32),
    )(h, att_acc[0, :N], att_acc[1, :N],
      den_acc[0, :N].reshape(N, 1), den_acc[1, :N].reshape(N, 1),
      W1.T, b1.reshape(1, -1), W2.T, b2.reshape(1, -1),
      ln1_g.reshape(1, -1), ln1_b.reshape(1, -1),
      ln2_g.reshape(1, -1), ln2_b.reshape(1, -1))
    return out

# --- scband reference (transcript-rebuilt; emitter-appended) ---
"""Pipeline reference for scband-relational-attention-layer-20959440405253 (READ-ONLY COPY).

The authoritative reference and input builder live on the scoring server;
editing this copy changes nothing except your own understanding.
"""

import jax, jax.numpy as jnp
import numpy as np

N, E, D_IN, D_OUT, D_EDGE = 10000, 320000, 128, 128, 16


def setup_inputs(seed: int = 0) -> dict:
    key = jax.random.key(seed)
    ks = jax.random.split(key, 14)
    x = jax.random.normal(ks[0], (N, D_IN), dtype=jnp.float32)
    edge_index = jax.random.randint(ks[1], (2, E), 0, N, dtype=jnp.int32).astype(jnp.int64)
    edge_attr = jax.random.normal(ks[2], (E, D_EDGE), dtype=jnp.float32)
    # learned parameters
    W_node = jax.random.normal(ks[3], (D_OUT, D_IN), dtype=jnp.float32) * (1.0 / np.sqrt(D_IN))
    att_w = jax.random.normal(ks[4], (2 * D_OUT + D_EDGE,), dtype=jnp.float32) * 0.05
    ln1_g = jnp.ones((D_OUT,), dtype=jnp.float32)
    ln1_b = jnp.zeros((D_OUT,), dtype=jnp.float32)
    W1 = jax.random.normal(ks[5], (2 * D_OUT, D_OUT), dtype=jnp.float32) * (1.0 / np.sqrt(D_OUT))
    b1 = jnp.zeros((2 * D_OUT,), dtype=jnp.float32)
    W2 = jax.random.normal(ks[6], (D_OUT, 2 * D_OUT), dtype=jnp.float32) * (1.0 / np.sqrt(2 * D_OUT))
    b2 = jnp.zeros((D_OUT,), dtype=jnp.float32)
    ln2_g = jnp.ones((D_OUT,), dtype=jnp.float32)
    ln2_b = jnp.zeros((D_OUT,), dtype=jnp.float32)
    return {"x": x, "edge_index": edge_index, "edge_attr": edge_attr,
            "W_node": W_node, "att_w": att_w, "ln1_g": ln1_g, "ln1_b": ln1_b,
            "W1": W1, "b1": b1, "W2": W2, "b2": b2, "ln2_g": ln2_g, "ln2_b": ln2_b}


def _layer_norm(v, g, b):
    mu = jnp.mean(v, axis=-1, keepdims=True)
    var = jnp.var(v, axis=-1, keepdims=True)
    return (v - mu) / jnp.sqrt(var + 1e-5) * g + b


def reference(x, edge_index, edge_attr, W_node, att_w, ln1_g, ln1_b, W1, b1, W2, b2, ln2_g, ln2_b):
    n = x.shape[0]
    d = W_node.shape[0]
    # node projection: h = node_proj(x)
    h = x @ W_node.T
    dst = edge_index[0]
    src = edge_index[1]
    # attention score per edge: sum(a * [h_i, h_j, e_ij]) with leaky_relu
    a_dst = att_w[:d]
    a_src = att_w[d:2 * d]
    a_edge = att_w[2 * d:]
    s_dst = h @ a_dst
    s_src = h @ a_src
    scores = s_dst[dst] + s_src[src] + edge_attr @ a_edge
    scores = jax.nn.leaky_relu(scores, negative_slope=0.2)
    # segment softmax over incoming edges of each dst node
    m = jax.ops.segment_max(scores, dst, num_segments=n)
    m = jnp.where(jnp.isfinite(m), m, 0.0)
    ex = jnp.exp(scores - m[dst])
    denom = jax.ops.segment_sum(ex, dst, num_segments=n)
    alpha = ex / jnp.maximum(denom[dst], 1e-16)
    # attended = sum_j alpha_ij * h_j  (scatter-add over dst)
    attended = jax.ops.segment_sum(alpha[:, None] * h[src], dst, num_segments=n)
    # residual + LN + FFN + residual + LN (dropout is identity in eval)
    h1 = _layer_norm(h + attended, ln1_g, ln1_b)
    ff = jax.nn.relu(h1 @ W1.T + b1) @ W2.T + b2
    out = _layer_norm(h1 + ff, ln2_g, ln2_b)
    return out

if __name__ == "__main__":
    import jax
    _d = setup_inputs()
    print(jax.jit(kernel)(*tuple(_d.values())))

</pallas_src>

<mosaic_0001>
#map = affine_map<(d0, d1) -> (0, 0)>
#map1 = affine_map<(d0, d1) -> (0)>
#map2 = affine_map<(d0, d1) -> (0, 0, 0, 0)>
#map3 = affine_map<(d0, d1) -> (0, 0, 0)>
module attributes {stable_mosaic.version = 14 : i64} {
  func.func @_sc_body(%arg0: i32, %arg1: i32, %arg2: memref<10000x64xi32, #tpu.memory_space<hbm>>, %arg3: memref<10000xf32, #tpu.memory_space<hbm>>, %arg4: memref<10000xf32, #tpu.memory_space<hbm>>, %arg5: memref<32x20x8x64xi32, #tpu.memory_space<hbm>>, %arg6: memref<32x20x8x64xi32, #tpu.memory_space<hbm>>, %arg7: memref<32x20x8x64xf32, #tpu.memory_space<hbm>>, %arg8: memref<10240x128xf32, #tpu.memory_space<hbm>>, %arg9: memref<10240xf32, #tpu.memory_space<hbm>>, %arg10: memref<2x10240x128xf32, #tpu.memory_space<hbm>>, %arg11: memref<2x10240xf32, #tpu.memory_space<hbm>>, %arg12: memref<10000xf32, #tpu.memory_space<vmem>>, %arg13: memref<10000xf32, #tpu.memory_space<vmem>>, %arg14: memref<2x8x64xi32, #tpu.memory_space<vmem>>, %arg15: memref<2x8x64xi32, #tpu.memory_space<vmem>>, %arg16: memref<2x8x64xf32, #tpu.memory_space<vmem>>, %arg17: memref<2x64xf32, #tpu.memory_space<vmem>>, %arg18: memref<2x64x64xi32, #tpu.memory_space<vmem>>, %arg19: memref<2x64x128xf32, #tpu.memory_space<vmem>>, %arg20: memref<10240x128xf32, #tpu.memory_space<vmem_shared>>, %arg21: memref<10240xf32, #tpu.memory_space<vmem_shared>>, %arg22: memref<!tpu.dma_semaphore, #tpu.memory_space<semaphore_mem>>, %arg23: memref<!tpu.dma_semaphore, #tpu.memory_space<semaphore_mem>>, %arg24: memref<!tpu.dma_semaphore, #tpu.memory_space<semaphore_mem>>, %arg25: memref<!tpu.dma_semaphore, #tpu.memory_space<semaphore_mem>>, %arg26: memref<!tpu.dma_semaphore, #tpu.memory_space<semaphore_mem>>, %arg27: memref<!tpu.dma_semaphore, #tpu.memory_space<semaphore_mem>>, %arg28: memref<!tpu.dma_semaphore, #tpu.memory_space<semaphore_mem>>) attributes {dimension_semantics = [#tpu.dimension_semantics<core_parallel>, #tpu.dimension_semantics<subcore_parallel>], iteration_bounds = array<i64: 2, 16>, scalar_prefetch = 0 : i64, scratch_operands = 17 : i64, tpu.core_type = #tpu.core_type<sc_vector_subcore>, window_params = [{transform_indices = #map}, {transform_indices = #map1}, {transform_indices = #map1}, {transform_indices = #map2}, {transform_indices = #map2}, {transform_indices = #map2}, {transform_indices = #map}, {transform_indices = #map1}, {transform_indices = #map3}, {transform_indices = #map}]} {
    %mul3A = arith.constant 2 : i32
    %mul3A_0 = arith.muli %arg1, %mul3A : i32
    %add3A = arith.addi %mul3A_0, %arg0 : i32
    "tpu.region"() ({
      %run_scoped3A = tpu.sem_alloc : memref<!tpu.dma_semaphore, #tpu.memory_space<semaphore_mem>>
      tpu.enqueue_dma source(%arg3 : memref<10000xf32, #tpu.memory_space<hbm>>) target(%arg12 : memref<10000xf32, #tpu.memory_space<vmem>>) target_semaphore(%run_scoped3A : memref<!tpu.dma_semaphore, #tpu.memory_space<semaphore_mem>>)
      tpu.wait_dma2 semaphore(%run_scoped3A : memref<!tpu.dma_semaphore, #tpu.memory_space<semaphore_mem>>) src(%arg3 : memref<10000xf32, #tpu.memory_space<hbm>>) dst(%arg12 : memref<10000xf32, #tpu.memory_space<vmem>>)
      tpu.yield
    }) : () -> ()
    "tpu.region"() ({
      %run_scoped3A = tpu.sem_alloc : memref<!tpu.dma_semaphore, #tpu.memory_space<semaphore_mem>>
      tpu.enqueue_dma source(%arg4 : memref<10000xf32, #tpu.memory_space<hbm>>) target(%arg13 : memref<10000xf32, #tpu.memory_space<vmem>>) target_semaphore(%run_scoped3A : memref<!tpu.dma_semaphore, #tpu.memory_space<semaphore_mem>>)
      tpu.wait_dma2 semaphore(%run_scoped3A : memref<!tpu.dma_semaphore, #tpu.memory_space<semaphore_mem>>) src(%arg4 : memref<10000xf32, #tpu.memory_space<hbm>>) dst(%arg13 : memref<10000xf32, #tpu.memory_space<vmem>>)
      tpu.yield
    }) : () -> ()
    %mul3A_1 = arith.constant 640 : i32
    %mul3A_2 = arith.muli %arg1, %mul3A_1 : i32
    %mul3A_3 = arith.constant 640 : i32
    %mul3A_4 = arith.muli %arg1, %mul3A_3 : i32
    "tpu.region"() ({
      %run_scoped3A = tpu.sem_alloc : memref<!tpu.dma_semaphore, #tpu.memory_space<semaphore_mem>>
      %dma_start3A_76 = arith.constant 0 : i32
      %dma_start3A_77 = tpu.memref_slice %arg20[%mul3A_4, %dma_start3A_76] : memref<10240x128xf32, #tpu.memory_space<vmem_shared>> -> memref<640x128xf32, #tpu.memory_space<vmem_shared>>
      %dma_start3A_78 = arith.constant 0 : i32
      %dma_start3A_79 = tpu.memref_slice %arg8[%mul3A_2, %dma_start3A_78] : memref<10240x128xf32, #tpu.memory_space<hbm>> -> memref<640x128xf32, #tpu.memory_space<hbm>>
      tpu.enqueue_dma source(%dma_start3A_79 : memref<640x128xf32, #tpu.memory_space<hbm>>) target(%dma_start3A_77 : memref<640x128xf32, #tpu.memory_space<vmem_shared>>) target_semaphore(%run_scoped3A : memref<!tpu.dma_semaphore, #tpu.memory_space<semaphore_mem>>)
      %dma_wait3A = arith.constant 0 : i32
      %dma_wait3A_80 = tpu.memref_slice %arg20[%mul3A_4, %dma_wait3A] : memref<10240x128xf32, #tpu.memory_space<vmem_shared>> -> memref<640x128xf32, #tpu.memory_space<vmem_shared>>
      %dma_wait3A_81 = arith.constant 0 : i32
      %dma_wait3A_82 = tpu.memref_slice %arg8[%mul3A_2, %dma_wait3A_81] : memref<10240x128xf32, #tpu.memory_space<hbm>> -> memref<640x128xf32, #tpu.memory_space<hbm>>
      tpu.wait_dma2 semaphore(%run_scoped3A : memref<!tpu.dma_semaphore, #tpu.memory_space<semaphore_mem>>) src(%dma_wait3A_82 : memref<640x128xf32, #tpu.memory_space<hbm>>) dst(%dma_wait3A_80 : memref<640x128xf32, #tpu.memory_space<vmem_shared>>)
      tpu.yield
    }) : () -> ()
    %mul3A_5 = arith.constant 640 : i32
    %mul3A_6 = arith.muli %arg1, %mul3A_5 : i32
    %mul3A_7 = arith.constant 640 : i32
    %mul3A_8 = arith.muli %arg1, %mul3A_7 : i32
    "tpu.region"() ({
      %run_scoped3A = tpu.sem_alloc : memref<!tpu.dma_semaphore, #tpu.memory_space<semaphore_mem>>
      %dma_start3A_76 = tpu.memref_slice %arg21[%mul3A_8] : memref<10240xf32, #tpu.memory_space<vmem_shared>> -> memref<640xf32, #tpu.memory_space<vmem_shared>>
      %dma_start3A_77 = tpu.memref_slice %arg9[%mul3A_6] : memref<10240xf32, #tpu.memory_space<hbm>> -> memref<640xf32, #tpu.memory_space<hbm>>
      tpu.enqueue_dma source(%dma_start3A_77 : memref<640xf32, #tpu.memory_space<hbm>>) target(%dma_start3A_76 : memref<640xf32, #tpu.memory_space<vmem_shared>>) target_semaphore(%run_scoped3A : memref<!tpu.dma_semaphore, #tpu.memory_space<semaphore_mem>>)
      %dma_wait3A = tpu.memref_slice %arg21[%mul3A_8] : memref<10240xf32, #tpu.memory_space<vmem_shared>> -> memref<640xf32, #tpu.memory_space<vmem_shared>>
      %dma_wait3A_78 = tpu.memref_slice %arg9[%mul3A_6] : memref<10240xf32, #tpu.memory_space<hbm>> -> memref<640xf32, #tpu.memory_space<hbm>>
      tpu.wait_dma2 semaphore(%run_scoped3A : memref<!tpu.dma_semaphore, #tpu.memory_space<semaphore_mem>>) src(%dma_wait3A_78 : memref<640xf32, #tpu.memory_space<hbm>>) dst(%dma_wait3A : memref<640xf32, #tpu.memory_space<vmem_shared>>)
      tpu.yield
    }) : () -> ()
    %barrier3A = arith.constant 0 : index
    tpu.barrier barrier_id(%barrier3A)
    %iota3A = tpu.iota {dimensions = array<i32: 0>} : vector<16xi32>
    %dma_start3A = arith.constant 0 : i32
    %dma_start3A_9 = arith.constant 0 : i32
    %dma_start3A_10 = arith.constant 0 : i32
    %dma_start3A_11 = arith.constant 0 : i32
    %dma_start3A_12 = tpu.memref_slice %arg14[%dma_start3A_9, %dma_start3A_10, %dma_start3A_11] : memref<2x8x64xi32, #tpu.memory_space<vmem>> -> memref<1x8x64xi32, #tpu.memory_space<vmem>>
    %dma_start3A_13 = tpu.memref_squeeze %dma_start3A_12 : memref<1x8x64xi32, #tpu.memory_space<vmem>> -> memref<8x64xi32, #tpu.memory_space<vmem>>
    %dma_start3A_14 = arith.constant 0 : i32
    %dma_start3A_15 = arith.constant 0 : i32
    %dma_start3A_16 = tpu.memref_slice %arg5[%add3A, %dma_start3A, %dma_start3A_14, %dma_start3A_15] : memref<32x20x8x64xi32, #tpu.memory_space<hbm>> -> memref<1x1x8x64xi32, #tpu.memory_space<hbm>>
    %dma_start3A_17 = tpu.memref_squeeze %dma_start3A_16 : memref<1x1x8x64xi32, #tpu.memory_space<hbm>> -> memref<8x64xi32, #tpu.memory_space<hbm>>
    %dma_start3A_18 = arith.constant 0 : i32
    %dma_start3A_19 = arith.constant 0 : i32
    %dma_start3A_20 = tpu.memref_slice %arg14[%dma_start3A_9, %dma_start3A_18, %dma_start3A_19] : memref<2x8x64xi32, #tpu.memory_space<vmem>> -> memref<1x8x64xi32, #tpu.memory_space<vmem>>
    %dma_start3A_21 = tpu.memref_squeeze %dma_start3A_20 : memref<1x8x64xi32, #tpu.memory_space<vmem>> -> memref<8x64xi32, #tpu.memory_space<vmem>>
    %dma_start3A_22 = arith.constant 0 : i32
    %dma_start3A_23 = arith.constant 0 : i32
    %dma_start3A_24 = tpu.memref_slice %arg5[%add3A, %dma_start3A, %dma_start3A_22, %dma_start3A_23] : memref<32x20x8x64xi32, #tpu.memory_space<hbm>> -> memref<1x1x8x64xi32, #tpu.memory_space<hbm>>
    %dma_start3A_25 = tpu.memref_squeeze %dma_start3A_24 : memref<1x1x8x64xi32, #tpu.memory_space<hbm>> -> memref<8x64xi32, #tpu.memory_space<hbm>>
    tpu.enqueue_dma source(%dma_start3A_25 : memref<8x64xi32, #tpu.memory_space<hbm>>) target(%dma_start3A_21 : memref<8x64xi32, #tpu.memory_space<vmem>>) target_semaphore(%arg28 : memref<!tpu.dma_semaphore, #tpu.memory_space<semaphore_mem>>)
    %dma_start3A_26 = arith.constant 0 : i32
    %dma_start3A_27 = arith.constant 0 : i32
    %dma_start3A_28 = arith.constant 0 : i32
    %dma_start3A_29 = arith.constant 0 : i32
    %dma_start3A_30 = tpu.memref_slice %arg15[%dma_start3A_27, %dma_start3A_28, %dma_start3A_29] : memref<2x8x64xi32, #tpu.memory_space<vmem>> -> memref<1x8x64xi32, #tpu.memory_space<vmem>>
    %dma_start3A_31 = tpu.memref_squeeze %dma_start3A_30 : memref<1x8x64xi32, #tpu.memory_space<vmem>> -> memref<8x64xi32, #tpu.memory_space<vmem>>
    %dma_start3A_32 = arith.constant 0 : i32
    %dma_start3A_33 = arith.constant 0 : i32
    %dma_start3A_34 = tpu.memref_slice %arg6[%add3A, %dma_start3A_26, %dma_start3A_32, %dma_start3A_33] : memref<32x20x8x64xi32, #tpu.memory_space<hbm>> -> memref<1x1x8x64xi32, #tpu.memory_space<hbm>>
    %dma_start3A_35 = tpu.memref_squeeze %dma_start3A_34 : memref<1x1x8x64xi32, #tpu.memory_space<hbm>> -> memref<8x64xi32, #tpu.memory_space<hbm>>
    %dma_start3A_36 = arith.constant 0 : i32
    %dma_start3A_37 = arith.constant 0 : i32
    %dma_start3A_38 = tpu.memref_slice %arg15[%dma_start3A_27, %dma_start3A_36, %dma_start3A_37] : memref<2x8x64xi32, #tpu.memory_space<vmem>> -> memref<1x8x64xi32, #tpu.memory_space<vmem>>
    %dma_start3A_39 = tpu.memref_squeeze %dma_start3A_38 : memref<1x8x64xi32, #tpu.memory_space<vmem>> -> memref<8x64xi32, #tpu.memory_space<vmem>>
    %dma_start3A_40 = arith.constant 0 : i32
    %dma_start3A_41 = arith.constant 0 : i32
    %dma_start3A_42 = tpu.memref_slice %arg6[%add3A, %dma_start3A_26, %dma_start3A_40, %dma_start3A_41] : memref<32x20x8x64xi32, #tpu.memory_space<hbm>> -> memref<1x1x8x64xi32, #tpu.memory_space<hbm>>
    %dma_start3A_43 = tpu.memref_squeeze %dma_start3A_42 : memref<1x1x8x64xi32, #tpu.memory_space<hbm>> -> memref<8x64xi32, #tpu.memory_space<hbm>>
    tpu.enqueue_dma source(%dma_start3A_43 : memref<8x64xi32, #tpu.memory_space<hbm>>) target(%dma_start3A_39 : memref<8x64xi32, #tpu.memory_space<vmem>>) target_semaphore(%arg28 : memref<!tpu.dma_semaphore, #tpu.memory_space<semaphore_mem>>)
    %dma_start3A_44 = arith.constant 0 : i32
    %dma_start3A_45 = arith.constant 0 : i32
    %dma_start3A_46 = arith.constant 0 : i32
    %dma_start3A_47 = arith.constant 0 : i32
    %dma_start3A_48 = tpu.memref_slice %arg16[%dma_start3A_45, %dma_start3A_46, %dma_start3A_47] : memref<2x8x64xf32, #tpu.memory_space<vmem>> -> memref<1x8x64xf32, #tpu.memory_space<vmem>>
    %dma_start3A_49 = tpu.memref_squeeze %dma_start3A_48 : memref<1x8x64xf32, #tpu.memory_space<vmem>> -> memref<8x64xf32, #tpu.memory_space<vmem>>
    %dma_start3A_50 = arith.constant 0 : i32
    %dma_start3A_51 = arith.constant 0 : i32
    %dma_start3A_52 = tpu.memref_slice %arg7[%add3A, %dma_start3A_44, %dma_start3A_50, %dma_start3A_51] : memref<32x20x8x64xf32, #tpu.memory_space<hbm>> -> memref<1x1x8x64xf32, #tpu.memory_space<hbm>>
    %dma_start3A_53 = tpu.memref_squeeze %dma_start3A_52 : memref<1x1x8x64xf32, #tpu.memory_space<hbm>> -> memref<8x64xf32, #tpu.memory_space<hbm>>
    %dma_start3A_54 = arith.constant 0 : i32
    %dma_start3A_55 = arith.constant 0 : i32
    %dma_start3A_56 = tpu.memref_slice %arg16[%dma_start3A_45, %dma_start3A_54, %dma_start3A_55] : memref<2x8x64xf32, #tpu.memory_space<vmem>> -> memref<1x8x64xf32, #tpu.memory_space<vmem>>
    %dma_start3A_57 = tpu.memref_squeeze %dma_start3A_56 : memref<1x8x64xf32, #tpu.memory_space<vmem>> -> memref<8x64xf32, #tpu.memory_space<vmem>>
    %dma_start3A_58 = arith.constant 0 : i32
    %dma_start3A_59 = arith.constant 0 : i32
    %dma_start3A_60 = tpu.memref_slice %arg7[%add3A, %dma_start3A_44, %dma_start3A_58, %dma_start3A_59] : memref<32x20x8x64xf32, #tpu.memory_space<hbm>> -> memref<1x1x8x64xf32, #tpu.memory_space<hbm>>
    %dma_start3A_61 = tpu.memref_squeeze %dma_start3A_60 : memref<1x1x8x64xf32, #tpu.memory_space<hbm>> -> memref<8x64xf32, #tpu.memory_space<hbm>>
    tpu.enqueue_dma source(%dma_start3A_61 : memref<8x64xf32, #tpu.memory_space<hbm>>) target(%dma_start3A_57 : memref<8x64xf32, #tpu.memory_space<vmem>>) target_semaphore(%arg28 : memref<!tpu.dma_semaphore, #tpu.memory_space<semaphore_mem>>)
    %scan3A = arith.constant 0 : i32
    %scan3A_62 = arith.constant 0 : i32
    %scan3A_63 = arith.constant 20 : i32
    %scan3A_64 = arith.addi %scan3A_62, %scan3A_63 : i32
    %scan3A_65 = arith.constant 1 : i32
    scf.for %scan3A_76 = %scan3A_62 to %scan3A_64 step %scan3A_65  : i32 {
      %rem3A = arith.constant 2 : i32
      %rem3A_77 = arith.remsi %scan3A_76, %rem3A : i32
      %dma_wait3A = arith.constant 0 : i32
      %dma_wait3A_78 = arith.constant 0 : i32
      %dma_wait3A_79 = tpu.memref_slice %arg14[%rem3A_77, %dma_wait3A, %dma_wait3A_78] : memref<2x8x64xi32, #tpu.memory_space<vmem>> -> memref<1x8x64xi32, #tpu.memory_space<vmem>>
      %dma_wait3A_80 = tpu.memref_squeeze %dma_wait3A_79 : memref<1x8x64xi32, #tpu.memory_space<vmem>> -> memref<8x64xi32, #tpu.memory_space<vmem>>
      %dma_wait3A_81 = arith.constant 0 : i32
      %dma_wait3A_82 = arith.constant 0 : i32
      %dma_wait3A_83 = tpu.memref_slice %arg5[%add3A, %scan3A_76, %dma_wait3A_81, %dma_wait3A_82] : memref<32x20x8x64xi32, #tpu.memory_space<hbm>> -> memref<1x1x8x64xi32, #tpu.memory_space<hbm>>
      %dma_wait3A_84 = tpu.memref_squeeze %dma_wait3A_83 : memref<1x1x8x64xi32, #tpu.memory_space<hbm>> -> memref<8x64xi32, #tpu.memory_space<hbm>>
      %dma_wait3A_85 = arith.constant 0 : i32
      %dma_wait3A_86 = arith.constant 0 : i32
      %dma_wait3A_87 = tpu.memref_slice %arg14[%rem3A_77, %dma_wait3A_85, %dma_wait3A_86] : memref<2x8x64xi32, #tpu.memory_space<vmem>> -> memref<1x8x64xi32, #tpu.memory_space<vmem>>
      %dma_wait3A_88 = tpu.memref_squeeze %dma_wait3A_87 : memref<1x8x64xi32, #tpu.memory_space<vmem>> -> memref<8x64xi32, #tpu.memory_space<vmem>>
      %dma_wait3A_89 = arith.constant 0 : i32
      %dma_wait3A_90 = arith.constant 0 : i32
      %dma_wait3A_91 = tpu.memref_slice %arg5[%add3A, %scan3A_76, %dma_wait3A_89, %dma_wait3A_90] : memref<32x20x8x64xi32, #tpu.memory_space<hbm>> -> memref<1x1x8x64xi32, #tpu.memory_space<hbm>>
      %dma_wait3A_92 = tpu.memref_squeeze %dma_wait3A_91 : memref<1x1x8x64xi32, #tpu.memory_space<hbm>> -> memref<8x64xi32, #tpu.memory_space<hbm>>
      tpu.wait_dma2 semaphore(%arg28 : memref<!tpu.dma_semaphore, #tpu.memory_space<semaphore_mem>>) src(%dma_wait3A_92 : memref<8x64xi32, #tpu.memory_space<hbm>>) dst(%dma_wait3A_88 : memref<8x64xi32, #tpu.memory_space<vmem>>)
      %dma_wait3A_93 = arith.constant 0 : i32
      %dma_wait3A_94 = arith.constant 0 : i32
      %dma_wait3A_95 = tpu.memref_slice %arg15[%rem3A_77, %dma_wait3A_93, %dma_wait3A_94] : memref<2x8x64xi32, #tpu.memory_space<vmem>> -> memref<1x8x64xi32, #tpu.memory_space<vmem>>
      %dma_wait3A_96 = tpu.memref_squeeze %dma_wait3A_95 : memref<1x8x64xi32, #tpu.memory_space<vmem>> -> memref<8x64xi32, #tpu.memory_space<vmem>>
      %dma_wait3A_97 = arith.constant 0 : i32
      %dma_wait3A_98 = arith.constant 0 : i32
      %dma_wait3A_99 = tpu.memref_slice %arg6[%add3A, %scan3A_76, %dma_wait3A_97, %dma_wait3A_98] : memref<32x20x8x64xi32, #tpu.memory_space<hbm>> -> memref<1x1x8x64xi32, #tpu.memory_space<hbm>>
      %dma_wait3A_100 = tpu.memref_squeeze %dma_wait3A_99 : memref<1x1x8x64xi32, #tpu.memory_space<hbm>> -> memref<8x64xi32, #tpu.memory_space<hbm>>
      %dma_wait3A_101 = arith.constant 0 : i32
      %dma_wait3A_102 = arith.constant 0 : i32
      %dma_wait3A_103 = tpu.memref_slice %arg15[%rem3A_77, %dma_wait3A_101, %dma_wait3A_102] : memref<2x8x64xi32, #tpu.memory_space<vmem>> -> memref<1x8x64xi32, #tpu.memory_space<vmem>>
      %dma_wait3A_104 = tpu.memref_squeeze %dma_wait3A_103 : memref<1x8x64xi32, #tpu.memory_space<vmem>> -> memref<8x64xi32, #tpu.memory_space<vmem>>
      %dma_wait3A_105 = arith.constant 0 : i32
      %dma_wait3A_106 = arith.constant 0 : i32
      %dma_wait3A_107 = tpu.memref_slice %arg6[%add3A, %scan3A_76, %dma_wait3A_105, %dma_wait3A_106] : memref<32x20x8x64xi32, #tpu.memory_space<hbm>> -> memref<1x1x8x64xi32, #tpu.memory_space<hbm>>
      %dma_wait3A_108 = tpu.memref_squeeze %dma_wait3A_107 : memref<1x1x8x64xi32, #tpu.memory_space<hbm>> -> memref<8x64xi32, #tpu.memory_space<hbm>>
      tpu.wait_dma2 semaphore(%arg28 : memref<!tpu.dma_semaphore, #tpu.memory_space<semaphore_mem>>) src(%dma_wait3A_108 : memref<8x64xi32, #tpu.memory_space<hbm>>) dst(%dma_wait3A_104 : memref<8x64xi32, #tpu.memory_space<vmem>>)
      %dma_wait3A_109 = arith.constant 0 : i32
      %dma_wait3A_110 = arith.constant 0 : i32
      %dma_wait3A_111 = tpu.memref_slice %arg16[%rem3A_77, %dma_wait3A_109, %dma_wait3A_110] : memref<2x8x64xf32, #tpu.memory_space<vmem>> -> memref<1x8x64xf32, #tpu.memory_space<vmem>>
      %dma_wait3A_112 = tpu.memref_squeeze %dma_wait3A_111 : memref<1x8x64xf32, #tpu.memory_space<vmem>> -> memref<8x64xf32, #tpu.memory_space<vmem>>
      %dma_wait3A_113 = arith.constant 0 : i32
      %dma_wait3A_114 = arith.constant 0 : i32
      %dma_wait3A_115 = tpu.memref_slice %arg7[%add3A, %scan3A_76, %dma_wait3A_113, %dma_wait3A_114] : memref<32x20x8x64xf32, #tpu.memory_space<hbm>> -> memref<1x1x8x64xf32, #tpu.memory_space<hbm>>
      %dma_wait3A_116 = tpu.memref_squeeze %dma_wait3A_115 : memref<1x1x8x64xf32, #tpu.memory_space<hbm>> -> memref<8x64xf32, #tpu.memory_space<hbm>>
      %dma_wait3A_117 = arith.constant 0 : i32
      %dma_wait3A_118 = arith.constant 0 : i32
      %dma_wait3A_119 = tpu.memref_slice %arg16[%rem3A_77, %dma_wait3A_117, %dma_wait3A_118] : memref<2x8x64xf32, #tpu.memory_space<vmem>> -> memref<1x8x64xf32, #tpu.memory_space<vmem>>
      %dma_wait3A_120 = tpu.memref_squeeze %dma_wait3A_119 : memref<1x8x64xf32, #tpu.memory_space<vmem>> -> memref<8x64xf32, #tpu.memory_space<vmem>>
      %dma_wait3A_121 = arith.constant 0 : i32
      %dma_wait3A_122 = arith.constant 0 : i32
      %dma_wait3A_123 = tpu.memref_slice %arg7[%add3A, %scan3A_76, %dma_wait3A_121, %dma_wait3A_122] : memref<32x20x8x64xf32, #tpu.memory_space<hbm>> -> memref<1x1x8x64xf32, #tpu.memory_space<hbm>>
      %dma_wait3A_124 = tpu.memref_squeeze %dma_wait3A_123 : memref<1x1x8x64xf32, #tpu.memory_space<hbm>> -> memref<8x64xf32, #tpu.memory_space<hbm>>
      tpu.wait_dma2 semaphore(%arg28 : memref<!tpu.dma_semaphore, #tpu.memory_space<semaphore_mem>>) src(%dma_wait3A_124 : memref<8x64xf32, #tpu.memory_space<hbm>>) dst(%dma_wait3A_120 : memref<8x64xf32, #tpu.memory_space<vmem>>)
      %lt3A = arith.constant 19 : i32
      %lt3A_125 = arith.cmpi slt, %scan3A_76, %lt3A : i32
      %convert_element_type3A = arith.extui %lt3A_125 : i1 to i32
      %cond3A = arith.constant 0 : i32
      %cond3A_126 = arith.cmpi ne, %convert_element_type3A, %cond3A : i32
      scf.if %cond3A_126 {
        %add3A_371 = arith.constant 1 : i32
        %add3A_372 = arith.addi %scan3A_76, %add3A_371 : i32
        %sub3A = arith.constant 1 : i32
        %sub3A_373 = arith.subi %sub3A, %rem3A_77 : i32
        %dma_start3A_374 = arith.constant 0 : i32
        %dma_start3A_375 = arith.constant 0 : i32
        %dma_start3A_376 = tpu.memref_slice %arg14[%sub3A_373, %dma_start3A_374, %dma_start3A_375] : memref<2x8x64xi32, #tpu.memory_space<vmem>> -> memref<1x8x64xi32, #tpu.memory_space<vmem>>
        %dma_start3A_377 = tpu.memref_squeeze %dma_start3A_376 : memref<1x8x64xi32, #tpu.memory_space<vmem>> -> memref<8x64xi32, #tpu.memory_space<vmem>>
        %dma_start3A_378 = arith.constant 0 : i32
        %dma_start3A_379 = arith.constant 0 : i32
        %dma_start3A_380 = tpu.memref_slice %arg5[%add3A, %add3A_372, %dma_start3A_378, %dma_start3A_379] : memref<32x20x8x64xi32, #tpu.memory_space<hbm>> -> memref<1x1x8x64xi32, #tpu.memory_space<hbm>>
        %dma_start3A_381 = tpu.memref_squeeze %dma_start3A_380 : memref<1x1x8x64xi32, #tpu.memory_space<hbm>> -> memref<8x64xi32, #tpu.memory_space<hbm>>
        %dma_start3A_382 = arith.constant 0 : i32
        %dma_start3A_383 = arith.constant 0 : i32
        %dma_start3A_384 = tpu.memref_slice %arg14[%sub3A_373, %dma_start3A_382, %dma_start3A_383] : memref<2x8x64xi32, #tpu.memory_space<vmem>> -> memref<1x8x64xi32, #tpu.memory_space<vmem>>
        %dma_start3A_385 = tpu.memref_squeeze %dma_start3A_384 : memref<1x8x64xi32, #tpu.memory_space<vmem>> -> memref<8x64xi32, #tpu.memory_space<vmem>>
        %dma_start3A_386 = arith.constant 0 : i32
        %dma_start3A_387 = arith.constant 0 : i32
        %dma_start3A_388 = tpu.memref_slice %arg5[%add3A, %add3A_372, %dma_start3A_386, %dma_start3A_387] : memref<32x20x8x64xi32, #tpu.memory_space<hbm>> -> memref<1x1x8x64xi32, #tpu.memory_space<hbm>>
        %dma_start3A_389 = tpu.memref_squeeze %dma_start3A_388 : memref<1x1x8x64xi32, #tpu.memory_space<hbm>> -> memref<8x64xi32, #tpu.memory_space<hbm>>
        tpu.enqueue_dma source(%dma_start3A_389 : memref<8x64xi32, #tpu.memory_space<hbm>>) target(%dma_start3A_385 : memref<8x64xi32, #tpu.memory_space<vmem>>) target_semaphore(%arg28 : memref<!tpu.dma_semaphore, #tpu.memory_space<semaphore_mem>>)
        %dma_start3A_390 = arith.constant 0 : i32
        %dma_start3A_391 = arith.constant 0 : i32
        %dma_start3A_392 = tpu.memref_slice %arg15[%sub3A_373, %dma_start3A_390, %dma_start3A_391] : memref<2x8x64xi32, #tpu.memory_space<vmem>> -> memref<1x8x64xi32, #tpu.memory_space<vmem>>
        %dma_start3A_393 = tpu.memref_squeeze %dma_start3A_392 : memref<1x8x64xi32, #tpu.memory_space<vmem>> -> memref<8x64xi32, #tpu.memory_space<vmem>>
        %dma_start3A_394 = arith.constant 0 : i32
        %dma_start3A_395 = arith.constant 0 : i32
        %dma_start3A_396 = tpu.memref_slice %arg6[%add3A, %add3A_372, %dma_start3A_394, %dma_start3A_395] : memref<32x20x8x64xi32, #tpu.memory_space<hbm>> -> memref<1x1x8x64xi32, #tpu.memory_space<hbm>>
        %dma_start3A_397 = tpu.memref_squeeze %dma_start3A_396 : memref<1x1x8x64xi32, #tpu.memory_space<hbm>> -> memref<8x64xi32, #tpu.memory_space<hbm>>
        %dma_start3A_398 = arith.constant 0 : i32
        %dma_start3A_399 = arith.constant 0 : i32
        %dma_start3A_400 = tpu.memref_slice %arg15[%sub3A_373, %dma_start3A_398, %dma_start3A_399] : memref<2x8x64xi32, #tpu.memory_space<vmem>> -> memref<1x8x64xi32, #tpu.memory_space<vmem>>
        %dma_start3A_401 = tpu.memref_squeeze %dma_start3A_400 : memref<1x8x64xi32, #tpu.memory_space<vmem>> -> memref<8x64xi32, #tpu.memory_space<vmem>>
        %dma_start3A_402 = arith.constant 0 : i32
        %dma_start3A_403 = arith.constant 0 : i32
        %dma_start3A_404 = tpu.memref_slice %arg6[%add3A, %add3A_372, %dma_start3A_402, %dma_start3A_403] : memref<32x20x8x64xi32, #tpu.memory_space<hbm>> -> memref<1x1x8x64xi32, #tpu.memory_space<hbm>>
        %dma_start3A_405 = tpu.memref_squeeze %dma_start3A_404 : memref<1x1x8x64xi32, #tpu.memory_space<hbm>> -> memref<8x64xi32, #tpu.memory_space<hbm>>
        tpu.enqueue_dma source(%dma_start3A_405 : memref<8x64xi32, #tpu.memory_space<hbm>>) target(%dma_start3A_401 : memref<8x64xi32, #tpu.memory_space<vmem>>) target_semaphore(%arg28 : memref<!tpu.dma_semaphore, #tpu.memory_space<semaphore_mem>>)
        %dma_start3A_406 = arith.constant 0 : i32
        %dma_start3A_407 = arith.constant 0 : i32
        %dma_start3A_408 = tpu.memref_slice %arg16[%sub3A_373, %dma_start3A_406, %dma_start3A_407] : memref<2x8x64xf32, #tpu.memory_space<vmem>> -> memref<1x8x64xf32, #tpu.memory_space<vmem>>
        %dma_start3A_409 = tpu.memref_squeeze %dma_start3A_408 : memref<1x8x64xf32, #tpu.memory_space<vmem>> -> memref<8x64xf32, #tpu.memory_space<vmem>>
        %dma_start3A_410 = arith.constant 0 : i32
        %dma_start3A_411 = arith.constant 0 : i32
        %dma_start3A_412 = tpu.memref_slice %arg7[%add3A, %add3A_372, %dma_start3A_410, %dma_start3A_411] : memref<32x20x8x64xf32, #tpu.memory_space<hbm>> -> memref<1x1x8x64xf32, #tpu.memory_space<hbm>>
        %dma_start3A_413 = tpu.memref_squeeze %dma_start3A_412 : memref<1x1x8x64xf32, #tpu.memory_space<hbm>> -> memref<8x64xf32, #tpu.memory_space<hbm>>
        %dma_start3A_414 = arith.constant 0 : i32
        %dma_start3A_415 = arith.constant 0 : i32
        %dma_start3A_416 = tpu.memref_slice %arg16[%sub3A_373, %dma_start3A_414, %dma_start3A_415] : memref<2x8x64xf32, #tpu.memory_space<vmem>> -> memref<1x8x64xf32, #tpu.memory_space<vmem>>
        %dma_start3A_417 = tpu.memref_squeeze %dma_start3A_416 : memref<1x8x64xf32, #tpu.memory_space<vmem>> -> memref<8x64xf32, #tpu.memory_space<vmem>>
        %dma_start3A_418 = arith.constant 0 : i32
        %dma_start3A_419 = arith.constant 0 : i32
        %dma_start3A_420 = tpu.memref_slice %arg7[%add3A, %add3A_372, %dma_start3A_418, %dma_start3A_419] : memref<32x20x8x64xf32, #tpu.memory_space<hbm>> -> memref<1x1x8x64xf32, #tpu.memory_space<hbm>>
        %dma_start3A_421 = tpu.memref_squeeze %dma_start3A_420 : memref<1x1x8x64xf32, #tpu.memory_space<hbm>> -> memref<8x64xf32, #tpu.memory_space<hbm>>
        tpu.enqueue_dma source(%dma_start3A_421 : memref<8x64xf32, #tpu.memory_space<hbm>>) target(%dma_start3A_417 : memref<8x64xf32, #tpu.memory_space<vmem>>) target_semaphore(%arg28 : memref<!tpu.dma_semaphore, #tpu.memory_space<semaphore_mem>>)
      } else {
      }
      %get3A = arith.constant 0 : i32
      %get3A_127 = arith.index_cast %rem3A_77 : i32 to index
      %get3A_128 = arith.index_cast %get3A : i32 to index
      %get3A_129 = arith.constant 0 : index
      %get3A_130 = tpu.vector_load %arg14[%get3A_127, %get3A_128, %get3A_129] {strides = array<i32>} : memref<2x8x64xi32, #tpu.memory_space<vmem>>, vector<16xi32>,
      %get3A_131 = arith.constant 0 : i32
      %get3A_132 = arith.index_cast %rem3A_77 : i32 to index
      %get3A_133 = arith.index_cast %get3A_131 : i32 to index
      %get3A_134 = arith.constant 0 : index
      %get3A_135 = tpu.vector_load %arg15[%get3A_132, %get3A_133, %get3A_134] {strides = array<i32>} : memref<2x8x64xi32, #tpu.memory_space<vmem>>, vector<16xi32>,
      %gather3A = tpu.vector_load_idx %arg12[%get3A_130] : memref<10000xf32, #tpu.memory_space<vmem>>[vector<16xi32>], vector<16xf32>,
      %gather3A_136 = tpu.vector_load_idx %arg13[%get3A_135] : memref<10000xf32, #tpu.memory_space<vmem>>[vector<16xi32>], vector<16xf32>,
      %add3A_137 = arith.addf %gather3A, %gather3A_136 : vector<16xf32>
      %get3A_138 = arith.constant 0 : i32
      %get3A_139 = arith.index_cast %rem3A_77 : i32 to index
      %get3A_140 = arith.index_cast %get3A_138 : i32 to index
      %get3A_141 = arith.constant 0 : index
      %get3A_142 = tpu.vector_load %arg16[%get3A_139, %get3A_140, %get3A_141] {strides = array<i32>} : memref<2x8x64xf32, #tpu.memory_space<vmem>>, vector<16xf32>,
      %add3A_143 = arith.addf %add3A_137, %get3A_142 : vector<16xf32>
      %ge3A = arith.constant 0.000000e+00 : f32
      %ge3A_144 = vector.broadcast %ge3A : f32 to vector<16xf32>
      %ge3A_145 = arith.cmpf oge, %add3A_143, %ge3A_144 : vector<16xf32>
      %mul3A_146 = arith.constant 2.000000e-01 : f32
      %mul3A_147 = vector.broadcast %mul3A_146 : f32 to vector<16xf32>
      %mul3A_148 = arith.mulf %mul3A_147, %add3A_143 : vector<16xf32>
      %select_n3A = arith.select %ge3A_145, %add3A_143, %mul3A_148 : vector<16xi1>, vector<16xf32>
      %exp3A = math.exp %select_n3A : vector<16xf32>
      %mul3A_149 = arith.constant 10240 : i32
      %mul3A_150 = arith.muli %add3A, %mul3A_149 : i32
      %mul3A_151 = arith.constant 8 : i32
      %mul3A_152 = arith.muli %scan3A_76, %mul3A_151 : i32
      %add3A_153 = arith.constant 0 : i32
      %add3A_154 = arith.addi %mul3A_152, %add3A_153 : i32
      %mul3A_155 = arith.constant 64 : i32
      %mul3A_156 = arith.muli %add3A_154, %mul3A_155 : i32
      %add3A_157 = arith.addi %mul3A_150, %mul3A_156 : i32
      %add3A_158 = arith.constant 0 : i32
      %add3A_159 = arith.addi %add3A_157, %add3A_158 : i32
      %add3A_160 = vector.broadcast %add3A_159 : i32 to vector<16xi32>
      %add3A_161 = arith.addi %add3A_160, %iota3A : vector<16xi32>
      %lt3A_162 = arith.constant 320000 : i32
      %lt3A_163 = vector.broadcast %lt3A_162 : i32 to vector<16xi32>
      %lt3A_164 = arith.cmpi slt, %add3A_161, %lt3A_163 : vector<16xi32>
      %jit3A = arith.constant 0.000000e+00 : f32
      %broadcast_in_dim3A = vector.broadcast %jit3A : f32 to vector<16xf32>
      %select_n3A_165 = arith.select %lt3A_164, %exp3A, %broadcast_in_dim3A : vector<16xi1>, vector<16xf32>
      %swap3A = arith.constant 0 : i32
      %swap3A_166 = arith.index_cast %swap3A : i32 to index
      %swap3A_167 = arith.constant 0 : index
      %swap3A_168 = tpu.vector_load %arg17[%swap3A_166, %swap3A_167] {strides = array<i32>} : memref<2x64xf32, #tpu.memory_space<vmem>>, vector<16xf32>,
      tpu.vector_store %arg17[%swap3A_166, %swap3A_167], %select_n3A_165 {strides = array<i32>} : memref<2x64xf32, #tpu.memory_space<vmem>>, vector<16xf32>,
      %get3A_169 = arith.constant 0 : i32
      %get3A_170 = arith.index_cast %rem3A_77 : i32 to index
      %get3A_171 = arith.index_cast %get3A_169 : i32 to index
      %get3A_172 = arith.constant 16 : index
      %get3A_173 = tpu.vector_load %arg14[%get3A_170, %get3A_171, %get3A_172] {strides = array<i32>} : memref<2x8x64xi32, #tpu.memory_space<vmem>>, vector<16xi32>,
      %get3A_174 = arith.constant 0 : i32
      %get3A_175 = arith.index_cast %rem3A_77 : i32 to index
      %get3A_176 = arith.index_cast %get3A_174 : i32 to index
      %get3A_177 = arith.constant 16 : index
      %get3A_178 = tpu.vector_load %arg15[%get3A_175, %get3A_176, %get3A_177] {strides = array<i32>} : memref<2x8x64xi32, #tpu.memory_space<vmem>>, vector<16xi32>,
      %gather3A_179 = tpu.vector_load_idx %arg12[%get3A_173] : memref<10000xf32, #tpu.memory_space<vmem>>[vector<16xi32>], vector<16xf32>,
      %gather3A_180 = tpu.vector_load_idx %arg13[%get3A_178] : memref<10000xf32, #tpu.memory_space<vmem>>[vector<16xi32>], vector<16xf32>,
      %add3A_181 = arith.addf %gather3A_179, %gather3A_180 : vector<16xf32>
      %get3A_182 = arith.constant 0 : i32
      %get3A_183 = arith.index_cast %rem3A_77 : i32 to index
      %get3A_184 = arith.index_cast %get3A_182 : i32 to index
      %get3A_185 = arith.constant 16 : index
      %get3A_186 = tpu.vector_load %arg16[%get3A_183, %get3A_184, %get3A_185] {strides = array<i32>} : memref<2x8x64xf32, #tpu.memory_space<vmem>>, vector<16xf32>,
      %add3A_187 = arith.addf %add3A_181, %get3A_186 : vector<16xf32>
      %ge3A_188 = arith.constant 0.000000e+00 : f32
      %ge3A_189 = vector.broadcast %ge3A_188 : f32 to vector<16xf32>
      %ge3A_190 = arith.cmpf oge, %add3A_187, %ge3A_189 : vector<16xf32>
      %mul3A_191 = arith.constant 2.000000e-01 : f32
      %mul3A_192 = vector.broadcast %mul3A_191 : f32 to vector<16xf32>
      %mul3A_193 = arith.mulf %mul3A_192, %add3A_187 : vector<16xf32>
      %select_n3A_194 = arith.select %ge3A_190, %add3A_187, %mul3A_193 : vector<16xi1>, vector<16xf32>
      %exp3A_195 = math.exp %select_n3A_194 : vector<16xf32>
      %mul3A_196 = arith.constant 10240 : i32
      %mul3A_197 = arith.muli %add3A, %mul3A_196 : i32
      %mul3A_198 = arith.constant 8 : i32
      %mul3A_199 = arith.muli %scan3A_76, %mul3A_198 : i32
      %add3A_200 = arith.constant 0 : i32
      %add3A_201 = arith.addi %mul3A_199, %add3A_200 : i32
      %mul3A_202 = arith.constant 64 : i32
      %mul3A_203 = arith.muli %add3A_201, %mul3A_202 : i32
      %add3A_204 = arith.addi %mul3A_197, %mul3A_203 : i32
      %add3A_205 = arith.constant 16 : i32
      %add3A_206 = arith.addi %add3A_204, %add3A_205 : i32
      %add3A_207 = vector.broadcast %add3A_206 : i32 to vector<16xi32>
      %add3A_208 = arith.addi %add3A_207, %iota3A : vector<16xi32>
      %lt3A_209 = arith.constant 320000 : i32
      %lt3A_210 = vector.broadcast %lt3A_209 : i32 to vector<16xi32>
      %lt3A_211 = arith.cmpi slt, %add3A_208, %lt3A_210 : vector<16xi32>
      %jit3A_212 = arith.constant 0.000000e+00 : f32
      %broadcast_in_dim3A_213 = vector.broadcast %jit3A_212 : f32 to vector<16xf32>
      %select_n3A_214 = arith.select %lt3A_211, %exp3A_195, %broadcast_in_dim3A_213 : vector<16xi1>, vector<16xf32>
      %swap3A_215 = arith.constant 0 : i32
      %swap3A_216 = arith.index_cast %swap3A_215 : i32 to index
      %swap3A_217 = arith.constant 16 : index
      %swap3A_218 = tpu.vector_load %arg17[%swap3A_216, %swap3A_217] {strides = array<i32>} : memref<2x64xf32, #tpu.memory_space<vmem>>, vector<16xf32>,
      tpu.vector_store %arg17[%swap3A_216, %swap3A_217], %select_n3A_214 {strides = array<i32>} : memref<2x64xf32, #tpu.memory_space<vmem>>, vector<16xf32>,
      %get3A_219 = arith.constant 0 : i32
      %get3A_220 = arith.index_cast %rem3A_77 : i32 to index
      %get3A_221 = arith.index_cast %get3A_219 : i32 to index
      %get3A_222 = arith.constant 32 : index
      %get3A_223 = tpu.vector_load %arg14[%get3A_220, %get3A_221, %get3A_222] {strides = array<i32>} : memref<2x8x64xi32, #tpu.memory_space<vmem>>, vector<16xi32>,
      %get3A_224 = arith.constant 0 : i32
      %get3A_225 = arith.index_cast %rem3A_77 : i32 to index
      %get3A_226 = arith.index_cast %get3A_224 : i32 to index
      %get3A_227 = arith.constant 32 : index
      %get3A_228 = tpu.vector_load %arg15[%get3A_225, %get3A_226, %get3A_227] {strides = array<i32>} : memref<2x8x64xi32, #tpu.memory_space<vmem>>, vector<16xi32>,
      %gather3A_229 = tpu.vector_load_idx %arg12[%get3A_223] : memref<10000xf32, #tpu.memory_space<vmem>>[vector<16xi32>], vector<16xf32>,
      %gather3A_230 = tpu.vector_load_idx %arg13[%get3A_228] : memref<10000xf32, #tpu.memory_space<vmem>>[vector<16xi32>], vector<16xf32>,
      %add3A_231 = arith.addf %gather3A_229, %gather3A_230 : vector<16xf32>
      %get3A_232 = arith.constant 0 : i32
      %get3A_233 = arith.index_cast %rem3A_77 : i32 to index
      %get3A_234 = arith.index_cast %get3A_232 : i32 to index
      %get3A_235 = arith.constant 32 : index
      %get3A_236 = tpu.vector_load %arg16[%get3A_233, %get3A_234, %get3A_235] {strides = array<i32>} : memref<2x8x64xf32, #tpu.memory_space<vmem>>, vector<16xf32>,
      %add3A_237 = arith.addf %add3A_231, %get3A_236 : vector<16xf32>
      %ge3A_238 = arith.constant 0.000000e+00 : f32
      %ge3A_239 = vector.broadcast %ge3A_238 : f32 to vector<16xf32>
      %ge3A_240 = arith.cmpf oge, %add3A_237, %ge3A_239 : vector<16xf32>
      %mul3A_241 = arith.constant 2.000000e-01 : f32
      %mul3A_242 = vector.broadcast %mul3A_241 : f32 to vector<16xf32>
      %mul3A_243 = arith.mulf %mul3A_242, %add3A_237 : vector<16xf32>
      %select_n3A_244 = arith.select %ge3A_240, %add3A_237, %mul3A_243 : vector<16xi1>, vector<16xf32>
      %exp3A_245 = math.exp %select_n3A_244 : vector<16xf32>
      %mul3A_246 = arith.constant 10240 : i32
      %mul3A_247 = arith.muli %add3A, %mul3A_246 : i32
      %mul3A_248 = arith.constant 8 : i32
      %mul3A_249 = arith.muli %scan3A_76, %mul3A_248 : i32
      %add3A_250 = arith.constant 0 : i32
      %add3A_251 = arith.addi %mul3A_249, %add3A_250 : i32
      %mul3A_252 = arith.constant 64 : i32
      %mul3A_253 = arith.muli %add3A_251, %mul3A_252 : i32
      %add3A_254 = arith.addi %mul3A_247, %mul3A_253 : i32
      %add3A_255 = arith.constant 32 : i32
      %add3A_256 = arith.addi %add3A_254, %add3A_255 : i32
      %add3A_257 = vector.broadcast %add3A_256 : i32 to vector<16xi32>
      %add3A_258 = arith.addi %add3A_257, %iota3A : vector<16xi32>
      %lt3A_259 = arith.constant 320000 : i32
      %lt3A_260 = vector.broadcast %lt3A_259 : i32 to vector<16xi32>
      %lt3A_261 = arith.cmpi slt, %add3A_258, %lt3A_260 : vector<16xi32>
      %jit3A_262 = arith.constant 0.000000e+00 : f32
      %broadcast_in_dim3A_263 = vector.broadcast %jit3A_262 : f32 to vector<16xf32>
      %select_n3A_264 = arith.select %lt3A_261, %exp3A_245, %broadcast_in_dim3A_263 : vector<16xi1>, vector<16xf32>
      %swap3A_265 = arith.constant 0 : i32
      %swap3A_266 = arith.index_cast %swap3A_265 : i32 to index
      %swap3A_267 = arith.constant 32 : index
      %swap3A_268 = tpu.vector_load %arg17[%swap3A_266, %swap3A_267] {strides = array<i32>} : memref<2x64xf32, #tpu.memory_space<vmem>>, vector<16xf32>,
      tpu.vector_store %arg17[%swap3A_266, %swap3A_267], %select_n3A_264 {strides = array<i32>} : memref<2x64xf32, #tpu.memory_space<vmem>>, vector<16xf32>,
      %get3A_269 = arith.constant 0 : i32
      %get3A_270 = arith.index_cast %rem3A_77 : i32 to index
      %get3A_271 = arith.index_cast %get3A_269 : i32 to index
      %get3A_272 = arith.constant 48 : index
      %get3A_273 = tpu.vector_load %arg14[%get3A_270, %get3A_271, %get3A_272] {strides = array<i32>} : memref<2x8x64xi32, #tpu.memory_space<vmem>>, vector<16xi32>,
      %get3A_274 = arith.constant 0 : i32
      %get3A_275 = arith.index_cast %rem3A_77 : i32 to index
      %get3A_276 = arith.index_cast %get3A_274 : i32 to index
      %get3A_277 = arith.constant 48 : index
      %get3A_278 = tpu.vector_load %arg15[%get3A_275, %get3A_276, %get3A_277] {strides = array<i32>} : memref<2x8x64xi32, #tpu.memory_space<vmem>>, vector<16xi32>,
      %gather3A_279 = tpu.vector_load_idx %arg12[%get3A_273] : memref<10000xf32, #tpu.memory_space<vmem>>[vector<16xi32>], vector<16xf32>,
      %gather3A_280 = tpu.vector_load_idx %arg13[%get3A_278] : memref<10000xf32, #tpu.memory_space<vmem>>[vector<16xi32>], vector<16xf32>,
      %add3A_281 = arith.addf %gather3A_279, %gather3A_280 : vector<16xf32>
      %get3A_282 = arith.constant 0 : i32
      %get3A_283 = arith.index_cast %rem3A_77 : i32 to index
      %get3A_284 = arith.index_cast %get3A_282 : i32 to index
      %get3A_285 = arith.constant 48 : index
      %get3A_286 = tpu.vector_load %arg16[%get3A_283, %get3A_284, %get3A_285] {strides = array<i32>} : memref<2x8x64xf32, #tpu.memory_space<vmem>>, vector<16xf32>,
      %add3A_287 = arith.addf %add3A_281, %get3A_286 : vector<16xf32>
      %ge3A_288 = arith.constant 0.000000e+00 : f32
      %ge3A_289 = vector.broadcast %ge3A_288 : f32 to vector<16xf32>
      %ge3A_290 = arith.cmpf oge, %add3A_287, %ge3A_289 : vector<16xf32>
      %mul3A_291 = arith.constant 2.000000e-01 : f32
      %mul3A_292 = vector.broadcast %mul3A_291 : f32 to vector<16xf32>
      %mul3A_293 = arith.mulf %mul3A_292, %add3A_287 : vector<16xf32>
      %select_n3A_294 = arith.select %ge3A_290, %add3A_287, %mul3A_293 : vector<16xi1>, vector<16xf32>
      %exp3A_295 = math.exp %select_n3A_294 : vector<16xf32>
      %mul3A_296 = arith.constant 10240 : i32
      %mul3A_297 = arith.muli %add3A, %mul3A_296 : i32
      %mul3A_298 = arith.constant 8 : i32
      %mul3A_299 = arith.muli %scan3A_76, %mul3A_298 : i32
      %add3A_300 = arith.constant 0 : i32
      %add3A_301 = arith.addi %mul3A_299, %add3A_300 : i32
      %mul3A_302 = arith.constant 64 : i32
      %mul3A_303 = arith.muli %add3A_301, %mul3A_302 : i32
      %add3A_304 = arith.addi %mul3A_297, %mul3A_303 : i32
      %add3A_305 = arith.constant 48 : i32
      %add3A_306 = arith.addi %add3A_304, %add3A_305 : i32
      %add3A_307 = vector.broadcast %add3A_306 : i32 to vector<16xi32>
      %add3A_308 = arith.addi %add3A_307, %iota3A : vector<16xi32>
      %lt3A_309 = arith.constant 320000 : i32
      %lt3A_310 = vector.broadcast %lt3A_309 : i32 to vector<16xi32>
      %lt3A_311 = arith.cmpi slt, %add3A_308, %lt3A_310 : vector<16xi32>
      %jit3A_312 = arith.constant 0.000000e+00 : f32
      %broadcast_in_dim3A_313 = vector.broadcast %jit3A_312 : f32 to vector<16xf32>
      %select_n3A_314 = arith.select %lt3A_311, %exp3A_295, %broadcast_in_dim3A_313 : vector<16xi1>, vector<16xf32>
      %swap3A_315 = arith.constant 0 : i32
      %swap3A_316 = arith.index_cast %swap3A_315 : i32 to index
      %swap3A_317 = arith.constant 48 : index
      %swap3A_318 = tpu.vector_load %arg17[%swap3A_316, %swap3A_317] {strides = array<i32>} : memref<2x64xf32, #tpu.memory_space<vmem>>, vector<16xf32>,
      tpu.vector_store %arg17[%swap3A_316, %swap3A_317], %select_n3A_314 {strides = array<i32>} : memref<2x64xf32, #tpu.memory_space<vmem>>, vector<16xf32>,
      %dma_start3A_319 = arith.constant 0 : i32
      %dma_start3A_320 = arith.constant 0 : i32
      %dma_start3A_321 = arith.constant 0 : i32
      %dma_start3A_322 = arith.constant 0 : i32
      %dma_start3A_323 = tpu.memref_slice %arg18[%dma_start3A_320, %dma_start3A_321, %dma_start3A_322] : memref<2x64x64xi32, #tpu.memory_space<vmem>> -> memref<1x32x64xi32, #tpu.memory_space<vmem>>
      %dma_start3A_324 = tpu.memref_squeeze %dma_start3A_323 : memref<1x32x64xi32, #tpu.memory_space<vmem>> -> memref<32x64xi32, #tpu.memory_space<vmem>>
      %dma_start3A_325 = arith.constant 0 : i32
      %dma_start3A_326 = tpu.memref_slice %arg15[%rem3A_77, %dma_start3A_319, %dma_start3A_325] : memref<2x8x64xi32, #tpu.memory_space<vmem>> -> memref<1x1x32xi32, #tpu.memory_space<vmem>>
      %dma_start3A_327 = tpu.memref_squeeze %dma_start3A_326 : memref<1x1x32xi32, #tpu.memory_space<vmem>> -> memref<32xi32, #tpu.memory_space<vmem>>
      %dma_start3A_328 = arith.constant 0 : i32
      %dma_start3A_329 = arith.constant 0 : i32
      %dma_start3A_330 = tpu.memref_slice %arg2[%dma_start3A_328, %dma_start3A_329] : memref<10000x64xi32, #tpu.memory_space<hbm>> -> memref<10000x64xi32, #tpu.memory_space<hbm>>
      tpu.enqueue_indirect_dma source(%dma_start3A_330 : memref<10000x64xi32, #tpu.memory_space<hbm>>) target(%dma_start3A_324 : memref<32x64xi32, #tpu.memory_space<vmem>>) offsets(%dma_start3A_327 : memref<32xi32, #tpu.memory_space<vmem>>) semaphore(%arg22 : memref<!tpu.dma_semaphore, #tpu.memory_space<semaphore_mem>>)
      %dma_start3A_331 = arith.constant 0 : i32
      %dma_start3A_332 = arith.constant 0 : i32
      %dma_start3A_333 = arith.constant 32 : i32
      %dma_start3A_334 = arith.constant 0 : i32
      %dma_start3A_335 = tpu.memref_slice %arg18[%dma_start3A_332, %dma_start3A_333, %dma_start3A_334] : memref<2x64x64xi32, #tpu.memory_space<vmem>> -> memref<1x32x64xi32, #tpu.memory_space<vmem>>
      %dma_start3A_336 = tpu.memref_squeeze %dma_start3A_335 : memref<1x32x64xi32, #tpu.memory_space<vmem>> -> memref<32x64xi32, #tpu.memory_space<vmem>>
      %dma_start3A_337 = arith.constant 32 : i32
      %dma_start3A_338 = tpu.memref_slice %arg15[%rem3A_77, %dma_start3A_331, %dma_start3A_337] : memref<2x8x64xi32, #tpu.memory_space<vmem>> -> memref<1x1x32xi32, #tpu.memory_space<vmem>>
      %dma_start3A_339 = tpu.memref_squeeze %dma_start3A_338 : memref<1x1x32xi32, #tpu.memory_space<vmem>> -> memref<32xi32, #tpu.memory_space<vmem>>
      %dma_start3A_340 = arith.constant 0 : i32
      %dma_start3A_341 = arith.constant 0 : i32
      %dma_start3A_342 = tpu.memref_slice %arg2[%dma_start3A_340, %dma_start3A_341] : memref<10000x64xi32, #tpu.memory_space<hbm>> -> memref<10000x64xi32, #tpu.memory_space<hbm>>
      tpu.enqueue_indirect_dma source(%dma_start3A_342 : memref<10000x64xi32, #tpu.memory_space<hbm>>) target(%dma_start3A_336 : memref<32x64xi32, #tpu.memory_space<vmem>>) offsets(%dma_start3A_339 : memref<32xi32, #tpu.memory_space<vmem>>) semaphore(%arg24 : memref<!tpu.dma_semaphore, #tpu.memory_space<semaphore_mem>>)
      %scan3A_343 = arith.constant 0 : i32
      %scan3A_344 = arith.constant 0 : i32
      %scan3A_345 = arith.constant 4 : i32
      %scan3A_346 = arith.addi %scan3A_344, %scan3A_345 : i32
      %scan3A_347 = arith.constant 1 : i32
      scf.for %scan3A_371 = %scan3A_344 to %scan3A_346 step %scan3A_347  : i32 {
        %mul3A_372 = arith.constant 2 : i32
        %mul3A_373 = arith.muli %mul3A_372, %scan3A_371 : i32
        %add3A_374 = arith.constant 0 : i32
        %add3A_375 = arith.addi %mul3A_373, %add3A_374 : i32
        %dma_wait3A_376 = arith.constant 0 : i32
        %dma_wait3A_377 = arith.constant 0 : i32
        %dma_wait3A_378 = arith.constant 0 : i32
        %dma_wait3A_379 = tpu.memref_slice %arg18[%dma_wait3A_376, %dma_wait3A_377, %dma_wait3A_378] : memref<2x64x64xi32, #tpu.memory_space<vmem>> -> memref<1x32x64xi32, #tpu.memory_space<vmem>>
        %dma_wait3A_380 = tpu.memref_squeeze %dma_wait3A_379 : memref<1x32x64xi32, #tpu.memory_space<vmem>> -> memref<32x64xi32, #tpu.memory_space<vmem>>
        %dma_wait3A_381 = arith.constant 0 : i32
        %dma_wait3A_382 = tpu.memref_slice %arg15[%rem3A_77, %add3A_375, %dma_wait3A_381] : memref<2x8x64xi32, #tpu.memory_space<vmem>> -> memref<1x1x32xi32, #tpu.memory_space<vmem>>
        %dma_wait3A_383 = tpu.memref_squeeze %dma_wait3A_382 : memref<1x1x32xi32, #tpu.memory_space<vmem>> -> memref<32xi32, #tpu.memory_space<vmem>>
        %dma_wait3A_384 = arith.constant 0 : i32
        %dma_wait3A_385 = arith.constant 0 : i32
        %dma_wait3A_386 = tpu.memref_slice %arg2[%dma_wait3A_384, %dma_wait3A_385] : memref<10000x64xi32, #tpu.memory_space<hbm>> -> memref<10000x64xi32, #tpu.memory_space<hbm>>
        tpu.wait_indirect_dma semaphore(%arg22 : memref<!tpu.dma_semaphore, #tpu.memory_space<semaphore_mem>>) src(%dma_wait3A_386 : memref<10000x64xi32, #tpu.memory_space<hbm>>) dst(%dma_wait3A_380 : memref<32x64xi32, #tpu.memory_space<vmem>>)
        %dma_wait3A_387 = arith.constant 0 : i32
        %dma_wait3A_388 = arith.constant 32 : i32
        %dma_wait3A_389 = arith.constant 0 : i32
        %dma_wait3A_390 = tpu.memref_slice %arg18[%dma_wait3A_387, %dma_wait3A_388, %dma_wait3A_389] : memref<2x64x64xi32, #tpu.memory_space<vmem>> -> memref<1x32x64xi32, #tpu.memory_space<vmem>>
        %dma_wait3A_391 = tpu.memref_squeeze %dma_wait3A_390 : memref<1x32x64xi32, #tpu.memory_space<vmem>> -> memref<32x64xi32, #tpu.memory_space<vmem>>
        %dma_wait3A_392 = arith.constant 32 : i32
        %dma_wait3A_393 = tpu.memref_slice %arg15[%rem3A_77, %add3A_375, %dma_wait3A_392] : memref<2x8x64xi32, #tpu.memory_space<vmem>> -> memref<1x1x32xi32, #tpu.memory_space<vmem>>
        %dma_wait3A_394 = tpu.memref_squeeze %dma_wait3A_393 : memref<1x1x32xi32, #tpu.memory_space<vmem>> -> memref<32xi32, #tpu.memory_space<vmem>>
        %dma_wait3A_395 = arith.constant 0 : i32
        %dma_wait3A_396 = arith.constant 0 : i32
        %dma_wait3A_397 = tpu.memref_slice %arg2[%dma_wait3A_395, %dma_wait3A_396] : memref<10000x64xi32, #tpu.memory_space<hbm>> -> memref<10000x64xi32, #tpu.memory_space<hbm>>
        tpu.wait_indirect_dma semaphore(%arg24 : memref<!tpu.dma_semaphore, #tpu.memory_space<semaphore_mem>>) src(%dma_wait3A_397 : memref<10000x64xi32, #tpu.memory_space<hbm>>) dst(%dma_wait3A_391 : memref<32x64xi32, #tpu.memory_space<vmem>>)
        %scan3A_398 = arith.constant 0 : i32
        %scan3A_399 = arith.constant 0 : i32
        %scan3A_400 = arith.constant 64 : i32
        %scan3A_401 = arith.addi %scan3A_399, %scan3A_400 : i32
        %scan3A_402 = arith.constant 8 : i32
        scf.for %scan3A_716 = %scan3A_399 to %scan3A_401 step %scan3A_402  : i32 {
          %broadcast_in_dim3A_717 = arith.constant 0 : i32
          %broadcast_in_dim3A_718 = vector.broadcast %broadcast_in_dim3A_717 : i32 to vector<16xi32>
          %add3A_719 = vector.broadcast %scan3A_716 : i32 to vector<16xi32>
          %add3A_720 = arith.addi %broadcast_in_dim3A_718, %add3A_719 : vector<16xi32>
          %gather3A_721 = arith.constant 0 : i32
          %gather3A_722 = arith.constant 0 : i32
          %gather3A_723 = tpu.memref_slice %arg17[%gather3A_721, %gather3A_722] : memref<2x64xf32, #tpu.memory_space<vmem>> -> memref<1x64xf32, #tpu.memory_space<vmem>>
          %gather3A_724 = tpu.memref_squeeze %gather3A_723 : memref<1x64xf32, #tpu.memory_space<vmem>> -> memref<64xf32, #tpu.memory_space<vmem>>
          %gather3A_725 = tpu.vector_load_idx %gather3A_724[%add3A_720] : memref<64xf32, #tpu.memory_space<vmem>>[vector<16xi32>], vector<16xf32>,
          %get3A_726 = arith.constant 0 : i32
          %get3A_727 = arith.index_cast %get3A_726 : i32 to index
          %get3A_728 = arith.index_cast %scan3A_716 : i32 to index
          %get3A_729 = arith.constant 0 : index
          %get3A_730 = tpu.vector_load %arg18[%get3A_727, %get3A_728, %get3A_729] {strides = array<i32>} : memref<2x64x64xi32, #tpu.memory_space<vmem>>, vector<16xi32>,
          %shift_left3A = arith.constant 16 : i32
          %shift_left3A_731 = vector.broadcast %shift_left3A : i32 to vector<16xi32>
          %shift_left3A_732 = arith.shli %get3A_730, %shift_left3A_731 : vector<16xi32>
          %bitcast_convert_type3A = tpu.bitcast %shift_left3A_732 : vector<16xi32> -> vector<16xf32>
          %and3A = arith.constant -65536 : i32
          %and3A_733 = vector.broadcast %and3A : i32 to vector<16xi32>
          %and3A_734 = arith.andi %get3A_730, %and3A_733 : vector<16xi32>
          %bitcast_convert_type3A_735 = tpu.bitcast %and3A_734 : vector<16xi32> -> vector<16xf32>
          %mul3A_736 = arith.mulf %bitcast_convert_type3A, %gather3A_725 : vector<16xf32>
          %swap3A_737 = arith.constant 0 : i32
          %swap3A_738 = arith.index_cast %swap3A_737 : i32 to index
          %swap3A_739 = arith.index_cast %scan3A_716 : i32 to index
          %swap3A_740 = arith.constant 0 : index
          %swap3A_741 = tpu.vector_load %arg19[%swap3A_738, %swap3A_739, %swap3A_740] {strides = array<i32>} : memref<2x64x128xf32, #tpu.memory_space<vmem>>, vector<16xf32>,
          tpu.vector_store %arg19[%swap3A_738, %swap3A_739, %swap3A_740], %mul3A_736 {strides = array<i32>} : memref<2x64x128xf32, #tpu.memory_space<vmem>>, vector<16xf32>,
          %mul3A_742 = arith.mulf %bitcast_convert_type3A_735, %gather3A_725 : vector<16xf32>
          %swap3A_743 = arith.constant 0 : i32
          %swap3A_744 = arith.index_cast %swap3A_743 : i32 to index
          %swap3A_745 = arith.index_cast %scan3A_716 : i32 to index
          %swap3A_746 = arith.constant 64 : index
          %swap3A_747 = tpu.vector_load %arg19[%swap3A_744, %swap3A_745, %swap3A_746] {strides = array<i32>} : memref<2x64x128xf32, #tpu.memory_space<vmem>>, vector<16xf32>,
          tpu.vector_store %arg19[%swap3A_744, %swap3A_745, %swap3A_746], %mul3A_742 {strides = array<i32>} : memref<2x64x128xf32, #tpu.memory_space<vmem>>, vector<16xf32>,
          %get3A_748 = arith.constant 0 : i32
          %get3A_749 = arith.index_cast %get3A_748 : i32 to index
          %get3A_750 = arith.index_cast %scan3A_716 : i32 to index
          %get3A_751 = arith.constant 16 : index
          %get3A_752 = tpu.vector_load %arg18[%get3A_749, %get3A_750, %get3A_751] {strides = array<i32>} : memref<2x64x64xi32, #tpu.memory_space<vmem>>, vector<16xi32>,
          %shift_left3A_753 = arith.constant 16 : i32
          %shift_left3A_754 = vector.broadcast %shift_left3A_753 : i32 to vector<16xi32>
          %shift_left3A_755 = arith.shli %get3A_752, %shift_left3A_754 : vector<16xi32>
          %bitcast_convert_type3A_756 = tpu.bitcast %shift_left3A_755 : vector<16xi32> -> vector<16xf32>
          %and3A_757 = arith.constant -65536 : i32
          %and3A_758 = vector.broadcast %and3A_757 : i32 to vector<16xi32>
          %and3A_759 = arith.andi %get3A_752, %and3A_758 : vector<16xi32>
          %bitcast_convert_type3A_760 = tpu.bitcast %and3A_759 : vector<16xi32> -> vector<16xf32>
          %mul3A_761 = arith.mulf %bitcast_convert_type3A_756, %gather3A_725 : vector<16xf32>
          %swap3A_762 = arith.constant 0 : i32
          %swap3A_763 = arith.index_cast %swap3A_762 : i32 to index
          %swap3A_764 = arith.index_cast %scan3A_716 : i32 to index
          %swap3A_765 = arith.constant 16 : index
          %swap3A_766 = tpu.vector_load %arg19[%swap3A_763, %swap3A_764, %swap3A_765] {strides = array<i32>} : memref<2x64x128xf32, #tpu.memory_space<vmem>>, vector<16xf32>,
          tpu.vector_store %arg19[%swap3A_763, %swap3A_764, %swap3A_765], %mul3A_761 {strides = array<i32>} : memref<2x64x128xf32, #tpu.memory_space<vmem>>, vector<16xf32>,
          %mul3A_767 = arith.mulf %bitcast_convert_type3A_760, %gather3A_725 : vector<16xf32>
          %swap3A_768 = arith.constant 0 : i32
          %swap3A_769 = arith.index_cast %swap3A_768 : i32 to index
          %swap3A_770 = arith.index_cast %scan3A_716 : i32 to index
          %swap3A_771 = arith.constant 80 : index
          %swap3A_772 = tpu.vector_load %arg19[%swap3A_769, %swap3A_770, %swap3A_771] {strides = array<i32>} : memref<2x64x128xf32, #tpu.memory_space<vmem>>, vector<16xf32>,
          tpu.vector_store %arg19[%swap3A_769, %swap3A_770, %swap3A_771], %mul3A_767 {strides = array<i32>} : memref<2x64x128xf32, #tpu.memory_space<vmem>>, vector<16xf32>,
          %get3A_773 = arith.constant 0 : i32
          %get3A_774 = arith.index_cast %get3A_773 : i32 to index
          %get3A_775 = arith.index_cast %scan3A_716 : i32 to index
          %get3A_776 = arith.constant 32 : index
          %get3A_777 = tpu.vector_load %arg18[%get3A_774, %get3A_775, %get3A_776] {strides = array<i32>} : memref<2x64x64xi32, #tpu.memory_space<vmem>>, vector<16xi32>,
          %shift_left3A_778 = arith.constant 16 : i32
          %shift_left3A_779 = vector.broadcast %shift_left3A_778 : i32 to vector<16xi32>
          %shift_left3A_780 = arith.shli %get3A_777, %shift_left3A_779 : vector<16xi32>
          %bitcast_convert_type3A_781 = tpu.bitcast %shift_left3A_780 : vector<16xi32> -> vector<16xf32>
          %and3A_782 = arith.constant -65536 : i32
          %and3A_783 = vector.broadcast %and3A_782 : i32 to vector<16xi32>
          %and3A_784 = arith.andi %get3A_777, %and3A_783 : vector<16xi32>
          %bitcast_convert_type3A_785 = tpu.bitcast %and3A_784 : vector<16xi32> -> vector<16xf32>
          %mul3A_786 = arith.mulf %bitcast_convert_type3A_781, %gather3A_725 : vector<16xf32>
          %swap3A_787 = arith.constant 0 : i32
          %swap3A_788 = arith.index_cast %swap3A_787 : i32 to index
          %swap3A_789 = arith.index_cast %scan3A_716 : i32 to index
          %swap3A_790 = arith.constant 32 : index
          %swap3A_791 = tpu.vector_load %arg19[%swap3A_788, %swap3A_789, %swap3A_790] {strides = array<i32>} : memref<2x64x128xf32, #tpu.memory_space<vmem>>, vector<16xf32>,
          tpu.vector_store %arg19[%swap3A_788, %swap3A_789, %swap3A_790], %mul3A_786 {strides = array<i32>} : memref<2x64x128xf32, #tpu.memory_space<vmem>>, vector<16xf32>,
          %mul3A_792 = arith.mulf %bitcast_convert_type3A_785, %gather3A_725 : vector<16xf32>
          %swap3A_793 = arith.constant 0 : i32
          %swap3A_794 = arith.index_cast %swap3A_793 : i32 to index
          %swap3A_795 = arith.index_cast %scan3A_716 : i32 to index
          %swap3A_796 = arith.constant 96 : index
          %swap3A_797 = tpu.vector_load %arg19[%swap3A_794, %swap3A_795, %swap3A_796] {strides = array<i32>} : memref<2x64x128xf32, #tpu.memory_space<vmem>>, vector<16xf32>,
          tpu.vector_store %arg19[%swap3A_794, %swap3A_795, %swap3A_796], %mul3A_792 {strides = array<i32>} : memref<2x64x128xf32, #tpu.memory_space<vmem>>, vector<16xf32>,
          %get3A_798 = arith.constant 0 : i32
          %get3A_799 = arith.index_cast %get3A_798 : i32 to index
          %get3A_800 = arith.index_cast %scan3A_716 : i32 to index
          %get3A_801 = arith.constant 48 : index
          %get3A_802 = tpu.vector_load %arg18[%get3A_799, %get3A_800, %get3A_801] {strides = array<i32>} : memref<2x64x64xi32, #tpu.memory_space<vmem>>, vector<16xi32>,
          %shift_left3A_803 = arith.constant 16 : i32
          %shift_left3A_804 = vector.broadcast %shift_left3A_803 : i32 to vector<16xi32>
          %shift_left3A_805 = arith.shli %get3A_802, %shift_left3A_804 : vector<16xi32>
          %bitcast_convert_type3A_806 = tpu.bitcast %shift_left3A_805 : vector<16xi32> -> vector<16xf32>
          %and3A_807 = arith.constant -65536 : i32
          %and3A_808 = vector.broadcast %and3A_807 : i32 to vector<16xi32>
          %and3A_809 = arith.andi %get3A_802, %and3A_808 : vector<16xi32>
          %bitcast_convert_type3A_810 = tpu.bitcast %and3A_809 : vector<16xi32> -> vector<16xf32>
          %mul3A_811 = arith.mulf %bitcast_convert_type3A_806, %gather3A_725 : vector<16xf32>
          %swap3A_812 = arith.constant 0 : i32
          %swap3A_813 = arith.index_cast %swap3A_812 : i32 to index
          %swap3A_814 = arith.index_cast %scan3A_716 : i32 to index
          %swap3A_815 = arith.constant 48 : index
          %swap3A_816 = tpu.vector_load %arg19[%swap3A_813, %swap3A_814, %swap3A_815] {strides = array<i32>} : memref<2x64x128xf32, #tpu.memory_space<vmem>>, vector<16xf32>,
          tpu.vector_store %arg19[%swap3A_813, %swap3A_814, %swap3A_815], %mul3A_811 {strides = array<i32>} : memref<2x64x128xf32, #tpu.memory_space<vmem>>, vector<16xf32>,
          %mul3A_817 = arith.mulf %bitcast_convert_type3A_810, %gather3A_725 : vector<16xf32>
          %swap3A_818 = arith.constant 0 : i32
          %swap3A_819 = arith.index_cast %swap3A_818 : i32 to index
          %swap3A_820 = arith.index_cast %scan3A_716 : i32 to index
          %swap3A_821 = arith.constant 112 : index
          %swap3A_822 = tpu.vector_load %arg19[%swap3A_819, %swap3A_820, %swap3A_821] {strides = array<i32>} : memref<2x64x128xf32, #tpu.memory_space<vmem>>, vector<16xf32>,
          tpu.vector_store %arg19[%swap3A_819, %swap3A_820, %swap3A_821], %mul3A_817 {strides = array<i32>} : memref<2x64x128xf32, #tpu.memory_space<vmem>>, vector<16xf32>,
          %scan3A_823 = arith.constant 1 : i32
          %scan3A_824 = arith.addi %scan3A_716, %scan3A_823 : i32
          %broadcast_in_dim3A_825 = arith.constant 0 : i32
          %broadcast_in_dim3A_826 = vector.broadcast %broadcast_in_dim3A_825 : i32 to vector<16xi32>
          %add3A_827 = vector.broadcast %scan3A_824 : i32 to vector<16xi32>
          %add3A_828 = arith.addi %broadcast_in_dim3A_826, %add3A_827 : vector<16xi32>
          %gather3A_829 = arith.constant 0 : i32
          %gather3A_830 = arith.constant 0 : i32
          %gather3A_831 = tpu.memref_slice %arg17[%gather3A_829, %gather3A_830] : memref<2x64xf32, #tpu.memory_space<vmem>> -> memref<1x64xf32, #tpu.memory_space<vmem>>
          %gather3A_832 = tpu.memref_squeeze %gather3A_831 : memref<1x64xf32, #tpu.memory_space<vmem>> -> memref<64xf32, #tpu.memory_space<vmem>>
          %gather3A_833 = tpu.vector_load_idx %gather3A_832[%add3A_828] : memref<64xf32, #tpu.memory_space<vmem>>[vector<16xi32>], vector<16xf32>,
          %get3A_834 = arith.constant 0 : i32
          %get3A_835 = arith.index_cast %get3A_834 : i32 to index
          %get3A_836 = arith.index_cast %scan3A_824 : i32 to index
          %get3A_837 = arith.constant 0 : index
          %get3A_838 = tpu.vector_load %arg18[%get3A_835, %get3A_836, %get3A_837] {strides = array<i32>} : memref<2x64x64xi32, #tpu.memory_space<vmem>>, vector<16xi32>,
          %shift_left3A_839 = arith.constant 16 : i32
          %shift_left3A_840 = vector.broadcast %shift_left3A_839 : i32 to vector<16xi32>
          %shift_left3A_841 = arith.shli %get3A_838, %shift_left3A_840 : vector<16xi32>
          %bitcast_convert_type3A_842 = tpu.bitcast %shift_left3A_841 : vector<16xi32> -> vector<16xf32>
          %and3A_843 = arith.constant -65536 : i32
          %and3A_844 = vector.broadcast %and3A_843 : i32 to vector<16xi32>
          %and3A_845 = arith.andi %get3A_838, %and3A_844 : vector<16xi32>
          %bitcast_convert_type3A_846 = tpu.bitcast %and3A_845 : vector<16xi32> -> vector<16xf32>
          %mul3A_847 = arith.mulf %bitcast_convert_type3A_842, %gather3A_833 : vector<16xf32>
          %swap3A_848 = arith.constant 0 : i32
          %swap3A_849 = arith.index_cast %swap3A_848 : i32 to index
          %swap3A_850 = arith.index_cast %scan3A_824 : i32 to index
          %swap3A_851 = arith.constant 0 : index
          %swap3A_852 = tpu.vector_load %arg19[%swap3A_849, %swap3A_850, %swap3A_851] {strides = array<i32>} : memref<2x64x128xf32, #tpu.memory_space<vmem>>, vector<16xf32>,
          tpu.vector_store %arg19[%swap3A_849, %swap3A_850, %swap3A_851], %mul3A_847 {strides = array<i32>} : memref<2x64x128xf32, #tpu.memory_space<vmem>>, vector<16xf32>,
          %mul3A_853 = arith.mulf %bitcast_convert_type3A_846, %gather3A_833 : vector<16xf32>
          %swap3A_854 = arith.constant 0 : i32
          %swap3A_855 = arith.index_cast %swap3A_854 : i32 to index
          %swap3A_856 = arith.index_cast %scan3A_824 : i32 to index
          %swap3A_857 = arith.constant 64 : index
          %swap3A_858 = tpu.vector_load %arg19[%swap3A_855, %swap3A_856, %swap3A_857] {strides = array<i32>} : memref<2x64x128xf32, #tpu.memory_space<vmem>>, vector<16xf32>,
          tpu.vector_store %arg19[%swap3A_855, %swap3A_856, %swap3A_857], %mul3A_853 {strides = array<i32>} : memref<2x64x128xf32, #tpu.memory_space<vmem>>, vector<16xf32>,
          %get3A_859 = arith.constant 0 : i32
          %get3A_860 = arith.index_cast %get3A_859 : i32 to index
          %get3A_861 = arith.index_cast %scan3A_824 : i32 to index
          %get3A_862 = arith.constant 16 : index
          %get3A_863 = tpu.vector_load %arg18[%get3A_860, %get3A_861, %get3A_862] {strides = array<i32>} : memref<2x64x64xi32, #tpu.memory_space<vmem>>, vector<16xi32>,
          %shift_left3A_864 = arith.constant 16 : i32
          %shift_left3A_865 = vector.broadcast %shift_left3A_864 : i32 to vector<16xi32>
          %shift_left3A_866 = arith.shli %get3A_863, %shift_left3A_865 : vector<16xi32>
          %bitcast_convert_type3A_867 = tpu.bitcast %shift_left3A_866 : vector<16xi32> -> vector<16xf32>
          %and3A_868 = arith.constant -65536 : i32
          %and3A_869 = vector.broadcast %and3A_868 : i32 to vector<16xi32>
          %and3A_870 = arith.andi %get3A_863, %and3A_869 : vector<16xi32>
          %bitcast_convert_type3A_871 = tpu.bitcast %and3A_870 : vector<16xi32> -> vector<16xf32>
          %mul3A_872 = arith.mulf %bitcast_convert_type3A_867, %gather3A_833 : vector<16xf32>
          %swap3A_873 = arith.constant 0 : i32
          %swap3A_874 = arith.index_cast %swap3A_873 : i32 to index
          %swap3A_875 = arith.index_cast %scan3A_824 : i32 to index
          %swap3A_876 = arith.constant 16 : index
          %swap3A_877 = tpu.vector_load %arg19[%swap3A_874, %swap3A_875, %swap3A_876] {strides = array<i32>} : memref<2x64x128xf32, #tpu.memory_space<vmem>>, vector<16xf32>,
          tpu.vector_store %arg19[%swap3A_874, %swap3A_875, %swap3A_876], %mul3A_872 {strides = array<i32>} : memref<2x64x128xf32, #tpu.memory_space<vmem>>, vector<16xf32>,
          %mul3A_878 = arith.mulf %bitcast_convert_type3A_871, %gather3A_833 : vector<16xf32>
          %swap3A_879 = arith.constant 0 : i32
          %swap3A_880 = arith.index_cast %swap3A_879 : i32 to index
          %swap3A_881 = arith.index_cast %scan3A_824 : i32 to index
          %swap3A_882 = arith.constant 80 : index
          %swap3A_883 = tpu.vector_load %arg19[%swap3A_880, %swap3A_881, %swap3A_882] {strides = array<i32>} : memref<2x64x128xf32, #tpu.memory_space<vmem>>, vector<16xf32>,
          tpu.vector_store %arg19[%swap3A_880, %swap3A_881, %swap3A_882], %mul3A_878 {strides = array<i32>} : memref<2x64x128xf32, #tpu.memory_space<vmem>>, vector<16xf32>,
          %get3A_884 = arith.constant 0 : i32
          %get3A_885 = arith.index_cast %get3A_884 : i32 to index
          %get3A_886 = arith.index_cast %scan3A_824 : i32 to index
          %get3A_887 = arith.constant 32 : index
          %get3A_888 = tpu.vector_load %arg18[%get3A_885, %get3A_886, %get3A_887] {strides = array<i32>} : memref<2x64x64xi32, #tpu.memory_space<vmem>>, vector<16xi32>,
          %shift_left3A_889 = arith.constant 16 : i32
          %shift_left3A_890 = vector.broadcast %shift_left3A_889 : i32 to vector<16xi32>
          %shift_left3A_891 = arith.shli %get3A_888, %shift_left3A_890 : vector<16xi32>
          %bitcast_convert_type3A_892 = tpu.bitcast %shift_left3A_891 : vector<16xi32> -> vector<16xf32>
          %and3A_893 = arith.constant -65536 : i32
          %and3A_894 = vector.broadcast %and3A_893 : i32 to vector<16xi32>
          %and3A_895 = arith.andi %get3A_888, %and3A_894 : vector<16xi32>
          %bitcast_convert_type3A_896 = tpu.bitcast %and3A_895 : vector<16xi32> -> vector<16xf32>
          %mul3A_897 = arith.mulf %bitcast_convert_type3A_892, %gather3A_833 : vector<16xf32>
          %swap3A_898 = arith.constant 0 : i32
          %swap3A_899 = arith.index_cast %swap3A_898 : i32 to index
          %swap3A_900 = arith.index_cast %scan3A_824 : i32 to index
          %swap3A_901 = arith.constant 32 : index
          %swap3A_902 = tpu.vector_load %arg19[%swap3A_899, %swap3A_900, %swap3A_901] {strides = array<i32>} : memref<2x64x128xf32, #tpu.memory_space<vmem>>, vector<16xf32>,
          tpu.vector_store %arg19[%swap3A_899, %swap3A_900, %swap3A_901], %mul3A_897 {strides = array<i32>} : memref<2x64x128xf32, #tpu.memory_space<vmem>>, vector<16xf32>,
          %mul3A_903 = arith.mulf %bitcast_convert_type3A_896, %gather3A_833 : vector<16xf32>
          %swap3A_904 = arith.constant 0 : i32
          %swap3A_905 = arith.index_cast %swap3A_904 : i32 to index
          %swap3A_906 = arith.index_cast %scan3A_824 : i32 to index
          %swap3A_907 = arith.constant 96 : index
          %swap3A_908 = tpu.vector_load %arg19[%swap3A_905, %swap3A_906, %swap3A_907] {strides = array<i32>} : memref<2x64x128xf32, #tpu.memory_space<vmem>>, vector<16xf32>,
          tpu.vector_store %arg19[%swap3A_905, %swap3A_906, %swap3A_907], %mul3A_903 {strides = array<i32>} : memref<2x64x128xf32, #tpu.memory_space<vmem>>, vector<16xf32>,
          %get3A_909 = arith.constant 0 : i32
          %get3A_910 = arith.index_cast %get3A_909 : i32 to index
          %get3A_911 = arith.index_cast %scan3A_824 : i32 to index
          %get3A_912 = arith.constant 48 : index
          %get3A_913 = tpu.vector_load %arg18[%get3A_910, %get3A_911, %get3A_912] {strides = array<i32>} : memref<2x64x64xi32, #tpu.memory_space<vmem>>, vector<16xi32>,
          %shift_left3A_914 = arith.constant 16 : i32
          %shift_left3A_915 = vector.broadcast %shift_left3A_914 : i32 to vector<16xi32>
          %shift_left3A_916 = arith.shli %get3A_913, %shift_left3A_915 : vector<16xi32>
          %bitcast_convert_type3A_917 = tpu.bitcast %shift_left3A_916 : vector<16xi32> -> vector<16xf32>
          %and3A_918 = arith.constant -65536 : i32
          %and3A_919 = vector.broadcast %and3A_918 : i32 to vector<16xi32>
          %and3A_920 = arith.andi %get3A_913, %and3A_919 : vector<16xi32>
          %bitcast_convert_type3A_921 = tpu.bitcast %and3A_920 : vector<16xi32> -> vector<16xf32>
          %mul3A_922 = arith.mulf %bitcast_convert_type3A_917, %gather3A_833 : vector<16xf32>
          %swap3A_923 = arith.constant 0 : i32
          %swap3A_924 = arith.index_cast %swap3A_923 : i32 to index
          %swap3A_925 = arith.index_cast %scan3A_824 : i32 to index
          %swap3A_926 = arith.constant 48 : index
          %swap3A_927 = tpu.vector_load %arg19[%swap3A_924, %swap3A_925, %swap3A_926] {strides = array<i32>} : memref<2x64x128xf32, #tpu.memory_space<vmem>>, vector<16xf32>,
          tpu.vector_store %arg19[%swap3A_924, %swap3A_925, %swap3A_926], %mul3A_922 {strides = array<i32>} : memref<2x64x128xf32, #tpu.memory_space<vmem>>, vector<16xf32>,
          %mul3A_928 = arith.mulf %bitcast_convert_type3A_921, %gather3A_833 : vector<16xf32>
          %swap3A_929 = arith.constant 0 : i32
          %swap3A_930 = arith.index_cast %swap3A_929 : i32 to index
          %swap3A_931 = arith.index_cast %scan3A_824 : i32 to index
          %swap3A_932 = arith.constant 112 : index
          %swap3A_933 = tpu.vector_load %arg19[%swap3A_930, %swap3A_931, %swap3A_932] {strides = array<i32>} : memref<2x64x128xf32, #tpu.memory_space<vmem>>, vector<16xf32>,
          tpu.vector_store %arg19[%swap3A_930, %swap3A_931, %swap3A_932], %mul3A_928 {strides = array<i32>} : memref<2x64x128xf32, #tpu.memory_space<vmem>>, vector<16xf32>,
          %scan3A_934 = arith.constant 2 : i32
          %scan3A_935 = arith.addi %scan3A_716, %scan3A_934 : i32
          %broadcast_in_dim3A_936 = arith.constant 0 : i32
          %broadcast_in_dim3A_937 = vector.broadcast %broadcast_in_dim3A_936 : i32 to vector<16xi32>
          %add3A_938 = vector.broadcast %scan3A_935 : i32 to vector<16xi32>
          %add3A_939 = arith.addi %broadcast_in_dim3A_937, %add3A_938 : vector<16xi32>
          %gather3A_940 = arith.constant 0 : i32
          %gather3A_941 = arith.constant 0 : i32
          %gather3A_942 = tpu.memref_slice %arg17[%gather3A_940, %gather3A_941] : memref<2x64xf32, #tpu.memory_space<vmem>> -> memref<1x64xf32, #tpu.memory_space<vmem>>
          %gather3A_943 = tpu.memref_squeeze %gather3A_942 : memref<1x64xf32, #tpu.memory_space<vmem>> -> memref<64xf32, #tpu.memory_space<vmem>>
          %gather3A_944 = tpu.vector_load_idx %gather3A_943[%add3A_939] : memref<64xf32, #tpu.memory_space<vmem>>[vector<16xi32>], vector<16xf32>,
          %get3A_945 = arith.constant 0 : i32
          %get3A_946 = arith.index_cast %get3A_945 : i32 to index
          %get3A_947 = arith.index_cast %scan3A_935 : i32 to index
          %get3A_948 = arith.constant 0 : index
          %get3A_949 = tpu.vector_load %arg18[%get3A_946, %get3A_947, %get3A_948] {strides = array<i32>} : memref<2x64x64xi32, #tpu.memory_space<vmem>>, vector<16xi32>,
          %shift_left3A_950 = arith.constant 16 : i32
          %shift_left3A_951 = vector.broadcast %shift_left3A_950 : i32 to vector<16xi32>
          %shift_left3A_952 = arith.shli %get3A_949, %shift_left3A_951 : vector<16xi32>
          %bitcast_convert_type3A_953 = tpu.bitcast %shift_left3A_952 : vector<16xi32> -> vector<16xf32>
          %and3A_954 = arith.constant -65536 : i32
          %and3A_955 = vector.broadcast %and3A_954 : i32 to vector<16xi32>
          %and3A_956 = arith.andi %get3A_949, %and3A_955 : vector<16xi32>
          %bitcast_convert_type3A_957 = tpu.bitcast %and3A_956 : vector<16xi32> -> vector<16xf32>
          %mul3A_958 = arith.mulf %bitcast_convert_type3A_953, %gather3A_944 : vector<16xf32>
          %swap3A_959 = arith.constant 0 : i32
          %swap3A_960 = arith.index_cast %swap3A_959 : i32 to index
          %swap3A_961 = arith.index_cast %scan3A_935 : i32 to index
          %swap3A_962 = arith.constant 0 : index
          %swap3A_963 = tpu.vector_load %arg19[%swap3A_960, %swap3A_961, %swap3A_962] {strides = array<i32>} : memref<2x64x128xf32, #tpu.memory_space<vmem>>, vector<16xf32>,
          tpu.vector_store %arg19[%swap3A_960, %swap3A_961, %swap3A_962], %mul3A_958 {strides = array<i32>} : memref<2x64x128xf32, #tpu.memory_space<vmem>>, vector<16xf32>,
          %mul3A_964 = arith.mulf %bitcast_convert_type3A_957, %gather3A_944 : vector<16xf32>
          %swap3A_965 = arith.constant 0 : i32
          %swap3A_966 = arith.index_cast %swap3A_965 : i32 to index
          %swap3A_967 = arith.index_cast %scan3A_935 : i32 to index
          %swap3A_968 = arith.constant 64 : index
          %swap3A_969 = tpu.vector_load %arg19[%swap3A_966, %swap3A_967, %swap3A_968] {strides = array<i32>} : memref<2x64x128xf32, #tpu.memory_space<vmem>>, vector<16xf32>,
          tpu.vector_store %arg19[%swap3A_966, %swap3A_967, %swap3A_968], %mul3A_964 {strides = array<i32>} : memref<2x64x128xf32, #tpu.memory_space<vmem>>, vector<16xf32>,
          %get3A_970 = arith.constant 0 : i32
          %get3A_971 = arith.index_cast %get3A_970 : i32 to index
          %get3A_972 = arith.index_cast %scan3A_935 : i32 to index
          %get3A_973 = arith.constant 16 : index
          %get3A_974 = tpu.vector_load %arg18[%get3A_971, %get3A_972, %get3A_973] {strides = array<i32>} : memref<2x64x64xi32, #tpu.memory_space<vmem>>, vector<16xi32>,
          %shift_left3A_975 = arith.constant 16 : i32
          %shift_left3A_976 = vector.broadcast %shift_left3A_975 : i32 to vector<16xi32>
          %shift_left3A_977 = arith.shli %get3A_974, %shift_left3A_976 : vector<16xi32>
          %bitcast_convert_type3A_978 = tpu.bitcast %shift_left3A_977 : vector<16xi32> -> vector<16xf32>
          %and3A_979 = arith.constant -65536 : i32
          %and3A_980 = vector.broadcast %and3A_979 : i32 to vector<16xi32>
          %and3A_981 = arith.andi %get3A_974, %and3A_980 : vector<16xi32>
          %bitcast_convert_type3A_982 = tpu.bitcast %and3A_981 : vector<16xi32> -> vector<16xf32>
          %mul3A_983 = arith.mulf %bitcast_convert_type3A_978, %gather3A_944 : vector<16xf32>
          %swap3A_984 = arith.constant 0 : i32
          %swap3A_985 = arith.index_cast %swap3A_984 : i32 to index
          %swap3A_986 = arith.index_cast %scan3A_935 : i32 to index
          %swap3A_987 = arith.constant 16 : index
          %swap3A_988 = tpu.vector_load %arg19[%swap3A_985, %swap3A_986, %swap3A_987] {strides = array<i32>} : memref<2x64x128xf32, #tpu.memory_space<vmem>>, vector<16xf32>,
          tpu.vector_store %arg19[%swap3A_985, %swap3A_986, %swap3A_987], %mul3A_983 {strides = array<i32>} : memref<2x64x128xf32, #tpu.memory_space<vmem>>, vector<16xf32>,
          %mul3A_989 = arith.mulf %bitcast_convert_type3A_982, %gather3A_944 : vector<16xf32>
          %swap3A_990 = arith.constant 0 : i32
          %swap3A_991 = arith.index_cast %swap3A_990 : i32 to index
          %swap3A_992 = arith.index_cast %scan3A_935 : i32 to index
          %swap3A_993 = arith.constant 80 : index
          %swap3A_994 = tpu.vector_load %arg19[%swap3A_991, %swap3A_992, %swap3A_993] {strides = array<i32>} : memref<2x64x128xf32, #tpu.memory_space<vmem>>, vector<16xf32>,
          tpu.vector_store %arg19[%swap3A_991, %swap3A_992, %swap3A_993], %mul3A_989 {strides = array<i32>} : memref<2x64x128xf32, #tpu.memory_space<vmem>>, vector<16xf32>,
          %get3A_995 = arith.constant 0 : i32
          %get3A_996 = arith.index_cast %get3A_995 : i32 to index
          %get3A_997 = arith.index_cast %scan3A_935 : i32 to index
          %get3A_998 = arith.constant 32 : index
          %get3A_999 = tpu.vector_load %arg18[%get3A_996, %get3A_997, %get3A_998] {strides = array<i32>} : memref<2x64x64xi32, #tpu.memory_space<vmem>>, vector<16xi32>,
          %shift_left3A_1000 = arith.constant 16 : i32
          %shift_left3A_1001 = vector.broadcast %shift_left3A_1000 : i32 to vector<16xi32>
          %shift_left3A_1002 = arith.shli %get3A_999, %shift_left3A_1001 : vector<16xi32>
          %bitcast_convert_type3A_1003 = tpu.bitcast %shift_left3A_1002 : vector<16xi32> -> vector<16xf32>
          %and3A_1004 = arith.constant -65536 : i32
          %and3A_1005 = vector.broadcast %and3A_1004 : i32 to vector<16xi32>
          %and3A_1006 = arith.andi %get3A_999, %and3A_1005 : vector<16xi32>
          %bitcast_convert_type3A_1007 = tpu.bitcast %and3A_1006 : vector<16xi32> -> vector<16xf32>
          %mul3A_1008 = arith.mulf %bitcast_convert_type3A_1003, %gather3A_944 : vector<16xf32>
          %swap3A_1009 = arith.constant 0 : i32
          %swap3A_1010 = arith.index_cast %swap3A_1009 : i32 to index
          %swap3A_1011 = arith.index_cast %scan3A_935 : i32 to index
          %swap3A_1012 = arith.constant 32 : index
          %swap3A_1013 = tpu.vector_load %arg19[%swap3A_1010, %swap3A_1011, %swap3A_1012] {strides = array<i32>} : memref<2x64x128xf32, #tpu.memory_space<vmem>>, vector<16xf32>,
          tpu.vector_store %arg19[%swap3A_1010, %swap3A_1011, %swap3A_1012], %mul3A_1008 {strides = array<i32>} : memref<2x64x128xf32, #tpu.memory_space<vmem>>, vector<16xf32>,
          %mul3A_1014 = arith.mulf %bitcast_convert_type3A_1007, %gather3A_944 : vector<16xf32>
          %swap3A_1015 = arith.constant 0 : i32
          %swap3A_1016 = arith.index_cast %swap3A_1015 : i32 to index
          %swap3A_1017 = arith.index_cast %scan3A_935 : i32 to index
          %swap3A_1018 = arith.constant 96 : index
          %swap3A_1019 = tpu.vector_load %arg19[%swap3A_1016, %swap3A_1017, %swap3A_1018] {strides = array<i32>} : memref<2x64x128xf32, #tpu.memory_space<vmem>>, vector<16xf32>,
          tpu.vector_store %arg19[%swap3A_1016, %swap3A_1017, %swap3A_1018], %mul3A_1014 {strides = array<i32>} : memref<2x64x128xf32, #tpu.memory_space<vmem>>, vector<16xf32>,
          %get3A_1020 = arith.constant 0 : i32
          %get3A_1021 = arith.index_cast %get3A_1020 : i32 to index
          %get3A_1022 = arith.index_cast %scan3A_935 : i32 to index
          %get3A_1023 = arith.constant 48 : index
          %get3A_1024 = tpu.vector_load %arg18[%get3A_1021, %get3A_1022, %get3A_1023] {strides = array<i32>} : memref<2x64x64xi32, #tpu.memory_space<vmem>>, vector<16xi32>,
          %shift_left3A_1025 = arith.constant 16 : i32
          %shift_left3A_1026 = vector.broadcast %shift_left3A_1025 : i32 to vector<16xi32>
          %shift_left3A_1027 = arith.shli %get3A_1024, %shift_left3A_1026 : vector<16xi32>
          %bitcast_convert_type3A_1028 = tpu.bitcast %shift_left3A_1027 : vector<16xi32> -> vector<16xf32>
          %and3A_1029 = arith.constant -65536 : i32
          %and3A_1030 = vector.broadcast %and3A_1029 : i32 to vector<16xi32>
          %and3A_1031 = arith.andi %get3A_1024, %and3A_1030 : vector<16xi32>
          %bitcast_convert_type3A_1032 = tpu.bitcast %and3A_1031 : vector<16xi32> -> vector<16xf32>
          %mul3A_1033 = arith.mulf %bitcast_convert_type3A_1028, %gather3A_944 : vector<16xf32>
          %swap3A_1034 = arith.constant 0 : i32
          %swap3A_1035 = arith.index_cast %swap3A_1034 : i32 to index
          %swap3A_1036 = arith.index_cast %scan3A_935 : i32 to index
          %swap3A_1037 = arith.constant 48 : index
          %swap3A_1038 = tpu.vector_load %arg19[%swap3A_1035, %swap3A_1036, %swap3A_1037] {strides = array<i32>} : memref<2x64x128xf32, #tpu.memory_space<vmem>>, vector<16xf32>,
          tpu.vector_store %arg19[%swap3A_1035, %swap3A_1036, %swap3A_1037], %mul3A_1033 {strides = array<i32>} : memref<2x64x128xf32, #tpu.memory_space<vmem>>, vector<16xf32>,
          %mul3A_1039 = arith.mulf %bitcast_convert_type3A_1032, %gather3A_944 : vector<16xf32>
          %swap3A_1040 = arith.constant 0 : i32
          %swap3A_1041 = arith.index_cast %swap3A_1040 : i32 to index
          %swap3A_1042 = arith.index_cast %scan3A_935 : i32 to index
          %swap3A_1043 = arith.constant 112 : index
          %swap3A_1044 = tpu.vector_load %arg19[%swap3A_1041, %swap3A_1042, %swap3A_1043] {strides = array<i32>} : memref<2x64x128xf32, #tpu.memory_space<vmem>>, vector<16xf32>,
          tpu.vector_store %arg19[%swap3A_1041, %swap3A_1042, %swap3A_1043], %mul3A_1039 {strides = array<i32>} : memref<2x64x128xf32, #tpu.memory_space<vmem>>, vector<16xf32>,
          %scan3A_1045 = arith.constant 3 : i32
          %scan3A_1046 = arith.addi %scan3A_716, %scan3A_1045 : i32
          %broadcast_in_dim3A_1047 = arith.constant 0 : i32
          %broadcast_in_dim3A_1048 = vector.broadcast %broadcast_in_dim3A_1047 : i32 to vector<16xi32>
          %add3A_1049 = vector.broadcast %scan3A_1046 : i32 to vector<16xi32>
          %add3A_1050 = arith.addi %broadcast_in_dim3A_1048, %add3A_1049 : vector<16xi32>
          %gather3A_1051 = arith.constant 0 : i32
          %gather3A_1052 = arith.constant 0 : i32
          %gather3A_1053 = tpu.memref_slice %arg17[%gather3A_1051, %gather3A_1052] : memref<2x64xf32, #tpu.memory_space<vmem>> -> memref<1x64xf32, #tpu.memory_space<vmem>>
          %gather3A_1054 = tpu.memref_squeeze %gather3A_1053 : memref<1x64xf32, #tpu.memory_space<vmem>> -> memref<64xf32, #tpu.memory_space<vmem>>
          %gather3A_1055 = tpu.vector_load_idx %gather3A_1054[%add3A_1050] : memref<64xf32, #tpu.memory_space<vmem>>[vector<16xi32>], vector<16xf32>,
          %get3A_1056 = arith.constant 0 : i32
          %get3A_1057 = arith.index_cast %get3A_1056 : i32 to index
          %get3A_1058 = arith.index_cast %scan3A_1046 : i32 to index
          %get3A_1059 = arith.constant 0 : index
          %get3A_1060 = tpu.vector_load %arg18[%get3A_1057, %get3A_1058, %get3A_1059] {strides = array<i32>} : memref<2x64x64xi32, #tpu.memory_space<vmem>>, vector<16xi32>,
          %shift_left3A_1061 = arith.constant 16 : i32
          %shift_left3A_1062 = vector.broadcast %shift_left3A_1061 : i32 to vector<16xi32>
          %shift_left3A_1063 = arith.shli %get3A_1060, %shift_left3A_1062 : vector<16xi32>
          %bitcast_convert_type3A_1064 = tpu.bitcast %shift_left3A_1063 : vector<16xi32> -> vector<16xf32>
          %and3A_1065 = arith.constant -65536 : i32
          %and3A_1066 = vector.broadcast %and3A_1065 : i32 to vector<16xi32>
          %and3A_1067 = arith.andi %get3A_1060, %and3A_1066 : vector<16xi32>
          %bitcast_convert_type3A_1068 = tpu.bitcast %and3A_1067 : vector<16xi32> -> vector<16xf32>
          %mul3A_1069 = arith.mulf %bitcast_convert_type3A_1064, %gather3A_1055 : vector<16xf32>
          %swap3A_1070 = arith.constant 0 : i32
          %swap3A_1071 = arith.index_cast %swap3A_1070 : i32 to index
          %swap3A_1072 = arith.index_cast %scan3A_1046 : i32 to index
          %swap3A_1073 = arith.constant 0 : index
          %swap3A_1074 = tpu.vector_load %arg19[%swap3A_1071, %swap3A_1072, %swap3A_1073] {strides = array<i32>} : memref<2x64x128xf32, #tpu.memory_space<vmem>>, vector<16xf32>,
          tpu.vector_store %arg19[%swap3A_1071, %swap3A_1072, %swap3A_1073], %mul3A_1069 {strides = array<i32>} : memref<2x64x128xf32, #tpu.memory_space<vmem>>, vector<16xf32>,
          %mul3A_1075 = arith.mulf %bitcast_convert_type3A_1068, %gather3A_1055 : vector<16xf32>
          %swap3A_1076 = arith.constant 0 : i32
          %swap3A_1077 = arith.index_cast %swap3A_1076 : i32 to index
          %swap3A_1078 = arith.index_cast %scan3A_1046 : i32 to index
          %swap3A_1079 = arith.constant 64 : index
          %swap3A_1080 = tpu.vector_load %arg19[%swap3A_1077, %swap3A_1078, %swap3A_1079] {strides = array<i32>} : memref<2x64x128xf32, #tpu.memory_space<vmem>>, vector<16xf32>,
          tpu.vector_store %arg19[%swap3A_1077, %swap3A_1078, %swap3A_1079], %mul3A_1075 {strides = array<i32>} : memref<2x64x128xf32, #tpu.memory_space<vmem>>, vector<16xf32>,
          %get3A_1081 = arith.constant 0 : i32
          %get3A_1082 = arith.index_cast %get3A_1081 : i32 to index
          %get3A_1083 = arith.index_cast %scan3A_1046 : i32 to index
          %get3A_1084 = arith.constant 16 : index
          %get3A_1085 = tpu.vector_load %arg18[%get3A_1082, %get3A_1083, %get3A_1084] {strides = array<i32>} : memref<2x64x64xi32, #tpu.memory_space<vmem>>, vector<16xi32>,
          %shift_left3A_1086 = arith.constant 16 : i32
          %shift_left3A_1087 = vector.broadcast %shift_left3A_1086 : i32 to vector<16xi32>
          %shift_left3A_1088 = arith.shli %get3A_1085, %shift_left3A_1087 : vector<16xi32>
          %bitcast_convert_type3A_1089 = tpu.bitcast %shift_left3A_1088 : vector<16xi32> -> vector<16xf32>
          %and3A_1090 = arith.constant -65536 : i32
          %and3A_1091 = vector.broadcast %and3A_1090 : i32 to vector<16xi32>
          %and3A_1092 = arith.andi %get3A_1085, %and3A_1091 : vector<16xi32>
          %bitcast_convert_type3A_1093 = tpu.bitcast %and3A_1092 : vector<16xi32> -> vector<16xf32>
          %mul3A_1094 = arith.mulf %bitcast_convert_type3A_1089, %gather3A_1055 : vector<16xf32>
          %swap3A_1095 = arith.constant 0 : i32
          %swap3A_1096 = arith.index_cast %swap3A_1095 : i32 to index
          %swap3A_1097 = arith.index_cast %scan3A_1046 : i32 to index
          %swap3A_1098 = arith.constant 16 : index
          %swap3A_1099 = tpu.vector_load %arg19[%swap3A_1096, %swap3A_1097, %swap3A_1098] {strides = array<i32>} : memref<2x64x128xf32, #tpu.memory_space<vmem>>, vector<16xf32>,
          tpu.vector_store %arg19[%swap3A_1096, %swap3A_1097, %swap3A_1098], %mul3A_1094 {strides = array<i32>} : memref<2x64x128xf32, #tpu.memory_space<vmem>>, vector<16xf32>,
          %mul3A_1100 = arith.mulf %bitcast_convert_type3A_1093, %gather3A_1055 : vector<16xf32>
          %swap3A_1101 = arith.constant 0 : i32
          %swap3A_1102 = arith.index_cast %swap3A_1101 : i32 to index
          %swap3A_1103 = arith.index_cast %scan3A_1046 : i32 to index
          %swap3A_1104 = arith.constant 80 : index
          %swap3A_1105 = tpu.vector_load %arg19[%swap3A_1102, %swap3A_1103, %swap3A_1104] {strides = array<i32>} : memref<2x64x128xf32, #tpu.memory_space<vmem>>, vector<16xf32>,
          tpu.vector_store %arg19[%swap3A_1102, %swap3A_1103, %swap3A_1104], %mul3A_1100 {strides = array<i32>} : memref<2x64x128xf32, #tpu.memory_space<vmem>>, vector<16xf32>,
          %get3A_1106 = arith.constant 0 : i32
          %get3A_1107 = arith.index_cast %get3A_1106 : i32 to index
          %get3A_1108 = arith.index_cast %scan3A_1046 : i32 to index
          %get3A_1109 = arith.constant 32 : index
          %get3A_1110 = tpu.vector_load %arg18[%get3A_1107, %get3A_1108, %get3A_1109] {strides = array<i32>} : memref<2x64x64xi32, #tpu.memory_space<vmem>>, vector<16xi32>,
          %shift_left3A_1111 = arith.constant 16 : i32
          %shift_left3A_1112 = vector.broadcast %shift_left3A_1111 : i32 to vector<16xi32>
          %shift_left3A_1113 = arith.shli %get3A_1110, %shift_left3A_1112 : vector<16xi32>
          %bitcast_convert_type3A_1114 = tpu.bitcast %shift_left3A_1113 : vector<16xi32> -> vector<16xf32>
          %and3A_1115 = arith.constant -65536 : i32
          %and3A_1116 = vector.broadcast %and3A_1115 : i32 to vector<16xi32>
          %and3A_1117 = arith.andi %get3A_1110, %and3A_1116 : vector<16xi32>
          %bitcast_convert_type3A_1118 = tpu.bitcast %and3A_1117 : vector<16xi32> -> vector<16xf32>
          %mul3A_1119 = arith.mulf %bitcast_convert_type3A_1114, %gather3A_1055 : vector<16xf32>
          %swap3A_1120 = arith.constant 0 : i32
          %swap3A_1121 = arith.index_cast %swap3A_1120 : i32 to index
          %swap3A_1122 = arith.index_cast %scan3A_1046 : i32 to index
          %swap3A_1123 = arith.constant 32 : index
          %swap3A_1124 = tpu.vector_load %arg19[%swap3A_1121, %swap3A_1122, %swap3A_1123] {strides = array<i32>} : memref<2x64x128xf32, #tpu.memory_space<vmem>>, vector<16xf32>,
          tpu.vector_store %arg19[%swap3A_1121, %swap3A_1122, %swap3A_1123], %mul3A_1119 {strides = array<i32>} : memref<2x64x128xf32, #tpu.memory_space<vmem>>, vector<16xf32>,
          %mul3A_1125 = arith.mulf %bitcast_convert_type3A_1118, %gather3A_1055 : vector<16xf32>
          %swap3A_1126 = arith.constant 0 : i32
          %swap3A_1127 = arith.index_cast %swap3A_1126 : i32 to index
          %swap3A_1128 = arith.index_cast %scan3A_1046 : i32 to index
          %swap3A_1129 = arith.constant 96 : index
          %swap3A_1130 = tpu.vector_load %arg19[%swap3A_1127, %swap3A_1128, %swap3A_1129] {strides = array<i32>} : memref<2x64x128xf32, #tpu.memory_space<vmem>>, vector<16xf32>,
          tpu.vector_store %arg19[%swap3A_1127, %swap3A_1128, %swap3A_1129], %mul3A_1125 {strides = array<i32>} : memref<2x64x128xf32, #tpu.memory_space<vmem>>, vector<16xf32>,
          %get3A_1131 = arith.constant 0 : i32
          %get3A_1132 = arith.index_cast %get3A_1131 : i32 to index
          %get3A_1133 = arith.index_cast %scan3A_1046 : i32 to index
          %get3A_1134 = arith.constant 48 : index
          %get3A_1135 = tpu.vector_load %arg18[%get3A_1132, %get3A_1133, %get3A_1134] {strides = array<i32>} : memref<2x64x64xi32, #tpu.memory_space<vmem>>, vector<16xi32>,
          %shift_left3A_1136 = arith.constant 16 : i32
          %shift_left3A_1137 = vector.broadcast %shift_left3A_1136 : i32 to vector<16xi32>
          %shift_left3A_1138 = arith.shli %get3A_1135, %shift_left3A_1137 : vector<16xi32>
          %bitcast_convert_type3A_1139 = tpu.bitcast %shift_left3A_1138 : vector<16xi32> -> vector<16xf32>
          %and3A_1140 = arith.constant -65536 : i32
          %and3A_1141 = vector.broadcast %and3A_1140 : i32 to vector<16xi32>
          %and3A_1142 = arith.andi %get3A_1135, %and3A_1141 : vector<16xi32>
          %bitcast_convert_type3A_1143 = tpu.bitcast %and3A_1142 : vector<16xi32> -> vector<16xf32>
          %mul3A_1144 = arith.mulf %bitcast_convert_type3A_1139, %gather3A_1055 : vector<16xf32>
          %swap3A_1145 = arith.constant 0 : i32
          %swap3A_1146 = arith.index_cast %swap3A_1145 : i32 to index
          %swap3A_1147 = arith.index_cast %scan3A_1046 : i32 to index
          %swap3A_1148 = arith.constant 48 : index
          %swap3A_1149 = tpu.vector_load %arg19[%swap3A_1146, %swap3A_1147, %swap3A_1148] {strides = array<i32>} : memref<2x64x128xf32, #tpu.memory_space<vmem>>, vector<16xf32>,
          tpu.vector_store %arg19[%swap3A_1146, %swap3A_1147, %swap3A_1148], %mul3A_1144 {strides = array<i32>} : memref<2x64x128xf32, #tpu.memory_space<vmem>>, vector<16xf32>,
          %mul3A_1150 = arith.mulf %bitcast_convert_type3A_1143, %gather3A_1055 : vector<16xf32>
          %swap3A_1151 = arith.constant 0 : i32
          %swap3A_1152 = arith.index_cast %swap3A_1151 : i32 to index
          %swap3A_1153 = arith.index_cast %scan3A_1046 : i32 to index
          %swap3A_1154 = arith.constant 112 : index
          %swap3A_1155 = tpu.vector_load %arg19[%swap3A_1152, %swap3A_1153, %swap3A_1154] {strides = array<i32>} : memref<2x64x128xf32, #tpu.memory_space<vmem>>, vector<16xf32>,
          tpu.vector_store %arg19[%swap3A_1152, %swap3A_1153, %swap3A_1154], %mul3A_1150 {strides = array<i32>} : memref<2x64x128xf32, #tpu.memory_space<vmem>>, vector<16xf32>,
          %scan3A_1156 = arith.constant 4 : i32
          %scan3A_1157 = arith.addi %scan3A_716, %scan3A_1156 : i32
          %broadcast_in_dim3A_1158 = arith.constant 0 : i32
          %broadcast_in_dim3A_1159 = vector.broadcast %broadcast_in_dim3A_1158 : i32 to vector<16xi32>
          %add3A_1160 = vector.broadcast %scan3A_1157 : i32 to vector<16xi32>
          %add3A_1161 = arith.addi %broadcast_in_dim3A_1159, %add3A_1160 : vector<16xi32>
          %gather3A_1162 = arith.constant 0 : i32
          %gather3A_1163 = arith.constant 0 : i32
          %gather3A_1164 = tpu.memref_slice %arg17[%gather3A_1162, %gather3A_1163] : memref<2x64xf32, #tpu.memory_space<vmem>> -> memref<1x64xf32, #tpu.memory_space<vmem>>
          %gather3A_1165 = tpu.memref_squeeze %gather3A_1164 : memref<1x64xf32, #tpu.memory_space<vmem>> -> memref<64xf32, #tpu.memory_space<vmem>>
          %gather3A_1166 = tpu.vector_load_idx %gather3A_1165[%add3A_1161] : memref<64xf32, #tpu.memory_space<vmem>>[vector<16xi32>], vector<16xf32>,
          %get3A_1167 = arith.constant 0 : i32
          %get3A_1168 = arith.index_cast %get3A_1167 : i32 to index
          %get3A_1169 = arith.index_cast %scan3A_1157 : i32 to index
          %get3A_1170 = arith.constant 0 : index
          %get3A_1171 = tpu.vector_load %arg18[%get3A_1168, %get3A_1169, %get3A_1170] {strides = array<i32>} : memref<2x64x64xi32, #tpu.memory_space<vmem>>, vector<16xi32>,
          %shift_left3A_1172 = arith.constant 16 : i32
          %shift_left3A_1173 = vector.broadcast %shift_left3A_1172 : i32 to vector<16xi32>
          %shift_left3A_1174 = arith.shli %get3A_1171, %shift_left3A_1173 : vector<16xi32>
          %bitcast_convert_type3A_1175 = tpu.bitcast %shift_left3A_1174 : vector<16xi32> -> vector<16xf32>
          %and3A_1176 = arith.constant -65536 : i32
          %and3A_1177 = vector.broadcast %and3A_1176 : i32 to vector<16xi32>
          %and3A_1178 = arith.andi %get3A_1171, %and3A_1177 : vector<16xi32>
          %bitcast_convert_type3A_1179 = tpu.bitcast %and3A_1178 : vector<16xi32> -> vector<16xf32>
          %mul3A_1180 = arith.mulf %bitcast_convert_type3A_1175, %gather3A_1166 : vector<16xf32>
          %swap3A_1181 = arith.constant 0 : i32
          %swap3A_1182 = arith.index_cast %swap3A_1181 : i32 to index
          %swap3A_1183 = arith.index_cast %scan3A_1157 : i32 to index
          %swap3A_1184 = arith.constant 0 : index
          %swap3A_1185 = tpu.vector_load %arg19[%swap3A_1182, %swap3A_1183, %swap3A_1184] {strides = array<i32>} : memref<2x64x128xf32, #tpu.memory_space<vmem>>, vector<16xf32>,
          tpu.vector_store %arg19[%swap3A_1182, %swap3A_1183, %swap3A_1184], %mul3A_1180 {strides = array<i32>} : memref<2x64x128xf32, #tpu.memory_space<vmem>>, vector<16xf32>,
          %mul3A_1186 = arith.mulf %bitcast_convert_type3A_1179, %gather3A_1166 : vector<16xf32>
          %swap3A_1187 = arith.constant 0 : i32
          %swap3A_1188 = arith.index_cast %swap3A_1187 : i32 to index
          %swap3A_1189 = arith.index_cast %scan3A_1157 : i32 to index
          %swap3A_1190 = arith.constant 64 : index
          %swap3A_1191 = tpu.vector_load %arg19[%swap3A_1188, %swap3A_1189, %swap3A_1190] {strides = array<i32>} : memref<2x64x128xf32, #tpu.memory_space<vmem>>, vector<16xf32>,
          tpu.vector_store %arg19[%swap3A_1188, %swap3A_1189, %swap3A_1190], %mul3A_1186 {strides = array<i32>} : memref<2x64x128xf32, #tpu.memory_space<vmem>>, vector<16xf32>,
          %get3A_1192 = arith.constant 0 : i32
          %get3A_1193 = arith.index_cast %get3A_1192 : i32 to index
          %get3A_1194 = arith.index_cast %scan3A_1157 : i32 to index
          %get3A_1195 = arith.constant 16 : index
          %get3A_1196 = tpu.vector_load %arg18[%get3A_1193, %get3A_1194, %get3A_1195] {strides = array<i32>} : memref<2x64x64xi32, #tpu.memory_space<vmem>>, vector<16xi32>,
          %shift_left3A_1197 = arith.constant 16 : i32
          %shift_left3A_1198 = vector.broadcast %shift_left3A_1197 : i32 to vector<16xi32>
          %shift_left3A_1199 = arith.shli %get3A_1196, %shift_left3A_1198 : vector<16xi32>
          %bitcast_convert_type3A_1200 = tpu.bitcast %shift_left3A_1199 : vector<16xi32> -> vector<16xf32>
          %and3A_1201 = arith.constant -65536 : i32
          %and3A_1202 = vector.broadcast %and3A_1201 : i32 to vector<16xi32>
          %and3A_1203 = arith.andi %get3A_1196, %and3A_1202 : vector<16xi32>
          %bitcast_convert_type3A_1204 = tpu.bitcast %and3A_1203 : vector<16xi32> -> vector<16xf32>
          %mul3A_1205 = arith.mulf %bitcast_convert_type3A_1200, %gather3A_1166 : vector<16xf32>
          %swap3A_1206 = arith.constant 0 : i32
          %swap3A_1207 = arith.index_cast %swap3A_1206 : i32 to index
          %swap3A_1208 = arith.index_cast %scan3A_1157 : i32 to index
          %swap3A_1209 = arith.constant 16 : index
          %swap3A_1210 = tpu.vector_load %arg19[%swap3A_1207, %swap3A_1208, %swap3A_1209] {strides = array<i32>} : memref<2x64x128xf32, #tpu.memory_space<vmem>>, vector<16xf32>,
          tpu.vector_store %arg19[%swap3A_1207, %swap3A_1208, %swap3A_1209], %mul3A_1205 {strides = array<i32>} : memref<2x64x128xf32, #tpu.memory_space<vmem>>, vector<16xf32>,
          %mul3A_1211 = arith.mulf %bitcast_convert_type3A_1204, %gather3A_1166 : vector<16xf32>
          %swap3A_1212 = arith.constant 0 : i32
          %swap3A_1213 = arith.index_cast %swap3A_1212 : i32 to index
          %swap3A_1214 = arith.index_cast %scan3A_1157 : i32 to index
          %swap3A_1215 = arith.constant 80 : index
          %swap3A_1216 = tpu.vector_load %arg19[%swap3A_1213, %swap3A_1214, %swap3A_1215] {strides = array<i32>} : memref<2x64x128xf32, #tpu.memory_space<vmem>>, vector<16xf32>,
          tpu.vector_store %arg19[%swap3A_1213, %swap3A_1214, %swap3A_1215], %mul3A_1211 {strides = array<i32>} : memref<2x64x128xf32, #tpu.memory_space<vmem>>, vector<16xf32>,
          %get3A_1217 = arith.constant 0 : i32
          %get3A_1218 = arith.index_cast %get3A_1217 : i32 to index
          %get3A_1219 = arith.index_cast %scan3A_1157 : i32 to index
          %get3A_1220 = arith.constant 32 : index
          %get3A_1221 = tpu.vector_load %arg18[%get3A_1218, %get3A_1219, %get3A_1220] {strides = array<i32>} : memref<2x64x64xi32, #tpu.memory_space<vmem>>, vector<16xi32>,
          %shift_left3A_1222 = arith.constant 16 : i32
          %shift_left3A_1223 = vector.broadcast %shift_left3A_1222 : i32 to vector<16xi32>
          %shift_left3A_1224 = arith.shli %get3A_1221, %shift_left3A_1223 : vector<16xi32>
          %bitcast_convert_type3A_1225 = tpu.bitcast %shift_left3A_1224 : vector<16xi32> -> vector<16xf32>
          %and3A_1226 = arith.constant -65536 : i32
          %and3A_1227 = vector.broadcast %and3A_1226 : i32 to vector<16xi32>
          %and3A_1228 = arith.andi %get3A_1221, %and3A_1227 : vector<16xi32>
          %bitcast_convert_type3A_1229 = tpu.bitcast %and3A_1228 : vector<16xi32> -> vector<16xf32>
          %mul3A_1230 = arith.mulf %bitcast_convert_type3A_1225, %gather3A_1166 : vector<16xf32>
          %swap3A_1231 = arith.constant 0 : i32
          %swap3A_1232 = arith.index_cast %swap3A_1231 : i32 to index
          %swap3A_1233 = arith.index_cast %scan3A_1157 : i32 to index
          %swap3A_1234 = arith.constant 32 : index
          %swap3A_1235 = tpu.vector_load %arg19[%swap3A_1232, %swap3A_1233, %swap3A_1234] {strides = array<i32>} : memref<2x64x128xf32, #tpu.memory_space<vmem>>, vector<16xf32>,
          tpu.vector_store %arg19[%swap3A_1232, %swap3A_1233, %swap3A_1234], %mul3A_1230 {strides = array<i32>} : memref<2x64x128xf32, #tpu.memory_space<vmem>>, vector<16xf32>,
          %mul3A_1236 = arith.mulf %bitcast_convert_type3A_1229, %gather3A_1166 : vector<16xf32>
          %swap3A_1237 = arith.constant 0 : i32
          %swap3A_1238 = arith.index_cast %swap3A_1237 : i32 to index
          %swap3A_1239 = arith.index_cast %scan3A_1157 : i32 to index
          %swap3A_1240 = arith.constant 96 : index
          %swap3A_1241 = tpu.vector_load %arg19[%swap3A_1238, %swap3A_1239, %swap3A_1240] {strides = array<i32>} : memref<2x64x128xf32, #tpu.memory_space<vmem>>, vector<16xf32>,
          tpu.vector_store %arg19[%swap3A_1238, %swap3A_1239, %swap3A_1240], %mul3A_1236 {strides = array<i32>} : memref<2x64x128xf32, #tpu.memory_space<vmem>>, vector<16xf32>,
          %get3A_1242 = arith.constant 0 : i32
          %get3A_1243 = arith.index_cast %get3A_1242 : i32 to index
          %get3A_1244 = arith.index_cast %scan3A_1157 : i32 to index
          %get3A_1245 = arith.constant 48 : index
          %get3A_1246 = tpu.vector_load %arg18[%get3A_1243, %get3A_1244, %get3A_1245] {strides = array<i32>} : memref<2x64x64xi32, #tpu.memory_space<vmem>>, vector<16xi32>,
          %shift_left3A_1247 = arith.constant 16 : i32
          %shift_left3A_1248 = vector.broadcast %shift_left3A_1247 : i32 to vector<16xi32>
          %shift_left3A_1249 = arith.shli %get3A_1246, %shift_left3A_1248 : vector<16xi32>
          %bitcast_convert_type3A_1250 = tpu.bitcast %shift_left3A_1249 : vector<16xi32> -> vector<16xf32>
          %and3A_1251 = arith.constant -65536 : i32
          %and3A_1252 = vector.broadcast %and3A_1251 : i32 to vector<16xi32>
          %and3A_1253 = arith.andi %get3A_1246, %and3A_1252 : vector<16xi32>
          %bitcast_convert_type3A_1254 = tpu.bitcast %and3A_1253 : vector<16xi32> -> vector<16xf32>
          %mul3A_1255 = arith.mulf %bitcast_convert_type3A_1250, %gather3A_1166 : vector<16xf32>
          %swap3A_1256 = arith.constant 0 : i32
          %swap3A_1257 = arith.index_cast %swap3A_1256 : i32 to index
          %swap3A_1258 = arith.index_cast %scan3A_1157 : i32 to index
          %swap3A_1259 = arith.constant 48 : index
          %swap3A_1260 = tpu.vector_load %arg19[%swap3A_1257, %swap3A_1258, %swap3A_1259] {strides = array<i32>} : memref<2x64x128xf32, #tpu.memory_space<vmem>>, vector<16xf32>,
          tpu.vector_store %arg19[%swap3A_1257, %swap3A_1258, %swap3A_1259], %mul3A_1255 {strides = array<i32>} : memref<2x64x128xf32, #tpu.memory_space<vmem>>, vector<16xf32>,
          %mul3A_1261 = arith.mulf %bitcast_convert_type3A_1254, %gather3A_1166 : vector<16xf32>
          %swap3A_1262 = arith.constant 0 : i32
          %swap3A_1263 = arith.index_cast %swap3A_1262 : i32 to index
          %swap3A_1264 = arith.index_cast %scan3A_1157 : i32 to index
          %swap3A_1265 = arith.constant 112 : index
          %swap3A_1266 = tpu.vector_load %arg19[%swap3A_1263, %swap3A_1264, %swap3A_1265] {strides = array<i32>} : memref<2x64x128xf32, #tpu.memory_space<vmem>>, vector<16xf32>,
          tpu.vector_store %arg19[%swap3A_1263, %swap3A_1264, %swap3A_1265], %mul3A_1261 {strides = array<i32>} : memref<2x64x128xf32, #tpu.memory_space<vmem>>, vector<16xf32>,
          %scan3A_1267 = arith.constant 5 : i32
          %scan3A_1268 = arith.addi %scan3A_716, %scan3A_1267 : i32
          %broadcast_in_dim3A_1269 = arith.constant 0 : i32
          %broadcast_in_dim3A_1270 = vector.broadcast %broadcast_in_dim3A_1269 : i32 to vector<16xi32>
          %add3A_1271 = vector.broadcast %scan3A_1268 : i32 to vector<16xi32>
          %add3A_1272 = arith.addi %broadcast_in_dim3A_1270, %add3A_1271 : vector<16xi32>
          %gather3A_1273 = arith.constant 0 : i32
          %gather3A_1274 = arith.constant 0 : i32
          %gather3A_1275 = tpu.memref_slice %arg17[%gather3A_1273, %gather3A_1274] : memref<2x64xf32, #tpu.memory_space<vmem>> -> memref<1x64xf32, #tpu.memory_space<vmem>>
          %gather3A_1276 = tpu.memref_squeeze %gather3A_1275 : memref<1x64xf32, #tpu.memory_space<vmem>> -> memref<64xf32, #tpu.memory_space<vmem>>
          %gather3A_1277 = tpu.vector_load_idx %gather3A_1276[%add3A_1272] : memref<64xf32, #tpu.memory_space<vmem>>[vector<16xi32>], vector<16xf32>,
          %get3A_1278 = arith.constant 0 : i32
          %get3A_1279 = arith.index_cast %get3A_1278 : i32 to index
          %get3A_1280 = arith.index_cast %scan3A_1268 : i32 to index
          %get3A_1281 = arith.constant 0 : index
          %get3A_1282 = tpu.vector_load %arg18[%get3A_1279, %get3A_1280, %get3A_1281] {strides = array<i32>} : memref<2x64x64xi32, #tpu.memory_space<vmem>>, vector<16xi32>,
          %shift_left3A_1283 = arith.constant 16 : i32
          %shift_left3A_1284 = vector.broadcast %shift_left3A_1283 : i32 to vector<16xi32>
          %shift_left3A_1285 = arith.shli %get3A_1282, %shift_left3A_1284 : vector<16xi32>
          %bitcast_convert_type3A_1286 = tpu.bitcast %shift_left3A_1285 : vector<16xi32> -> vector<16xf32>
          %and3A_1287 = arith.constant -65536 : i32
          %and3A_1288 = vector.broadcast %and3A_1287 : i32 to vector<16xi32>
          %and3A_1289 = arith.andi %get3A_1282, %and3A_1288 : vector<16xi32>
          %bitcast_convert_type3A_1290 = tpu.bitcast %and3A_1289 : vector<16xi32> -> vector<16xf32>
          %mul3A_1291 = arith.mulf %bitcast_convert_type3A_1286, %gather3A_1277 : vector<16xf32>
          %swap3A_1292 = arith.constant 0 : i32
          %swap3A_1293 = arith.index_cast %swap3A_1292 : i32 to index
          %swap3A_1294 = arith.index_cast %scan3A_1268 : i32 to index
          %swap3A_1295 = arith.constant 0 : index
          %swap3A_1296 = tpu.vector_load %arg19[%swap3A_1293, %swap3A_1294, %swap3A_1295] {strides = array<i32>} : memref<2x64x128xf32, #tpu.memory_space<vmem>>, vector<16xf32>,
          tpu.vector_store %arg19[%swap3A_1293, %swap3A_1294, %swap3A_1295], %mul3A_1291 {strides = array<i32>} : memref<2x64x128xf32, #tpu.memory_space<vmem>>, vector<16xf32>,
          %mul3A_1297 = arith.mulf %bitcast_convert_type3A_1290, %gather3A_1277 : vector<16xf32>
          %swap3A_1298 = arith.constant 0 : i32
          %swap3A_1299 = arith.index_cast %swap3A_1298 : i32 to index
          %swap3A_1300 = arith.index_cast %scan3A_1268 : i32 to index
          %swap3A_1301 = arith.constant 64 : index
          %swap3A_1302 = tpu.vector_load %arg19[%swap3A_1299, %swap3A_1300, %swap3A_1301] {strides = array<i32>} : memref<2x64x128xf32, #tpu.memory_space<vmem>>, vector<16xf32>,
          tpu.vector_store %arg19[%swap3A_1299, %swap3A_1300, %swap3A_1301], %mul3A_1297 {strides = array<i32>} : memref<2x64x128xf32, #tpu.memory_space<vmem>>, vector<16xf32>,
          %get3A_1303 = arith.constant 0 : i32
          %get3A_1304 = arith.index_cast %get3A_1303 : i32 to index
          %get3A_1305 = arith.index_cast %scan3A_1268 : i32 to index
          %get3A_1306 = arith.constant 16 : index
          %get3A_1307 = tpu.vector_load %arg18[%get3A_1304, %get3A_1305, %get3A_1306] {strides = array<i32>} : memref<2x64x64xi32, #tpu.memory_space<vmem>>, vector<16xi32>,
          %shift_left3A_1308 = arith.constant 16 : i32
          %shift_left3A_1309 = vector.broadcast %shift_left3A_1308 : i32 to vector<16xi32>
          %shift_left3A_1310 = arith.shli %get3A_1307, %shift_left3A_1309 : vector<16xi32>
          %bitcast_convert_type3A_1311 = tpu.bitcast %shift_left3A_1310 : vector<16xi32> -> vector<16xf32>
          %and3A_1312 = arith.constant -65536 : i32
          %and3A_1313 = vector.broadcast %and3A_1312 : i32 to vector<16xi32>
          %and3A_1314 = arith.andi %get3A_1307, %and3A_1313 : vector<16xi32>
          %bitcast_convert_type3A_1315 = tpu.bitcast %and3A_1314 : vector<16xi32> -> vector<16xf32>
          %mul3A_1316 = arith.mulf %bitcast_convert_type3A_1311, %gather3A_1277 : vector<16xf32>
          %swap3A_1317 = arith.constant 0 : i32
          %swap3A_1318 = arith.index_cast %swap3A_1317 : i32 to index
          %swap3A_1319 = arith.index_cast %scan3A_1268 : i32 to index
          %swap3A_1320 = arith.constant 16 : index
          %swap3A_1321 = tpu.vector_load %arg19[%swap3A_1318, %swap3A_1319, %swap3A_1320] {strides = array<i32>} : memref<2x64x128xf32, #tpu.memory_space<vmem>>, vector<16xf32>,
          tpu.vector_store %arg19[%swap3A_1318, %swap3A_1319, %swap3A_1320], %mul3A_1316 {strides = array<i32>} : memref<2x64x128xf32, #tpu.memory_space<vmem>>, vector<16xf32>,
          %mul3A_1322 = arith.mulf %bitcast_convert_type3A_1315, %gather3A_1277 : vector<16xf32>
          %swap3A_1323 = arith.constant 0 : i32
          %swap3A_1324 = arith.index_cast %swap3A_1323 : i32 to index
          %swap3A_1325 = arith.index_cast %scan3A_1268 : i32 to index
          %swap3A_1326 = arith.constant 80 : index
          %swap3A_1327 = tpu.vector_load %arg19[%swap3A_1324, %swap3A_1325, %swap3A_1326] {strides = array<i32>} : memref<2x64x128xf32, #tpu.memory_space<vmem>>, vector<16xf32>,
          tpu.vector_store %arg19[%swap3A_1324, %swap3A_1325, %swap3A_1326], %mul3A_1322 {strides = array<i32>} : memref<2x64x128xf32, #tpu.memory_space<vmem>>, vector<16xf32>,
          %get3A_1328 = arith.constant 0 : i32
          %get3A_1329 = arith.index_cast %get3A_1328 : i32 to index
          %get3A_1330 = arith.index_cast %scan3A_1268 : i32 to index
          %get3A_1331 = arith.constant 32 : index
          %get3A_1332 = tpu.vector_load %arg18[%get3A_1329, %get3A_1330, %get3A_1331] {strides = array<i32>} : memref<2x64x64xi32, #tpu.memory_space<vmem>>, vector<16xi32>,
          %shift_left3A_1333 = arith.constant 16 : i32
          %shift_left3A_1334 = vector.broadcast %shift_left3A_1333 : i32 to vector<16xi32>
          %shift_left3A_1335 = arith.shli %get3A_1332, %shift_left3A_1334 : vector<16xi32>
          %bitcast_convert_type3A_1336 = tpu.bitcast %shift_left3A_1335 : vector<16xi32> -> vector<16xf32>
          %and3A_1337 = arith.constant -65536 : i32
          %and3A_1338 = vector.broadcast %and3A_1337 : i32 to vector<16xi32>
          %and3A_1339 = arith.andi %get3A_1332, %and3A_1338 : vector<16xi32>
          %bitcast_convert_type3A_1340 = tpu.bitcast %and3A_1339 : vector<16xi32> -> vector<16xf32>
          %mul3A_1341 = arith.mulf %bitcast_convert_type3A_1336, %gather3A_1277 : vector<16xf32>
          %swap3A_1342 = arith.constant 0 : i32
          %swap3A_1343 = arith.index_cast %swap3A_1342 : i32 to index
          %swap3A_1344 = arith.index_cast %scan3A_1268 : i32 to index
          %swap3A_1345 = arith.constant 32 : index
          %swap3A_1346 = tpu.vector_load %arg19[%swap3A_1343, %swap3A_1344, %swap3A_1345] {strides = array<i32>} : memref<2x64x128xf32, #tpu.memory_space<vmem>>, vector<16xf32>,
          tpu.vector_store %arg19[%swap3A_1343, %swap3A_1344, %swap3A_1345], %mul3A_1341 {strides = array<i32>} : memref<2x64x128xf32, #tpu.memory_space<vmem>>, vector<16xf32>,
          %mul3A_1347 = arith.mulf %bitcast_convert_type3A_1340, %gather3A_1277 : vector<16xf32>
          %swap3A_1348 = arith.constant 0 : i32
          %swap3A_1349 = arith.index_cast %swap3A_1348 : i32 to index
          %swap3A_1350 = arith.index_cast %scan3A_1268 : i32 to index
          %swap3A_1351 = arith.constant 96 : index
          %swap3A_1352 = tpu.vector_load %arg19[%swap3A_1349, %swap3A_1350, %swap3A_1351] {strides = array<i32>} : memref<2x64x128xf32, #tpu.memory_space<vmem>>, vector<16xf32>,
          tpu.vector_store %arg19[%swap3A_1349, %swap3A_1350, %swap3A_1351], %mul3A_1347 {strides = array<i32>} : memref<2x64x128xf32, #tpu.memory_space<vmem>>, vector<16xf32>,
          %get3A_1353 = arith.constant 0 : i32
          %get3A_1354 = arith.index_cast %get3A_1353 : i32 to index
          %get3A_1355 = arith.index_cast %scan3A_1268 : i32 to index
          %get3A_1356 = arith.constant 48 : index
          %get3A_1357 = tpu.vector_load %arg18[%get3A_1354, %get3A_1355, %get3A_1356] {strides = array<i32>} : memref<2x64x64xi32, #tpu.memory_space<vmem>>, vector<16xi32>,
          %shift_left3A_1358 = arith.constant 16 : i32
          %shift_left3A_1359 = vector.broadcast %shift_left3A_1358 : i32 to vector<16xi32>
          %shift_left3A_1360 = arith.shli %get3A_1357, %shift_left3A_1359 : vector<16xi32>
          %bitcast_convert_type3A_1361 = tpu.bitcast %shift_left3A_1360 : vector<16xi32> -> vector<16xf32>
          %and3A_1362 = arith.constant -65536 : i32
          %and3A_1363 = vector.broadcast %and3A_1362 : i32 to vector<16xi32>
          %and3A_1364 = arith.andi %get3A_1357, %and3A_1363 : vector<16xi32>
          %bitcast_convert_type3A_1365 = tpu.bitcast %and3A_1364 : vector<16xi32> -> vector<16xf32>
          %mul3A_1366 = arith.mulf %bitcast_convert_type3A_1361, %gather3A_1277 : vector<16xf32>
          %swap3A_1367 = arith.constant 0 : i32
          %swap3A_1368 = arith.index_cast %swap3A_1367 : i32 to index
          %swap3A_1369 = arith.index_cast %scan3A_1268 : i32 to index
          %swap3A_1370 = arith.constant 48 : index
          %swap3A_1371 = tpu.vector_load %arg19[%swap3A_1368, %swap3A_1369, %swap3A_1370] {strides = array<i32>} : memref<2x64x128xf32, #tpu.memory_space<vmem>>, vector<16xf32>,
          tpu.vector_store %arg19[%swap3A_1368, %swap3A_1369, %swap3A_1370], %mul3A_1366 {strides = array<i32>} : memref<2x64x128xf32, #tpu.memory_space<vmem>>, vector<16xf32>,
          %mul3A_1372 = arith.mulf %bitcast_convert_type3A_1365, %gather3A_1277 : vector<16xf32>
          %swap3A_1373 = arith.constant 0 : i32
          %swap3A_1374 = arith.index_cast %swap3A_1373 : i32 to index
          %swap3A_1375 = arith.index_cast %scan3A_1268 : i32 to index
          %swap3A_1376 = arith.constant 112 : index
          %swap3A_1377 = tpu.vector_load %arg19[%swap3A_1374, %swap3A_1375, %swap3A_1376] {strides = array<i32>} : memref<2x64x128xf32, #tpu.memory_space<vmem>>, vector<16xf32>,
          tpu.vector_store %arg19[%swap3A_1374, %swap3A_1375, %swap3A_1376], %mul3A_1372 {strides = array<i32>} : memref<2x64x128xf32, #tpu.memory_space<vmem>>, vector<16xf32>,
          %scan3A_1378 = arith.constant 6 : i32
          %scan3A_1379 = arith.addi %scan3A_716, %scan3A_1378 : i32
          %broadcast_in_dim3A_1380 = arith.constant 0 : i32
          %broadcast_in_dim3A_1381 = vector.broadcast %broadcast_in_dim3A_1380 : i32 to vector<16xi32>
          %add3A_1382 = vector.broadcast %scan3A_1379 : i32 to vector<16xi32>
          %add3A_1383 = arith.addi %broadcast_in_dim3A_1381, %add3A_1382 : vector<16xi32>
          %gather3A_1384 = arith.constant 0 : i32
          %gather3A_1385 = arith.constant 0 : i32
          %gather3A_1386 = tpu.memref_slice %arg17[%gather3A_1384, %gather3A_1385] : memref<2x64xf32, #tpu.memory_space<vmem>> -> memref<1x64xf32, #tpu.memory_space<vmem>>
          %gather3A_1387 = tpu.memref_squeeze %gather3A_1386 : memref<1x64xf32, #tpu.memory_space<vmem>> -> memref<64xf32, #tpu.memory_space<vmem>>
          %gather3A_1388 = tpu.vector_load_idx %gather3A_1387[%add3A_1383] : memref<64xf32, #tpu.memory_space<vmem>>[vector<16xi32>], vector<16xf32>,
          %get3A_1389 = arith.constant 0 : i32
          %get3A_1390 = arith.index_cast %get3A_1389 : i32 to index
          %get3A_1391 = arith.index_cast %scan3A_1379 : i32 to index
          %get3A_1392 = arith.constant 0 : index
          %get3A_1393 = tpu.vector_load %arg18[%get3A_1390, %get3A_1391, %get3A_1392] {strides = array<i32>} : memref<2x64x64xi32, #tpu.memory_space<vmem>>, vector<16xi32>,
          %shift_left3A_1394 = arith.constant 16 : i32
          %shift_left3A_1395 = vector.broadcast %shift_left3A_1394 : i32 to vector<16xi32>
          %shift_left3A_1396 = arith.shli %get3A_1393, %shift_left3A_1395 : vector<16xi32>
          %bitcast_convert_type3A_1397 = tpu.bitcast %shift_left3A_1396 : vector<16xi32> -> vector<16xf32>
          %and3A_1398 = arith.constant -65536 : i32
          %and3A_1399 = vector.broadcast %and3A_1398 : i32 to vector<16xi32>
          %and3A_1400 = arith.andi %get3A_1393, %and3A_1399 : vector<16xi32>
          %bitcast_convert_type3A_1401 = tpu.bitcast %and3A_1400 : vector<16xi32> -> vector<16xf32>
          %mul3A_1402 = arith.mulf %bitcast_convert_type3A_1397, %gather3A_1388 : vector<16xf32>
          %swap3A_1403 = arith.constant 0 : i32
          %swap3A_1404 = arith.index_cast %swap3A_1403 : i32 to index
          %swap3A_1405 = arith.index_cast %scan3A_1379 : i32 to index
          %swap3A_1406 = arith.constant 0 : index
          %swap3A_1407 = tpu.vector_load %arg19[%swap3A_1404, %swap3A_1405, %swap3A_1406] {strides = array<i32>} : memref<2x64x128xf32, #tpu.memory_space<vmem>>, vector<16xf32>,
          tpu.vector_store %arg19[%swap3A_1404, %swap3A_1405, %swap3A_1406], %mul3A_1402 {strides = array<i32>} : memref<2x64x128xf32, #tpu.memory_space<vmem>>, vector<16xf32>,
          %mul3A_1408 = arith.mulf %bitcast_convert_type3A_1401, %gather3A_1388 : vector<16xf32>
          %swap3A_1409 = arith.constant 0 : i32
          %swap3A_1410 = arith.index_cast %swap3A_1409 : i32 to index
          %swap3A_1411 = arith.index_cast %scan3A_1379 : i32 to index
          %swap3A_1412 = arith.constant 64 : index
          %swap3A_1413 = tpu.vector_load %arg19[%swap3A_1410, %swap3A_1411, %swap3A_1412] {strides = array<i32>} : memref<2x64x128xf32, #tpu.memory_space<vmem>>, vector<16xf32>,
          tpu.vector_store %arg19[%swap3A_1410, %swap3A_1411, %swap3A_1412], %mul3A_1408 {strides = array<i32>} : memref<2x64x128xf32, #tpu.memory_space<vmem>>, vector<16xf32>,
          %get3A_1414 = arith.constant 0 : i32
          %get3A_1415 = arith.index_cast %get3A_1414 : i32 to index
          %get3A_1416 = arith.index_cast %scan3A_1379 : i32 to index
          %get3A_1417 = arith.constant 16 : index
          %get3A_1418 = tpu.vector_load %arg18[%get3A_1415, %get3A_1416, %get3A_1417] {strides = array<i32>} : memref<2x64x64xi32, #tpu.memory_space<vmem>>, vector<16xi32>,
          %shift_left3A_1419 = arith.constant 16 : i32
          %shift_left3A_1420 = vector.broadcast %shift_left3A_1419 : i32 to vector<16xi32>
          %shift_left3A_1421 = arith.shli %get3A_1418, %shift_left3A_1420 : vector<16xi32>
          %bitcast_convert_type3A_1422 = tpu.bitcast %shift_left3A_1421 : vector<16xi32> -> vector<16xf32>
          %and3A_1423 = arith.constant -65536 : i32
          %and3A_1424 = vector.broadcast %and3A_1423 : i32 to vector<16xi32>
          %and3A_1425 = arith.andi %get3A_1418, %and3A_1424 : vector<16xi32>
          %bitcast_convert_type3A_1426 = tpu.bitcast %and3A_1425 : vector<16xi32> -> vector<16xf32>
          %mul3A_1427 = arith.mulf %bitcast_convert_type3A_1422, %gather3A_1388 : vector<16xf32>
          %swap3A_1428 = arith.constant 0 : i32
          %swap3A_1429 = arith.index_cast %swap3A_1428 : i32 to index
          %swap3A_1430 = arith.index_cast %scan3A_1379 : i32 to index
          %swap3A_1431 = arith.constant 16 : index
          %swap3A_1432 = tpu.vector_load %arg19[%swap3A_1429, %swap3A_1430, %swap3A_1431] {strides = array<i32>} : memref<2x64x128xf32, #tpu.memory_space<vmem>>, vector<16xf32>,
          tpu.vector_store %arg19[%swap3A_1429, %swap3A_1430, %swap3A_1431], %mul3A_1427 {strides = array<i32>} : memref<2x64x128xf32, #tpu.memory_space<vmem>>, vector<16xf32>,
          %mul3A_1433 = arith.mulf %bitcast_convert_type3A_1426, %gather3A_1388 : vector<16xf32>
          %swap3A_1434 = arith.constant 0 : i32
          %swap3A_1435 = arith.index_cast %swap3A_1434 : i32 to index
          %swap3A_1436 = arith.index_cast %scan3A_1379 : i32 to index
          %swap3A_1437 = arith.constant 80 : index
          %swap3A_1438 = tpu.vector_load %arg19[%swap3A_1435, %swap3A_1436, %swap3A_1437] {strides = array<i32>} : memref<2x64x128xf32, #tpu.memory_space<vmem>>, vector<16xf32>,
          tpu.vector_store %arg19[%swap3A_1435, %swap3A_1436, %swap3A_1437], %mul3A_1433 {strides = array<i32>} : memref<2x64x128xf32, #tpu.memory_space<vmem>>, vector<16xf32>,
          %get3A_1439 = arith.constant 0 : i32
          %get3A_1440 = arith.index_cast %get3A_1439 : i32 to index
          %get3A_1441 = arith.index_cast %scan3A_1379 : i32 to index
          %get3A_1442 = arith.constant 32 : index
          %get3A_1443 = tpu.vector_load %arg18[%get3A_1440, %get3A_1441, %get3A_1442] {strides = array<i32>} : memref<2x64x64xi32, #tpu.memory_space<vmem>>, vector<16xi32>,
          %shift_left3A_1444 = arith.constant 16 : i32
          %shift_left3A_1445 = vector.broadcast %shift_left3A_1444 : i32 to vector<16xi32>
          %shift_left3A_1446 = arith.shli %get3A_1443, %shift_left3A_1445 : vector<16xi32>
          %bitcast_convert_type3A_1447 = tpu.bitcast %shift_left3A_1446 : vector<16xi32> -> vector<16xf32>
          %and3A_1448 = arith.constant -65536 : i32
          %and3A_1449 = vector.broadcast %and3A_1448 : i32 to vector<16xi32>
          %and3A_1450 = arith.andi %get3A_1443, %and3A_1449 : vector<16xi32>
          %bitcast_convert_type3A_1451 = tpu.bitcast %and3A_1450 : vector<16xi32> -> vector<16xf32>
          %mul3A_1452 = arith.mulf %bitcast_convert_type3A_1447, %gather3A_1388 : vector<16xf32>
          %swap3A_1453 = arith.constant 0 : i32
          %swap3A_1454 = arith.index_cast %swap3A_1453 : i32 to index
          %swap3A_1455 = arith.index_cast %scan3A_1379 : i32 to index
          %swap3A_1456 = arith.constant 32 : index
          %swap3A_1457 = tpu.vector_load %arg19[%swap3A_1454, %swap3A_1455, %swap3A_1456] {strides = array<i32>} : memref<2x64x128xf32, #tpu.memory_space<vmem>>, vector<16xf32>,
          tpu.vector_store %arg19[%swap3A_1454, %swap3A_1455, %swap3A_1456], %mul3A_1452 {strides = array<i32>} : memref<2x64x128xf32, #tpu.memory_space<vmem>>, vector<16xf32>,
          %mul3A_1458 = arith.mulf %bitcast_convert_type3A_1451, %gather3A_1388 : vector<16xf32>
          %swap3A_1459 = arith.constant 0 : i32
          %swap3A_1460 = arith.index_cast %swap3A_1459 : i32 to index
          %swap3A_1461 = arith.index_cast %scan3A_1379 : i32 to index
          %swap3A_1462 = arith.constant 96 : index
          %swap3A_1463 = tpu.vector_load %arg19[%swap3A_1460, %swap3A_1461, %swap3A_1462] {strides = array<i32>} : memref<2x64x128xf32, #tpu.memory_space<vmem>>, vector<16xf32>,
          tpu.vector_store %arg19[%swap3A_1460, %swap3A_1461, %swap3A_1462], %mul3A_1458 {strides = array<i32>} : memref<2x64x128xf32, #tpu.memory_space<vmem>>, vector<16xf32>,
          %get3A_1464 = arith.constant 0 : i32
          %get3A_1465 = arith.index_cast %get3A_1464 : i32 to index
          %get3A_1466 = arith.index_cast %scan3A_1379 : i32 to index
          %get3A_1467 = arith.constant 48 : index
          %get3A_1468 = tpu.vector_load %arg18[%get3A_1465, %get3A_1466, %get3A_1467] {strides = array<i32>} : memref<2x64x64xi32, #tpu.memory_space<vmem>>, vector<16xi32>,
          %shift_left3A_1469 = arith.constant 16 : i32
          %shift_left3A_1470 = vector.broadcast %shift_left3A_1469 : i32 to vector<16xi32>
          %shift_left3A_1471 = arith.shli %get3A_1468, %shift_left3A_1470 : vector<16xi32>
          %bitcast_convert_type3A_1472 = tpu.bitcast %shift_left3A_1471 : vector<16xi32> -> vector<16xf32>
          %and3A_1473 = arith.constant -65536 : i32
          %and3A_1474 = vector.broadcast %and3A_1473 : i32 to vector<16xi32>
          %and3A_1475 = arith.andi %get3A_1468, %and3A_1474 : vector<16xi32>
          %bitcast_convert_type3A_1476 = tpu.bitcast %and3A_1475 : vector<16xi32> -> vector<16xf32>
          %mul3A_1477 = arith.mulf %bitcast_convert_type3A_1472, %gather3A_1388 : vector<16xf32>
          %swap3A_1478 = arith.constant 0 : i32
          %swap3A_1479 = arith.index_cast %swap3A_1478 : i32 to index
          %swap3A_1480 = arith.index_cast %scan3A_1379 : i32 to index
          %swap3A_1481 = arith.constant 48 : index
          %swap3A_1482 = tpu.vector_load %arg19[%swap3A_1479, %swap3A_1480, %swap3A_1481] {strides = array<i32>} : memref<2x64x128xf32, #tpu.memory_space<vmem>>, vector<16xf32>,
          tpu.vector_store %arg19[%swap3A_1479, %swap3A_1480, %swap3A_1481], %mul3A_1477 {strides = array<i32>} : memref<2x64x128xf32, #tpu.memory_space<vmem>>, vector<16xf32>,
          %mul3A_1483 = arith.mulf %bitcast_convert_type3A_1476, %gather3A_1388 : vector<16xf32>
          %swap3A_1484 = arith.constant 0 : i32
          %swap3A_1485 = arith.index_cast %swap3A_1484 : i32 to index
          %swap3A_1486 = arith.index_cast %scan3A_1379 : i32 to index
          %swap3A_1487 = arith.constant 112 : index
          %swap3A_1488 = tpu.vector_load %arg19[%swap3A_1485, %swap3A_1486, %swap3A_1487] {strides = array<i32>} : memref<2x64x128xf32, #tpu.memory_space<vmem>>, vector<16xf32>,
          tpu.vector_store %arg19[%swap3A_1485, %swap3A_1486, %swap3A_1487], %mul3A_1483 {strides = array<i32>} : memref<2x64x128xf32, #tpu.memory_space<vmem>>, vector<16xf32>,
          %scan3A_1489 = arith.constant 7 : i32
          %scan3A_1490 = arith.addi %scan3A_716, %scan3A_1489 : i32
          %broadcast_in_dim3A_1491 = arith.constant 0 : i32
          %broadcast_in_dim3A_1492 = vector.broadcast %broadcast_in_dim3A_1491 : i32 to vector<16xi32>
          %add3A_1493 = vector.broadcast %scan3A_1490 : i32 to vector<16xi32>
          %add3A_1494 = arith.addi %broadcast_in_dim3A_1492, %add3A_1493 : vector<16xi32>
          %gather3A_1495 = arith.constant 0 : i32
          %gather3A_1496 = arith.constant 0 : i32
          %gather3A_1497 = tpu.memref_slice %arg17[%gather3A_1495, %gather3A_1496] : memref<2x64xf32, #tpu.memory_space<vmem>> -> memref<1x64xf32, #tpu.memory_space<vmem>>
          %gather3A_1498 = tpu.memref_squeeze %gather3A_1497 : memref<1x64xf32, #tpu.memory_space<vmem>> -> memref<64xf32, #tpu.memory_space<vmem>>
          %gather3A_1499 = tpu.vector_load_idx %gather3A_1498[%add3A_1494] : memref<64xf32, #tpu.memory_space<vmem>>[vector<16xi32>], vector<16xf32>,
          %get3A_1500 = arith.constant 0 : i32
          %get3A_1501 = arith.index_cast %get3A_1500 : i32 to index
          %get3A_1502 = arith.index_cast %scan3A_1490 : i32 to index
          %get3A_1503 = arith.constant 0 : index
          %get3A_1504 = tpu.vector_load %arg18[%get3A_1501, %get3A_1502, %get3A_1503] {strides = array<i32>} : memref<2x64x64xi32, #tpu.memory_space<vmem>>, vector<16xi32>,
          %shift_left3A_1505 = arith.constant 16 : i32
          %shift_left3A_1506 = vector.broadcast %shift_left3A_1505 : i32 to vector<16xi32>
          %shift_left3A_1507 = arith.shli %get3A_1504, %shift_left3A_1506 : vector<16xi32>
          %bitcast_convert_type3A_1508 = tpu.bitcast %shift_left3A_1507 : vector<16xi32> -> vector<16xf32>
          %and3A_1509 = arith.constant -65536 : i32
          %and3A_1510 = vector.broadcast %and3A_1509 : i32 to vector<16xi32>
          %and3A_1511 = arith.andi %get3A_1504, %and3A_1510 : vector<16xi32>
          %bitcast_convert_type3A_1512 = tpu.bitcast %and3A_1511 : vector<16xi32> -> vector<16xf32>
          %mul3A_1513 = arith.mulf %bitcast_convert_type3A_1508, %gather3A_1499 : vector<16xf32>
          %swap3A_1514 = arith.constant 0 : i32
          %swap3A_1515 = arith.index_cast %swap3A_1514 : i32 to index
          %swap3A_1516 = arith.index_cast %scan3A_1490 : i32 to index
          %swap3A_1517 = arith.constant 0 : index
          %swap3A_1518 = tpu.vector_load %arg19[%swap3A_1515, %swap3A_1516, %swap3A_1517] {strides = array<i32>} : memref<2x64x128xf32, #tpu.memory_space<vmem>>, vector<16xf32>,
          tpu.vector_store %arg19[%swap3A_1515, %swap3A_1516, %swap3A_1517], %mul3A_1513 {strides = array<i32>} : memref<2x64x128xf32, #tpu.memory_space<vmem>>, vector<16xf32>,
          %mul3A_1519 = arith.mulf %bitcast_convert_type3A_1512, %gather3A_1499 : vector<16xf32>
          %swap3A_1520 = arith.constant 0 : i32
          %swap3A_1521 = arith.index_cast %swap3A_1520 : i32 to index
          %swap3A_1522 = arith.index_cast %scan3A_1490 : i32 to index
          %swap3A_1523 = arith.constant 64 : index
          %swap3A_1524 = tpu.vector_load %arg19[%swap3A_1521, %swap3A_1522, %swap3A_1523] {strides = array<i32>} : memref<2x64x128xf32, #tpu.memory_space<vmem>>, vector<16xf32>,
          tpu.vector_store %arg19[%swap3A_1521, %swap3A_1522, %swap3A_1523], %mul3A_1519 {strides = array<i32>} : memref<2x64x128xf32, #tpu.memory_space<vmem>>, vector<16xf32>,
          %get3A_1525 = arith.constant 0 : i32
          %get3A_1526 = arith.index_cast %get3A_1525 : i32 to index
          %get3A_1527 = arith.index_cast %scan3A_1490 : i32 to index
          %get3A_1528 = arith.constant 16 : index
          %get3A_1529 = tpu.vector_load %arg18[%get3A_1526, %get3A_1527, %get3A_1528] {strides = array<i32>} : memref<2x64x64xi32, #tpu.memory_space<vmem>>, vector<16xi32>,
          %shift_left3A_1530 = arith.constant 16 : i32
          %shift_left3A_1531 = vector.broadcast %shift_left3A_1530 : i32 to vector<16xi32>
          %shift_left3A_1532 = arith.shli %get3A_1529, %shift_left3A_1531 : vector<16xi32>
          %bitcast_convert_type3A_1533 = tpu.bitcast %shift_left3A_1532 : vector<16xi32> -> vector<16xf32>
          %and3A_1534 = arith.constant -65536 : i32
          %and3A_1535 = vector.broadcast %and3A_1534 : i32 to vector<16xi32>
          %and3A_1536 = arith.andi %get3A_1529, %and3A_1535 : vector<16xi32>
          %bitcast_convert_type3A_1537 = tpu.bitcast %and3A_1536 : vector<16xi32> -> vector<16xf32>
          %mul3A_1538 = arith.mulf %bitcast_convert_type3A_1533, %gather3A_1499 : vector<16xf32>
          %swap3A_1539 = arith.constant 0 : i32
          %swap3A_1540 = arith.index_cast %swap3A_1539 : i32 to index
          %swap3A_1541 = arith.index_cast %scan3A_1490 : i32 to index
          %swap3A_1542 = arith.constant 16 : index
          %swap3A_1543 = tpu.vector_load %arg19[%swap3A_1540, %swap3A_1541, %swap3A_1542] {strides = array<i32>} : memref<2x64x128xf32, #tpu.memory_space<vmem>>, vector<16xf32>,
          tpu.vector_store %arg19[%swap3A_1540, %swap3A_1541, %swap3A_1542], %mul3A_1538 {strides = array<i32>} : memref<2x64x128xf32, #tpu.memory_space<vmem>>, vector<16xf32>,
          %mul3A_1544 = arith.mulf %bitcast_convert_type3A_1537, %gather3A_1499 : vector<16xf32>
          %swap3A_1545 = arith.constant 0 : i32
          %swap3A_1546 = arith.index_cast %swap3A_1545 : i32 to index
          %swap3A_1547 = arith.index_cast %scan3A_1490 : i32 to index
          %swap3A_1548 = arith.constant 80 : index
          %swap3A_1549 = tpu.vector_load %arg19[%swap3A_1546, %swap3A_1547, %swap3A_1548] {strides = array<i32>} : memref<2x64x128xf32, #tpu.memory_space<vmem>>, vector<16xf32>,
          tpu.vector_store %arg19[%swap3A_1546, %swap3A_1547, %swap3A_1548], %mul3A_1544 {strides = array<i32>} : memref<2x64x128xf32, #tpu.memory_space<vmem>>, vector<16xf32>,
          %get3A_1550 = arith.constant 0 : i32
          %get3A_1551 = arith.index_cast %get3A_1550 : i32 to index
          %get3A_1552 = arith.index_cast %scan3A_1490 : i32 to index
          %get3A_1553 = arith.constant 32 : index
          %get3A_1554 = tpu.vector_load %arg18[%get3A_1551, %get3A_1552, %get3A_1553] {strides = array<i32>} : memref<2x64x64xi32, #tpu.memory_space<vmem>>, vector<16xi32>,
          %shift_left3A_1555 = arith.constant 16 : i32
          %shift_left3A_1556 = vector.broadcast %shift_left3A_1555 : i32 to vector<16xi32>
          %shift_left3A_1557 = arith.shli %get3A_1554, %shift_left3A_1556 : vector<16xi32>
          %bitcast_convert_type3A_1558 = tpu.bitcast %shift_left3A_1557 : vector<16xi32> -> vector<16xf32>
          %and3A_1559 = arith.constant -65536 : i32
          %and3A_1560 = vector.broadcast %and3A_1559 : i32 to vector<16xi32>
          %and3A_1561 = arith.andi %get3A_1554, %and3A_1560 : vector<16xi32>
          %bitcast_convert_type3A_1562 = tpu.bitcast %and3A_1561 : vector<16xi32> -> vector<16xf32>
          %mul3A_1563 = arith.mulf %bitcast_convert_type3A_1558, %gather3A_1499 : vector<16xf32>
          %swap3A_1564 = arith.constant 0 : i32
          %swap3A_1565 = arith.index_cast %swap3A_1564 : i32 to index
          %swap3A_1566 = arith.index_cast %scan3A_1490 : i32 to index
          %swap3A_1567 = arith.constant 32 : index
          %swap3A_1568 = tpu.vector_load %arg19[%swap3A_1565, %swap3A_1566, %swap3A_1567] {strides = array<i32>} : memref<2x64x128xf32, #tpu.memory_space<vmem>>, vector<16xf32>,
          tpu.vector_store %arg19[%swap3A_1565, %swap3A_1566, %swap3A_1567], %mul3A_1563 {strides = array<i32>} : memref<2x64x128xf32, #tpu.memory_space<vmem>>, vector<16xf32>,
          %mul3A_1569 = arith.mulf %bitcast_convert_type3A_1562, %gather3A_1499 : vector<16xf32>
          %swap3A_1570 = arith.constant 0 : i32
          %swap3A_1571 = arith.index_cast %swap3A_1570 : i32 to index
          %swap3A_1572 = arith.index_cast %scan3A_1490 : i32 to index
          %swap3A_1573 = arith.constant 96 : index
          %swap3A_1574 = tpu.vector_load %arg19[%swap3A_1571, %swap3A_1572, %swap3A_1573] {strides = array<i32>} : memref<2x64x128xf32, #tpu.memory_space<vmem>>, vector<16xf32>,
          tpu.vector_store %arg19[%swap3A_1571, %swap3A_1572, %swap3A_1573], %mul3A_1569 {strides = array<i32>} : memref<2x64x128xf32, #tpu.memory_space<vmem>>, vector<16xf32>,
          %get3A_1575 = arith.constant 0 : i32
          %get3A_1576 = arith.index_cast %get3A_1575 : i32 to index
          %get3A_1577 = arith.index_cast %scan3A_1490 : i32 to index
          %get3A_1578 = arith.constant 48 : index
          %get3A_1579 = tpu.vector_load %arg18[%get3A_1576, %get3A_1577, %get3A_1578] {strides = array<i32>} : memref<2x64x64xi32, #tpu.memory_space<vmem>>, vector<16xi32>,
          %shift_left3A_1580 = arith.constant 16 : i32
          %shift_left3A_1581 = vector.broadcast %shift_left3A_1580 : i32 to vector<16xi32>
          %shift_left3A_1582 = arith.shli %get3A_1579, %shift_left3A_1581 : vector<16xi32>
          %bitcast_convert_type3A_1583 = tpu.bitcast %shift_left3A_1582 : vector<16xi32> -> vector<16xf32>
          %and3A_1584 = arith.constant -65536 : i32
          %and3A_1585 = vector.broadcast %and3A_1584 : i32 to vector<16xi32>
          %and3A_1586 = arith.andi %get3A_1579, %and3A_1585 : vector<16xi32>
          %bitcast_convert_type3A_1587 = tpu.bitcast %and3A_1586 : vector<16xi32> -> vector<16xf32>
          %mul3A_1588 = arith.mulf %bitcast_convert_type3A_1583, %gather3A_1499 : vector<16xf32>
          %swap3A_1589 = arith.constant 0 : i32
          %swap3A_1590 = arith.index_cast %swap3A_1589 : i32 to index
          %swap3A_1591 = arith.index_cast %scan3A_1490 : i32 to index
          %swap3A_1592 = arith.constant 48 : index
          %swap3A_1593 = tpu.vector_load %arg19[%swap3A_1590, %swap3A_1591, %swap3A_1592] {strides = array<i32>} : memref<2x64x128xf32, #tpu.memory_space<vmem>>, vector<16xf32>,
          tpu.vector_store %arg19[%swap3A_1590, %swap3A_1591, %swap3A_1592], %mul3A_1588 {strides = array<i32>} : memref<2x64x128xf32, #tpu.memory_space<vmem>>, vector<16xf32>,
          %mul3A_1594 = arith.mulf %bitcast_convert_type3A_1587, %gather3A_1499 : vector<16xf32>
          %swap3A_1595 = arith.constant 0 : i32
          %swap3A_1596 = arith.index_cast %swap3A_1595 : i32 to index
          %swap3A_1597 = arith.index_cast %scan3A_1490 : i32 to index
          %swap3A_1598 = arith.constant 112 : index
          %swap3A_1599 = tpu.vector_load %arg19[%swap3A_1596, %swap3A_1597, %swap3A_1598] {strides = array<i32>} : memref<2x64x128xf32, #tpu.memory_space<vmem>>, vector<16xf32>,
          tpu.vector_store %arg19[%swap3A_1596, %swap3A_1597, %swap3A_1598], %mul3A_1594 {strides = array<i32>} : memref<2x64x128xf32, #tpu.memory_space<vmem>>, vector<16xf32>,
        }
        %scan3A_403 = arith.constant 64 : i32
        %dma_start3A_404 = arith.constant 0 : i32
        %dma_start3A_405 = arith.constant 0 : i32
        %dma_start3A_406 = arith.constant 0 : i32
        %dma_start3A_407 = tpu.memref_slice %arg19[%dma_start3A_404, %dma_start3A_405, %dma_start3A_406] : memref<2x64x128xf32, #tpu.memory_space<vmem>> -> memref<1x64x128xf32, #tpu.memory_space<vmem>>
        %dma_start3A_408 = tpu.memref_squeeze %dma_start3A_407 : memref<1x64x128xf32, #tpu.memory_space<vmem>> -> memref<64x128xf32, #tpu.memory_space<vmem>>
        %dma_start3A_409 = arith.constant 0 : i32
        %dma_start3A_410 = tpu.memref_slice %arg14[%rem3A_77, %add3A_375, %dma_start3A_409] : memref<2x8x64xi32, #tpu.memory_space<vmem>> -> memref<1x1x64xi32, #tpu.memory_space<vmem>>
        %dma_start3A_411 = tpu.memref_squeeze %dma_start3A_410 : memref<1x1x64xi32, #tpu.memory_space<vmem>> -> memref<64xi32, #tpu.memory_space<vmem>>
        %dma_start3A_412 = arith.constant 0 : i32
        %dma_start3A_413 = arith.constant 0 : i32
        %dma_start3A_414 = tpu.memref_slice %arg20[%dma_start3A_412, %dma_start3A_413] : memref<10240x128xf32, #tpu.memory_space<vmem_shared>> -> memref<10240x128xf32, #tpu.memory_space<vmem_shared>>
        tpu.enqueue_indirect_dma source(%dma_start3A_408 : memref<64x128xf32, #tpu.memory_space<vmem>>) target(%dma_start3A_414 : memref<10240x128xf32, #tpu.memory_space<vmem_shared>>) offsets(%dma_start3A_411 : memref<64xi32, #tpu.memory_space<vmem>>) semaphore(%arg26 : memref<!tpu.dma_semaphore, #tpu.memory_space<semaphore_mem>>) {add = true}
        %dma_start3A_415 = arith.constant 0 : i32
        %dma_start3A_416 = arith.constant 0 : i32
        %dma_start3A_417 = tpu.memref_slice %arg17[%dma_start3A_415, %dma_start3A_416] : memref<2x64xf32, #tpu.memory_space<vmem>> -> memref<1x64xf32, #tpu.memory_space<vmem>>
        %dma_start3A_418 = tpu.memref_squeeze %dma_start3A_417 : memref<1x64xf32, #tpu.memory_space<vmem>> -> memref<64xf32, #tpu.memory_space<vmem>>
        %dma_start3A_419 = arith.constant 0 : i32
        %dma_start3A_420 = tpu.memref_slice %arg14[%rem3A_77, %add3A_375, %dma_start3A_419] : memref<2x8x64xi32, #tpu.memory_space<vmem>> -> memref<1x1x64xi32, #tpu.memory_space<vmem>>
        %dma_start3A_421 = tpu.memref_squeeze %dma_start3A_420 : memref<1x1x64xi32, #tpu.memory_space<vmem>> -> memref<64xi32, #tpu.memory_space<vmem>>
        %dma_start3A_422 = arith.constant 0 : i32
        %dma_start3A_423 = tpu.memref_slice %arg21[%dma_start3A_422] : memref<10240xf32, #tpu.memory_space<vmem_shared>> -> memref<10240xf32, #tpu.memory_space<vmem_shared>>
        tpu.enqueue_indirect_dma source(%dma_start3A_418 : memref<64xf32, #tpu.memory_space<vmem>>) target(%dma_start3A_423 : memref<10240xf32, #tpu.memory_space<vmem_shared>>) offsets(%dma_start3A_421 : memref<64xi32, #tpu.memory_space<vmem>>) semaphore(%arg26 : memref<!tpu.dma_semaphore, #tpu.memory_space<semaphore_mem>>) {add = true}
        %gt3A = arith.constant 0 : i32
        %gt3A_424 = arith.cmpi sgt, %scan3A_371, %gt3A : i32
        %convert_element_type3A_425 = arith.extui %gt3A_424 : i1 to i32
        %cond3A_426 = arith.constant 0 : i32
        %cond3A_427 = arith.cmpi ne, %convert_element_type3A_425, %cond3A_426 : i32
        scf.if %cond3A_427 {
          %sub3A_716 = arith.constant 1 : i32
          %sub3A_717 = arith.subi %add3A_375, %sub3A_716 : i32
          %dma_wait3A_718 = arith.constant 1 : i32
          %dma_wait3A_719 = arith.constant 0 : i32
          %dma_wait3A_720 = arith.constant 0 : i32
          %dma_wait3A_721 = tpu.memref_slice %arg19[%dma_wait3A_718, %dma_wait3A_719, %dma_wait3A_720] : memref<2x64x128xf32, #tpu.memory_space<vmem>> -> memref<1x64x128xf32, #tpu.memory_space<vmem>>
          %dma_wait3A_722 = tpu.memref_squeeze %dma_wait3A_721 : memref<1x64x128xf32, #tpu.memory_space<vmem>> -> memref<64x128xf32, #tpu.memory_space<vmem>>
          %dma_wait3A_723 = arith.constant 0 : i32
          %dma_wait3A_724 = tpu.memref_slice %arg14[%rem3A_77, %sub3A_717, %dma_wait3A_723] : memref<2x8x64xi32, #tpu.memory_space<vmem>> -> memref<1x1x64xi32, #tpu.memory_space<vmem>>
          %dma_wait3A_725 = tpu.memref_squeeze %dma_wait3A_724 : memref<1x1x64xi32, #tpu.memory_space<vmem>> -> memref<64xi32, #tpu.memory_space<vmem>>
          %dma_wait3A_726 = arith.constant 0 : i32
          %dma_wait3A_727 = arith.constant 0 : i32
          %dma_wait3A_728 = tpu.memref_slice %arg20[%dma_wait3A_726, %dma_wait3A_727] : memref<10240x128xf32, #tpu.memory_space<vmem_shared>> -> memref<10240x128xf32, #tpu.memory_space<vmem_shared>>
          tpu.wait_indirect_dma semaphore(%arg27 : memref<!tpu.dma_semaphore, #tpu.memory_space<semaphore_mem>>) src(%dma_wait3A_722 : memref<64x128xf32, #tpu.memory_space<vmem>>) dst(%dma_wait3A_728 : memref<10240x128xf32, #tpu.memory_space<vmem_shared>>)
          %dma_wait3A_729 = arith.constant 1 : i32
          %dma_wait3A_730 = arith.constant 0 : i32
          %dma_wait3A_731 = tpu.memref_slice %arg17[%dma_wait3A_729, %dma_wait3A_730] : memref<2x64xf32, #tpu.memory_space<vmem>> -> memref<1x64xf32, #tpu.memory_space<vmem>>
          %dma_wait3A_732 = tpu.memref_squeeze %dma_wait3A_731 : memref<1x64xf32, #tpu.memory_space<vmem>> -> memref<64xf32, #tpu.memory_space<vmem>>
          %dma_wait3A_733 = arith.constant 0 : i32
          %dma_wait3A_734 = tpu.memref_slice %arg14[%rem3A_77, %sub3A_717, %dma_wait3A_733] : memref<2x8x64xi32, #tpu.memory_space<vmem>> -> memref<1x1x64xi32, #tpu.memory_space<vmem>>
          %dma_wait3A_735 = tpu.memref_squeeze %dma_wait3A_734 : memref<1x1x64xi32, #tpu.memory_space<vmem>> -> memref<64xi32, #tpu.memory_space<vmem>>
          %dma_wait3A_736 = arith.constant 0 : i32
          %dma_wait3A_737 = tpu.memref_slice %arg21[%dma_wait3A_736] : memref<10240xf32, #tpu.memory_space<vmem_shared>> -> memref<10240xf32, #tpu.memory_space<vmem_shared>>
          tpu.wait_indirect_dma semaphore(%arg27 : memref<!tpu.dma_semaphore, #tpu.memory_space<semaphore_mem>>) src(%dma_wait3A_732 : memref<64xf32, #tpu.memory_space<vmem>>) dst(%dma_wait3A_737 : memref<10240xf32, #tpu.memory_space<vmem_shared>>)
        } else {
        }
        %add3A_428 = arith.constant 1 : i32
        %add3A_429 = arith.addi %add3A_375, %add3A_428 : i32
        %get3A_430 = arith.index_cast %rem3A_77 : i32 to index
        %get3A_431 = arith.index_cast %add3A_429 : i32 to index
        %get3A_432 = arith.constant 0 : index
        %get3A_433 = tpu.vector_load %arg14[%get3A_430, %get3A_431, %get3A_432] {strides = array<i32>} : memref<2x8x64xi32, #tpu.memory_space<vmem>>, vector<16xi32>,
        %get3A_434 = arith.index_cast %rem3A_77 : i32 to index
        %get3A_435 = arith.index_cast %add3A_429 : i32 to index
        %get3A_436 = arith.constant 0 : index
        %get3A_437 = tpu.vector_load %arg15[%get3A_434, %get3A_435, %get3A_436] {strides = array<i32>} : memref<2x8x64xi32, #tpu.memory_space<vmem>>, vector<16xi32>,
        %gather3A_438 = tpu.vector_load_idx %arg12[%get3A_433] : memref<10000xf32, #tpu.memory_space<vmem>>[vector<16xi32>], vector<16xf32>,
        %gather3A_439 = tpu.vector_load_idx %arg13[%get3A_437] : memref<10000xf32, #tpu.memory_space<vmem>>[vector<16xi32>], vector<16xf32>,
        %add3A_440 = arith.addf %gather3A_438, %gather3A_439 : vector<16xf32>
        %get3A_441 = arith.index_cast %rem3A_77 : i32 to index
        %get3A_442 = arith.index_cast %add3A_429 : i32 to index
        %get3A_443 = arith.constant 0 : index
        %get3A_444 = tpu.vector_load %arg16[%get3A_441, %get3A_442, %get3A_443] {strides = array<i32>} : memref<2x8x64xf32, #tpu.memory_space<vmem>>, vector<16xf32>,
        %add3A_445 = arith.addf %add3A_440, %get3A_444 : vector<16xf32>
        %ge3A_446 = arith.constant 0.000000e+00 : f32
        %ge3A_447 = vector.broadcast %ge3A_446 : f32 to vector<16xf32>
        %ge3A_448 = arith.cmpf oge, %add3A_445, %ge3A_447 : vector<16xf32>
        %mul3A_449 = arith.constant 2.000000e-01 : f32
        %mul3A_450 = vector.broadcast %mul3A_449 : f32 to vector<16xf32>
        %mul3A_451 = arith.mulf %mul3A_450, %add3A_445 : vector<16xf32>
        %select_n3A_452 = arith.select %ge3A_448, %add3A_445, %mul3A_451 : vector<16xi1>, vector<16xf32>
        %exp3A_453 = math.exp %select_n3A_452 : vector<16xf32>
        %mul3A_454 = arith.constant 10240 : i32
        %mul3A_455 = arith.muli %add3A, %mul3A_454 : i32
        %mul3A_456 = arith.constant 8 : i32
        %mul3A_457 = arith.muli %scan3A_76, %mul3A_456 : i32
        %add3A_458 = arith.addi %mul3A_457, %add3A_429 : i32
        %mul3A_459 = arith.constant 64 : i32
        %mul3A_460 = arith.muli %add3A_458, %mul3A_459 : i32
        %add3A_461 = arith.addi %mul3A_455, %mul3A_460 : i32
        %add3A_462 = arith.constant 0 : i32
        %add3A_463 = arith.addi %add3A_461, %add3A_462 : i32
        %add3A_464 = vector.broadcast %add3A_463 : i32 to vector<16xi32>
        %add3A_465 = arith.addi %add3A_464, %iota3A : vector<16xi32>
        %lt3A_466 = arith.constant 320000 : i32
        %lt3A_467 = vector.broadcast %lt3A_466 : i32 to vector<16xi32>
        %lt3A_468 = arith.cmpi slt, %add3A_465, %lt3A_467 : vector<16xi32>
        %jit3A_469 = arith.constant 0.000000e+00 : f32
        %broadcast_in_dim3A_470 = vector.broadcast %jit3A_469 : f32 to vector<16xf32>
        %select_n3A_471 = arith.select %lt3A_468, %exp3A_453, %broadcast_in_dim3A_470 : vector<16xi1>, vector<16xf32>
        %swap3A_472 = arith.constant 1 : i32
        %swap3A_473 = arith.index_cast %swap3A_472 : i32 to index
        %swap3A_474 = arith.constant 0 : index
        %swap3A_475 = tpu.vector_load %arg17[%swap3A_473, %swap3A_474] {strides = array<i32>} : memref<2x64xf32, #tpu.memory_space<vmem>>, vector<16xf32>,
        tpu.vector_store %arg17[%swap3A_473, %swap3A_474], %select_n3A_471 {strides = array<i32>} : memref<2x64xf32, #tpu.memory_space<vmem>>, vector<16xf32>,
        %get3A_476 = arith.index_cast %rem3A_77 : i32 to index
        %get3A_477 = arith.index_cast %add3A_429 : i32 to index
        %get3A_478 = arith.constant 16 : index
        %get3A_479 = tpu.vector_load %arg14[%get3A_476, %get3A_477, %get3A_478] {strides = array<i32>} : memref<2x8x64xi32, #tpu.memory_space<vmem>>, vector<16xi32>,
        %get3A_480 = arith.index_cast %rem3A_77 : i32 to index
        %get3A_481 = arith.index_cast %add3A_429 : i32 to index
        %get3A_482 = arith.constant 16 : index
        %get3A_483 = tpu.vector_load %arg15[%get3A_480, %get3A_481, %get3A_482] {strides = array<i32>} : memref<2x8x64xi32, #tpu.memory_space<vmem>>, vector<16xi32>,
        %gather3A_484 = tpu.vector_load_idx %arg12[%get3A_479] : memref<10000xf32, #tpu.memory_space<vmem>>[vector<16xi32>], vector<16xf32>,
        %gather3A_485 = tpu.vector_load_idx %arg13[%get3A_483] : memref<10000xf32, #tpu.memory_space<vmem>>[vector<16xi32>], vector<16xf32>,
        %add3A_486 = arith.addf %gather3A_484, %gather3A_485 : vector<16xf32>
        %get3A_487 = arith.index_cast %rem3A_77 : i32 to index
        %get3A_488 = arith.index_cast %add3A_429 : i32 to index
        %get3A_489 = arith.constant 16 : index
        %get3A_490 = tpu.vector_load %arg16[%get3A_487, %get3A_488, %get3A_489] {strides = array<i32>} : memref<2x8x64xf32, #tpu.memory_space<vmem>>, vector<16xf32>,
        %add3A_491 = arith.addf %add3A_486, %get3A_490 : vector<16xf32>
        %ge3A_492 = arith.constant 0.000000e+00 : f32
        %ge3A_493 = vector.broadcast %ge3A_492 : f32 to vector<16xf32>
        %ge3A_494 = arith.cmpf oge, %add3A_491, %ge3A_493 : vector<16xf32>
        %mul3A_495 = arith.constant 2.000000e-01 : f32
        %mul3A_496 = vector.broadcast %mul3A_495 : f32 to vector<16xf32>
        %mul3A_497 = arith.mulf %mul3A_496, %add3A_491 : vector<16xf32>
        %select_n3A_498 = arith.select %ge3A_494, %add3A_491, %mul3A_497 : vector<16xi1>, vector<16xf32>
        %exp3A_499 = math.exp %select_n3A_498 : vector<16xf32>
        %mul3A_500 = arith.constant 10240 : i32
        %mul3A_501 = arith.muli %add3A, %mul3A_500 : i32
        %mul3A_502 = arith.constant 8 : i32
        %mul3A_503 = arith.muli %scan3A_76, %mul3A_502 : i32
        %add3A_504 = arith.addi %mul3A_503, %add3A_429 : i32
        %mul3A_505 = arith.constant 64 : i32
        %mul3A_506 = arith.muli %add3A_504, %mul3A_505 : i32
        %add3A_507 = arith.addi %mul3A_501, %mul3A_506 : i32
        %add3A_508 = arith.constant 16 : i32
        %add3A_509 = arith.addi %add3A_507, %add3A_508 : i32
        %add3A_510 = vector.broadcast %add3A_509 : i32 to vector<16xi32>
        %add3A_511 = arith.addi %add3A_510, %iota3A : vector<16xi32>
        %lt3A_512 = arith.constant 320000 : i32
        %lt3A_513 = vector.broadcast %lt3A_512 : i32 to vector<16xi32>
        %lt3A_514 = arith.cmpi slt, %add3A_511, %lt3A_513 : vector<16xi32>
        %jit3A_515 = arith.constant 0.000000e+00 : f32
        %broadcast_in_dim3A_516 = vector.broadcast %jit3A_515 : f32 to vector<16xf32>
        %select_n3A_517 = arith.select %lt3A_514, %exp3A_499, %broadcast_in_dim3A_516 : vector<16xi1>, vector<16xf32>
        %swap3A_518 = arith.constant 1 : i32
        %swap3A_519 = arith.index_cast %swap3A_518 : i32 to index
        %swap3A_520 = arith.constant 16 : index
        %swap3A_521 = tpu.vector_load %arg17[%swap3A_519, %swap3A_520] {strides = array<i32>} : memref<2x64xf32, #tpu.memory_space<vmem>>, vector<16xf32>,
        tpu.vector_store %arg17[%swap3A_519, %swap3A_520], %select_n3A_517 {strides = array<i32>} : memref<2x64xf32, #tpu.memory_space<vmem>>, vector<16xf32>,
        %get3A_522 = arith.index_cast %rem3A_77 : i32 to index
        %get3A_523 = arith.index_cast %add3A_429 : i32 to index
        %get3A_524 = arith.constant 32 : index
        %get3A_525 = tpu.vector_load %arg14[%get3A_522, %get3A_523, %get3A_524] {strides = array<i32>} : memref<2x8x64xi32, #tpu.memory_space<vmem>>, vector<16xi32>,
        %get3A_526 = arith.index_cast %rem3A_77 : i32 to index
        %get3A_527 = arith.index_cast %add3A_429 : i32 to index
        %get3A_528 = arith.constant 32 : index
        %get3A_529 = tpu.vector_load %arg15[%get3A_526, %get3A_527, %get3A_528] {strides = array<i32>} : memref<2x8x64xi32, #tpu.memory_space<vmem>>, vector<16xi32>,
        %gather3A_530 = tpu.vector_load_idx %arg12[%get3A_525] : memref<10000xf32, #tpu.memory_space<vmem>>[vector<16xi32>], vector<16xf32>,
        %gather3A_531 = tpu.vector_load_idx %arg13[%get3A_529] : memref<10000xf32, #tpu.memory_space<vmem>>[vector<16xi32>], vector<16xf32>,
        %add3A_532 = arith.addf %gather3A_530, %gather3A_531 : vector<16xf32>
        %get3A_533 = arith.index_cast %rem3A_77 : i32 to index
        %get3A_534 = arith.index_cast %add3A_429 : i32 to index
        %get3A_535 = arith.constant 32 : index
        %get3A_536 = tpu.vector_load %arg16[%get3A_533, %get3A_534, %get3A_535] {strides = array<i32>} : memref<2x8x64xf32, #tpu.memory_space<vmem>>, vector<16xf32>,
        %add3A_537 = arith.addf %add3A_532, %get3A_536 : vector<16xf32>
        %ge3A_538 = arith.constant 0.000000e+00 : f32
        %ge3A_539 = vector.broadcast %ge3A_538 : f32 to vector<16xf32>
        %ge3A_540 = arith.cmpf oge, %add3A_537, %ge3A_539 : vector<16xf32>
        %mul3A_541 = arith.constant 2.000000e-01 : f32
        %mul3A_542 = vector.broadcast %mul3A_541 : f32 to vector<16xf32>
        %mul3A_543 = arith.mulf %mul3A_542, %add3A_537 : vector<16xf32>
        %select_n3A_544 = arith.select %ge3A_540, %add3A_537, %mul3A_543 : vector<16xi1>, vector<16xf32>
        %exp3A_545 = math.exp %select_n3A_544 : vector<16xf32>
        %mul3A_546 = arith.constant 10240 : i32
        %mul3A_547 = arith.muli %add3A, %mul3A_546 : i32
        %mul3A_548 = arith.constant 8 : i32
        %mul3A_549 = arith.muli %scan3A_76, %mul3A_548 : i32
        %add3A_550 = arith.addi %mul3A_549, %add3A_429 : i32
        %mul3A_551 = arith.constant 64 : i32
        %mul3A_552 = arith.muli %add3A_550, %mul3A_551 : i32
        %add3A_553 = arith.addi %mul3A_547, %mul3A_552 : i32
        %add3A_554 = arith.constant 32 : i32
        %add3A_555 = arith.addi %add3A_553, %add3A_554 : i32
        %add3A_556 = vector.broadcast %add3A_555 : i32 to vector<16xi32>
        %add3A_557 = arith.addi %add3A_556, %iota3A : vector<16xi32>
        %lt3A_558 = arith.constant 320000 : i32
        %lt3A_559 = vector.broadcast %lt3A_558 : i32 to vector<16xi32>
        %lt3A_560 = arith.cmpi slt, %add3A_557, %lt3A_559 : vector<16xi32>
        %jit3A_561 = arith.constant 0.000000e+00 : f32
        %broadcast_in_dim3A_562 = vector.broadcast %jit3A_561 : f32 to vector<16xf32>
        %select_n3A_563 = arith.select %lt3A_560, %exp3A_545, %broadcast_in_dim3A_562 : vector<16xi1>, vector<16xf32>
        %swap3A_564 = arith.constant 1 : i32
        %swap3A_565 = arith.index_cast %swap3A_564 : i32 to index
        %swap3A_566 = arith.constant 32 : index
        %swap3A_567 = tpu.vector_load %arg17[%swap3A_565, %swap3A_566] {strides = array<i32>} : memref<2x64xf32, #tpu.memory_space<vmem>>, vector<16xf32>,
        tpu.vector_store %arg17[%swap3A_565, %swap3A_566], %select_n3A_563 {strides = array<i32>} : memref<2x64xf32, #tpu.memory_space<vmem>>, vector<16xf32>,
        %get3A_568 = arith.index_cast %rem3A_77 : i32 to index
        %get3A_569 = arith.index_cast %add3A_429 : i32 to index
        %get3A_570 = arith.constant 48 : index
        %get3A_571 = tpu.vector_load %arg14[%get3A_568, %get3A_569, %get3A_570] {strides = array<i32>} : memref<2x8x64xi32, #tpu.memory_space<vmem>>, vector<16xi32>,
        %get3A_572 = arith.index_cast %rem3A_77 : i32 to index
        %get3A_573 = arith.index_cast %add3A_429 : i32 to index
        %get3A_574 = arith.constant 48 : index
        %get3A_575 = tpu.vector_load %arg15[%get3A_572, %get3A_573, %get3A_574] {strides = array<i32>} : memref<2x8x64xi32, #tpu.memory_space<vmem>>, vector<16xi32>,
        %gather3A_576 = tpu.vector_load_idx %arg12[%get3A_571] : memref<10000xf32, #tpu.memory_space<vmem>>[vector<16xi32>], vector<16xf32>,
        %gather3A_577 = tpu.vector_load_idx %arg13[%get3A_575] : memref<10000xf32, #tpu.memory_space<vmem>>[vector<16xi32>], vector<16xf32>,
        %add3A_578 = arith.addf %gather3A_576, %gather3A_577 : vector<16xf32>
        %get3A_579 = arith.index_cast %rem3A_77 : i32 to index
        %get3A_580 = arith.index_cast %add3A_429 : i32 to index
        %get3A_581 = arith.constant 48 : index
        %get3A_582 = tpu.vector_load %arg16[%get3A_579, %get3A_580, %get3A_581] {strides = array<i32>} : memref<2x8x64xf32, #tpu.memory_space<vmem>>, vector<16xf32>,
        %add3A_583 = arith.addf %add3A_578, %get3A_582 : vector<16xf32>
        %ge3A_584 = arith.constant 0.000000e+00 : f32
        %ge3A_585 = vector.broadcast %ge3A_584 : f32 to vector<16xf32>
        %ge3A_586 = arith.cmpf oge, %add3A_583, %ge3A_585 : vector<16xf32>
        %mul3A_587 = arith.constant 2.000000e-01 : f32
        %mul3A_588 = vector.broadcast %mul3A_587 : f32 to vector<16xf32>
        %mul3A_589 = arith.mulf %mul3A_588, %add3A_583 : vector<16xf32>
        %select_n3A_590 = arith.select %ge3A_586, %add3A_583, %mul3A_589 : vector<16xi1>, vector<16xf32>
        %exp3A_591 = math.exp %select_n3A_590 : vector<16xf32>
        %mul3A_592 = arith.constant 10240 : i32
        %mul3A_593 = arith.muli %add3A, %mul3A_592 : i32
        %mul3A_594 = arith.constant 8 : i32
        %mul3A_595 = arith.muli %scan3A_76, %mul3A_594 : i32
        %add3A_596 = arith.addi %mul3A_595, %add3A_429 : i32
        %mul3A_597 = arith.constant 64 : i32
        %mul3A_598 = arith.muli %add3A_596, %mul3A_597 : i32
        %add3A_599 = arith.addi %mul3A_593, %mul3A_598 : i32
        %add3A_600 = arith.constant 48 : i32
        %add3A_601 = arith.addi %add3A_599, %add3A_600 : i32
        %add3A_602 = vector.broadcast %add3A_601 : i32 to vector<16xi32>
        %add3A_603 = arith.addi %add3A_602, %iota3A : vector<16xi32>
        %lt3A_604 = arith.constant 320000 : i32
        %lt3A_605 = vector.broadcast %lt3A_604 : i32 to vector<16xi32>
        %lt3A_606 = arith.cmpi slt, %add3A_603, %lt3A_605 : vector<16xi32>
        %jit3A_607 = arith.constant 0.000000e+00 : f32
        %broadcast_in_dim3A_608 = vector.broadcast %jit3A_607 : f32 to vector<16xf32>
        %select_n3A_609 = arith.select %lt3A_606, %exp3A_591, %broadcast_in_dim3A_608 : vector<16xi1>, vector<16xf32>
        %swap3A_610 = arith.constant 1 : i32
        %swap3A_611 = arith.index_cast %swap3A_610 : i32 to index
        %swap3A_612 = arith.constant 48 : index
        %swap3A_613 = tpu.vector_load %arg17[%swap3A_611, %swap3A_612] {strides = array<i32>} : memref<2x64xf32, #tpu.memory_space<vmem>>, vector<16xf32>,
        tpu.vector_store %arg17[%swap3A_611, %swap3A_612], %select_n3A_609 {strides = array<i32>} : memref<2x64xf32, #tpu.memory_space<vmem>>, vector<16xf32>,
        %add3A_614 = arith.constant 1 : i32
        %add3A_615 = arith.addi %add3A_375, %add3A_614 : i32
        %dma_start3A_616 = arith.constant 1 : i32
        %dma_start3A_617 = arith.constant 0 : i32
        %dma_start3A_618 = arith.constant 0 : i32
        %dma_start3A_619 = tpu.memref_slice %arg18[%dma_start3A_616, %dma_start3A_617, %dma_start3A_618] : memref<2x64x64xi32, #tpu.memory_space<vmem>> -> memref<1x32x64xi32, #tpu.memory_space<vmem>>
        %dma_start3A_620 = tpu.memref_squeeze %dma_start3A_619 : memref<1x32x64xi32, #tpu.memory_space<vmem>> -> memref<32x64xi32, #tpu.memory_space<vmem>>
        %dma_start3A_621 = arith.constant 0 : i32
        %dma_start3A_622 = tpu.memref_slice %arg15[%rem3A_77, %add3A_615, %dma_start3A_621] : memref<2x8x64xi32, #tpu.memory_space<vmem>> -> memref<1x1x32xi32, #tpu.memory_space<vmem>>
        %dma_start3A_623 = tpu.memref_squeeze %dma_start3A_622 : memref<1x1x32xi32, #tpu.memory_space<vmem>> -> memref<32xi32, #tpu.memory_space<vmem>>
        %dma_start3A_624 = arith.constant 0 : i32
        %dma_start3A_625 = arith.constant 0 : i32
        %dma_start3A_626 = tpu.memref_slice %arg2[%dma_start3A_624, %dma_start3A_625] : memref<10000x64xi32, #tpu.memory_space<hbm>> -> memref<10000x64xi32, #tpu.memory_space<hbm>>
        tpu.enqueue_indirect_dma source(%dma_start3A_626 : memref<10000x64xi32, #tpu.memory_space<hbm>>) target(%dma_start3A_620 : memref<32x64xi32, #tpu.memory_space<vmem>>) offsets(%dma_start3A_623 : memref<32xi32, #tpu.memory_space<vmem>>) semaphore(%arg23 : memref<!tpu.dma_semaphore, #tpu.memory_space<semaphore_mem>>)
        %dma_start3A_627 = arith.constant 1 : i32
        %dma_start3A_628 = arith.constant 32 : i32
        %dma_start3A_629 = arith.constant 0 : i32
        %dma_start3A_630 = tpu.memref_slice %arg18[%dma_start3A_627, %dma_start3A_628, %dma_start3A_629] : memref<2x64x64xi32, #tpu.memory_space<vmem>> -> memref<1x32x64xi32, #tpu.memory_space<vmem>>
        %dma_start3A_631 = tpu.memref_squeeze %dma_start3A_630 : memref<1x32x64xi32, #tpu.memory_space<vmem>> -> memref<32x64xi32, #tpu.memory_space<vmem>>
        %dma_start3A_632 = arith.constant 32 : i32
        %dma_start3A_633 = tpu.memref_slice %arg15[%rem3A_77, %add3A_615, %dma_start3A_632] : memref<2x8x64xi32, #tpu.memory_space<vmem>> -> memref<1x1x32xi32, #tpu.memory_space<vmem>>
        %dma_start3A_634 = tpu.memref_squeeze %dma_start3A_633 : memref<1x1x32xi32, #tpu.memory_space<vmem>> -> memref<32xi32, #tpu.memory_space<vmem>>
        %dma_start3A_635 = arith.constant 0 : i32
        %dma_start3A_636 = arith.constant 0 : i32
        %dma_start3A_637 = tpu.memref_slice %arg2[%dma_start3A_635, %dma_start3A_636] : memref<10000x64xi32, #tpu.memory_space<hbm>> -> memref<10000x64xi32, #tpu.memory_space<hbm>>
        tpu.enqueue_indirect_dma source(%dma_start3A_637 : memref<10000x64xi32, #tpu.memory_space<hbm>>) target(%dma_start3A_631 : memref<32x64xi32, #tpu.memory_space<vmem>>) offsets(%dma_start3A_634 : memref<32xi32, #tpu.memory_space<vmem>>) semaphore(%arg25 : memref<!tpu.dma_semaphore, #tpu.memory_space<semaphore_mem>>)
        %mul3A_638 = arith.constant 2 : i32
        %mul3A_639 = arith.muli %mul3A_638, %scan3A_371 : i32
        %add3A_640 = arith.constant 1 : i32
        %add3A_641 = arith.addi %mul3A_639, %add3A_640 : i32
        %dma_wait3A_642 = arith.constant 1 : i32
        %dma_wait3A_643 = arith.constant 0 : i32
        %dma_wait3A_644 = arith.constant 0 : i32
        %dma_wait3A_645 = tpu.memref_slice %arg18[%dma_wait3A_642, %dma_wait3A_643, %dma_wait3A_644] : memref<2x64x64xi32, #tpu.memory_space<vmem>> -> memref<1x32x64xi32, #tpu.memory_space<vmem>>
        %dma_wait3A_646 = tpu.memref_squeeze %dma_wait3A_645 : memref<1x32x64xi32, #tpu.memory_space<vmem>> -> memref<32x64xi32, #tpu.memory_space<vmem>>
        %dma_wait3A_647 = arith.constant 0 : i32
        %dma_wait3A_648 = tpu.memref_slice %arg15[%rem3A_77, %add3A_641, %dma_wait3A_647] : memref<2x8x64xi32, #tpu.memory_space<vmem>> -> memref<1x1x32xi32, #tpu.memory_space<vmem>>
        %dma_wait3A_649 = tpu.memref_squeeze %dma_wait3A_648 : memref<1x1x32xi32, #tpu.memory_space<vmem>> -> memref<32xi32, #tpu.memory_space<vmem>>
        %dma_wait3A_650 = arith.constant 0 : i32
        %dma_wait3A_651 = arith.constant 0 : i32
        %dma_wait3A_652 = tpu.memref_slice %arg2[%dma_wait3A_650, %dma_wait3A_651] : memref<10000x64xi32, #tpu.memory_space<hbm>> -> memref<10000x64xi32, #tpu.memory_space<hbm>>
        tpu.wait_indirect_dma semaphore(%arg23 : memref<!tpu.dma_semaphore, #tpu.memory_space<semaphore_mem>>) src(%dma_wait3A_652 : memref<10000x64xi32, #tpu.memory_space<hbm>>) dst(%dma_wait3A_646 : memref<32x64xi32, #tpu.memory_space<vmem>>)
        %dma_wait3A_653 = arith.constant 1 : i32
        %dma_wait3A_654 = arith.constant 32 : i32
        %dma_wait3A_655 = arith.constant 0 : i32
        %dma_wait3A_656 = tpu.memref_slice %arg18[%dma_wait3A_653, %dma_wait3A_654, %dma_wait3A_655] : memref<2x64x64xi32, #tpu.memory_space<vmem>> -> memref<1x32x64xi32, #tpu.memory_space<vmem>>
        %dma_wait3A_657 = tpu.memref_squeeze %dma_wait3A_656 : memref<1x32x64xi32, #tpu.memory_space<vmem>> -> memref<32x64xi32, #tpu.memory_space<vmem>>
        %dma_wait3A_658 = arith.constant 32 : i32
        %dma_wait3A_659 = tpu.memref_slice %arg15[%rem3A_77, %add3A_641, %dma_wait3A_658] : memref<2x8x64xi32, #tpu.memory_space<vmem>> -> memref<1x1x32xi32, #tpu.memory_space<vmem>>
        %dma_wait3A_660 = tpu.memref_squeeze %dma_wait3A_659 : memref<1x1x32xi32, #tpu.memory_space<vmem>> -> memref<32xi32, #tpu.memory_space<vmem>>
        %dma_wait3A_661 = arith.constant 0 : i32
        %dma_wait3A_662 = arith.constant 0 : i32
        %dma_wait3A_663 = tpu.memref_slice %arg2[%dma_wait3A_661, %dma_wait3A_662] : memref<10000x64xi32, #tpu.memory_space<hbm>> -> memref<10000x64xi32, #tpu.memory_space<hbm>>
        tpu.wait_indirect_dma semaphore(%arg25 : memref<!tpu.dma_semaphore, #tpu.memory_space<semaphore_mem>>) src(%dma_wait3A_663 : memref<10000x64xi32, #tpu.memory_space<hbm>>) dst(%dma_wait3A_657 : memref<32x64xi32, #tpu.memory_space<vmem>>)
        %scan3A_664 = arith.constant 0 : i32
        %scan3A_665 = arith.constant 0 : i32
        %scan3A_666 = arith.constant 64 : i32
        %scan3A_667 = arith.addi %scan3A_665, %scan3A_666 : i32
        %scan3A_668 = arith.constant 8 : i32
        scf.for %scan3A_716 = %scan3A_665 to %scan3A_667 step %scan3A_668  : i32 {
          %broadcast_in_dim3A_717 = arith.constant 0 : i32
          %broadcast_in_dim3A_718 = vector.broadcast %broadcast_in_dim3A_717 : i32 to vector<16xi32>
          %add3A_719 = vector.broadcast %scan3A_716 : i32 to vector<16xi32>
          %add3A_720 = arith.addi %broadcast_in_dim3A_718, %add3A_719 : vector<16xi32>
          %gather3A_721 = arith.constant 1 : i32
          %gather3A_722 = arith.constant 0 : i32
          %gather3A_723 = tpu.memref_slice %arg17[%gather3A_721, %gather3A_722] : memref<2x64xf32, #tpu.memory_space<vmem>> -> memref<1x64xf32, #tpu.memory_space<vmem>>
          %gather3A_724 = tpu.memref_squeeze %gather3A_723 : memref<1x64xf32, #tpu.memory_space<vmem>> -> memref<64xf32, #tpu.memory_space<vmem>>
          %gather3A_725 = tpu.vector_load_idx %gather3A_724[%add3A_720] : memref<64xf32, #tpu.memory_space<vmem>>[vector<16xi32>], vector<16xf32>,
          %get3A_726 = arith.constant 1 : i32
          %get3A_727 = arith.index_cast %get3A_726 : i32 to index
          %get3A_728 = arith.index_cast %scan3A_716 : i32 to index
          %get3A_729 = arith.constant 0 : index
          %get3A_730 = tpu.vector_load %arg18[%get3A_727, %get3A_728, %get3A_729] {strides = array<i32>} : memref<2x64x64xi32, #tpu.memory_space<vmem>>, vector<16xi32>,
          %shift_left3A = arith.constant 16 : i32
          %shift_left3A_731 = vector.broadcast %shift_left3A : i32 to vector<16xi32>
          %shift_left3A_732 = arith.shli %get3A_730, %shift_left3A_731 : vector<16xi32>
          %bitcast_convert_type3A = tpu.bitcast %shift_left3A_732 : vector<16xi32> -> vector<16xf32>
          %and3A = arith.constant -65536 : i32
          %and3A_733 = vector.broadcast %and3A : i32 to vector<16xi32>
          %and3A_734 = arith.andi %get3A_730, %and3A_733 : vector<16xi32>
          %bitcast_convert_type3A_735 = tpu.bitcast %and3A_734 : vector<16xi32> -> vector<16xf32>
          %mul3A_736 = arith.mulf %bitcast_convert_type3A, %gather3A_725 : vector<16xf32>
          %swap3A_737 = arith.constant 1 : i32
          %swap3A_738 = arith.index_cast %swap3A_737 : i32 to index
          %swap3A_739 = arith.index_cast %scan3A_716 : i32 to index
          %swap3A_740 = arith.constant 0 : index
          %swap3A_741 = tpu.vector_load %arg19[%swap3A_738, %swap3A_739, %swap3A_740] {strides = array<i32>} : memref<2x64x128xf32, #tpu.memory_space<vmem>>, vector<16xf32>,
          tpu.vector_store %arg19[%swap3A_738, %swap3A_739, %swap3A_740], %mul3A_736 {strides = array<i32>} : memref<2x64x128xf32, #tpu.memory_space<vmem>>, vector<16xf32>,
          %mul3A_742 = arith.mulf %bitcast_convert_type3A_735, %gather3A_725 : vector<16xf32>
          %swap3A_743 = arith.constant 1 : i32
          %swap3A_744 = arith.index_cast %swap3A_743 : i32 to index
          %swap3A_745 = arith.index_cast %scan3A_716 : i32 to index
          %swap3A_746 = arith.constant 64 : index
          %swap3A_747 = tpu.vector_load %arg19[%swap3A_744, %swap3A_745, %swap3A_746] {strides = array<i32>} : memref<2x64x128xf32, #tpu.memory_space<vmem>>, vector<16xf32>,
          tpu.vector_store %arg19[%swap3A_744, %swap3A_745, %swap3A_746], %mul3A_742 {strides = array<i32>} : memref<2x64x128xf32, #tpu.memory_space<vmem>>, vector<16xf32>,
          %get3A_748 = arith.constant 1 : i32
          %get3A_749 = arith.index_cast %get3A_748 : i32 to index
          %get3A_750 = arith.index_cast %scan3A_716 : i32 to index
          %get3A_751 = arith.constant 16 : index
          %get3A_752 = tpu.vector_load %arg18[%get3A_749, %get3A_750, %get3A_751] {strides = array<i32>} : memref<2x64x64xi32, #tpu.memory_space<vmem>>, vector<16xi32>,
          %shift_left3A_753 = arith.constant 16 : i32
          %shift_left3A_754 = vector.broadcast %shift_left3A_753 : i32 to vector<16xi32>
          %shift_left3A_755 = arith.shli %get3A_752, %shift_left3A_754 : vector<16xi32>
          %bitcast_convert_type3A_756 = tpu.bitcast %shift_left3A_755 : vector<16xi32> -> vector<16xf32>
          %and3A_757 = arith.constant -65536 : i32
          %and3A_758 = vector.broadcast %and3A_757 : i32 to vector<16xi32>
          %and3A_759 = arith.andi %get3A_752, %and3A_758 : vector<16xi32>
          %bitcast_convert_type3A_760 = tpu.bitcast %and3A_759 : vector<16xi32> -> vector<16xf32>
          %mul3A_761 = arith.mulf %bitcast_convert_type3A_756, %gather3A_725 : vector<16xf32>
          %swap3A_762 = arith.constant 1 : i32
          %swap3A_763 = arith.index_cast %swap3A_762 : i32 to index
          %swap3A_764 = arith.index_cast %scan3A_716 : i32 to index
          %swap3A_765 = arith.constant 16 : index
          %swap3A_766 = tpu.vector_load %arg19[%swap3A_763, %swap3A_764, %swap3A_765] {strides = array<i32>} : memref<2x64x128xf32, #tpu.memory_space<vmem>>, vector<16xf32>,
          tpu.vector_store %arg19[%swap3A_763, %swap3A_764, %swap3A_765], %mul3A_761 {strides = array<i32>} : memref<2x64x128xf32, #tpu.memory_space<vmem>>, vector<16xf32>,
          %mul3A_767 = arith.mulf %bitcast_convert_type3A_760, %gather3A_725 : vector<16xf32>
          %swap3A_768 = arith.constant 1 : i32
          %swap3A_769 = arith.index_cast %swap3A_768 : i32 to index
          %swap3A_770 = arith.index_cast %scan3A_716 : i32 to index
          %swap3A_771 = arith.constant 80 : index
          %swap3A_772 = tpu.vector_load %arg19[%swap3A_769, %swap3A_770, %swap3A_771] {strides = array<i32>} : memref<2x64x128xf32, #tpu.memory_space<vmem>>, vector<16xf32>,
          tpu.vector_store %arg19[%swap3A_769, %swap3A_770, %swap3A_771], %mul3A_767 {strides = array<i32>} : memref<2x64x128xf32, #tpu.memory_space<vmem>>, vector<16xf32>,
          %get3A_773 = arith.constant 1 : i32
          %get3A_774 = arith.index_cast %get3A_773 : i32 to index
          %get3A_775 = arith.index_cast %scan3A_716 : i32 to index
          %get3A_776 = arith.constant 32 : index
          %get3A_777 = tpu.vector_load %arg18[%get3A_774, %get3A_775, %get3A_776] {strides = array<i32>} : memref<2x64x64xi32, #tpu.memory_space<vmem>>, vector<16xi32>,
          %shift_left3A_778 = arith.constant 16 : i32
          %shift_left3A_779 = vector.broadcast %shift_left3A_778 : i32 to vector<16xi32>
          %shift_left3A_780 = arith.shli %get3A_777, %shift_left3A_779 : vector<16xi32>
          %bitcast_convert_type3A_781 = tpu.bitcast %shift_left3A_780 : vector<16xi32> -> vector<16xf32>
          %and3A_782 = arith.constant -65536 : i32
          %and3A_783 = vector.broadcast %and3A_782 : i32 to vector<16xi32>
          %and3A_784 = arith.andi %get3A_777, %and3A_783 : vector<16xi32>
          %bitcast_convert_type3A_785 = tpu.bitcast %and3A_784 : vector<16xi32> -> vector<16xf32>
          %mul3A_786 = arith.mulf %bitcast_convert_type3A_781, %gather3A_725 : vector<16xf32>
          %swap3A_787 = arith.constant 1 : i32
          %swap3A_788 = arith.index_cast %swap3A_787 : i32 to index
          %swap3A_789 = arith.index_cast %scan3A_716 : i32 to index
          %swap3A_790 = arith.constant 32 : index
          %swap3A_791 = tpu.vector_load %arg19[%swap3A_788, %swap3A_789, %swap3A_790] {strides = array<i32>} : memref<2x64x128xf32, #tpu.memory_space<vmem>>, vector<16xf32>,
          tpu.vector_store %arg19[%swap3A_788, %swap3A_789, %swap3A_790], %mul3A_786 {strides = array<i32>} : memref<2x64x128xf32, #tpu.memory_space<vmem>>, vector<16xf32>,
          %mul3A_792 = arith.mulf %bitcast_convert_type3A_785, %gather3A_725 : vector<16xf32>
          %swap3A_793 = arith.constant 1 : i32
          %swap3A_794 = arith.index_cast %swap3A_793 : i32 to index
          %swap3A_795 = arith.index_cast %scan3A_716 : i32 to index
          %swap3A_796 = arith.constant 96 : index
          %swap3A_797 = tpu.vector_load %arg19[%swap3A_794, %swap3A_795, %swap3A_796] {strides = array<i32>} : memref<2x64x128xf32, #tpu.memory_space<vmem>>, vector<16xf32>,
          tpu.vector_store %arg19[%swap3A_794, %swap3A_795, %swap3A_796], %mul3A_792 {strides = array<i32>} : memref<2x64x128xf32, #tpu.memory_space<vmem>>, vector<16xf32>,
          %get3A_798 = arith.constant 1 : i32
          %get3A_799 = arith.index_cast %get3A_798 : i32 to index
          %get3A_800 = arith.index_cast %scan3A_716 : i32 to index
          %get3A_801 = arith.constant 48 : index
          %get3A_802 = tpu.vector_load %arg18[%get3A_799, %get3A_800, %get3A_801] {strides = array<i32>} : memref<2x64x64xi32, #tpu.memory_space<vmem>>, vector<16xi32>,
          %shift_left3A_803 = arith.constant 16 : i32
          %shift_left3A_804 = vector.broadcast %shift_left3A_803 : i32 to vector<16xi32>
          %shift_left3A_805 = arith.shli %get3A_802, %shift_left3A_804 : vector<16xi32>
          %bitcast_convert_type3A_806 = tpu.bitcast %shift_left3A_805 : vector<16xi32> -> vector<16xf32>
          %and3A_807 = arith.constant -65536 : i32
          %and3A_808 = vector.broadcast %and3A_807 : i32 to vector<16xi32>
          %and3A_809 = arith.andi %get3A_802, %and3A_808 : vector<16xi32>
          %bitcast_convert_type3A_810 = tpu.bitcast %and3A_809 : vector<16xi32> -> vector<16xf32>
          %mul3A_811 = arith.mulf %bitcast_convert_type3A_806, %gather3A_725 : vector<16xf32>
          %swap3A_812 = arith.constant 1 : i32
          %swap3A_813 = arith.index_cast %swap3A_812 : i32 to index
          %swap3A_814 = arith.index_cast %scan3A_716 : i32 to index
          %swap3A_815 = arith.constant 48 : index
          %swap3A_816 = tpu.vector_load %arg19[%swap3A_813, %swap3A_814, %swap3A_815] {strides = array<i32>} : memref<2x64x128xf32, #tpu.memory_space<vmem>>, vector<16xf32>,
          tpu.vector_store %arg19[%swap3A_813, %swap3A_814, %swap3A_815], %mul3A_811 {strides = array<i32>} : memref<2x64x128xf32, #tpu.memory_space<vmem>>, vector<16xf32>,
          %mul3A_817 = arith.mulf %bitcast_convert_type3A_810, %gather3A_725 : vector<16xf32>
          %swap3A_818 = arith.constant 1 : i32
          %swap3A_819 = arith.index_cast %swap3A_818 : i32 to index
          %swap3A_820 = arith.index_cast %scan3A_716 : i32 to index
          %swap3A_821 = arith.constant 112 : index
          %swap3A_822 = tpu.vector_load %arg19[%swap3A_819, %swap3A_820, %swap3A_821] {strides = array<i32>} : memref<2x64x128xf32, #tpu.memory_space<vmem>>, vector<16xf32>,
          tpu.vector_store %arg19[%swap3A_819, %swap3A_820, %swap3A_821], %mul3A_817 {strides = array<i32>} : memref<2x64x128xf32, #tpu.memory_space<vmem>>, vector<16xf32>,
          %scan3A_823 = arith.constant 1 : i32
          %scan3A_824 = arith.addi %scan3A_716, %scan3A_823 : i32
          %broadcast_in_dim3A_825 = arith.constant 0 : i32
          %broadcast_in_dim3A_826 = vector.broadcast %broadcast_in_dim3A_825 : i32 to vector<16xi32>
          %add3A_827 = vector.broadcast %scan3A_824 : i32 to vector<16xi32>
          %add3A_828 = arith.addi %broadcast_in_dim3A_826, %add3A_827 : vector<16xi32>
          %gather3A_829 = arith.constant 1 : i32
          %gather3A_830 = arith.constant 0 : i32
          %gather3A_831 = tpu.memref_slice %arg17[%gather3A_829, %gather3A_830] : memref<2x64xf32, #tpu.memory_space<vmem>> -> memref<1x64xf32, #tpu.memory_space<vmem>>
          %gather3A_832 = tpu.memref_squeeze %gather3A_831 : memref<1x64xf32, #tpu.memory_space<vmem>> -> memref<64xf32, #tpu.memory_space<vmem>>
          %gather3A_833 = tpu.vector_load_idx %gather3A_832[%add3A_828] : memref<64xf32, #tpu.memory_space<vmem>>[vector<16xi32>], vector<16xf32>,
          %get3A_834 = arith.constant 1 : i32
          %get3A_835 = arith.index_cast %get3A_834 : i32 to index
          %get3A_836 = arith.index_cast %scan3A_824 : i32 to index
          %get3A_837 = arith.constant 0 : index
          %get3A_838 = tpu.vector_load %arg18[%get3A_835, %get3A_836, %get3A_837] {strides = array<i32>} : memref<2x64x64xi32, #tpu.memory_space<vmem>>, vector<16xi32>,
          %shift_left3A_839 = arith.constant 16 : i32
          %shift_left3A_840 = vector.broadcast %shift_left3A_839 : i32 to vector<16xi32>
          %shift_left3A_841 = arith.shli %get3A_838, %shift_left3A_840 : vector<16xi32>
          %bitcast_convert_type3A_842 = tpu.bitcast %shift_left3A_841 : vector<16xi32> -> vector<16xf32>
          %and3A_843 = arith.constant -65536 : i32
          %and3A_844 = vector.broadcast %and3A_843 : i32 to vector<16xi32>
          %and3A_845 = arith.andi %get3A_838, %and3A_844 : vector<16xi32>
          %bitcast_convert_type3A_846 = tpu.bitcast %and3A_845 : vector<16xi32> -> vector<16xf32>
          %mul3A_847 = arith.mulf %bitcast_convert_type3A_842, %gather3A_833 : vector<16xf32>
          %swap3A_848 = arith.constant 1 : i32
          %swap3A_849 = arith.index_cast %swap3A_848 : i32 to index
          %swap3A_850 = arith.index_cast %scan3A_824 : i32 to index
          %swap3A_851 = arith.constant 0 : index
          %swap3A_852 = tpu.vector_load %arg19[%swap3A_849, %swap3A_850, %swap3A_851] {strides = array<i32>} : memref<2x64x128xf32, #tpu.memory_space<vmem>>, vector<16xf32>,
          tpu.vector_store %arg19[%swap3A_849, %swap3A_850, %swap3A_851], %mul3A_847 {strides = array<i32>} : memref<2x64x128xf32, #tpu.memory_space<vmem>>, vector<16xf32>,
          %mul3A_853 = arith.mulf %bitcast_convert_type3A_846, %gather3A_833 : vector<16xf32>
          %swap3A_854 = arith.constant 1 : i32
          %swap3A_855 = arith.index_cast %swap3A_854 : i32 to index
          %swap3A_856 = arith.index_cast %scan3A_824 : i32 to index
          %swap3A_857 = arith.constant 64 : index
          %swap3A_858 = tpu.vector_load %arg19[%swap3A_855, %swap3A_856, %swap3A_857] {strides = array<i32>} : memref<2x64x128xf32, #tpu.memory_space<vmem>>, vector<16xf32>,
          tpu.vector_store %arg19[%swap3A_855, %swap3A_856, %swap3A_857], %mul3A_853 {strides = array<i32>} : memref<2x64x128xf32, #tpu.memory_space<vmem>>, vector<16xf32>,
          %get3A_859 = arith.constant 1 : i32
          %get3A_860 = arith.index_cast %get3A_859 : i32 to index
          %get3A_861 = arith.index_cast %scan3A_824 : i32 to index
          %get3A_862 = arith.constant 16 : index
          %get3A_863 = tpu.vector_load %arg18[%get3A_860, %get3A_861, %get3A_862] {strides = array<i32>} : memref<2x64x64xi32, #tpu.memory_space<vmem>>, vector<16xi32>,
          %shift_left3A_864 = arith.constant 16 : i32
          %shift_left3A_865 = vector.broadcast %shift_left3A_864 : i32 to vector<16xi32>
          %shift_left3A_866 = arith.shli %get3A_863, %shift_left3A_865 : vector<16xi32>
          %bitcast_convert_type3A_867 = tpu.bitcast %shift_left3A_866 : vector<16xi32> -> vector<16xf32>
          %and3A_868 = arith.constant -65536 : i32
          %and3A_869 = vector.broadcast %and3A_868 : i32 to vector<16xi32>
          %and3A_870 = arith.andi %get3A_863, %and3A_869 : vector<16xi32>
          %bitcast_convert_type3A_871 = tpu.bitcast %and3A_870 : vector<16xi32> -> vector<16xf32>
          %mul3A_872 = arith.mulf %bitcast_convert_type3A_867, %gather3A_833 : vector<16xf32>
          %swap3A_873 = arith.constant 1 : i32
          %swap3A_874 = arith.index_cast %swap3A_873 : i32 to index
          %swap3A_875 = arith.index_cast %scan3A_824 : i32 to index
          %swap3A_876 = arith.constant 16 : index
          %swap3A_877 = tpu.vector_load %arg19[%swap3A_874, %swap3A_875, %swap3A_876] {strides = array<i32>} : memref<2x64x128xf32, #tpu.memory_space<vmem>>, vector<16xf32>,
          tpu.vector_store %arg19[%swap3A_874, %swap3A_875, %swap3A_876], %mul3A_872 {strides = array<i32>} : memref<2x64x128xf32, #tpu.memory_space<vmem>>, vector<16xf32>,
          %mul3A_878 = arith.mulf %bitcast_convert_type3A_871, %gather3A_833 : vector<16xf32>
          %swap3A_879 = arith.constant 1 : i32
          %swap3A_880 = arith.index_cast %swap3A_879 : i32 to index
          %swap3A_881 = arith.index_cast %scan3A_824 : i32 to index
          %swap3A_882 = arith.constant 80 : index
          %swap3A_883 = tpu.vector_load %arg19[%swap3A_880, %swap3A_881, %swap3A_882] {strides = array<i32>} : memref<2x64x128xf32, #tpu.memory_space<vmem>>, vector<16xf32>,
          tpu.vector_store %arg19[%swap3A_880, %swap3A_881, %swap3A_882], %mul3A_878 {strides = array<i32>} : memref<2x64x128xf32, #tpu.memory_space<vmem>>, vector<16xf32>,
          %get3A_884 = arith.constant 1 : i32
          %get3A_885 = arith.index_cast %get3A_884 : i32 to index
          %get3A_886 = arith.index_cast %scan3A_824 : i32 to index
          %get3A_887 = arith.constant 32 : index
          %get3A_888 = tpu.vector_load %arg18[%get3A_885, %get3A_886, %get3A_887] {strides = array<i32>} : memref<2x64x64xi32, #tpu.memory_space<vmem>>, vector<16xi32>,
          %shift_left3A_889 = arith.constant 16 : i32
          %shift_left3A_890 = vector.broadcast %shift_left3A_889 : i32 to vector<16xi32>
          %shift_left3A_891 = arith.shli %get3A_888, %shift_left3A_890 : vector<16xi32>
          %bitcast_convert_type3A_892 = tpu.bitcast %shift_left3A_891 : vector<16xi32> -> vector<16xf32>
          %and3A_893 = arith.constant -65536 : i32
          %and3A_894 = vector.broadcast %and3A_893 : i32 to vector<16xi32>
          %and3A_895 = arith.andi %get3A_888, %and3A_894 : vector<16xi32>
          %bitcast_convert_type3A_896 = tpu.bitcast %and3A_895 : vector<16xi32> -> vector<16xf32>
          %mul3A_897 = arith.mulf %bitcast_convert_type3A_892, %gather3A_833 : vector<16xf32>
          %swap3A_898 = arith.constant 1 : i32
          %swap3A_899 = arith.index_cast %swap3A_898 : i32 to index
          %swap3A_900 = arith.index_cast %scan3A_824 : i32 to index
          %swap3A_901 = arith.constant 32 : index
          %swap3A_902 = tpu.vector_load %arg19[%swap3A_899, %swap3A_900, %swap3A_901] {strides = array<i32>} : memref<2x64x128xf32, #tpu.memory_space<vmem>>, vector<16xf32>,
          tpu.vector_store %arg19[%swap3A_899, %swap3A_900, %swap3A_901], %mul3A_897 {strides = array<i32>} : memref<2x64x128xf32, #tpu.memory_space<vmem>>, vector<16xf32>,
          %mul3A_903 = arith.mulf %bitcast_convert_type3A_896, %gather3A_833 : vector<16xf32>
          %swap3A_904 = arith.constant 1 : i32
          %swap3A_905 = arith.index_cast %swap3A_904 : i32 to index
          %swap3A_906 = arith.index_cast %scan3A_824 : i32 to index
          %swap3A_907 = arith.constant 96 : index
          %swap3A_908 = tpu.vector_load %arg19[%swap3A_905, %swap3A_906, %swap3A_907] {strides = array<i32>} : memref<2x64x128xf32, #tpu.memory_space<vmem>>, vector<16xf32>,
          tpu.vector_store %arg19[%swap3A_905, %swap3A_906, %swap3A_907], %mul3A_903 {strides = array<i32>} : memref<2x64x128xf32, #tpu.memory_space<vmem>>, vector<16xf32>,
          %get3A_909 = arith.constant 1 : i32
          %get3A_910 = arith.index_cast %get3A_909 : i32 to index
          %get3A_911 = arith.index_cast %scan3A_824 : i32 to index
          %get3A_912 = arith.constant 48 : index
          %get3A_913 = tpu.vector_load %arg18[%get3A_910, %get3A_911, %get3A_912] {strides = array<i32>} : memref<2x64x64xi32, #tpu.memory_space<vmem>>, vector<16xi32>,
          %shift_left3A_914 = arith.constant 16 : i32
          %shift_left3A_915 = vector.broadcast %shift_left3A_914 : i32 to vector<16xi32>
          %shift_left3A_916 = arith.shli %get3A_913, %shift_left3A_915 : vector<16xi32>
          %bitcast_convert_type3A_917 = tpu.bitcast %shift_left3A_916 : vector<16xi32> -> vector<16xf32>
          %and3A_918 = arith.constant -65536 : i32
          %and3A_919 = vector.broadcast %and3A_918 : i32 to vector<16xi32>
          %and3A_920 = arith.andi %get3A_913, %and3A_919 : vector<16xi32>
          %bitcast_convert_type3A_921 = tpu.bitcast %and3A_920 : vector<16xi32> -> vector<16xf32>
          %mul3A_922 = arith.mulf %bitcast_convert_type3A_917, %gather3A_833 : vector<16xf32>
          %swap3A_923 = arith.constant 1 : i32
          %swap3A_924 = arith.index_cast %swap3A_923 : i32 to index
          %swap3A_925 = arith.index_cast %scan3A_824 : i32 to index
          %swap3A_926 = arith.constant 48 : index
          %swap3A_927 = tpu.vector_load %arg19[%swap3A_924, %swap3A_925, %swap3A_926] {strides = array<i32>} : memref<2x64x128xf32, #tpu.memory_space<vmem>>, vector<16xf32>,
          tpu.vector_store %arg19[%swap3A_924, %swap3A_925, %swap3A_926], %mul3A_922 {strides = array<i32>} : memref<2x64x128xf32, #tpu.memory_space<vmem>>, vector<16xf32>,
          %mul3A_928 = arith.mulf %bitcast_convert_type3A_921, %gather3A_833 : vector<16xf32>
          %swap3A_929 = arith.constant 1 : i32
          %swap3A_930 = arith.index_cast %swap3A_929 : i32 to index
          %swap3A_931 = arith.index_cast %scan3A_824 : i32 to index
          %swap3A_932 = arith.constant 112 : index
          %swap3A_933 = tpu.vector_load %arg19[%swap3A_930, %swap3A_931, %swap3A_932] {strides = array<i32>} : memref<2x64x128xf32, #tpu.memory_space<vmem>>, vector<16xf32>,
          tpu.vector_store %arg19[%swap3A_930, %swap3A_931, %swap3A_932], %mul3A_928 {strides = array<i32>} : memref<2x64x128xf32, #tpu.memory_space<vmem>>, vector<16xf32>,
          %scan3A_934 = arith.constant 2 : i32
          %scan3A_935 = arith.addi %scan3A_716, %scan3A_934 : i32
          %broadcast_in_dim3A_936 = arith.constant 0 : i32
          %broadcast_in_dim3A_937 = vector.broadcast %broadcast_in_dim3A_936 : i32 to vector<16xi32>
          %add3A_938 = vector.broadcast %scan3A_935 : i32 to vector<16xi32>
          %add3A_939 = arith.addi %broadcast_in_dim3A_937, %add3A_938 : vector<16xi32>
          %gather3A_940 = arith.constant 1 : i32
          %gather3A_941 = arith.constant 0 : i32
          %gather3A_942 = tpu.memref_slice %arg17[%gather3A_940, %gather3A_941] : memref<2x64xf32, #tpu.memory_space<vmem>> -> memref<1x64xf32, #tpu.memory_space<vmem>>
          %gather3A_943 = tpu.memref_squeeze %gather3A_942 : memref<1x64xf32, #tpu.memory_space<vmem>> -> memref<64xf32, #tpu.memory_space<vmem>>
          %gather3A_944 = tpu.vector_load_idx %gather3A_943[%add3A_939] : memref<64xf32, #tpu.memory_space<vmem>>[vector<16xi32>], vector<16xf32>,
          %get3A_945 = arith.constant 1 : i32
          %get3A_946 = arith.index_cast %get3A_945 : i32 to index
          %get3A_947 = arith.index_cast %scan3A_935 : i32 to index
          %get3A_948 = arith.constant 0 : index
          %get3A_949 = tpu.vector_load %arg18[%get3A_946, %get3A_947, %get3A_948] {strides = array<i32>} : memref<2x64x64xi32, #tpu.memory_space<vmem>>, vector<16xi32>,
          %shift_left3A_950 = arith.constant 16 : i32
          %shift_left3A_951 = vector.broadcast %shift_left3A_950 : i32 to vector<16xi32>
          %shift_left3A_952 = arith.shli %get3A_949, %shift_left3A_951 : vector<16xi32>
          %bitcast_convert_type3A_953 = tpu.bitcast %shift_left3A_952 : vector<16xi32> -> vector<16xf32>
          %and3A_954 = arith.constant -65536 : i32
          %and3A_955 = vector.broadcast %and3A_954 : i32 to vector<16xi32>
          %and3A_956 = arith.andi %get3A_949, %and3A_955 : vector<16xi32>
          %bitcast_convert_type3A_957 = tpu.bitcast %and3A_956 : vector<16xi32> -> vector<16xf32>
          %mul3A_958 = arith.mulf %bitcast_convert_type3A_953, %gather3A_944 : vector<16xf32>
          %swap3A_959 = arith.constant 1 : i32
          %swap3A_960 = arith.index_cast %swap3A_959 : i32 to index
          %swap3A_961 = arith.index_cast %scan3A_935 : i32 to index
          %swap3A_962 = arith.constant 0 : index
          %swap3A_963 = tpu.vector_load %arg19[%swap3A_960, %swap3A_961, %swap3A_962] {strides = array<i32>} : memref<2x64x128xf32, #tpu.memory_space<vmem>>, vector<16xf32>,
          tpu.vector_store %arg19[%swap3A_960, %swap3A_961, %swap3A_962], %mul3A_958 {strides = array<i32>} : memref<2x64x128xf32, #tpu.memory_space<vmem>>, vector<16xf32>,
          %mul3A_964 = arith.mulf %bitcast_convert_type3A_957, %gather3A_944 : vector<16xf32>
          %swap3A_965 = arith.constant 1 : i32
          %swap3A_966 = arith.index_cast %swap3A_965 : i32 to index
          %swap3A_967 = arith.index_cast %scan3A_935 : i32 to index
          %swap3A_968 = arith.constant 64 : index
          %swap3A_969 = tpu.vector_load %arg19[%swap3A_966, %swap3A_967, %swap3A_968] {strides = array<i32>} : memref<2x64x128xf32, #tpu.memory_space<vmem>>, vector<16xf32>,
          tpu.vector_store %arg19[%swap3A_966, %swap3A_967, %swap3A_968], %mul3A_964 {strides = array<i32>} : memref<2x64x128xf32, #tpu.memory_space<vmem>>, vector<16xf32>,
          %get3A_970 = arith.constant 1 : i32
          %get3A_971 = arith.index_cast %get3A_970 : i32 to index
          %get3A_972 = arith.index_cast %scan3A_935 : i32 to index
          %get3A_973 = arith.constant 16 : index
          %get3A_974 = tpu.vector_load %arg18[%get3A_971, %get3A_972, %get3A_973] {strides = array<i32>} : memref<2x64x64xi32, #tpu.memory_space<vmem>>, vector<16xi32>,
          %shift_left3A_975 = arith.constant 16 : i32
          %shift_left3A_976 = vector.broadcast %shift_left3A_975 : i32 to vector<16xi32>
          %shift_left3A_977 = arith.shli %get3A_974, %shift_left3A_976 : vector<16xi32>
          %bitcast_convert_type3A_978 = tpu.bitcast %shift_left3A_977 : vector<16xi32> -> vector<16xf32>
          %and3A_979 = arith.constant -65536 : i32
          %and3A_980 = vector.broadcast %and3A_979 : i32 to vector<16xi32>
          %and3A_981 = arith.andi %get3A_974, %and3A_980 : vector<16xi32>
          %bitcast_convert_type3A_982 = tpu.bitcast %and3A_981 : vector<16xi32> -> vector<16xf32>
          %mul3A_983 = arith.mulf %bitcast_convert_type3A_978, %gather3A_944 : vector<16xf32>
          %swap3A_984 = arith.constant 1 : i32
          %swap3A_985 = arith.index_cast %swap3A_984 : i32 to index
          %swap3A_986 = arith.index_cast %scan3A_935 : i32 to index
          %swap3A_987 = arith.constant 16 : index
          %swap3A_988 = tpu.vector_load %arg19[%swap3A_985, %swap3A_986, %swap3A_987] {strides = array<i32>} : memref<2x64x128xf32, #tpu.memory_space<vmem>>, vector<16xf32>,
          tpu.vector_store %arg19[%swap3A_985, %swap3A_986, %swap3A_987], %mul3A_983 {strides = array<i32>} : memref<2x64x128xf32, #tpu.memory_space<vmem>>, vector<16xf32>,
          %mul3A_989 = arith.mulf %bitcast_convert_type3A_982, %gather3A_944 : vector<16xf32>
          %swap3A_990 = arith.constant 1 : i32
          %swap3A_991 = arith.index_cast %swap3A_990 : i32 to index
          %swap3A_992 = arith.index_cast %scan3A_935 : i32 to index
          %swap3A_993 = arith.constant 80 : index
          %swap3A_994 = tpu.vector_load %arg19[%swap3A_991, %swap3A_992, %swap3A_993] {strides = array<i32>} : memref<2x64x128xf32, #tpu.memory_space<vmem>>, vector<16xf32>,
          tpu.vector_store %arg19[%swap3A_991, %swap3A_992, %swap3A_993], %mul3A_989 {strides = array<i32>} : memref<2x64x128xf32, #tpu.memory_space<vmem>>, vector<16xf32>,
          %get3A_995 = arith.constant 1 : i32
          %get3A_996 = arith.index_cast %get3A_995 : i32 to index
          %get3A_997 = arith.index_cast %scan3A_935 : i32 to index
          %get3A_998 = arith.constant 32 : index
          %get3A_999 = tpu.vector_load %arg18[%get3A_996, %get3A_997, %get3A_998] {strides = array<i32>} : memref<2x64x64xi32, #tpu.memory_space<vmem>>, vector<16xi32>,
          %shift_left3A_1000 = arith.constant 16 : i32
          %shift_left3A_1001 = vector.broadcast %shift_left3A_1000 : i32 to vector<16xi32>
          %shift_left3A_1002 = arith.shli %get3A_999, %shift_left3A_1001 : vector<16xi32>
          %bitcast_convert_type3A_1003 = tpu.bitcast %shift_left3A_1002 : vector<16xi32> -> vector<16xf32>
          %and3A_1004 = arith.constant -65536 : i32
          %and3A_1005 = vector.broadcast %and3A_1004 : i32 to vector<16xi32>
          %and3A_1006 = arith.andi %get3A_999, %and3A_1005 : vector<16xi32>
          %bitcast_convert_type3A_1007 = tpu.bitcast %and3A_1006 : vector<16xi32> -> vector<16xf32>
          %mul3A_1008 = arith.mulf %bitcast_convert_type3A_1003, %gather3A_944 : vector<16xf32>
          %swap3A_1009 = arith.constant 1 : i32
          %swap3A_1010 = arith.index_cast %swap3A_1009 : i32 to index
          %swap3A_1011 = arith.index_cast %scan3A_935 : i32 to index
          %swap3A_1012 = arith.constant 32 : index
          %swap3A_1013 = tpu.vector_load %arg19[%swap3A_1010, %swap3A_1011, %swap3A_1012] {strides = array<i32>} : memref<2x64x128xf32, #tpu.memory_space<vmem>>, vector<16xf32>,
          tpu.vector_store %arg19[%swap3A_1010, %swap3A_1011, %swap3A_1012], %mul3A_1008 {strides = array<i32>} : memref<2x64x128xf32, #tpu.memory_space<vmem>>, vector<16xf32>,
          %mul3A_1014 = arith.mulf %bitcast_convert_type3A_1007, %gather3A_944 : vector<16xf32>
          %swap3A_1015 = arith.constant 1 : i32
          %swap3A_1016 = arith.index_cast %swap3A_1015 : i32 to index
          %swap3A_1017 = arith.index_cast %scan3A_935 : i32 to index
          %swap3A_1018 = arith.constant 96 : index
          %swap3A_1019 = tpu.vector_load %arg19[%swap3A_1016, %swap3A_1017, %swap3A_1018] {strides = array<i32>} : memref<2x64x128xf32, #tpu.memory_space<vmem>>, vector<16xf32>,
          tpu.vector_store %arg19[%swap3A_1016, %swap3A_1017, %swap3A_1018], %mul3A_1014 {strides = array<i32>} : memref<2x64x128xf32, #tpu.memory_space<vmem>>, vector<16xf32>,
          %get3A_1020 = arith.constant 1 : i32
          %get3A_1021 = arith.index_cast %get3A_1020 : i32 to index
          %get3A_1022 = arith.index_cast %scan3A_935 : i32 to index
          %get3A_1023 = arith.constant 48 : index
          %get3A_1024 = tpu.vector_load %arg18[%get3A_1021, %get3A_1022, %get3A_1023] {strides = array<i32>} : memref<2x64x64xi32, #tpu.memory_space<vmem>>, vector<16xi32>,
          %shift_left3A_1025 = arith.constant 16 : i32
          %shift_left3A_1026 = vector.broadcast %shift_left3A_1025 : i32 to vector<16xi32>
          %shift_left3A_1027 = arith.shli %get3A_1024, %shift_left3A_1026 : vector<16xi32>
          %bitcast_convert_type3A_1028 = tpu.bitcast %shift_left3A_1027 : vector<16xi32> -> vector<16xf32>
          %and3A_1029 = arith.constant -65536 : i32
          %and3A_1030 = vector.broadcast %and3A_1029 : i32 to vector<16xi32>
          %and3A_1031 = arith.andi %get3A_1024, %and3A_1030 : vector<16xi32>
          %bitcast_convert_type3A_1032 = tpu.bitcast %and3A_1031 : vector<16xi32> -> vector<16xf32>
          %mul3A_1033 = arith.mulf %bitcast_convert_type3A_1028, %gather3A_944 : vector<16xf32>
          %swap3A_1034 = arith.constant 1 : i32
          %swap3A_1035 = arith.index_cast %swap3A_1034 : i32 to index
          %swap3A_1036 = arith.index_cast %scan3A_935 : i32 to index
          %swap3A_1037 = arith.constant 48 : index
          %swap3A_1038 = tpu.vector_load %arg19[%swap3A_1035, %swap3A_1036, %swap3A_1037] {strides = array<i32>} : memref<2x64x128xf32, #tpu.memory_space<vmem>>, vector<16xf32>,
          tpu.vector_store %arg19[%swap3A_1035, %swap3A_1036, %swap3A_1037], %mul3A_1033 {strides = array<i32>} : memref<2x64x128xf32, #tpu.memory_space<vmem>>, vector<16xf32>,
          %mul3A_1039 = arith.mulf %bitcast_convert_type3A_1032, %gather3A_944 : vector<16xf32>
          %swap3A_1040 = arith.constant 1 : i32
          %swap3A_1041 = arith.index_cast %swap3A_1040 : i32 to index
          %swap3A_1042 = arith.index_cast %scan3A_935 : i32 to index
          %swap3A_1043 = arith.constant 112 : index
          %swap3A_1044 = tpu.vector_load %arg19[%swap3A_1041, %swap3A_1042, %swap3A_1043] {strides = array<i32>} : memref<2x64x128xf32, #tpu.memory_space<vmem>>, vector<16xf32>,
          tpu.vector_store %arg19[%swap3A_1041, %swap3A_1042, %swap3A_1043], %mul3A_1039 {strides = array<i32>} : memref<2x64x128xf32, #tpu.memory_space<vmem>>, vector<16xf32>,
          %scan3A_1045 = arith.constant 3 : i32
          %scan3A_1046 = arith.addi %scan3A_716, %scan3A_1045 : i32
          %broadcast_in_dim3A_1047 = arith.constant 0 : i32
          %broadcast_in_dim3A_1048 = vector.broadcast %broadcast_in_dim3A_1047 : i32 to vector<16xi32>
          %add3A_1049 = vector.broadcast %scan3A_1046 : i32 to vector<16xi32>
          %add3A_1050 = arith.addi %broadcast_in_dim3A_1048, %add3A_1049 : vector<16xi32>
          %gather3A_1051 = arith.constant 1 : i32
          %gather3A_1052 = arith.constant 0 : i32
          %gather3A_1053 = tpu.memref_slice %arg17[%gather3A_1051, %gather3A_1052] : memref<2x64xf32, #tpu.memory_space<vmem>> -> memref<1x64xf32, #tpu.memory_space<vmem>>
          %gather3A_1054 = tpu.memref_squeeze %gather3A_1053 : memref<1x64xf32, #tpu.memory_space<vmem>> -> memref<64xf32, #tpu.memory_space<vmem>>
          %gather3A_1055 = tpu.vector_load_idx %gather3A_1054[%add3A_1050] : memref<64xf32, #tpu.memory_space<vmem>>[vector<16xi32>], vector<16xf32>,
          %get3A_1056 = arith.constant 1 : i32
          %get3A_1057 = arith.index_cast %get3A_1056 : i32 to index
          %get3A_1058 = arith.index_cast %scan3A_1046 : i32 to index
          %get3A_1059 = arith.constant 0 : index
          %get3A_1060 = tpu.vector_load %arg18[%get3A_1057, %get3A_1058, %get3A_1059] {strides = array<i32>} : memref<2x64x64xi32, #tpu.memory_space<vmem>>, vector<16xi32>,
          %shift_left3A_1061 = arith.constant 16 : i32
          %shift_left3A_1062 = vector.broadcast %shift_left3A_1061 : i32 to vector<16xi32>
          %shift_left3A_1063 = arith.shli %get3A_1060, %shift_left3A_1062 : vector<16xi32>
          %bitcast_convert_type3A_1064 = tpu.bitcast %shift_left3A_1063 : vector<16xi32> -> vector<16xf32>
          %and3A_1065 = arith.constant -65536 : i32
          %and3A_1066 = vector.broadcast %and3A_1065 : i32 to vector<16xi32>
          %and3A_1067 = arith.andi %get3A_1060, %and3A_1066 : vector<16xi32>
          %bitcast_convert_type3A_1068 = tpu.bitcast %and3A_1067 : vector<16xi32> -> vector<16xf32>
          %mul3A_1069 = arith.mulf %bitcast_convert_type3A_1064, %gather3A_1055 : vector<16xf32>
          %swap3A_1070 = arith.constant 1 : i32
          %swap3A_1071 = arith.index_cast %swap3A_1070 : i32 to index
          %swap3A_1072 = arith.index_cast %scan3A_1046 : i32 to index
          %swap3A_1073 = arith.constant 0 : index
          %swap3A_1074 = tpu.vector_load %arg19[%swap3A_1071, %swap3A_1072, %swap3A_1073] {strides = array<i32>} : memref<2x64x128xf32, #tpu.memory_space<vmem>>, vector<16xf32>,
          tpu.vector_store %arg19[%swap3A_1071, %swap3A_1072, %swap3A_1073], %mul3A_1069 {strides = array<i32>} : memref<2x64x128xf32, #tpu.memory_space<vmem>>, vector<16xf32>,
          %mul3A_1075 = arith.mulf %bitcast_convert_type3A_1068, %gather3A_1055 : vector<16xf32>
          %swap3A_1076 = arith.constant 1 : i32
          %swap3A_1077 = arith.index_cast %swap3A_1076 : i32 to index
          %swap3A_1078 = arith.index_cast %scan3A_1046 : i32 to index
          %swap3A_1079 = arith.constant 64 : index
          %swap3A_1080 = tpu.vector_load %arg19[%swap3A_1077, %swap3A_1078, %swap3A_1079] {strides = array<i32>} : memref<2x64x128xf32, #tpu.memory_space<vmem>>, vector<16xf32>,
          tpu.vector_store %arg19[%swap3A_1077, %swap3A_1078, %swap3A_1079], %mul3A_1075 {strides = array<i32>} : memref<2x64x128xf32, #tpu.memory_space<vmem>>, vector<16xf32>,
          %get3A_1081 = arith.constant 1 : i32
          %get3A_1082 = arith.index_cast %get3A_1081 : i32 to index
          %get3A_1083 = arith.index_cast %scan3A_1046 : i32 to index
          %get3A_1084 = arith.constant 16 : index
          %get3A_1085 = tpu.vector_load %arg18[%get3A_1082, %get3A_1083, %get3A_1084] {strides = array<i32>} : memref<2x64x64xi32, #tpu.memory_space<vmem>>, vector<16xi32>,
          %shift_left3A_1086 = arith.constant 16 : i32
          %shift_left3A_1087 = vector.broadcast %shift_left3A_1086 : i32 to vector<16xi32>
          %shift_left3A_1088 = arith.shli %get3A_1085, %shift_left3A_1087 : vector<16xi32>
          %bitcast_convert_type3A_1089 = tpu.bitcast %shift_left3A_1088 : vector<16xi32> -> vector<16xf32>
          %and3A_1090 = arith.constant -65536 : i32
          %and3A_1091 = vector.broadcast %and3A_1090 : i32 to vector<16xi32>
          %and3A_1092 = arith.andi %get3A_1085, %and3A_1091 : vector<16xi32>
          %bitcast_convert_type3A_1093 = tpu.bitcast %and3A_1092 : vector<16xi32> -> vector<16xf32>
          %mul3A_1094 = arith.mulf %bitcast_convert_type3A_1089, %gather3A_1055 : vector<16xf32>
          %swap3A_1095 = arith.constant 1 : i32
          %swap3A_1096 = arith.index_cast %swap3A_1095 : i32 to index
          %swap3A_1097 = arith.index_cast %scan3A_1046 : i32 to index
          %swap3A_1098 = arith.constant 16 : index
          %swap3A_1099 = tpu.vector_load %arg19[%swap3A_1096, %swap3A_1097, %swap3A_1098] {strides = array<i32>} : memref<2x64x128xf32, #tpu.memory_space<vmem>>, vector<16xf32>,
          tpu.vector_store %arg19[%swap3A_1096, %swap3A_1097, %swap3A_1098], %mul3A_1094 {strides = array<i32>} : memref<2x64x128xf32, #tpu.memory_space<vmem>>, vector<16xf32>,
          %mul3A_1100 = arith.mulf %bitcast_convert_type3A_1093, %gather3A_1055 : vector<16xf32>
          %swap3A_1101 = arith.constant 1 : i32
          %swap3A_1102 = arith.index_cast %swap3A_1101 : i32 to index
          %swap3A_1103 = arith.index_cast %scan3A_1046 : i32 to index
          %swap3A_1104 = arith.constant 80 : index
          %swap3A_1105 = tpu.vector_load %arg19[%swap3A_1102, %swap3A_1103, %swap3A_1104] {strides = array<i32>} : memref<2x64x128xf32, #tpu.memory_space<vmem>>, vector<16xf32>,
          tpu.vector_store %arg19[%swap3A_1102, %swap3A_1103, %swap3A_1104], %mul3A_1100 {strides = array<i32>} : memref<2x64x128xf32, #tpu.memory_space<vmem>>, vector<16xf32>,
          %get3A_1106 = arith.constant 1 : i32
          %get3A_1107 = arith.index_cast %get3A_1106 : i32 to index
          %get3A_1108 = arith.index_cast %scan3A_1046 : i32 to index
          %get3A_1109 = arith.constant 32 : index
          %get3A_1110 = tpu.vector_load %arg18[%get3A_1107, %get3A_1108, %get3A_1109] {strides = array<i32>} : memref<2x64x64xi32, #tpu.memory_space<vmem>>, vector<16xi32>,
          %shift_left3A_1111 = arith.constant 16 : i32
          %shift_left3A_1112 = vector.broadcast %shift_left3A_1111 : i32 to vector<16xi32>
          %shift_left3A_1113 = arith.shli %get3A_1110, %shift_left3A_1112 : vector<16xi32>
          %bitcast_convert_type3A_1114 = tpu.bitcast %shift_left3A_1113 : vector<16xi32> -> vector<16xf32>
          %and3A_1115 = arith.constant -65536 : i32
          %and3A_1116 = vector.broadcast %and3A_1115 : i32 to vector<16xi32>
          %and3A_1117 = arith.andi %get3A_1110, %and3A_1116 : vector<16xi32>
          %bitcast_convert_type3A_1118 = tpu.bitcast %and3A_1117 : vector<16xi32> -> vector<16xf32>
          %mul3A_1119 = arith.mulf %bitcast_convert_type3A_1114, %gather3A_1055 : vector<16xf32>
          %swap3A_1120 = arith.constant 1 : i32
          %swap3A_1121 = arith.index_cast %swap3A_1120 : i32 to index
          %swap3A_1122 = arith.index_cast %scan3A_1046 : i32 to index
          %swap3A_1123 = arith.constant 32 : index
          %swap3A_1124 = tpu.vector_load %arg19[%swap3A_1121, %swap3A_1122, %swap3A_1123] {strides = array<i32>} : memref<2x64x128xf32, #tpu.memory_space<vmem>>, vector<16xf32>,
          tpu.vector_store %arg19[%swap3A_1121, %swap3A_1122, %swap3A_1123], %mul3A_1119 {strides = array<i32>} : memref<2x64x128xf32, #tpu.memory_space<vmem>>, vector<16xf32>,
          %mul3A_1125 = arith.mulf %bitcast_convert_type3A_1118, %gather3A_1055 : vector<16xf32>
          %swap3A_1126 = arith.constant 1 : i32
          %swap3A_1127 = arith.index_cast %swap3A_1126 : i32 to index
          %swap3A_1128 = arith.index_cast %scan3A_1046 : i32 to index
          %swap3A_1129 = arith.constant 96 : index
          %swap3A_1130 = tpu.vector_load %arg19[%swap3A_1127, %swap3A_1128, %swap3A_1129] {strides = array<i32>} : memref<2x64x128xf32, #tpu.memory_space<vmem>>, vector<16xf32>,
          tpu.vector_store %arg19[%swap3A_1127, %swap3A_1128, %swap3A_1129], %mul3A_1125 {strides = array<i32>} : memref<2x64x128xf32, #tpu.memory_space<vmem>>, vector<16xf32>,
          %get3A_1131 = arith.constant 1 : i32
          %get3A_1132 = arith.index_cast %get3A_1131 : i32 to index
          %get3A_1133 = arith.index_cast %scan3A_1046 : i32 to index
          %get3A_1134 = arith.constant 48 : index
          %get3A_1135 = tpu.vector_load %arg18[%get3A_1132, %get3A_1133, %get3A_1134] {strides = array<i32>} : memref<2x64x64xi32, #tpu.memory_space<vmem>>, vector<16xi32>,
          %shift_left3A_1136 = arith.constant 16 : i32
          %shift_left3A_1137 = vector.broadcast %shift_left3A_1136 : i32 to vector<16xi32>
          %shift_left3A_1138 = arith.shli %get3A_1135, %shift_left3A_1137 : vector<16xi32>
          %bitcast_convert_type3A_1139 = tpu.bitcast %shift_left3A_1138 : vector<16xi32> -> vector<16xf32>
          %and3A_1140 = arith.constant -65536 : i32
          %and3A_1141 = vector.broadcast %and3A_1140 : i32 to vector<16xi32>
          %and3A_1142 = arith.andi %get3A_1135, %and3A_1141 : vector<16xi32>
          %bitcast_convert_type3A_1143 = tpu.bitcast %and3A_1142 : vector<16xi32> -> vector<16xf32>
          %mul3A_1144 = arith.mulf %bitcast_convert_type3A_1139, %gather3A_1055 : vector<16xf32>
          %swap3A_1145 = arith.constant 1 : i32
          %swap3A_1146 = arith.index_cast %swap3A_1145 : i32 to index
          %swap3A_1147 = arith.index_cast %scan3A_1046 : i32 to index
          %swap3A_1148 = arith.constant 48 : index
          %swap3A_1149 = tpu.vector_load %arg19[%swap3A_1146, %swap3A_1147, %swap3A_1148] {strides = array<i32>} : memref<2x64x128xf32, #tpu.memory_space<vmem>>, vector<16xf32>,
          tpu.vector_store %arg19[%swap3A_1146, %swap3A_1147, %swap3A_1148], %mul3A_1144 {strides = array<i32>} : memref<2x64x128xf32, #tpu.memory_space<vmem>>, vector<16xf32>,
          %mul3A_1150 = arith.mulf %bitcast_convert_type3A_1143, %gather3A_1055 : vector<16xf32>
          %swap3A_1151 = arith.constant 1 : i32
          %swap3A_1152 = arith.index_cast %swap3A_1151 : i32 to index
          %swap3A_1153 = arith.index_cast %scan3A_1046 : i32 to index
          %swap3A_1154 = arith.constant 112 : index
          %swap3A_1155 = tpu.vector_load %arg19[%swap3A_1152, %swap3A_1153, %swap3A_1154] {strides = array<i32>} : memref<2x64x128xf32, #tpu.memory_space<vmem>>, vector<16xf32>,
          tpu.vector_store %arg19[%swap3A_1152, %swap3A_1153, %swap3A_1154], %mul3A_1150 {strides = array<i32>} : memref<2x64x128xf32, #tpu.memory_space<vmem>>, vector<16xf32>,
          %scan3A_1156 = arith.constant 4 : i32
          %scan3A_1157 = arith.addi %scan3A_716, %scan3A_1156 : i32
          %broadcast_in_dim3A_1158 = arith.constant 0 : i32
          %broadcast_in_dim3A_1159 = vector.broadcast %broadcast_in_dim3A_1158 : i32 to vector<16xi32>
          %add3A_1160 = vector.broadcast %scan3A_1157 : i32 to vector<16xi32>
          %add3A_1161 = arith.addi %broadcast_in_dim3A_1159, %add3A_1160 : vector<16xi32>
          %gather3A_1162 = arith.constant 1 : i32
          %gather3A_1163 = arith.constant 0 : i32
          %gather3A_1164 = tpu.memref_slice %arg17[%gather3A_1162, %gather3A_1163] : memref<2x64xf32, #tpu.memory_space<vmem>> -> memref<1x64xf32, #tpu.memory_space<vmem>>
          %gather3A_1165 = tpu.memref_squeeze %gather3A_1164 : memref<1x64xf32, #tpu.memory_space<vmem>> -> memref<64xf32, #tpu.memory_space<vmem>>
          %gather3A_1166 = tpu.vector_load_idx %gather3A_1165[%add3A_1161] : memref<64xf32, #tpu.memory_space<vmem>>[vector<16xi32>], vector<16xf32>,
          %get3A_1167 = arith.constant 1 : i32
          %get3A_1168 = arith.index_cast %get3A_1167 : i32 to index
          %get3A_1169 = arith.index_cast %scan3A_1157 : i32 to index
          %get3A_1170 = arith.constant 0 : index
          %get3A_1171 = tpu.vector_load %arg18[%get3A_1168, %get3A_1169, %get3A_1170] {strides = array<i32>} : memref<2x64x64xi32, #tpu.memory_space<vmem>>, vector<16xi32>,
          %shift_left3A_1172 = arith.constant 16 : i32
          %shift_left3A_1173 = vector.broadcast %shift_left3A_1172 : i32 to vector<16xi32>
          %shift_left3A_1174 = arith.shli %get3A_1171, %shift_left3A_1173 : vector<16xi32>
          %bitcast_convert_type3A_1175 = tpu.bitcast %shift_left3A_1174 : vector<16xi32> -> vector<16xf32>
          %and3A_1176 = arith.constant -65536 : i32
          %and3A_1177 = vector.broadcast %and3A_1176 : i32 to vector<16xi32>
          %and3A_1178 = arith.andi %get3A_1171, %and3A_1177 : vector<16xi32>
          %bitcast_convert_type3A_1179 = tpu.bitcast %and3A_1178 : vector<16xi32> -> vector<16xf32>
          %mul3A_1180 = arith.mulf %bitcast_convert_type3A_1175, %gather3A_1166 : vector<16xf32>
          %swap3A_1181 = arith.constant 1 : i32
          %swap3A_1182 = arith.index_cast %swap3A_1181 : i32 to index
          %swap3A_1183 = arith.index_cast %scan3A_1157 : i32 to index
          %swap3A_1184 = arith.constant 0 : index
          %swap3A_1185 = tpu.vector_load %arg19[%swap3A_1182, %swap3A_1183, %swap3A_1184] {strides = array<i32>} : memref<2x64x128xf32, #tpu.memory_space<vmem>>, vector<16xf32>,
          tpu.vector_store %arg19[%swap3A_1182, %swap3A_1183, %swap3A_1184], %mul3A_1180 {strides = array<i32>} : memref<2x64x128xf32, #tpu.memory_space<vmem>>, vector<16xf32>,
          %mul3A_1186 = arith.mulf %bitcast_convert_type3A_1179, %gather3A_1166 : vector<16xf32>
          %swap3A_1187 = arith.constant 1 : i32
          %swap3A_1188 = arith.index_cast %swap3A_1187 : i32 to index
          %swap3A_1189 = arith.index_cast %scan3A_1157 : i32 to index
          %swap3A_1190 = arith.constant 64 : index
          %swap3A_1191 = tpu.vector_load %arg19[%swap3A_1188, %swap3A_1189, %swap3A_1190] {strides = array<i32>} : memref<2x64x128xf32, #tpu.memory_space<vmem>>, vector<16xf32>,
          tpu.vector_store %arg19[%swap3A_1188, %swap3A_1189, %swap3A_1190], %mul3A_1186 {strides = array<i32>} : memref<2x64x128xf32, #tpu.memory_space<vmem>>, vector<16xf32>,
          %get3A_1192 = arith.constant 1 : i32
          %get3A_1193 = arith.index_cast %get3A_1192 : i32 to index
          %get3A_1194 = arith.index_cast %scan3A_1157 : i32 to index
          %get3A_1195 = arith.constant 16 : index
          %get3A_1196 = tpu.vector_load %arg18[%get3A_1193, %get3A_1194, %get3A_1195] {strides = array<i32>} : memref<2x64x64xi32, #tpu.memory_space<vmem>>, vector<16xi32>,
          %shift_left3A_1197 = arith.constant 16 : i32
          %shift_left3A_1198 = vector.broadcast %shift_left3A_1197 : i32 to vector<16xi32>
          %shift_left3A_1199 = arith.shli %get3A_1196, %shift_left3A_1198 : vector<16xi32>
          %bitcast_convert_type3A_1200 = tpu.bitcast %shift_left3A_1199 : vector<16xi32> -> vector<16xf32>
          %and3A_1201 = arith.constant -65536 : i32
          %and3A_1202 = vector.broadcast %and3A_1201 : i32 to vector<16xi32>
          %and3A_1203 = arith.andi %get3A_1196, %and3A_1202 : vector<16xi32>
          %bitcast_convert_type3A_1204 = tpu.bitcast %and3A_1203 : vector<16xi32> -> vector<16xf32>
          %mul3A_1205 = arith.mulf %bitcast_convert_type3A_1200, %gather3A_1166 : vector<16xf32>
          %swap3A_1206 = arith.constant 1 : i32
          %swap3A_1207 = arith.index_cast %swap3A_1206 : i32 to index
          %swap3A_1208 = arith.index_cast %scan3A_1157 : i32 to index
          %swap3A_1209 = arith.constant 16 : index
          %swap3A_1210 = tpu.vector_load %arg19[%swap3A_1207, %swap3A_1208, %swap3A_1209] {strides = array<i32>} : memref<2x64x128xf32, #tpu.memory_space<vmem>>, vector<16xf32>,
          tpu.vector_store %arg19[%swap3A_1207, %swap3A_1208, %swap3A_1209], %mul3A_1205 {strides = array<i32>} : memref<2x64x128xf32, #tpu.memory_space<vmem>>, vector<16xf32>,
          %mul3A_1211 = arith.mulf %bitcast_convert_type3A_1204, %gather3A_1166 : vector<16xf32>
          %swap3A_1212 = arith.constant 1 : i32
          %swap3A_1213 = arith.index_cast %swap3A_1212 : i32 to index
          %swap3A_1214 = arith.index_cast %scan3A_1157 : i32 to index
          %swap3A_1215 = arith.constant 80 : index
          %swap3A_1216 = tpu.vector_load %arg19[%swap3A_1213, %swap3A_1214, %swap3A_1215] {strides = array<i32>} : memref<2x64x128xf32, #tpu.memory_space<vmem>>, vector<16xf32>,
          tpu.vector_store %arg19[%swap3A_1213, %swap3A_1214, %swap3A_1215], %mul3A_1211 {strides = array<i32>} : memref<2x64x128xf32, #tpu.memory_space<vmem>>, vector<16xf32>,
          %get3A_1217 = arith.constant 1 : i32
          %get3A_1218 = arith.index_cast %get3A_1217 : i32 to index
          %get3A_1219 = arith.index_cast %scan3A_1157 : i32 to index
          %get3A_1220 = arith.constant 32 : index
          %get3A_1221 = tpu.vector_load %arg18[%get3A_1218, %get3A_1219, %get3A_1220] {strides = array<i32>} : memref<2x64x64xi32, #tpu.memory_space<vmem>>, vector<16xi32>,
          %shift_left3A_1222 = arith.constant 16 : i32
          %shift_left3A_1223 = vector.broadcast %shift_left3A_1222 : i32 to vector<16xi32>
          %shift_left3A_1224 = arith.shli %get3A_1221, %shift_left3A_1223 : vector<16xi32>
          %bitcast_convert_type3A_1225 = tpu.bitcast %shift_left3A_1224 : vector<16xi32> -> vector<16xf32>
          %and3A_1226 = arith.constant -65536 : i32
          %and3A_1227 = vector.broadcast %and3A_1226 : i32 to vector<16xi32>
          %and3A_1228 = arith.andi %get3A_1221, %and3A_1227 : vector<16xi32>
          %bitcast_convert_type3A_1229 = tpu.bitcast %and3A_1228 : vector<16xi32> -> vector<16xf32>
          %mul3A_1230 = arith.mulf %bitcast_convert_type3A_1225, %gather3A_1166 : vector<16xf32>
          %swap3A_1231 = arith.constant 1 : i32
          %swap3A_1232 = arith.index_cast %swap3A_1231 : i32 to index
          %swap3A_1233 = arith.index_cast %scan3A_1157 : i32 to index
          %swap3A_1234 = arith.constant 32 : index
          %swap3A_1235 = tpu.vector_load %arg19[%swap3A_1232, %swap3A_1233, %swap3A_1234] {strides = array<i32>} : memref<2x64x128xf32, #tpu.memory_space<vmem>>, vector<16xf32>,
          tpu.vector_store %arg19[%swap3A_1232, %swap3A_1233, %swap3A_1234], %mul3A_1230 {strides = array<i32>} : memref<2x64x128xf32, #tpu.memory_space<vmem>>, vector<16xf32>,
          %mul3A_1236 = arith.mulf %bitcast_convert_type3A_1229, %gather3A_1166 : vector<16xf32>
          %swap3A_1237 = arith.constant 1 : i32
          %swap3A_1238 = arith.index_cast %swap3A_1237 : i32 to index
          %swap3A_1239 = arith.index_cast %scan3A_1157 : i32 to index
          %swap3A_1240 = arith.constant 96 : index
          %swap3A_1241 = tpu.vector_load %arg19[%swap3A_1238, %swap3A_1239, %swap3A_1240] {strides = array<i32>} : memref<2x64x128xf32, #tpu.memory_space<vmem>>, vector<16xf32>,
          tpu.vector_store %arg19[%swap3A_1238, %swap3A_1239, %swap3A_1240], %mul3A_1236 {strides = array<i32>} : memref<2x64x128xf32, #tpu.memory_space<vmem>>, vector<16xf32>,
          %get3A_1242 = arith.constant 1 : i32
          %get3A_1243 = arith.index_cast %get3A_1242 : i32 to index
          %get3A_1244 = arith.index_cast %scan3A_1157 : i32 to index
          %get3A_1245 = arith.constant 48 : index
          %get3A_1246 = tpu.vector_load %arg18[%get3A_1243, %get3A_1244, %get3A_1245] {strides = array<i32>} : memref<2x64x64xi32, #tpu.memory_space<vmem>>, vector<16xi32>,
          %shift_left3A_1247 = arith.constant 16 : i32
          %shift_left3A_1248 = vector.broadcast %shift_left3A_1247 : i32 to vector<16xi32>
          %shift_left3A_1249 = arith.shli %get3A_1246, %shift_left3A_1248 : vector<16xi32>
          %bitcast_convert_type3A_1250 = tpu.bitcast %shift_left3A_1249 : vector<16xi32> -> vector<16xf32>
          %and3A_1251 = arith.constant -65536 : i32
          %and3A_1252 = vector.broadcast %and3A_1251 : i32 to vector<16xi32>
          %and3A_1253 = arith.andi %get3A_1246, %and3A_1252 : vector<16xi32>
          %bitcast_convert_type3A_1254 = tpu.bitcast %and3A_1253 : vector<16xi32> -> vector<16xf32>
          %mul3A_1255 = arith.mulf %bitcast_convert_type3A_1250, %gather3A_1166 : vector<16xf32>
          %swap3A_1256 = arith.constant 1 : i32
          %swap3A_1257 = arith.index_cast %swap3A_1256 : i32 to index
          %swap3A_1258 = arith.index_cast %scan3A_1157 : i32 to index
          %swap3A_1259 = arith.constant 48 : index
          %swap3A_1260 = tpu.vector_load %arg19[%swap3A_1257, %swap3A_1258, %swap3A_1259] {strides = array<i32>} : memref<2x64x128xf32, #tpu.memory_space<vmem>>, vector<16xf32>,
          tpu.vector_store %arg19[%swap3A_1257, %swap3A_1258, %swap3A_1259], %mul3A_1255 {strides = array<i32>} : memref<2x64x128xf32, #tpu.memory_space<vmem>>, vector<16xf32>,
          %mul3A_1261 = arith.mulf %bitcast_convert_type3A_1254, %gather3A_1166 : vector<16xf32>
          %swap3A_1262 = arith.constant 1 : i32
          %swap3A_1263 = arith.index_cast %swap3A_1262 : i32 to index
          %swap3A_1264 = arith.index_cast %scan3A_1157 : i32 to index
          %swap3A_1265 = arith.constant 112 : index
          %swap3A_1266 = tpu.vector_load %arg19[%swap3A_1263, %swap3A_1264, %swap3A_1265] {strides = array<i32>} : memref<2x64x128xf32, #tpu.memory_space<vmem>>, vector<16xf32>,
          tpu.vector_store %arg19[%swap3A_1263, %swap3A_1264, %swap3A_1265], %mul3A_1261 {strides = array<i32>} : memref<2x64x128xf32, #tpu.memory_space<vmem>>, vector<16xf32>,
          %scan3A_1267 = arith.constant 5 : i32
          %scan3A_1268 = arith.addi %scan3A_716, %scan3A_1267 : i32
          %broadcast_in_dim3A_1269 = arith.constant 0 : i32
          %broadcast_in_dim3A_1270 = vector.broadcast %broadcast_in_dim3A_1269 : i32 to vector<16xi32>
          %add3A_1271 = vector.broadcast %scan3A_1268 : i32 to vector<16xi32>
          %add3A_1272 = arith.addi %broadcast_in_dim3A_1270, %add3A_1271 : vector<16xi32>
          %gather3A_1273 = arith.constant 1 : i32
          %gather3A_1274 = arith.constant 0 : i32
          %gather3A_1275 = tpu.memref_slice %arg17[%gather3A_1273, %gather3A_1274] : memref<2x64xf32, #tpu.memory_space<vmem>> -> memref<1x64xf32, #tpu.memory_space<vmem>>
          %gather3A_1276 = tpu.memref_squeeze %gather3A_1275 : memref<1x64xf32, #tpu.memory_space<vmem>> -> memref<64xf32, #tpu.memory_space<vmem>>
          %gather3A_1277 = tpu.vector_load_idx %gather3A_1276[%add3A_1272] : memref<64xf32, #tpu.memory_space<vmem>>[vector<16xi32>], vector<16xf32>,
          %get3A_1278 = arith.constant 1 : i32
          %get3A_1279 = arith.index_cast %get3A_1278 : i32 to index
          %get3A_1280 = arith.index_cast %scan3A_1268 : i32 to index
          %get3A_1281 = arith.constant 0 : index
          %get3A_1282 = tpu.vector_load %arg18[%get3A_1279, %get3A_1280, %get3A_1281] {strides = array<i32>} : memref<2x64x64xi32, #tpu.memory_space<vmem>>, vector<16xi32>,
          %shift_left3A_1283 = arith.constant 16 : i32
          %shift_left3A_1284 = vector.broadcast %shift_left3A_1283 : i32 to vector<16xi32>
          %shift_left3A_1285 = arith.shli %get3A_1282, %shift_left3A_1284 : vector<16xi32>
          %bitcast_convert_type3A_1286 = tpu.bitcast %shift_left3A_1285 : vector<16xi32> -> vector<16xf32>
          %and3A_1287 = arith.constant -65536 : i32
          %and3A_1288 = vector.broadcast %and3A_1287 : i32 to vector<16xi32>
          %and3A_1289 = arith.andi %get3A_1282, %and3A_1288 : vector<16xi32>
          %bitcast_convert_type3A_1290 = tpu.bitcast %and3A_1289 : vector<16xi32> -> vector<16xf32>
          %mul3A_1291 = arith.mulf %bitcast_convert_type3A_1286, %gather3A_1277 : vector<16xf32>
          %swap3A_1292 = arith.constant 1 : i32
          %swap3A_1293 = arith.index_cast %swap3A_1292 : i32 to index
          %swap3A_1294 = arith.index_cast %scan3A_1268 : i32 to index
          %swap3A_1295 = arith.constant 0 : index
          %swap3A_1296 = tpu.vector_load %arg19[%swap3A_1293, %swap3A_1294, %swap3A_1295] {strides = array<i32>} : memref<2x64x128xf32, #tpu.memory_space<vmem>>, vector<16xf32>,
          tpu.vector_store %arg19[%swap3A_1293, %swap3A_1294, %swap3A_1295], %mul3A_1291 {strides = array<i32>} : memref<2x64x128xf32, #tpu.memory_space<vmem>>, vector<16xf32>,
          %mul3A_1297 = arith.mulf %bitcast_convert_type3A_1290, %gather3A_1277 : vector<16xf32>
          %swap3A_1298 = arith.constant 1 : i32
          %swap3A_1299 = arith.index_cast %swap3A_1298 : i32 to index
          %swap3A_1300 = arith.index_cast %scan3A_1268 : i32 to index
          %swap3A_1301 = arith.constant 64 : index
          %swap3A_1302 = tpu.vector_load %arg19[%swap3A_1299, %swap3A_1300, %swap3A_1301] {strides = array<i32>} : memref<2x64x128xf32, #tpu.memory_space<vmem>>, vector<16xf32>,
          tpu.vector_store %arg19[%swap3A_1299, %swap3A_1300, %swap3A_1301], %mul3A_1297 {strides = array<i32>} : memref<2x64x128xf32, #tpu.memory_space<vmem>>, vector<16xf32>,
          %get3A_1303 = arith.constant 1 : i32
          %get3A_1304 = arith.index_cast %get3A_1303 : i32 to index
          %get3A_1305 = arith.index_cast %scan3A_1268 : i32 to index
          %get3A_1306 = arith.constant 16 : index
          %get3A_1307 = tpu.vector_load %arg18[%get3A_1304, %get3A_1305, %get3A_1306] {strides = array<i32>} : memref<2x64x64xi32, #tpu.memory_space<vmem>>, vector<16xi32>,
          %shift_left3A_1308 = arith.constant 16 : i32
          %shift_left3A_1309 = vector.broadcast %shift_left3A_1308 : i32 to vector<16xi32>
          %shift_left3A_1310 = arith.shli %get3A_1307, %shift_left3A_1309 : vector<16xi32>
          %bitcast_convert_type3A_1311 = tpu.bitcast %shift_left3A_1310 : vector<16xi32> -> vector<16xf32>
          %and3A_1312 = arith.constant -65536 : i32
          %and3A_1313 = vector.broadcast %and3A_1312 : i32 to vector<16xi32>
          %and3A_1314 = arith.andi %get3A_1307, %and3A_1313 : vector<16xi32>
          %bitcast_convert_type3A_1315 = tpu.bitcast %and3A_1314 : vector<16xi32> -> vector<16xf32>
          %mul3A_1316 = arith.mulf %bitcast_convert_type3A_1311, %gather3A_1277 : vector<16xf32>
          %swap3A_1317 = arith.constant 1 : i32
          %swap3A_1318 = arith.index_cast %swap3A_1317 : i32 to index
          %swap3A_1319 = arith.index_cast %scan3A_1268 : i32 to index
          %swap3A_1320 = arith.constant 16 : index
          %swap3A_1321 = tpu.vector_load %arg19[%swap3A_1318, %swap3A_1319, %swap3A_1320] {strides = array<i32>} : memref<2x64x128xf32, #tpu.memory_space<vmem>>, vector<16xf32>,
          tpu.vector_store %arg19[%swap3A_1318, %swap3A_1319, %swap3A_1320], %mul3A_1316 {strides = array<i32>} : memref<2x64x128xf32, #tpu.memory_space<vmem>>, vector<16xf32>,
          %mul3A_1322 = arith.mulf %bitcast_convert_type3A_1315, %gather3A_1277 : vector<16xf32>
          %swap3A_1323 = arith.constant 1 : i32
          %swap3A_1324 = arith.index_cast %swap3A_1323 : i32 to index
          %swap3A_1325 = arith.index_cast %scan3A_1268 : i32 to index
          %swap3A_1326 = arith.constant 80 : index
          %swap3A_1327 = tpu.vector_load %arg19[%swap3A_1324, %swap3A_1325, %swap3A_1326] {strides = array<i32>} : memref<2x64x128xf32, #tpu.memory_space<vmem>>, vector<16xf32>,
          tpu.vector_store %arg19[%swap3A_1324, %swap3A_1325, %swap3A_1326], %mul3A_1322 {strides = array<i32>} : memref<2x64x128xf32, #tpu.memory_space<vmem>>, vector<16xf32>,
          %get3A_1328 = arith.constant 1 : i32
          %get3A_1329 = arith.index_cast %get3A_1328 : i32 to index
          %get3A_1330 = arith.index_cast %scan3A_1268 : i32 to index
          %get3A_1331 = arith.constant 32 : index
          %get3A_1332 = tpu.vector_load %arg18[%get3A_1329, %get3A_1330, %get3A_1331] {strides = array<i32>} : memref<2x64x64xi32, #tpu.memory_space<vmem>>, vector<16xi32>,
          %shift_left3A_1333 = arith.constant 16 : i32
          %shift_left3A_1334 = vector.broadcast %shift_left3A_1333 : i32 to vector<16xi32>
          %shift_left3A_1335 = arith.shli %get3A_1332, %shift_left3A_1334 : vector<16xi32>
          %bitcast_convert_type3A_1336 = tpu.bitcast %shift_left3A_1335 : vector<16xi32> -> vector<16xf32>
          %and3A_1337 = arith.constant -65536 : i32
          %and3A_1338 = vector.broadcast %and3A_1337 : i32 to vector<16xi32>
          %and3A_1339 = arith.andi %get3A_1332, %and3A_1338 : vector<16xi32>
          %bitcast_convert_type3A_1340 = tpu.bitcast %and3A_1339 : vector<16xi32> -> vector<16xf32>
          %mul3A_1341 = arith.mulf %bitcast_convert_type3A_1336, %gather3A_1277 : vector<16xf32>
          %swap3A_1342 = arith.constant 1 : i32
          %swap3A_1343 = arith.index_cast %swap3A_1342 : i32 to index
          %swap3A_1344 = arith.index_cast %scan3A_1268 : i32 to index
          %swap3A_1345 = arith.constant 32 : index
          %swap3A_1346 = tpu.vector_load %arg19[%swap3A_1343, %swap3A_1344, %swap3A_1345] {strides = array<i32>} : memref<2x64x128xf32, #tpu.memory_space<vmem>>, vector<16xf32>,
          tpu.vector_store %arg19[%swap3A_1343, %swap3A_1344, %swap3A_1345], %mul3A_1341 {strides = array<i32>} : memref<2x64x128xf32, #tpu.memory_space<vmem>>, vector<16xf32>,
          %mul3A_1347 = arith.mulf %bitcast_convert_type3A_1340, %gather3A_1277 : vector<16xf32>
          %swap3A_1348 = arith.constant 1 : i32
          %swap3A_1349 = arith.index_cast %swap3A_1348 : i32 to index
          %swap3A_1350 = arith.index_cast %scan3A_1268 : i32 to index
          %swap3A_1351 = arith.constant 96 : index
          %swap3A_1352 = tpu.vector_load %arg19[%swap3A_1349, %swap3A_1350, %swap3A_1351] {strides = array<i32>} : memref<2x64x128xf32, #tpu.memory_space<vmem>>, vector<16xf32>,
          tpu.vector_store %arg19[%swap3A_1349, %swap3A_1350, %swap3A_1351], %mul3A_1347 {strides = array<i32>} : memref<2x64x128xf32, #tpu.memory_space<vmem>>, vector<16xf32>,
          %get3A_1353 = arith.constant 1 : i32
          %get3A_1354 = arith.index_cast %get3A_1353 : i32 to index
          %get3A_1355 = arith.index_cast %scan3A_1268 : i32 to index
          %get3A_1356 = arith.constant 48 : index
          %get3A_1357 = tpu.vector_load %arg18[%get3A_1354, %get3A_1355, %get3A_1356] {strides = array<i32>} : memref<2x64x64xi32, #tpu.memory_space<vmem>>, vector<16xi32>,
          %shift_left3A_1358 = arith.constant 16 : i32
          %shift_left3A_1359 = vector.broadcast %shift_left3A_1358 : i32 to vector<16xi32>
          %shift_left3A_1360 = arith.shli %get3A_1357, %shift_left3A_1359 : vector<16xi32>
          %bitcast_convert_type3A_1361 = tpu.bitcast %shift_left3A_1360 : vector<16xi32> -> vector<16xf32>
          %and3A_1362 = arith.constant -65536 : i32
          %and3A_1363 = vector.broadcast %and3A_1362 : i32 to vector<16xi32>
          %and3A_1364 = arith.andi %get3A_1357, %and3A_1363 : vector<16xi32>
          %bitcast_convert_type3A_1365 = tpu.bitcast %and3A_1364 : vector<16xi32> -> vector<16xf32>
          %mul3A_1366 = arith.mulf %bitcast_convert_type3A_1361, %gather3A_1277 : vector<16xf32>
          %swap3A_1367 = arith.constant 1 : i32
          %swap3A_1368 = arith.index_cast %swap3A_1367 : i32 to index
          %swap3A_1369 = arith.index_cast %scan3A_1268 : i32 to index
          %swap3A_1370 = arith.constant 48 : index
          %swap3A_1371 = tpu.vector_load %arg19[%swap3A_1368, %swap3A_1369, %swap3A_1370] {strides = array<i32>} : memref<2x64x128xf32, #tpu.memory_space<vmem>>, vector<16xf32>,
          tpu.vector_store %arg19[%swap3A_1368, %swap3A_1369, %swap3A_1370], %mul3A_1366 {strides = array<i32>} : memref<2x64x128xf32, #tpu.memory_space<vmem>>, vector<16xf32>,
          %mul3A_1372 = arith.mulf %bitcast_convert_type3A_1365, %gather3A_1277 : vector<16xf32>
          %swap3A_1373 = arith.constant 1 : i32
          %swap3A_1374 = arith.index_cast %swap3A_1373 : i32 to index
          %swap3A_1375 = arith.index_cast %scan3A_1268 : i32 to index
          %swap3A_1376 = arith.constant 112 : index
          %swap3A_1377 = tpu.vector_load %arg19[%swap3A_1374, %swap3A_1375, %swap3A_1376] {strides = array<i32>} : memref<2x64x128xf32, #tpu.memory_space<vmem>>, vector<16xf32>,
          tpu.vector_store %arg19[%swap3A_1374, %swap3A_1375, %swap3A_1376], %mul3A_1372 {strides = array<i32>} : memref<2x64x128xf32, #tpu.memory_space<vmem>>, vector<16xf32>,
          %scan3A_1378 = arith.constant 6 : i32
          %scan3A_1379 = arith.addi %scan3A_716, %scan3A_1378 : i32
          %broadcast_in_dim3A_1380 = arith.constant 0 : i32
          %broadcast_in_dim3A_1381 = vector.broadcast %broadcast_in_dim3A_1380 : i32 to vector<16xi32>
          %add3A_1382 = vector.broadcast %scan3A_1379 : i32 to vector<16xi32>
          %add3A_1383 = arith.addi %broadcast_in_dim3A_1381, %add3A_1382 : vector<16xi32>
          %gather3A_1384 = arith.constant 1 : i32
          %gather3A_1385 = arith.constant 0 : i32
          %gather3A_1386 = tpu.memref_slice %arg17[%gather3A_1384, %gather3A_1385] : memref<2x64xf32, #tpu.memory_space<vmem>> -> memref<1x64xf32, #tpu.memory_space<vmem>>
          %gather3A_1387 = tpu.memref_squeeze %gather3A_1386 : memref<1x64xf32, #tpu.memory_space<vmem>> -> memref<64xf32, #tpu.memory_space<vmem>>
          %gather3A_1388 = tpu.vector_load_idx %gather3A_1387[%add3A_1383] : memref<64xf32, #tpu.memory_space<vmem>>[vector<16xi32>], vector<16xf32>,
          %get3A_1389 = arith.constant 1 : i32
          %get3A_1390 = arith.index_cast %get3A_1389 : i32 to index
          %get3A_1391 = arith.index_cast %scan3A_1379 : i32 to index
          %get3A_1392 = arith.constant 0 : index
          %get3A_1393 = tpu.vector_load %arg18[%get3A_1390, %get3A_1391, %get3A_1392] {strides = array<i32>} : memref<2x64x64xi32, #tpu.memory_space<vmem>>, vector<16xi32>,
          %shift_left3A_1394 = arith.constant 16 : i32
          %shift_left3A_1395 = vector.broadcast %shift_left3A_1394 : i32 to vector<16xi32>
          %shift_left3A_1396 = arith.shli %get3A_1393, %shift_left3A_1395 : vector<16xi32>
          %bitcast_convert_type3A_1397 = tpu.bitcast %shift_left3A_1396 : vector<16xi32> -> vector<16xf32>
          %and3A_1398 = arith.constant -65536 : i32
          %and3A_1399 = vector.broadcast %and3A_1398 : i32 to vector<16xi32>
          %and3A_1400 = arith.andi %get3A_1393, %and3A_1399 : vector<16xi32>
          %bitcast_convert_type3A_1401 = tpu.bitcast %and3A_1400 : vector<16xi32> -> vector<16xf32>
          %mul3A_1402 = arith.mulf %bitcast_convert_type3A_1397, %gather3A_1388 : vector<16xf32>
          %swap3A_1403 = arith.constant 1 : i32
          %swap3A_1404 = arith.index_cast %swap3A_1403 : i32 to index
          %swap3A_1405 = arith.index_cast %scan3A_1379 : i32 to index
          %swap3A_1406 = arith.constant 0 : index
          %swap3A_1407 = tpu.vector_load %arg19[%swap3A_1404, %swap3A_1405, %swap3A_1406] {strides = array<i32>} : memref<2x64x128xf32, #tpu.memory_space<vmem>>, vector<16xf32>,
          tpu.vector_store %arg19[%swap3A_1404, %swap3A_1405, %swap3A_1406], %mul3A_1402 {strides = array<i32>} : memref<2x64x128xf32, #tpu.memory_space<vmem>>, vector<16xf32>,
          %mul3A_1408 = arith.mulf %bitcast_convert_type3A_1401, %gather3A_1388 : vector<16xf32>
          %swap3A_1409 = arith.constant 1 : i32
          %swap3A_1410 = arith.index_cast %swap3A_1409 : i32 to index
          %swap3A_1411 = arith.index_cast %scan3A_1379 : i32 to index
          %swap3A_1412 = arith.constant 64 : index
          %swap3A_1413 = tpu.vector_load %arg19[%swap3A_1410, %swap3A_1411, %swap3A_1412] {strides = array<i32>} : memref<2x64x128xf32, #tpu.memory_space<vmem>>, vector<16xf32>,
          tpu.vector_store %arg19[%swap3A_1410, %swap3A_1411, %swap3A_1412], %mul3A_1408 {strides = array<i32>} : memref<2x64x128xf32, #tpu.memory_space<vmem>>, vector<16xf32>,
          %get3A_1414 = arith.constant 1 : i32
          %get3A_1415 = arith.index_cast %get3A_1414 : i32 to index
          %get3A_1416 = arith.index_cast %scan3A_1379 : i32 to index
          %get3A_1417 = arith.constant 16 : index
          %get3A_1418 = tpu.vector_load %arg18[%get3A_1415, %get3A_1416, %get3A_1417] {strides = array<i32>} : memref<2x64x64xi32, #tpu.memory_space<vmem>>, vector<16xi32>,
          %shift_left3A_1419 = arith.constant 16 : i32
          %shift_left3A_1420 = vector.broadcast %shift_left3A_1419 : i32 to vector<16xi32>
          %shift_left3A_1421 = arith.shli %get3A_1418, %shift_left3A_1420 : vector<16xi32>
          %bitcast_convert_type3A_1422 = tpu.bitcast %shift_left3A_1421 : vector<16xi32> -> vector<16xf32>
          %and3A_1423 = arith.constant -65536 : i32
          %and3A_1424 = vector.broadcast %and3A_1423 : i32 to vector<16xi32>
          %and3A_1425 = arith.andi %get3A_1418, %and3A_1424 : vector<16xi32>
          %bitcast_convert_type3A_1426 = tpu.bitcast %and3A_1425 : vector<16xi32> -> vector<16xf32>
          %mul3A_1427 = arith.mulf %bitcast_convert_type3A_1422, %gather3A_1388 : vector<16xf32>
          %swap3A_1428 = arith.constant 1 : i32
          %swap3A_1429 = arith.index_cast %swap3A_1428 : i32 to index
          %swap3A_1430 = arith.index_cast %scan3A_1379 : i32 to index
          %swap3A_1431 = arith.constant 16 : index
          %swap3A_1432 = tpu.vector_load %arg19[%swap3A_1429, %swap3A_1430, %swap3A_1431] {strides = array<i32>} : memref<2x64x128xf32, #tpu.memory_space<vmem>>, vector<16xf32>,
          tpu.vector_store %arg19[%swap3A_1429, %swap3A_1430, %swap3A_1431], %mul3A_1427 {strides = array<i32>} : memref<2x64x128xf32, #tpu.memory_space<vmem>>, vector<16xf32>,
          %mul3A_1433 = arith.mulf %bitcast_convert_type3A_1426, %gather3A_1388 : vector<16xf32>
          %swap3A_1434 = arith.constant 1 : i32
          %swap3A_1435 = arith.index_cast %swap3A_1434 : i32 to index
          %swap3A_1436 = arith.index_cast %scan3A_1379 : i32 to index
          %swap3A_1437 = arith.constant 80 : index
          %swap3A_1438 = tpu.vector_load %arg19[%swap3A_1435, %swap3A_1436, %swap3A_1437] {strides = array<i32>} : memref<2x64x128xf32, #tpu.memory_space<vmem>>, vector<16xf32>,
          tpu.vector_store %arg19[%swap3A_1435, %swap3A_1436, %swap3A_1437], %mul3A_1433 {strides = array<i32>} : memref<2x64x128xf32, #tpu.memory_space<vmem>>, vector<16xf32>,
          %get3A_1439 = arith.constant 1 : i32
          %get3A_1440 = arith.index_cast %get3A_1439 : i32 to index
          %get3A_1441 = arith.index_cast %scan3A_1379 : i32 to index
          %get3A_1442 = arith.constant 32 : index
          %get3A_1443 = tpu.vector_load %arg18[%get3A_1440, %get3A_1441, %get3A_1442] {strides = array<i32>} : memref<2x64x64xi32, #tpu.memory_space<vmem>>, vector<16xi32>,
          %shift_left3A_1444 = arith.constant 16 : i32
          %shift_left3A_1445 = vector.broadcast %shift_left3A_1444 : i32 to vector<16xi32>
          %shift_left3A_1446 = arith.shli %get3A_1443, %shift_left3A_1445 : vector<16xi32>
          %bitcast_convert_type3A_1447 = tpu.bitcast %shift_left3A_1446 : vector<16xi32> -> vector<16xf32>
          %and3A_1448 = arith.constant -65536 : i32
          %and3A_1449 = vector.broadcast %and3A_1448 : i32 to vector<16xi32>
          %and3A_1450 = arith.andi %get3A_1443, %and3A_1449 : vector<16xi32>
          %bitcast_convert_type3A_1451 = tpu.bitcast %and3A_1450 : vector<16xi32> -> vector<16xf32>
          %mul3A_1452 = arith.mulf %bitcast_convert_type3A_1447, %gather3A_1388 : vector<16xf32>
          %swap3A_1453 = arith.constant 1 : i32
          %swap3A_1454 = arith.index_cast %swap3A_1453 : i32 to index
          %swap3A_1455 = arith.index_cast %scan3A_1379 : i32 to index
          %swap3A_1456 = arith.constant 32 : index
          %swap3A_1457 = tpu.vector_load %arg19[%swap3A_1454, %swap3A_1455, %swap3A_1456] {strides = array<i32>} : memref<2x64x128xf32, #tpu.memory_space<vmem>>, vector<16xf32>,
          tpu.vector_store %arg19[%swap3A_1454, %swap3A_1455, %swap3A_1456], %mul3A_1452 {strides = array<i32>} : memref<2x64x128xf32, #tpu.memory_space<vmem>>, vector<16xf32>,
          %mul3A_1458 = arith.mulf %bitcast_convert_type3A_1451, %gather3A_1388 : vector<16xf32>
          %swap3A_1459 = arith.constant 1 : i32
          %swap3A_1460 = arith.index_cast %swap3A_1459 : i32 to index
          %swap3A_1461 = arith.index_cast %scan3A_1379 : i32 to index
          %swap3A_1462 = arith.constant 96 : index
          %swap3A_1463 = tpu.vector_load %arg19[%swap3A_1460, %swap3A_1461, %swap3A_1462] {strides = array<i32>} : memref<2x64x128xf32, #tpu.memory_space<vmem>>, vector<16xf32>,
          tpu.vector_store %arg19[%swap3A_1460, %swap3A_1461, %swap3A_1462], %mul3A_1458 {strides = array<i32>} : memref<2x64x128xf32, #tpu.memory_space<vmem>>, vector<16xf32>,
          %get3A_1464 = arith.constant 1 : i32
          %get3A_1465 = arith.index_cast %get3A_1464 : i32 to index
          %get3A_1466 = arith.index_cast %scan3A_1379 : i32 to index
          %get3A_1467 = arith.constant 48 : index
          %get3A_1468 = tpu.vector_load %arg18[%get3A_1465, %get3A_1466, %get3A_1467] {strides = array<i32>} : memref<2x64x64xi32, #tpu.memory_space<vmem>>, vector<16xi32>,
          %shift_left3A_1469 = arith.constant 16 : i32
          %shift_left3A_1470 = vector.broadcast %shift_left3A_1469 : i32 to vector<16xi32>
          %shift_left3A_1471 = arith.shli %get3A_1468, %shift_left3A_1470 : vector<16xi32>
          %bitcast_convert_type3A_1472 = tpu.bitcast %shift_left3A_1471 : vector<16xi32> -> vector<16xf32>
          %and3A_1473 = arith.constant -65536 : i32
          %and3A_1474 = vector.broadcast %and3A_1473 : i32 to vector<16xi32>
          %and3A_1475 = arith.andi %get3A_1468, %and3A_1474 : vector<16xi32>
          %bitcast_convert_type3A_1476 = tpu.bitcast %and3A_1475 : vector<16xi32> -> vector<16xf32>
          %mul3A_1477 = arith.mulf %bitcast_convert_type3A_1472, %gather3A_1388 : vector<16xf32>
          %swap3A_1478 = arith.constant 1 : i32
          %swap3A_1479 = arith.index_cast %swap3A_1478 : i32 to index
          %swap3A_1480 = arith.index_cast %scan3A_1379 : i32 to index
          %swap3A_1481 = arith.constant 48 : index
          %swap3A_1482 = tpu.vector_load %arg19[%swap3A_1479, %swap3A_1480, %swap3A_1481] {strides = array<i32>} : memref<2x64x128xf32, #tpu.memory_space<vmem>>, vector<16xf32>,
          tpu.vector_store %arg19[%swap3A_1479, %swap3A_1480, %swap3A_1481], %mul3A_1477 {strides = array<i32>} : memref<2x64x128xf32, #tpu.memory_space<vmem>>, vector<16xf32>,
          %mul3A_1483 = arith.mulf %bitcast_convert_type3A_1476, %gather3A_1388 : vector<16xf32>
          %swap3A_1484 = arith.constant 1 : i32
          %swap3A_1485 = arith.index_cast %swap3A_1484 : i32 to index
          %swap3A_1486 = arith.index_cast %scan3A_1379 : i32 to index
          %swap3A_1487 = arith.constant 112 : index
          %swap3A_1488 = tpu.vector_load %arg19[%swap3A_1485, %swap3A_1486, %swap3A_1487] {strides = array<i32>} : memref<2x64x128xf32, #tpu.memory_space<vmem>>, vector<16xf32>,
          tpu.vector_store %arg19[%swap3A_1485, %swap3A_1486, %swap3A_1487], %mul3A_1483 {strides = array<i32>} : memref<2x64x128xf32, #tpu.memory_space<vmem>>, vector<16xf32>,
          %scan3A_1489 = arith.constant 7 : i32
          %scan3A_1490 = arith.addi %scan3A_716, %scan3A_1489 : i32
          %broadcast_in_dim3A_1491 = arith.constant 0 : i32
          %broadcast_in_dim3A_1492 = vector.broadcast %broadcast_in_dim3A_1491 : i32 to vector<16xi32>
          %add3A_1493 = vector.broadcast %scan3A_1490 : i32 to vector<16xi32>
          %add3A_1494 = arith.addi %broadcast_in_dim3A_1492, %add3A_1493 : vector<16xi32>
          %gather3A_1495 = arith.constant 1 : i32
          %gather3A_1496 = arith.constant 0 : i32
          %gather3A_1497 = tpu.memref_slice %arg17[%gather3A_1495, %gather3A_1496] : memref<2x64xf32, #tpu.memory_space<vmem>> -> memref<1x64xf32, #tpu.memory_space<vmem>>
          %gather3A_1498 = tpu.memref_squeeze %gather3A_1497 : memref<1x64xf32, #tpu.memory_space<vmem>> -> memref<64xf32, #tpu.memory_space<vmem>>
          %gather3A_1499 = tpu.vector_load_idx %gather3A_1498[%add3A_1494] : memref<64xf32, #tpu.memory_space<vmem>>[vector<16xi32>], vector<16xf32>,
          %get3A_1500 = arith.constant 1 : i32
          %get3A_1501 = arith.index_cast %get3A_1500 : i32 to index
          %get3A_1502 = arith.index_cast %scan3A_1490 : i32 to index
          %get3A_1503 = arith.constant 0 : index
          %get3A_1504 = tpu.vector_load %arg18[%get3A_1501, %get3A_1502, %get3A_1503] {strides = array<i32>} : memref<2x64x64xi32, #tpu.memory_space<vmem>>, vector<16xi32>,
          %shift_left3A_1505 = arith.constant 16 : i32
          %shift_left3A_1506 = vector.broadcast %shift_left3A_1505 : i32 to vector<16xi32>
          %shift_left3A_1507 = arith.shli %get3A_1504, %shift_left3A_1506 : vector<16xi32>
          %bitcast_convert_type3A_1508 = tpu.bitcast %shift_left3A_1507 : vector<16xi32> -> vector<16xf32>
          %and3A_1509 = arith.constant -65536 : i32
          %and3A_1510 = vector.broadcast %and3A_1509 : i32 to vector<16xi32>
          %and3A_1511 = arith.andi %get3A_1504, %and3A_1510 : vector<16xi32>
          %bitcast_convert_type3A_1512 = tpu.bitcast %and3A_1511 : vector<16xi32> -> vector<16xf32>
          %mul3A_1513 = arith.mulf %bitcast_convert_type3A_1508, %gather3A_1499 : vector<16xf32>
          %swap3A_1514 = arith.constant 1 : i32
          %swap3A_1515 = arith.index_cast %swap3A_1514 : i32 to index
          %swap3A_1516 = arith.index_cast %scan3A_1490 : i32 to index
          %swap3A_1517 = arith.constant 0 : index
          %swap3A_1518 = tpu.vector_load %arg19[%swap3A_1515, %swap3A_1516, %swap3A_1517] {strides = array<i32>} : memref<2x64x128xf32, #tpu.memory_space<vmem>>, vector<16xf32>,
          tpu.vector_store %arg19[%swap3A_1515, %swap3A_1516, %swap3A_1517], %mul3A_1513 {strides = array<i32>} : memref<2x64x128xf32, #tpu.memory_space<vmem>>, vector<16xf32>,
          %mul3A_1519 = arith.mulf %bitcast_convert_type3A_1512, %gather3A_1499 : vector<16xf32>
          %swap3A_1520 = arith.constant 1 : i32
          %swap3A_1521 = arith.index_cast %swap3A_1520 : i32 to index
          %swap3A_1522 = arith.index_cast %scan3A_1490 : i32 to index
          %swap3A_1523 = arith.constant 64 : index
          %swap3A_1524 = tpu.vector_load %arg19[%swap3A_1521, %swap3A_1522, %swap3A_1523] {strides = array<i32>} : memref<2x64x128xf32, #tpu.memory_space<vmem>>, vector<16xf32>,
          tpu.vector_store %arg19[%swap3A_1521, %swap3A_1522, %swap3A_1523], %mul3A_1519 {strides = array<i32>} : memref<2x64x128xf32, #tpu.memory_space<vmem>>, vector<16xf32>,
          %get3A_1525 = arith.constant 1 : i32
          %get3A_1526 = arith.index_cast %get3A_1525 : i32 to index
          %get3A_1527 = arith.index_cast %scan3A_1490 : i32 to index
          %get3A_1528 = arith.constant 16 : index
          %get3A_1529 = tpu.vector_load %arg18[%get3A_1526, %get3A_1527, %get3A_1528] {strides = array<i32>} : memref<2x64x64xi32, #tpu.memory_space<vmem>>, vector<16xi32>,
          %shift_left3A_1530 = arith.constant 16 : i32
          %shift_left3A_1531 = vector.broadcast %shift_left3A_1530 : i32 to vector<16xi32>
          %shift_left3A_1532 = arith.shli %get3A_1529, %shift_left3A_1531 : vector<16xi32>
          %bitcast_convert_type3A_1533 = tpu.bitcast %shift_left3A_1532 : vector<16xi32> -> vector<16xf32>
          %and3A_1534 = arith.constant -65536 : i32
          %and3A_1535 = vector.broadcast %and3A_1534 : i32 to vector<16xi32>
          %and3A_1536 = arith.andi %get3A_1529, %and3A_1535 : vector<16xi32>
          %bitcast_convert_type3A_1537 = tpu.bitcast %and3A_1536 : vector<16xi32> -> vector<16xf32>
          %mul3A_1538 = arith.mulf %bitcast_convert_type3A_1533, %gather3A_1499 : vector<16xf32>
          %swap3A_1539 = arith.constant 1 : i32
          %swap3A_1540 = arith.index_cast %swap3A_1539 : i32 to index
          %swap3A_1541 = arith.index_cast %scan3A_1490 : i32 to index
          %swap3A_1542 = arith.constant 16 : index
          %swap3A_1543 = tpu.vector_load %arg19[%swap3A_1540, %swap3A_1541, %swap3A_1542] {strides = array<i32>} : memref<2x64x128xf32, #tpu.memory_space<vmem>>, vector<16xf32>,
          tpu.vector_store %arg19[%swap3A_1540, %swap3A_1541, %swap3A_1542], %mul3A_1538 {strides = array<i32>} : memref<2x64x128xf32, #tpu.memory_space<vmem>>, vector<16xf32>,
          %mul3A_1544 = arith.mulf %bitcast_convert_type3A_1537, %gather3A_1499 : vector<16xf32>
          %swap3A_1545 = arith.constant 1 : i32
          %swap3A_1546 = arith.index_cast %swap3A_1545 : i32 to index
          %swap3A_1547 = arith.index_cast %scan3A_1490 : i32 to index
          %swap3A_1548 = arith.constant 80 : index
          %swap3A_1549 = tpu.vector_load %arg19[%swap3A_1546, %swap3A_1547, %swap3A_1548] {strides = array<i32>} : memref<2x64x128xf32, #tpu.memory_space<vmem>>, vector<16xf32>,
          tpu.vector_store %arg19[%swap3A_1546, %swap3A_1547, %swap3A_1548], %mul3A_1544 {strides = array<i32>} : memref<2x64x128xf32, #tpu.memory_space<vmem>>, vector<16xf32>,
          %get3A_1550 = arith.constant 1 : i32
          %get3A_1551 = arith.index_cast %get3A_1550 : i32 to index
          %get3A_1552 = arith.index_cast %scan3A_1490 : i32 to index
          %get3A_1553 = arith.constant 32 : index
          %get3A_1554 = tpu.vector_load %arg18[%get3A_1551, %get3A_1552, %get3A_1553] {strides = array<i32>} : memref<2x64x64xi32, #tpu.memory_space<vmem>>, vector<16xi32>,
          %shift_left3A_1555 = arith.constant 16 : i32
          %shift_left3A_1556 = vector.broadcast %shift_left3A_1555 : i32 to vector<16xi32>
          %shift_left3A_1557 = arith.shli %get3A_1554, %shift_left3A_1556 : vector<16xi32>
          %bitcast_convert_type3A_1558 = tpu.bitcast %shift_left3A_1557 : vector<16xi32> -> vector<16xf32>
          %and3A_1559 = arith.constant -65536 : i32
          %and3A_1560 = vector.broadcast %and3A_1559 : i32 to vector<16xi32>
          %and3A_1561 = arith.andi %get3A_1554, %and3A_1560 : vector<16xi32>
          %bitcast_convert_type3A_1562 = tpu.bitcast %and3A_1561 : vector<16xi32> -> vector<16xf32>
          %mul3A_1563 = arith.mulf %bitcast_convert_type3A_1558, %gather3A_1499 : vector<16xf32>
          %swap3A_1564 = arith.constant 1 : i32
          %swap3A_1565 = arith.index_cast %swap3A_1564 : i32 to index
          %swap3A_1566 = arith.index_cast %scan3A_1490 : i32 to index
          %swap3A_1567 = arith.constant 32 : index
          %swap3A_1568 = tpu.vector_load %arg19[%swap3A_1565, %swap3A_1566, %swap3A_1567] {strides = array<i32>} : memref<2x64x128xf32, #tpu.memory_space<vmem>>, vector<16xf32>,
          tpu.vector_store %arg19[%swap3A_1565, %swap3A_1566, %swap3A_1567], %mul3A_1563 {strides = array<i32>} : memref<2x64x128xf32, #tpu.memory_space<vmem>>, vector<16xf32>,
          %mul3A_1569 = arith.mulf %bitcast_convert_type3A_1562, %gather3A_1499 : vector<16xf32>
          %swap3A_1570 = arith.constant 1 : i32
          %swap3A_1571 = arith.index_cast %swap3A_1570 : i32 to index
          %swap3A_1572 = arith.index_cast %scan3A_1490 : i32 to index
          %swap3A_1573 = arith.constant 96 : index
          %swap3A_1574 = tpu.vector_load %arg19[%swap3A_1571, %swap3A_1572, %swap3A_1573] {strides = array<i32>} : memref<2x64x128xf32, #tpu.memory_space<vmem>>, vector<16xf32>,
          tpu.vector_store %arg19[%swap3A_1571, %swap3A_1572, %swap3A_1573], %mul3A_1569 {strides = array<i32>} : memref<2x64x128xf32, #tpu.memory_space<vmem>>, vector<16xf32>,
          %get3A_1575 = arith.constant 1 : i32
          %get3A_1576 = arith.index_cast %get3A_1575 : i32 to index
          %get3A_1577 = arith.index_cast %scan3A_1490 : i32 to index
          %get3A_1578 = arith.constant 48 : index
          %get3A_1579 = tpu.vector_load %arg18[%get3A_1576, %get3A_1577, %get3A_1578] {strides = array<i32>} : memref<2x64x64xi32, #tpu.memory_space<vmem>>, vector<16xi32>,
          %shift_left3A_1580 = arith.constant 16 : i32
          %shift_left3A_1581 = vector.broadcast %shift_left3A_1580 : i32 to vector<16xi32>
          %shift_left3A_1582 = arith.shli %get3A_1579, %shift_left3A_1581 : vector<16xi32>
          %bitcast_convert_type3A_1583 = tpu.bitcast %shift_left3A_1582 : vector<16xi32> -> vector<16xf32>
          %and3A_1584 = arith.constant -65536 : i32
          %and3A_1585 = vector.broadcast %and3A_1584 : i32 to vector<16xi32>
          %and3A_1586 = arith.andi %get3A_1579, %and3A_1585 : vector<16xi32>
          %bitcast_convert_type3A_1587 = tpu.bitcast %and3A_1586 : vector<16xi32> -> vector<16xf32>
          %mul3A_1588 = arith.mulf %bitcast_convert_type3A_1583, %gather3A_1499 : vector<16xf32>
          %swap3A_1589 = arith.constant 1 : i32
          %swap3A_1590 = arith.index_cast %swap3A_1589 : i32 to index
          %swap3A_1591 = arith.index_cast %scan3A_1490 : i32 to index
          %swap3A_1592 = arith.constant 48 : index
          %swap3A_1593 = tpu.vector_load %arg19[%swap3A_1590, %swap3A_1591, %swap3A_1592] {strides = array<i32>} : memref<2x64x128xf32, #tpu.memory_space<vmem>>, vector<16xf32>,
          tpu.vector_store %arg19[%swap3A_1590, %swap3A_1591, %swap3A_1592], %mul3A_1588 {strides = array<i32>} : memref<2x64x128xf32, #tpu.memory_space<vmem>>, vector<16xf32>,
          %mul3A_1594 = arith.mulf %bitcast_convert_type3A_1587, %gather3A_1499 : vector<16xf32>
          %swap3A_1595 = arith.constant 1 : i32
          %swap3A_1596 = arith.index_cast %swap3A_1595 : i32 to index
          %swap3A_1597 = arith.index_cast %scan3A_1490 : i32 to index
          %swap3A_1598 = arith.constant 112 : index
          %swap3A_1599 = tpu.vector_load %arg19[%swap3A_1596, %swap3A_1597, %swap3A_1598] {strides = array<i32>} : memref<2x64x128xf32, #tpu.memory_space<vmem>>, vector<16xf32>,
          tpu.vector_store %arg19[%swap3A_1596, %swap3A_1597, %swap3A_1598], %mul3A_1594 {strides = array<i32>} : memref<2x64x128xf32, #tpu.memory_space<vmem>>, vector<16xf32>,
        }
        %scan3A_669 = arith.constant 64 : i32
        %dma_start3A_670 = arith.constant 1 : i32
        %dma_start3A_671 = arith.constant 0 : i32
        %dma_start3A_672 = arith.constant 0 : i32
        %dma_start3A_673 = tpu.memref_slice %arg19[%dma_start3A_670, %dma_start3A_671, %dma_start3A_672] : memref<2x64x128xf32, #tpu.memory_space<vmem>> -> memref<1x64x128xf32, #tpu.memory_space<vmem>>
        %dma_start3A_674 = tpu.memref_squeeze %dma_start3A_673 : memref<1x64x128xf32, #tpu.memory_space<vmem>> -> memref<64x128xf32, #tpu.memory_space<vmem>>
        %dma_start3A_675 = arith.constant 0 : i32
        %dma_start3A_676 = tpu.memref_slice %arg14[%rem3A_77, %add3A_641, %dma_start3A_675] : memref<2x8x64xi32, #tpu.memory_space<vmem>> -> memref<1x1x64xi32, #tpu.memory_space<vmem>>
        %dma_start3A_677 = tpu.memref_squeeze %dma_start3A_676 : memref<1x1x64xi32, #tpu.memory_space<vmem>> -> memref<64xi32, #tpu.memory_space<vmem>>
        %dma_start3A_678 = arith.constant 0 : i32
        %dma_start3A_679 = arith.constant 0 : i32
        %dma_start3A_680 = tpu.memref_slice %arg20[%dma_start3A_678, %dma_start3A_679] : memref<10240x128xf32, #tpu.memory_space<vmem_shared>> -> memref<10240x128xf32, #tpu.memory_space<vmem_shared>>
        tpu.enqueue_indirect_dma source(%dma_start3A_674 : memref<64x128xf32, #tpu.memory_space<vmem>>) target(%dma_start3A_680 : memref<10240x128xf32, #tpu.memory_space<vmem_shared>>) offsets(%dma_start3A_677 : memref<64xi32, #tpu.memory_space<vmem>>) semaphore(%arg27 : memref<!tpu.dma_semaphore, #tpu.memory_space<semaphore_mem>>) {add = true}
        %dma_start3A_681 = arith.constant 1 : i32
        %dma_start3A_682 = arith.constant 0 : i32
        %dma_start3A_683 = tpu.memref_slice %arg17[%dma_start3A_681, %dma_start3A_682] : memref<2x64xf32, #tpu.memory_space<vmem>> -> memref<1x64xf32, #tpu.memory_space<vmem>>
        %dma_start3A_684 = tpu.memref_squeeze %dma_start3A_683 : memref<1x64xf32, #tpu.memory_space<vmem>> -> memref<64xf32, #tpu.memory_space<vmem>>
        %dma_start3A_685 = arith.constant 0 : i32
        %dma_start3A_686 = tpu.memref_slice %arg14[%rem3A_77, %add3A_641, %dma_start3A_685] : memref<2x8x64xi32, #tpu.memory_space<vmem>> -> memref<1x1x64xi32, #tpu.memory_space<vmem>>
        %dma_start3A_687 = tpu.memref_squeeze %dma_start3A_686 : memref<1x1x64xi32, #tpu.memory_space<vmem>> -> memref<64xi32, #tpu.memory_space<vmem>>
        %dma_start3A_688 = arith.constant 0 : i32
        %dma_start3A_689 = tpu.memref_slice %arg21[%dma_start3A_688] : memref<10240xf32, #tpu.memory_space<vmem_shared>> -> memref<10240xf32, #tpu.memory_space<vmem_shared>>
        tpu.enqueue_indirect_dma source(%dma_start3A_684 : memref<64xf32, #tpu.memory_space<vmem>>) target(%dma_start3A_689 : memref<10240xf32, #tpu.memory_space<vmem_shared>>) offsets(%dma_start3A_687 : memref<64xi32, #tpu.memory_space<vmem>>) semaphore(%arg27 : memref<!tpu.dma_semaphore, #tpu.memory_space<semaphore_mem>>) {add = true}
        %sub3A = arith.constant 1 : i32
        %sub3A_690 = arith.subi %add3A_641, %sub3A : i32
        %dma_wait3A_691 = arith.constant 0 : i32
        %dma_wait3A_692 = arith.constant 0 : i32
        %dma_wait3A_693 = arith.constant 0 : i32
        %dma_wait3A_694 = tpu.memref_slice %arg19[%dma_wait3A_691, %dma_wait3A_692, %dma_wait3A_693] : memref<2x64x128xf32, #tpu.memory_space<vmem>> -> memref<1x64x128xf32, #tpu.memory_space<vmem>>
        %dma_wait3A_695 = tpu.memref_squeeze %dma_wait3A_694 : memref<1x64x128xf32, #tpu.memory_space<vmem>> -> memref<64x128xf32, #tpu.memory_space<vmem>>
        %dma_wait3A_696 = arith.constant 0 : i32
        %dma_wait3A_697 = tpu.memref_slice %arg14[%rem3A_77, %sub3A_690, %dma_wait3A_696] : memref<2x8x64xi32, #tpu.memory_space<vmem>> -> memref<1x1x64xi32, #tpu.memory_space<vmem>>
        %dma_wait3A_698 = tpu.memref_squeeze %dma_wait3A_697 : memref<1x1x64xi32, #tpu.memory_space<vmem>> -> memref<64xi32, #tpu.memory_space<vmem>>
        %dma_wait3A_699 = arith.constant 0 : i32
        %dma_wait3A_700 = arith.constant 0 : i32
        %dma_wait3A_701 = tpu.memref_slice %arg20[%dma_wait3A_699, %dma_wait3A_700] : memref<10240x128xf32, #tpu.memory_space<vmem_shared>> -> memref<10240x128xf32, #tpu.memory_space<vmem_shared>>
        tpu.wait_indirect_dma semaphore(%arg26 : memref<!tpu.dma_semaphore, #tpu.memory_space<semaphore_mem>>) src(%dma_wait3A_695 : memref<64x128xf32, #tpu.memory_space<vmem>>) dst(%dma_wait3A_701 : memref<10240x128xf32, #tpu.memory_space<vmem_shared>>)
        %dma_wait3A_702 = arith.constant 0 : i32
        %dma_wait3A_703 = arith.constant 0 : i32
        %dma_wait3A_704 = tpu.memref_slice %arg17[%dma_wait3A_702, %dma_wait3A_703] : memref<2x64xf32, #tpu.memory_space<vmem>> -> memref<1x64xf32, #tpu.memory_space<vmem>>
        %dma_wait3A_705 = tpu.memref_squeeze %dma_wait3A_704 : memref<1x64xf32, #tpu.memory_space<vmem>> -> memref<64xf32, #tpu.memory_space<vmem>>
        %dma_wait3A_706 = arith.constant 0 : i32
        %dma_wait3A_707 = tpu.memref_slice %arg14[%rem3A_77, %sub3A_690, %dma_wait3A_706] : memref<2x8x64xi32, #tpu.memory_space<vmem>> -> memref<1x1x64xi32, #tpu.memory_space<vmem>>
        %dma_wait3A_708 = tpu.memref_squeeze %dma_wait3A_707 : memref<1x1x64xi32, #tpu.memory_space<vmem>> -> memref<64xi32, #tpu.memory_space<vmem>>
        %dma_wait3A_709 = arith.constant 0 : i32
        %dma_wait3A_710 = tpu.memref_slice %arg21[%dma_wait3A_709] : memref<10240xf32, #tpu.memory_space<vmem_shared>> -> memref<10240xf32, #tpu.memory_space<vmem_shared>>
        tpu.wait_indirect_dma semaphore(%arg26 : memref<!tpu.dma_semaphore, #tpu.memory_space<semaphore_mem>>) src(%dma_wait3A_705 : memref<64xf32, #tpu.memory_space<vmem>>) dst(%dma_wait3A_710 : memref<10240xf32, #tpu.memory_space<vmem_shared>>)
        %lt3A_711 = arith.constant 3 : i32
        %lt3A_712 = arith.cmpi slt, %scan3A_371, %lt3A_711 : i32
        %convert_element_type3A_713 = arith.extui %lt3A_712 : i1 to i32
        %cond3A_714 = arith.constant 0 : i32
        %cond3A_715 = arith.cmpi ne, %convert_element_type3A_713, %cond3A_714 : i32
        scf.if %cond3A_715 {
          %add3A_716 = arith.constant 1 : i32
          %add3A_717 = arith.addi %add3A_641, %add3A_716 : i32
          %get3A_718 = arith.index_cast %rem3A_77 : i32 to index
          %get3A_719 = arith.index_cast %add3A_717 : i32 to index
          %get3A_720 = arith.constant 0 : index
          %get3A_721 = tpu.vector_load %arg14[%get3A_718, %get3A_719, %get3A_720] {strides = array<i32>} : memref<2x8x64xi32, #tpu.memory_space<vmem>>, vector<16xi32>,
          %get3A_722 = arith.index_cast %rem3A_77 : i32 to index
          %get3A_723 = arith.index_cast %add3A_717 : i32 to index
          %get3A_724 = arith.constant 0 : index
          %get3A_725 = tpu.vector_load %arg15[%get3A_722, %get3A_723, %get3A_724] {strides = array<i32>} : memref<2x8x64xi32, #tpu.memory_space<vmem>>, vector<16xi32>,
          %gather3A_726 = tpu.vector_load_idx %arg12[%get3A_721] : memref<10000xf32, #tpu.memory_space<vmem>>[vector<16xi32>], vector<16xf32>,
          %gather3A_727 = tpu.vector_load_idx %arg13[%get3A_725] : memref<10000xf32, #tpu.memory_space<vmem>>[vector<16xi32>], vector<16xf32>,
          %add3A_728 = arith.addf %gather3A_726, %gather3A_727 : vector<16xf32>
          %get3A_729 = arith.index_cast %rem3A_77 : i32 to index
          %get3A_730 = arith.index_cast %add3A_717 : i32 to index
          %get3A_731 = arith.constant 0 : index
          %get3A_732 = tpu.vector_load %arg16[%get3A_729, %get3A_730, %get3A_731] {strides = array<i32>} : memref<2x8x64xf32, #tpu.memory_space<vmem>>, vector<16xf32>,
          %add3A_733 = arith.addf %add3A_728, %get3A_732 : vector<16xf32>
          %ge3A_734 = arith.constant 0.000000e+00 : f32
          %ge3A_735 = vector.broadcast %ge3A_734 : f32 to vector<16xf32>
          %ge3A_736 = arith.cmpf oge, %add3A_733, %ge3A_735 : vector<16xf32>
          %mul3A_737 = arith.constant 2.000000e-01 : f32
          %mul3A_738 = vector.broadcast %mul3A_737 : f32 to vector<16xf32>
          %mul3A_739 = arith.mulf %mul3A_738, %add3A_733 : vector<16xf32>
          %select_n3A_740 = arith.select %ge3A_736, %add3A_733, %mul3A_739 : vector<16xi1>, vector<16xf32>
          %exp3A_741 = math.exp %select_n3A_740 : vector<16xf32>
          %mul3A_742 = arith.constant 10240 : i32
          %mul3A_743 = arith.muli %add3A, %mul3A_742 : i32
          %mul3A_744 = arith.constant 8 : i32
          %mul3A_745 = arith.muli %scan3A_76, %mul3A_744 : i32
          %add3A_746 = arith.addi %mul3A_745, %add3A_717 : i32
          %mul3A_747 = arith.constant 64 : i32
          %mul3A_748 = arith.muli %add3A_746, %mul3A_747 : i32
          %add3A_749 = arith.addi %mul3A_743, %mul3A_748 : i32
          %add3A_750 = arith.constant 0 : i32
          %add3A_751 = arith.addi %add3A_749, %add3A_750 : i32
          %add3A_752 = vector.broadcast %add3A_751 : i32 to vector<16xi32>
          %add3A_753 = arith.addi %add3A_752, %iota3A : vector<16xi32>
          %lt3A_754 = arith.constant 320000 : i32
          %lt3A_755 = vector.broadcast %lt3A_754 : i32 to vector<16xi32>
          %lt3A_756 = arith.cmpi slt, %add3A_753, %lt3A_755 : vector<16xi32>
          %jit3A_757 = arith.constant 0.000000e+00 : f32
          %broadcast_in_dim3A_758 = vector.broadcast %jit3A_757 : f32 to vector<16xf32>
          %select_n3A_759 = arith.select %lt3A_756, %exp3A_741, %broadcast_in_dim3A_758 : vector<16xi1>, vector<16xf32>
          %swap3A_760 = arith.constant 0 : i32
          %swap3A_761 = arith.index_cast %swap3A_760 : i32 to index
          %swap3A_762 = arith.constant 0 : index
          %swap3A_763 = tpu.vector_load %arg17[%swap3A_761, %swap3A_762] {strides = array<i32>} : memref<2x64xf32, #tpu.memory_space<vmem>>, vector<16xf32>,
          tpu.vector_store %arg17[%swap3A_761, %swap3A_762], %select_n3A_759 {strides = array<i32>} : memref<2x64xf32, #tpu.memory_space<vmem>>, vector<16xf32>,
          %get3A_764 = arith.index_cast %rem3A_77 : i32 to index
          %get3A_765 = arith.index_cast %add3A_717 : i32 to index
          %get3A_766 = arith.constant 16 : index
          %get3A_767 = tpu.vector_load %arg14[%get3A_764, %get3A_765, %get3A_766] {strides = array<i32>} : memref<2x8x64xi32, #tpu.memory_space<vmem>>, vector<16xi32>,
          %get3A_768 = arith.index_cast %rem3A_77 : i32 to index
          %get3A_769 = arith.index_cast %add3A_717 : i32 to index
          %get3A_770 = arith.constant 16 : index
          %get3A_771 = tpu.vector_load %arg15[%get3A_768, %get3A_769, %get3A_770] {strides = array<i32>} : memref<2x8x64xi32, #tpu.memory_space<vmem>>, vector<16xi32>,
          %gather3A_772 = tpu.vector_load_idx %arg12[%get3A_767] : memref<10000xf32, #tpu.memory_space<vmem>>[vector<16xi32>], vector<16xf32>,
          %gather3A_773 = tpu.vector_load_idx %arg13[%get3A_771] : memref<10000xf32, #tpu.memory_space<vmem>>[vector<16xi32>], vector<16xf32>,
          %add3A_774 = arith.addf %gather3A_772, %gather3A_773 : vector<16xf32>
          %get3A_775 = arith.index_cast %rem3A_77 : i32 to index
          %get3A_776 = arith.index_cast %add3A_717 : i32 to index
          %get3A_777 = arith.constant 16 : index
          %get3A_778 = tpu.vector_load %arg16[%get3A_775, %get3A_776, %get3A_777] {strides = array<i32>} : memref<2x8x64xf32, #tpu.memory_space<vmem>>, vector<16xf32>,
          %add3A_779 = arith.addf %add3A_774, %get3A_778 : vector<16xf32>
          %ge3A_780 = arith.constant 0.000000e+00 : f32
          %ge3A_781 = vector.broadcast %ge3A_780 : f32 to vector<16xf32>
          %ge3A_782 = arith.cmpf oge, %add3A_779, %ge3A_781 : vector<16xf32>
          %mul3A_783 = arith.constant 2.000000e-01 : f32
          %mul3A_784 = vector.broadcast %mul3A_783 : f32 to vector<16xf32>
          %mul3A_785 = arith.mulf %mul3A_784, %add3A_779 : vector<16xf32>
          %select_n3A_786 = arith.select %ge3A_782, %add3A_779, %mul3A_785 : vector<16xi1>, vector<16xf32>
          %exp3A_787 = math.exp %select_n3A_786 : vector<16xf32>
          %mul3A_788 = arith.constant 10240 : i32
          %mul3A_789 = arith.muli %add3A, %mul3A_788 : i32
          %mul3A_790 = arith.constant 8 : i32
          %mul3A_791 = arith.muli %scan3A_76, %mul3A_790 : i32
          %add3A_792 = arith.addi %mul3A_791, %add3A_717 : i32
          %mul3A_793 = arith.constant 64 : i32
          %mul3A_794 = arith.muli %add3A_792, %mul3A_793 : i32
          %add3A_795 = arith.addi %mul3A_789, %mul3A_794 : i32
          %add3A_796 = arith.constant 16 : i32
          %add3A_797 = arith.addi %add3A_795, %add3A_796 : i32
          %add3A_798 = vector.broadcast %add3A_797 : i32 to vector<16xi32>
          %add3A_799 = arith.addi %add3A_798, %iota3A : vector<16xi32>
          %lt3A_800 = arith.constant 320000 : i32
          %lt3A_801 = vector.broadcast %lt3A_800 : i32 to vector<16xi32>
          %lt3A_802 = arith.cmpi slt, %add3A_799, %lt3A_801 : vector<16xi32>
          %jit3A_803 = arith.constant 0.000000e+00 : f32
          %broadcast_in_dim3A_804 = vector.broadcast %jit3A_803 : f32 to vector<16xf32>
          %select_n3A_805 = arith.select %lt3A_802, %exp3A_787, %broadcast_in_dim3A_804 : vector<16xi1>, vector<16xf32>
          %swap3A_806 = arith.constant 0 : i32
          %swap3A_807 = arith.index_cast %swap3A_806 : i32 to index
          %swap3A_808 = arith.constant 16 : index
          %swap3A_809 = tpu.vector_load %arg17[%swap3A_807, %swap3A_808] {strides = array<i32>} : memref<2x64xf32, #tpu.memory_space<vmem>>, vector<16xf32>,
          tpu.vector_store %arg17[%swap3A_807, %swap3A_808], %select_n3A_805 {strides = array<i32>} : memref<2x64xf32, #tpu.memory_space<vmem>>, vector<16xf32>,
          %get3A_810 = arith.index_cast %rem3A_77 : i32 to index
          %get3A_811 = arith.index_cast %add3A_717 : i32 to index
          %get3A_812 = arith.constant 32 : index
          %get3A_813 = tpu.vector_load %arg14[%get3A_810, %get3A_811, %get3A_812] {strides = array<i32>} : memref<2x8x64xi32, #tpu.memory_space<vmem>>, vector<16xi32>,
          %get3A_814 = arith.index_cast %rem3A_77 : i32 to index
          %get3A_815 = arith.index_cast %add3A_717 : i32 to index
          %get3A_816 = arith.constant 32 : index
          %get3A_817 = tpu.vector_load %arg15[%get3A_814, %get3A_815, %get3A_816] {strides = array<i32>} : memref<2x8x64xi32, #tpu.memory_space<vmem>>, vector<16xi32>,
          %gather3A_818 = tpu.vector_load_idx %arg12[%get3A_813] : memref<10000xf32, #tpu.memory_space<vmem>>[vector<16xi32>], vector<16xf32>,
          %gather3A_819 = tpu.vector_load_idx %arg13[%get3A_817] : memref<10000xf32, #tpu.memory_space<vmem>>[vector<16xi32>], vector<16xf32>,
          %add3A_820 = arith.addf %gather3A_818, %gather3A_819 : vector<16xf32>
          %get3A_821 = arith.index_cast %rem3A_77 : i32 to index
          %get3A_822 = arith.index_cast %add3A_717 : i32 to index
          %get3A_823 = arith.constant 32 : index
          %get3A_824 = tpu.vector_load %arg16[%get3A_821, %get3A_822, %get3A_823] {strides = array<i32>} : memref<2x8x64xf32, #tpu.memory_space<vmem>>, vector<16xf32>,
          %add3A_825 = arith.addf %add3A_820, %get3A_824 : vector<16xf32>
          %ge3A_826 = arith.constant 0.000000e+00 : f32
          %ge3A_827 = vector.broadcast %ge3A_826 : f32 to vector<16xf32>
          %ge3A_828 = arith.cmpf oge, %add3A_825, %ge3A_827 : vector<16xf32>
          %mul3A_829 = arith.constant 2.000000e-01 : f32
          %mul3A_830 = vector.broadcast %mul3A_829 : f32 to vector<16xf32>
          %mul3A_831 = arith.mulf %mul3A_830, %add3A_825 : vector<16xf32>
          %select_n3A_832 = arith.select %ge3A_828, %add3A_825, %mul3A_831 : vector<16xi1>, vector<16xf32>
          %exp3A_833 = math.exp %select_n3A_832 : vector<16xf32>
          %mul3A_834 = arith.constant 10240 : i32
          %mul3A_835 = arith.muli %add3A, %mul3A_834 : i32
          %mul3A_836 = arith.constant 8 : i32
          %mul3A_837 = arith.muli %scan3A_76, %mul3A_836 : i32
          %add3A_838 = arith.addi %mul3A_837, %add3A_717 : i32
          %mul3A_839 = arith.constant 64 : i32
          %mul3A_840 = arith.muli %add3A_838, %mul3A_839 : i32
          %add3A_841 = arith.addi %mul3A_835, %mul3A_840 : i32
          %add3A_842 = arith.constant 32 : i32
          %add3A_843 = arith.addi %add3A_841, %add3A_842 : i32
          %add3A_844 = vector.broadcast %add3A_843 : i32 to vector<16xi32>
          %add3A_845 = arith.addi %add3A_844, %iota3A : vector<16xi32>
          %lt3A_846 = arith.constant 320000 : i32
          %lt3A_847 = vector.broadcast %lt3A_846 : i32 to vector<16xi32>
          %lt3A_848 = arith.cmpi slt, %add3A_845, %lt3A_847 : vector<16xi32>
          %jit3A_849 = arith.constant 0.000000e+00 : f32
          %broadcast_in_dim3A_850 = vector.broadcast %jit3A_849 : f32 to vector<16xf32>
          %select_n3A_851 = arith.select %lt3A_848, %exp3A_833, %broadcast_in_dim3A_850 : vector<16xi1>, vector<16xf32>
          %swap3A_852 = arith.constant 0 : i32
          %swap3A_853 = arith.index_cast %swap3A_852 : i32 to index
          %swap3A_854 = arith.constant 32 : index
          %swap3A_855 = tpu.vector_load %arg17[%swap3A_853, %swap3A_854] {strides = array<i32>} : memref<2x64xf32, #tpu.memory_space<vmem>>, vector<16xf32>,
          tpu.vector_store %arg17[%swap3A_853, %swap3A_854], %select_n3A_851 {strides = array<i32>} : memref<2x64xf32, #tpu.memory_space<vmem>>, vector<16xf32>,
          %get3A_856 = arith.index_cast %rem3A_77 : i32 to index
          %get3A_857 = arith.index_cast %add3A_717 : i32 to index
          %get3A_858 = arith.constant 48 : index
          %get3A_859 = tpu.vector_load %arg14[%get3A_856, %get3A_857, %get3A_858] {strides = array<i32>} : memref<2x8x64xi32, #tpu.memory_space<vmem>>, vector<16xi32>,
          %get3A_860 = arith.index_cast %rem3A_77 : i32 to index
          %get3A_861 = arith.index_cast %add3A_717 : i32 to index
          %get3A_862 = arith.constant 48 : index
          %get3A_863 = tpu.vector_load %arg15[%get3A_860, %get3A_861, %get3A_862] {strides = array<i32>} : memref<2x8x64xi32, #tpu.memory_space<vmem>>, vector<16xi32>,
          %gather3A_864 = tpu.vector_load_idx %arg12[%get3A_859] : memref<10000xf32, #tpu.memory_space<vmem>>[vector<16xi32>], vector<16xf32>,
          %gather3A_865 = tpu.vector_load_idx %arg13[%get3A_863] : memref<10000xf32, #tpu.memory_space<vmem>>[vector<16xi32>], vector<16xf32>,
          %add3A_866 = arith.addf %gather3A_864, %gather3A_865 : vector<16xf32>
          %get3A_867 = arith.index_cast %rem3A_77 : i32 to index
          %get3A_868 = arith.index_cast %add3A_717 : i32 to index
          %get3A_869 = arith.constant 48 : index
          %get3A_870 = tpu.vector_load %arg16[%get3A_867, %get3A_868, %get3A_869] {strides = array<i32>} : memref<2x8x64xf32, #tpu.memory_space<vmem>>, vector<16xf32>,
          %add3A_871 = arith.addf %add3A_866, %get3A_870 : vector<16xf32>
          %ge3A_872 = arith.constant 0.000000e+00 : f32
          %ge3A_873 = vector.broadcast %ge3A_872 : f32 to vector<16xf32>
          %ge3A_874 = arith.cmpf oge, %add3A_871, %ge3A_873 : vector<16xf32>
          %mul3A_875 = arith.constant 2.000000e-01 : f32
          %mul3A_876 = vector.broadcast %mul3A_875 : f32 to vector<16xf32>
          %mul3A_877 = arith.mulf %mul3A_876, %add3A_871 : vector<16xf32>
          %select_n3A_878 = arith.select %ge3A_874, %add3A_871, %mul3A_877 : vector<16xi1>, vector<16xf32>
          %exp3A_879 = math.exp %select_n3A_878 : vector<16xf32>
          %mul3A_880 = arith.constant 10240 : i32
          %mul3A_881 = arith.muli %add3A, %mul3A_880 : i32
          %mul3A_882 = arith.constant 8 : i32
          %mul3A_883 = arith.muli %scan3A_76, %mul3A_882 : i32
          %add3A_884 = arith.addi %mul3A_883, %add3A_717 : i32
          %mul3A_885 = arith.constant 64 : i32
          %mul3A_886 = arith.muli %add3A_884, %mul3A_885 : i32
          %add3A_887 = arith.addi %mul3A_881, %mul3A_886 : i32
          %add3A_888 = arith.constant 48 : i32
          %add3A_889 = arith.addi %add3A_887, %add3A_888 : i32
          %add3A_890 = vector.broadcast %add3A_889 : i32 to vector<16xi32>
          %add3A_891 = arith.addi %add3A_890, %iota3A : vector<16xi32>
          %lt3A_892 = arith.constant 320000 : i32
          %lt3A_893 = vector.broadcast %lt3A_892 : i32 to vector<16xi32>
          %lt3A_894 = arith.cmpi slt, %add3A_891, %lt3A_893 : vector<16xi32>
          %jit3A_895 = arith.constant 0.000000e+00 : f32
          %broadcast_in_dim3A_896 = vector.broadcast %jit3A_895 : f32 to vector<16xf32>
          %select_n3A_897 = arith.select %lt3A_894, %exp3A_879, %broadcast_in_dim3A_896 : vector<16xi1>, vector<16xf32>
          %swap3A_898 = arith.constant 0 : i32
          %swap3A_899 = arith.index_cast %swap3A_898 : i32 to index
          %swap3A_900 = arith.constant 48 : index
          %swap3A_901 = tpu.vector_load %arg17[%swap3A_899, %swap3A_900] {strides = array<i32>} : memref<2x64xf32, #tpu.memory_space<vmem>>, vector<16xf32>,
          tpu.vector_store %arg17[%swap3A_899, %swap3A_900], %select_n3A_897 {strides = array<i32>} : memref<2x64xf32, #tpu.memory_space<vmem>>, vector<16xf32>,
          %add3A_902 = arith.constant 1 : i32
          %add3A_903 = arith.addi %add3A_641, %add3A_902 : i32
          %dma_start3A_904 = arith.constant 0 : i32
          %dma_start3A_905 = arith.constant 0 : i32
          %dma_start3A_906 = arith.constant 0 : i32
          %dma_start3A_907 = tpu.memref_slice %arg18[%dma_start3A_904, %dma_start3A_905, %dma_start3A_906] : memref<2x64x64xi32, #tpu.memory_space<vmem>> -> memref<1x32x64xi32, #tpu.memory_space<vmem>>
          %dma_start3A_908 = tpu.memref_squeeze %dma_start3A_907 : memref<1x32x64xi32, #tpu.memory_space<vmem>> -> memref<32x64xi32, #tpu.memory_space<vmem>>
          %dma_start3A_909 = arith.constant 0 : i32
          %dma_start3A_910 = tpu.memref_slice %arg15[%rem3A_77, %add3A_903, %dma_start3A_909] : memref<2x8x64xi32, #tpu.memory_space<vmem>> -> memref<1x1x32xi32, #tpu.memory_space<vmem>>
          %dma_start3A_911 = tpu.memref_squeeze %dma_start3A_910 : memref<1x1x32xi32, #tpu.memory_space<vmem>> -> memref<32xi32, #tpu.memory_space<vmem>>
          %dma_start3A_912 = arith.constant 0 : i32
          %dma_start3A_913 = arith.constant 0 : i32
          %dma_start3A_914 = tpu.memref_slice %arg2[%dma_start3A_912, %dma_start3A_913] : memref<10000x64xi32, #tpu.memory_space<hbm>> -> memref<10000x64xi32, #tpu.memory_space<hbm>>
          tpu.enqueue_indirect_dma source(%dma_start3A_914 : memref<10000x64xi32, #tpu.memory_space<hbm>>) target(%dma_start3A_908 : memref<32x64xi32, #tpu.memory_space<vmem>>) offsets(%dma_start3A_911 : memref<32xi32, #tpu.memory_space<vmem>>) semaphore(%arg22 : memref<!tpu.dma_semaphore, #tpu.memory_space<semaphore_mem>>)
          %dma_start3A_915 = arith.constant 0 : i32
          %dma_start3A_916 = arith.constant 32 : i32
          %dma_start3A_917 = arith.constant 0 : i32
          %dma_start3A_918 = tpu.memref_slice %arg18[%dma_start3A_915, %dma_start3A_916, %dma_start3A_917] : memref<2x64x64xi32, #tpu.memory_space<vmem>> -> memref<1x32x64xi32, #tpu.memory_space<vmem>>
          %dma_start3A_919 = tpu.memref_squeeze %dma_start3A_918 : memref<1x32x64xi32, #tpu.memory_space<vmem>> -> memref<32x64xi32, #tpu.memory_space<vmem>>
          %dma_start3A_920 = arith.constant 32 : i32
          %dma_start3A_921 = tpu.memref_slice %arg15[%rem3A_77, %add3A_903, %dma_start3A_920] : memref<2x8x64xi32, #tpu.memory_space<vmem>> -> memref<1x1x32xi32, #tpu.memory_space<vmem>>
          %dma_start3A_922 = tpu.memref_squeeze %dma_start3A_921 : memref<1x1x32xi32, #tpu.memory_space<vmem>> -> memref<32xi32, #tpu.memory_space<vmem>>
          %dma_start3A_923 = arith.constant 0 : i32
          %dma_start3A_924 = arith.constant 0 : i32
          %dma_start3A_925 = tpu.memref_slice %arg2[%dma_start3A_923, %dma_start3A_924] : memref<10000x64xi32, #tpu.memory_space<hbm>> -> memref<10000x64xi32, #tpu.memory_space<hbm>>
          tpu.enqueue_indirect_dma source(%dma_start3A_925 : memref<10000x64xi32, #tpu.memory_space<hbm>>) target(%dma_start3A_919 : memref<32x64xi32, #tpu.memory_space<vmem>>) offsets(%dma_start3A_922 : memref<32xi32, #tpu.memory_space<vmem>>) semaphore(%arg24 : memref<!tpu.dma_semaphore, #tpu.memory_space<semaphore_mem>>)
        } else {
        }
      }
      %scan3A_348 = arith.constant 4 : i32
      %dma_wait3A_349 = arith.constant 1 : i32
      %dma_wait3A_350 = arith.constant 7 : i32
      %dma_wait3A_351 = arith.constant 0 : i32
      %dma_wait3A_352 = arith.constant 0 : i32
      %dma_wait3A_353 = tpu.memref_slice %arg19[%dma_wait3A_349, %dma_wait3A_351, %dma_wait3A_352] : memref<2x64x128xf32, #tpu.memory_space<vmem>> -> memref<1x64x128xf32, #tpu.memory_space<vmem>>
      %dma_wait3A_354 = tpu.memref_squeeze %dma_wait3A_353 : memref<1x64x128xf32, #tpu.memory_space<vmem>> -> memref<64x128xf32, #tpu.memory_space<vmem>>
      %dma_wait3A_355 = arith.constant 0 : i32
      %dma_wait3A_356 = tpu.memref_slice %arg14[%rem3A_77, %dma_wait3A_350, %dma_wait3A_355] : memref<2x8x64xi32, #tpu.memory_space<vmem>> -> memref<1x1x64xi32, #tpu.memory_space<vmem>>
      %dma_wait3A_357 = tpu.memref_squeeze %dma_wait3A_356 : memref<1x1x64xi32, #tpu.memory_space<vmem>> -> memref<64xi32, #tpu.memory_space<vmem>>
      %dma_wait3A_358 = arith.constant 0 : i32
      %dma_wait3A_359 = arith.constant 0 : i32
      %dma_wait3A_360 = tpu.memref_slice %arg20[%dma_wait3A_358, %dma_wait3A_359] : memref<10240x128xf32, #tpu.memory_space<vmem_shared>> -> memref<10240x128xf32, #tpu.memory_space<vmem_shared>>
      tpu.wait_indirect_dma semaphore(%arg27 : memref<!tpu.dma_semaphore, #tpu.memory_space<semaphore_mem>>) src(%dma_wait3A_354 : memref<64x128xf32, #tpu.memory_space<vmem>>) dst(%dma_wait3A_360 : memref<10240x128xf32, #tpu.memory_space<vmem_shared>>)
      %dma_wait3A_361 = arith.constant 1 : i32
      %dma_wait3A_362 = arith.constant 7 : i32
      %dma_wait3A_363 = arith.constant 0 : i32
      %dma_wait3A_364 = tpu.memref_slice %arg17[%dma_wait3A_361, %dma_wait3A_363] : memref<2x64xf32, #tpu.memory_space<vmem>> -> memref<1x64xf32, #tpu.memory_space<vmem>>
      %dma_wait3A_365 = tpu.memref_squeeze %dma_wait3A_364 : memref<1x64xf32, #tpu.memory_space<vmem>> -> memref<64xf32, #tpu.memory_space<vmem>>
      %dma_wait3A_366 = arith.constant 0 : i32
      %dma_wait3A_367 = tpu.memref_slice %arg14[%rem3A_77, %dma_wait3A_362, %dma_wait3A_366] : memref<2x8x64xi32, #tpu.memory_space<vmem>> -> memref<1x1x64xi32, #tpu.memory_space<vmem>>
      %dma_wait3A_368 = tpu.memref_squeeze %dma_wait3A_367 : memref<1x1x64xi32, #tpu.memory_space<vmem>> -> memref<64xi32, #tpu.memory_space<vmem>>
      %dma_wait3A_369 = arith.constant 0 : i32
      %dma_wait3A_370 = tpu.memref_slice %arg21[%dma_wait3A_369] : memref<10240xf32, #tpu.memory_space<vmem_shared>> -> memref<10240xf32, #tpu.memory_space<vmem_shared>>
      tpu.wait_indirect_dma semaphore(%arg27 : memref<!tpu.dma_semaphore, #tpu.memory_space<semaphore_mem>>) src(%dma_wait3A_365 : memref<64xf32, #tpu.memory_space<vmem>>) dst(%dma_wait3A_370 : memref<10240xf32, #tpu.memory_space<vmem_shared>>)
    }
    %scan3A_66 = arith.constant 20 : i32
    %barrier3A_67 = arith.constant 0 : index
    tpu.barrier barrier_id(%barrier3A_67)
    %mul3A_68 = arith.constant 640 : i32
    %mul3A_69 = arith.muli %arg1, %mul3A_68 : i32
    %mul3A_70 = arith.constant 640 : i32
    %mul3A_71 = arith.muli %arg1, %mul3A_70 : i32
    "tpu.region"() ({
      %run_scoped3A = tpu.sem_alloc : memref<!tpu.dma_semaphore, #tpu.memory_space<semaphore_mem>>
      %dma_start3A_76 = arith.constant 0 : i32
      %dma_start3A_77 = tpu.memref_slice %arg10[%arg0, %mul3A_71, %dma_start3A_76] : memref<2x10240x128xf32, #tpu.memory_space<hbm>> -> memref<1x640x128xf32, #tpu.memory_space<hbm>>
      %dma_start3A_78 = tpu.memref_squeeze %dma_start3A_77 : memref<1x640x128xf32, #tpu.memory_space<hbm>> -> memref<640x128xf32, #tpu.memory_space<hbm>>
      %dma_start3A_79 = arith.constant 0 : i32
      %dma_start3A_80 = tpu.memref_slice %arg20[%mul3A_69, %dma_start3A_79] : memref<10240x128xf32, #tpu.memory_space<vmem_shared>> -> memref<640x128xf32, #tpu.memory_space<vmem_shared>>
      tpu.enqueue_dma source(%dma_start3A_80 : memref<640x128xf32, #tpu.memory_space<vmem_shared>>) target(%dma_start3A_78 : memref<640x128xf32, #tpu.memory_space<hbm>>) target_semaphore(%run_scoped3A : memref<!tpu.dma_semaphore, #tpu.memory_space<semaphore_mem>>)
      %dma_wait3A = arith.constant 0 : i32
      %dma_wait3A_81 = tpu.memref_slice %arg10[%arg0, %mul3A_71, %dma_wait3A] : memref<2x10240x128xf32, #tpu.memory_space<hbm>> -> memref<1x640x128xf32, #tpu.memory_space<hbm>>
      %dma_wait3A_82 = tpu.memref_squeeze %dma_wait3A_81 : memref<1x640x128xf32, #tpu.memory_space<hbm>> -> memref<640x128xf32, #tpu.memory_space<hbm>>
      %dma_wait3A_83 = arith.constant 0 : i32
      %dma_wait3A_84 = tpu.memref_slice %arg20[%mul3A_69, %dma_wait3A_83] : memref<10240x128xf32, #tpu.memory_space<vmem_shared>> -> memref<640x128xf32, #tpu.memory_space<vmem_shared>>
      tpu.wait_dma2 semaphore(%run_scoped3A : memref<!tpu.dma_semaphore, #tpu.memory_space<semaphore_mem>>) src(%dma_wait3A_84 : memref<640x128xf32, #tpu.memory_space<vmem_shared>>) dst(%dma_wait3A_82 : memref<640x128xf32, #tpu.memory_space<hbm>>)
      tpu.yield
    }) : () -> ()
    %mul3A_72 = arith.constant 640 : i32
    %mul3A_73 = arith.muli %arg1, %mul3A_72 : i32
    %mul3A_74 = arith.constant 640 : i32
    %mul3A_75 = arith.muli %arg1, %mul3A_74 : i32
    "tpu.region"() ({
      %run_scoped3A = tpu.sem_alloc : memref<!tpu.dma_semaphore, #tpu.memory_space<semaphore_mem>>
      %dma_start3A_76 = tpu.memref_slice %arg11[%arg0, %mul3A_75] : memref<2x10240xf32, #tpu.memory_space<hbm>> -> memref<1x640xf32, #tpu.memory_space<hbm>>
      %dma_start3A_77 = tpu.memref_squeeze %dma_start3A_76 : memref<1x640xf32, #tpu.memory_space<hbm>> -> memref<640xf32, #tpu.memory_space<hbm>>
      %dma_start3A_78 = tpu.memref_slice %arg21[%mul3A_73] : memref<10240xf32, #tpu.memory_space<vmem_shared>> -> memref<640xf32, #tpu.memory_space<vmem_shared>>
      tpu.enqueue_dma source(%dma_start3A_78 : memref<640xf32, #tpu.memory_space<vmem_shared>>) target(%dma_start3A_77 : memref<640xf32, #tpu.memory_space<hbm>>) target_semaphore(%run_scoped3A : memref<!tpu.dma_semaphore, #tpu.memory_space<semaphore_mem>>)
      %dma_wait3A = tpu.memref_slice %arg11[%arg0, %mul3A_75] : memref<2x10240xf32, #tpu.memory_space<hbm>> -> memref<1x640xf32, #tpu.memory_space<hbm>>
      %dma_wait3A_79 = tpu.memref_squeeze %dma_wait3A : memref<1x640xf32, #tpu.memory_space<hbm>> -> memref<640xf32, #tpu.memory_space<hbm>>
      %dma_wait3A_80 = tpu.memref_slice %arg21[%mul3A_73] : memref<10240xf32, #tpu.memory_space<vmem_shared>> -> memref<640xf32, #tpu.memory_space<vmem_shared>>
      tpu.wait_dma2 semaphore(%run_scoped3A : memref<!tpu.dma_semaphore, #tpu.memory_space<semaphore_mem>>) src(%dma_wait3A_80 : memref<640xf32, #tpu.memory_space<vmem_shared>>) dst(%dma_wait3A_79 : memref<640xf32, #tpu.memory_space<hbm>>)
      tpu.yield
    }) : () -> ()
    return
  }
}

module attributes {stable_mosaic.version = 14 : i64} {
  func.func @_ed_body(%arg0: i32, %arg1: memref<1000x128xf32, #tpu.memory_space<vmem>>, %arg2: memref<128x8xf32, #tpu.memory_space<vmem>>, %arg3: memref<1000x8xf32, #tpu.memory_space<vmem>>) attributes {dimension_semantics = [#tpu.dimension_semantics<arbitrary>], iteration_bounds = array<i64: 40>, scalar_prefetch = 0 : i64, scratch_operands = 0 : i64, tpu.core_type = #tpu.core_type<tc>, window_params = [{transform_indices = @transform_0, window_bounds = array<i64: 1000, 128>}, {pipeline_mode = #tpu.pipeline_mode<synchronous>, transform_indices = @transform_1, window_bounds = array<i64: 128, 8>}, {transform_indices = @transform_2, window_bounds = array<i64: 1000, 8>}]} {
    %get3A = arith.constant 0 : index
    %get3A_0 = arith.constant 0 : index
    %get3A_1 = vector.load %arg1[%get3A, %get3A_0] : memref<1000x128xf32, #tpu.memory_space<vmem>>, vector<1000x128xf32>
    %get3A_2 = arith.constant 0 : index
    %get3A_3 = arith.constant 0 : index
    %get3A_4 = vector.load %arg2[%get3A_2, %get3A_3] : memref<128x8xf32, #tpu.memory_space<vmem>>, vector<128x8xf32>
    %dot_general3A = arith.constant dense<0.000000e+00> : vector<1000x8xf32>
    %dot_general3A_5 = tpu.matmul %get3A_1, %get3A_4, %dot_general3A {dimension_numbers = #tpu.dot_dimension_numbers<[1], [0], [0], [1], [0, 0, 1, 1], [], []>, transpose_lhs_hint = false} : vector<1000x128xf32>, vector<128x8xf32>, vector<1000x8xf32> -> vector<1000x8xf32>
    %swap3A = arith.constant 0 : index
    %swap3A_6 = arith.constant 0 : index
    %swap3A_7 = vector.load %arg3[%swap3A, %swap3A_6] : memref<1000x8xf32, #tpu.memory_space<vmem>>, vector<1000x8xf32>
    tpu.vector_store %arg3[%swap3A, %swap3A_6], %dot_general3A_5 {strides = array<i32>} : memref<1000x8xf32, #tpu.memory_space<vmem>>, vector<1000x8xf32>,
    return
  }
  func.func @transform_0(%arg0: i32) -> (i32, i32) {
    %c0_i32 = arith.constant 0 : i32
    %c0_i32_0 = arith.constant 0 : i32
    return %arg0, %c0_i32 : i32, i32
  }
  func.func @transform_1(%arg0: i32) -> (i32, i32) {
    %c0_i32 = arith.constant 0 : i32
    %c0_i32_0 = arith.constant 0 : i32
    %c0_i32_1 = arith.constant 0 : i32
    return %c0_i32, %c0_i32_0 : i32, i32
  }
  func.func @transform_2(%arg0: i32) -> (i32, i32) {
    %c0_i32 = arith.constant 0 : i32
    %c0_i32_0 = arith.constant 0 : i32
    return %arg0, %c0_i32 : i32, i32
  }
}

module attributes {stable_mosaic.version = 14 : i64} {
  func.func @_proj_body(%arg0: i32, %arg1: memref<1000x128xf32, #tpu.memory_space<vmem>>, %arg2: memref<128x128xf32, #tpu.memory_space<vmem>>, %arg3: memref<128x8xf32, #tpu.memory_space<vmem>>, %arg4: memref<1000x128xf32, #tpu.memory_space<vmem>>, %arg5: memref<1000x8xf32, #tpu.memory_space<vmem>>) attributes {dimension_semantics = [#tpu.dimension_semantics<arbitrary>], iteration_bounds = array<i64: 10>, scalar_prefetch = 0 : i64, scratch_operands = 0 : i64, tpu.core_type = #tpu.core_type<tc>, window_params = [{transform_indices = @transform_0, window_bounds = array<i64: 1000, 128>}, {pipeline_mode = #tpu.pipeline_mode<synchronous>, transform_indices = @transform_1, window_bounds = array<i64: 128, 128>}, {pipeline_mode = #tpu.pipeline_mode<synchronous>, transform_indices = @transform_2, window_bounds = array<i64: 128, 8>}, {transform_indices = @transform_3, window_bounds = array<i64: 1000, 128>}, {transform_indices = @transform_4, window_bounds = array<i64: 1000, 8>}]} {
    %get3A = arith.constant 0 : index
    %get3A_0 = arith.constant 0 : index
    %get3A_1 = vector.load %arg1[%get3A, %get3A_0] : memref<1000x128xf32, #tpu.memory_space<vmem>>, vector<1000x128xf32>
    %get3A_2 = arith.constant 0 : index
    %get3A_3 = arith.constant 0 : index
    %get3A_4 = vector.load %arg2[%get3A_2, %get3A_3] : memref<128x128xf32, #tpu.memory_space<vmem>>, vector<128x128xf32>
    %dot_general3A = arith.constant dense<0.000000e+00> : vector<1000x128xf32>
    %dot_general3A_5 = tpu.matmul %get3A_1, %get3A_4, %dot_general3A {dimension_numbers = #tpu.dot_dimension_numbers<[1], [0], [0], [1], [0, 0, 1, 1], [], []>, transpose_lhs_hint = false} : vector<1000x128xf32>, vector<128x128xf32>, vector<1000x128xf32> -> vector<1000x128xf32>
    %swap3A = arith.constant 0 : index
    %swap3A_6 = arith.constant 0 : index
    %swap3A_7 = vector.load %arg4[%swap3A, %swap3A_6] : memref<1000x128xf32, #tpu.memory_space<vmem>>, vector<1000x128xf32>
    tpu.vector_store %arg4[%swap3A, %swap3A_6], %dot_general3A_5 {strides = array<i32>} : memref<1000x128xf32, #tpu.memory_space<vmem>>, vector<1000x128xf32>,
    %get3A_8 = arith.constant 0 : index
    %get3A_9 = arith.constant 0 : index
    %get3A_10 = vector.load %arg3[%get3A_8, %get3A_9] : memref<128x8xf32, #tpu.memory_space<vmem>>, vector<128x8xf32>
    %dot_general3A_11 = arith.constant dense<0.000000e+00> : vector<1000x8xf32>
    %dot_general3A_12 = tpu.matmul %dot_general3A_5, %get3A_10, %dot_general3A_11 {dimension_numbers = #tpu.dot_dimension_numbers<[1], [0], [0], [1], [0, 0, 1, 1], [], []>, transpose_lhs_hint = false} : vector<1000x128xf32>, vector<128x8xf32>, vector<1000x8xf32> -> vector<1000x8xf32>
    %swap3A_13 = arith.constant 0 : index
    %swap3A_14 = arith.constant 0 : index
    %swap3A_15 = vector.load %arg5[%swap3A_13, %swap3A_14] : memref<1000x8xf32, #tpu.memory_space<vmem>>, vector<1000x8xf32>
    tpu.vector_store %arg5[%swap3A_13, %swap3A_14], %dot_general3A_12 {strides = array<i32>} : memref<1000x8xf32, #tpu.memory_space<vmem>>, vector<1000x8xf32>,
    return
  }
  func.func @transform_0(%arg0: i32) -> (i32, i32) {
    %c0_i32 = arith.constant 0 : i32
    %c0_i32_0 = arith.constant 0 : i32
    return %arg0, %c0_i32 : i32, i32
  }
  func.func @transform_1(%arg0: i32) -> (i32, i32) {
    %c0_i32 = arith.constant 0 : i32
    %c0_i32_0 = arith.constant 0 : i32
    %c0_i32_1 = arith.constant 0 : i32
    return %c0_i32, %c0_i32_0 : i32, i32
  }
  func.func @transform_2(%arg0: i32) -> (i32, i32) {
    %c0_i32 = arith.constant 0 : i32
    %c0_i32_0 = arith.constant 0 : i32
    %c0_i32_1 = arith.constant 0 : i32
    return %c0_i32, %c0_i32_0 : i32, i32
  }
  func.func @transform_3(%arg0: i32) -> (i32, i32) {
    %c0_i32 = arith.constant 0 : i32
    %c0_i32_0 = arith.constant 0 : i32
    return %arg0, %c0_i32 : i32, i32
  }
  func.func @transform_4(%arg0: i32) -> (i32, i32) {
    %c0_i32 = arith.constant 0 : i32
    %c0_i32_0 = arith.constant 0 : i32
    return %arg0, %c0_i32 : i32, i32
  }
}

module attributes {stable_mosaic.version = 14 : i64} {
  func.func @_fin_body(%arg0: i32, %arg1: memref<1000x128xf32, #tpu.memory_space<vmem>>, %arg2: memref<1000x128xf32, #tpu.memory_space<vmem>>, %arg3: memref<1000x128xf32, #tpu.memory_space<vmem>>, %arg4: memref<1000x1xf32, #tpu.memory_space<vmem>>, %arg5: memref<1000x1xf32, #tpu.memory_space<vmem>>, %arg6: memref<128x256xf32, #tpu.memory_space<vmem>>, %arg7: memref<1x256xf32, #tpu.memory_space<vmem>>, %arg8: memref<256x128xf32, #tpu.memory_space<vmem>>, %arg9: memref<1x128xf32, #tpu.memory_space<vmem>>, %arg10: memref<1x128xf32, #tpu.memory_space<vmem>>, %arg11: memref<1x128xf32, #tpu.memory_space<vmem>>, %arg12: memref<1x128xf32, #tpu.memory_space<vmem>>, %arg13: memref<1x128xf32, #tpu.memory_space<vmem>>, %arg14: memref<1000x128xf32, #tpu.memory_space<vmem>>) attributes {dimension_semantics = [#tpu.dimension_semantics<arbitrary>], iteration_bounds = array<i64: 10>, scalar_prefetch = 0 : i64, scratch_operands = 0 : i64, tpu.core_type = #tpu.core_type<tc>, window_params = [{transform_indices = @transform_0, window_bounds = array<i64: 1000, 128>}, {transform_indices = @transform_1, window_bounds = array<i64: 1000, 128>}, {transform_indices = @transform_2, window_bounds = array<i64: 1000, 128>}, {transform_indices = @transform_3, window_bounds = array<i64: 1000, 1>}, {transform_indices = @transform_4, window_bounds = array<i64: 1000, 1>}, {pipeline_mode = #tpu.pipeline_mode<synchronous>, transform_indices = @transform_5, window_bounds = array<i64: 128, 256>}, {pipeline_mode = #tpu.pipeline_mode<synchronous>, transform_indices = @transform_6, window_bounds = array<i64: 1, 256>}, {pipeline_mode = #tpu.pipeline_mode<synchronous>, transform_indices = @transform_7, window_bounds = array<i64: 256, 128>}, {pipeline_mode = #tpu.pipeline_mode<synchronous>, transform_indices = @transform_8, window_bounds = array<i64: 1, 128>}, {pipeline_mode = #tpu.pipeline_mode<synchronous>, transform_indices = @transform_9, window_bounds = array<i64: 1, 128>}, {pipeline_mode = #tpu.pipeline_mode<synchronous>, transform_indices = @transform_10, window_bounds = array<i64: 1, 128>}, {pipeline_mode = #tpu.pipeline_mode<synchronous>, transform_indices = @transform_11, window_bounds = array<i64: 1, 128>}, {pipeline_mode = #tpu.pipeline_mode<synchronous>, transform_indices = @transform_12, window_bounds = array<i64: 1, 128>}, {transform_indices = @transform_13, window_bounds = array<i64: 1000, 128>}]} {
    %get3A = arith.constant 0 : index
    %get3A_0 = arith.constant 0 : index
    %get3A_1 = vector.load %arg2[%get3A, %get3A_0] : memref<1000x128xf32, #tpu.memory_space<vmem>>, vector<1000x128xf32>
    %get3A_2 = arith.constant 0 : index
    %get3A_3 = arith.constant 0 : index
    %get3A_4 = vector.load %arg3[%get3A_2, %get3A_3] : memref<1000x128xf32, #tpu.memory_space<vmem>>, vector<1000x128xf32>
    %add3A = arith.addf %get3A_1, %get3A_4 : vector<1000x128xf32>
    %get3A_5 = arith.constant 0 : index
    %get3A_6 = arith.constant 0 : index
    %get3A_7 = vector.load %arg4[%get3A_5, %get3A_6] : memref<1000x1xf32, #tpu.memory_space<vmem>>, vector<1000x1xf32>
    %get3A_8 = arith.constant 0 : index
    %get3A_9 = arith.constant 0 : index
    %get3A_10 = vector.load %arg5[%get3A_8, %get3A_9] : memref<1000x1xf32, #tpu.memory_space<vmem>>, vector<1000x1xf32>
    %add3A_11 = arith.addf %get3A_7, %get3A_10 : vector<1000x1xf32>
    %max3A = arith.constant 1.000000e-16 : f32
    %max3A_12 = vector.broadcast %max3A : f32 to vector<1000x1xf32>
    %max3A_13 = arith.maximumf %add3A_11, %max3A_12 : vector<1000x1xf32>
    %get3A_14 = arith.constant 0 : index
    %get3A_15 = arith.constant 0 : index
    %get3A_16 = vector.load %arg1[%get3A_14, %get3A_15] : memref<1000x128xf32, #tpu.memory_space<vmem>>, vector<1000x128xf32>
    %div3A = vector.broadcast %max3A_13 : vector<1000x1xf32> to vector<1000x128xf32>
    %div3A_17 = arith.divf %add3A, %div3A : vector<1000x128xf32>
    %add3A_18 = arith.addf %get3A_16, %div3A_17 : vector<1000x128xf32>
    %reduce_sum3A = arith.constant dense<0.000000e+00> : vector<1000xf32>
    %reduce_sum3A_19 = vector.multi_reduction <add>, %add3A_18, %reduce_sum3A [1] : vector<1000x128xf32> to vector<1000xf32>
    %broadcast_in_dim3A = vector.shape_cast %reduce_sum3A_19 : vector<1000xf32> to vector<1000x1xf32>
    %div3A_20 = arith.constant 1.280000e+02 : f32
    %div3A_21 = vector.broadcast %div3A_20 : f32 to vector<1000x1xf32>
    %div3A_22 = arith.divf %broadcast_in_dim3A, %div3A_21 : vector<1000x1xf32>
    %jit3A = arith.constant 0 : i32
    %reduce_sum3A_23 = arith.constant dense<0.000000e+00> : vector<1000xf32>
    %reduce_sum3A_24 = vector.multi_reduction <add>, %add3A_18, %reduce_sum3A_23 [1] : vector<1000x128xf32> to vector<1000xf32>
    %broadcast_in_dim3A_25 = vector.shape_cast %reduce_sum3A_24 : vector<1000xf32> to vector<1000x1xf32>
    %div3A_26 = arith.constant 1.280000e+02 : f32
    %div3A_27 = vector.broadcast %div3A_26 : f32 to vector<1000x1xf32>
    %div3A_28 = arith.divf %broadcast_in_dim3A_25, %div3A_27 : vector<1000x1xf32>
    %sub3A = vector.broadcast %div3A_28 : vector<1000x1xf32> to vector<1000x128xf32>
    %sub3A_29 = arith.subf %add3A_18, %sub3A : vector<1000x128xf32>
    %square3A = arith.mulf %sub3A_29, %sub3A_29 : vector<1000x128xf32>
    %convert_element_type3A = arith.sitofp %jit3A : i32 to f32
    %sub3A_30 = arith.constant 1.280000e+02 : f32
    %sub3A_31 = arith.subf %sub3A_30, %convert_element_type3A : f32
    %reduce_sum3A_32 = arith.constant dense<0.000000e+00> : vector<1000xf32>
    %reduce_sum3A_33 = vector.multi_reduction <add>, %square3A, %reduce_sum3A_32 [1] : vector<1000x128xf32> to vector<1000xf32>
    %broadcast_in_dim3A_34 = vector.shape_cast %reduce_sum3A_33 : vector<1000xf32> to vector<1000x1xf32>
    %div3A_35 = vector.broadcast %sub3A_31 : f32 to vector<1000x1xf32>
    %div3A_36 = arith.divf %broadcast_in_dim3A_34, %div3A_35 : vector<1000x1xf32>
    %gt3A = arith.constant 0.000000e+00 : f32
    %gt3A_37 = arith.cmpf ogt, %sub3A_31, %gt3A : f32
    %jit3A_38 = arith.constant 0x7FC00000 : f32
    %broadcast_in_dim3A_39 = vector.broadcast %jit3A_38 : f32 to vector<1000x1xf32>
    %select_n3A = arith.select %gt3A_37, %div3A_36, %broadcast_in_dim3A_39 : vector<1000x1xf32>
    %sub3A_40 = vector.broadcast %div3A_22 : vector<1000x1xf32> to vector<1000x128xf32>
    %sub3A_41 = arith.subf %add3A_18, %sub3A_40 : vector<1000x128xf32>
    %add3A_42 = arith.constant 9.99999974E-6 : f32
    %add3A_43 = vector.broadcast %add3A_42 : f32 to vector<1000x1xf32>
    %add3A_44 = arith.addf %select_n3A, %add3A_43 : vector<1000x1xf32>
    %sqrt3A = math.sqrt %add3A_44 : vector<1000x1xf32>
    %div3A_45 = vector.broadcast %sqrt3A : vector<1000x1xf32> to vector<1000x128xf32>
    %div3A_46 = arith.divf %sub3A_41, %div3A_45 : vector<1000x128xf32>
    %get3A_47 = arith.constant 0 : index
    %get3A_48 = arith.constant 0 : index
    %get3A_49 = vector.load %arg10[%get3A_47, %get3A_48] : memref<1x128xf32, #tpu.memory_space<vmem>>, vector<1x128xf32>
    %mul3A = vector.broadcast %get3A_49 : vector<1x128xf32> to vector<1000x128xf32>
    %mul3A_50 = arith.mulf %div3A_46, %mul3A : vector<1000x128xf32>
    %get3A_51 = arith.constant 0 : index
    %get3A_52 = arith.constant 0 : index
    %get3A_53 = vector.load %arg11[%get3A_51, %get3A_52] : memref<1x128xf32, #tpu.memory_space<vmem>>, vector<1x128xf32>
    %add3A_54 = vector.broadcast %get3A_53 : vector<1x128xf32> to vector<1000x128xf32>
    %add3A_55 = arith.addf %mul3A_50, %add3A_54 : vector<1000x128xf32>
    %get3A_56 = arith.constant 0 : index
    %get3A_57 = arith.constant 0 : index
    %get3A_58 = vector.load %arg6[%get3A_56, %get3A_57] : memref<128x256xf32, #tpu.memory_space<vmem>>, vector<128x256xf32>
    %dot_general3A = arith.constant dense<0.000000e+00> : vector<1000x256xf32>
    %dot_general3A_59 = tpu.matmul %add3A_55, %get3A_58, %dot_general3A {dimension_numbers = #tpu.dot_dimension_numbers<[1], [0], [0], [1], [0, 0, 1, 1], [], []>, transpose_lhs_hint = false} : vector<1000x128xf32>, vector<128x256xf32>, vector<1000x256xf32> -> vector<1000x256xf32>
    %get3A_60 = arith.constant 0 : index
    %get3A_61 = arith.constant 0 : index
    %get3A_62 = vector.load %arg7[%get3A_60, %get3A_61] : memref<1x256xf32, #tpu.memory_space<vmem>>, vector<1x256xf32>
    %add3A_63 = vector.broadcast %get3A_62 : vector<1x256xf32> to vector<1000x256xf32>
    %add3A_64 = arith.addf %dot_general3A_59, %add3A_63 : vector<1000x256xf32>
    %max3A_65 = arith.constant 0.000000e+00 : f32
    %max3A_66 = vector.broadcast %max3A_65 : f32 to vector<1000x256xf32>
    %max3A_67 = arith.maximumf %add3A_64, %max3A_66 : vector<1000x256xf32>
    %get3A_68 = arith.constant 0 : index
    %get3A_69 = arith.constant 0 : index
    %get3A_70 = vector.load %arg8[%get3A_68, %get3A_69] : memref<256x128xf32, #tpu.memory_space<vmem>>, vector<256x128xf32>
    %dot_general3A_71 = arith.constant dense<0.000000e+00> : vector<1000x128xf32>
    %dot_general3A_72 = tpu.matmul %max3A_67, %get3A_70, %dot_general3A_71 {dimension_numbers = #tpu.dot_dimension_numbers<[1], [0], [0], [1], [0, 0, 1, 1], [], []>, transpose_lhs_hint = false} : vector<1000x256xf32>, vector<256x128xf32>, vector<1000x128xf32> -> vector<1000x128xf32>
    %get3A_73 = arith.constant 0 : index
    %get3A_74 = arith.constant 0 : index
    %get3A_75 = vector.load %arg9[%get3A_73, %get3A_74] : memref<1x128xf32, #tpu.memory_space<vmem>>, vector<1x128xf32>
    %add3A_76 = vector.broadcast %get3A_75 : vector<1x128xf32> to vector<1000x128xf32>
    %add3A_77 = arith.addf %dot_general3A_72, %add3A_76 : vector<1000x128xf32>
    %add3A_78 = arith.addf %add3A_55, %add3A_77 : vector<1000x128xf32>
    %reduce_sum3A_79 = arith.constant dense<0.000000e+00> : vector<1000xf32>
    %reduce_sum3A_80 = vector.multi_reduction <add>, %add3A_78, %reduce_sum3A_79 [1] : vector<1000x128xf32> to vector<1000xf32>
    %broadcast_in_dim3A_81 = vector.shape_cast %reduce_sum3A_80 : vector<1000xf32> to vector<1000x1xf32>
    %div3A_82 = arith.constant 1.280000e+02 : f32
    %div3A_83 = vector.broadcast %div3A_82 : f32 to vector<1000x1xf32>
    %div3A_84 = arith.divf %broadcast_in_dim3A_81, %div3A_83 : vector<1000x1xf32>
    %jit3A_85 = arith.constant 0 : i32
    %reduce_sum3A_86 = arith.constant dense<0.000000e+00> : vector<1000xf32>
    %reduce_sum3A_87 = vector.multi_reduction <add>, %add3A_78, %reduce_sum3A_86 [1] : vector<1000x128xf32> to vector<1000xf32>
    %broadcast_in_dim3A_88 = vector.shape_cast %reduce_sum3A_87 : vector<1000xf32> to vector<1000x1xf32>
    %div3A_89 = arith.constant 1.280000e+02 : f32
    %div3A_90 = vector.broadcast %div3A_89 : f32 to vector<1000x1xf32>
    %div3A_91 = arith.divf %broadcast_in_dim3A_88, %div3A_90 : vector<1000x1xf32>
    %sub3A_92 = vector.broadcast %div3A_91 : vector<1000x1xf32> to vector<1000x128xf32>
    %sub3A_93 = arith.subf %add3A_78, %sub3A_92 : vector<1000x128xf32>
    %square3A_94 = arith.mulf %sub3A_93, %sub3A_93 : vector<1000x128xf32>
    %convert_element_type3A_95 = arith.sitofp %jit3A_85 : i32 to f32
    %sub3A_96 = arith.constant 1.280000e+02 : f32
    %sub3A_97 = arith.subf %sub3A_96, %convert_element_type3A_95 : f32
    %reduce_sum3A_98 = arith.constant dense<0.000000e+00> : vector<1000xf32>
    %reduce_sum3A_99 = vector.multi_reduction <add>, %square3A_94, %reduce_sum3A_98 [1] : vector<1000x128xf32> to vector<1000xf32>
    %broadcast_in_dim3A_100 = vector.shape_cast %reduce_sum3A_99 : vector<1000xf32> to vector<1000x1xf32>
    %div3A_101 = vector.broadcast %sub3A_97 : f32 to vector<1000x1xf32>
    %div3A_102 = arith.divf %broadcast_in_dim3A_100, %div3A_101 : vector<1000x1xf32>
    %gt3A_103 = arith.constant 0.000000e+00 : f32
    %gt3A_104 = arith.cmpf ogt, %sub3A_97, %gt3A_103 : f32
    %jit3A_105 = arith.constant 0x7FC00000 : f32
    %broadcast_in_dim3A_106 = vector.broadcast %jit3A_105 : f32 to vector<1000x1xf32>
    %select_n3A_107 = arith.select %gt3A_104, %div3A_102, %broadcast_in_dim3A_106 : vector<1000x1xf32>
    %sub3A_108 = vector.broadcast %div3A_84 : vector<1000x1xf32> to vector<1000x128xf32>
    %sub3A_109 = arith.subf %add3A_78, %sub3A_108 : vector<1000x128xf32>
    %add3A_110 = arith.constant 9.99999974E-6 : f32
    %add3A_111 = vector.broadcast %add3A_110 : f32 to vector<1000x1xf32>
    %add3A_112 = arith.addf %select_n3A_107, %add3A_111 : vector<1000x1xf32>
    %sqrt3A_113 = math.sqrt %add3A_112 : vector<1000x1xf32>
    %div3A_114 = vector.broadcast %sqrt3A_113 : vector<1000x1xf32> to vector<1000x128xf32>
    %div3A_115 = arith.divf %sub3A_109, %div3A_114 : vector<1000x128xf32>
    %get3A_116 = arith.constant 0 : index
    %get3A_117 = arith.constant 0 : index
    %get3A_118 = vector.load %arg12[%get3A_116, %get3A_117] : memref<1x128xf32, #tpu.memory_space<vmem>>, vector<1x128xf32>
    %mul3A_119 = vector.broadcast %get3A_118 : vector<1x128xf32> to vector<1000x128xf32>
    %mul3A_120 = arith.mulf %div3A_115, %mul3A_119 : vector<1000x128xf32>
    %get3A_121 = arith.constant 0 : index
    %get3A_122 = arith.constant 0 : index
    %get3A_123 = vector.load %arg13[%get3A_121, %get3A_122] : memref<1x128xf32, #tpu.memory_space<vmem>>, vector<1x128xf32>
    %add3A_124 = vector.broadcast %get3A_123 : vector<1x128xf32> to vector<1000x128xf32>
    %add3A_125 = arith.addf %mul3A_120, %add3A_124 : vector<1000x128xf32>
    %swap3A = arith.constant 0 : index
    %swap3A_126 = arith.constant 0 : index
    %swap3A_127 = vector.load %arg14[%swap3A, %swap3A_126] : memref<1000x128xf32, #tpu.memory_space<vmem>>, vector<1000x128xf32>
    tpu.vector_store %arg14[%swap3A, %swap3A_126], %add3A_125 {strides = array<i32>} : memref<1000x128xf32, #tpu.memory_space<vmem>>, vector<1000x128xf32>,
    return
  }
  func.func @transform_0(%arg0: i32) -> (i32, i32) {
    %c0_i32 = arith.constant 0 : i32
    %c0_i32_0 = arith.constant 0 : i32
    return %arg0, %c0_i32 : i32, i32
  }
  func.func @transform_1(%arg0: i32) -> (i32, i32) {
    %c0_i32 = arith.constant 0 : i32
    %c0_i32_0 = arith.constant 0 : i32
    return %arg0, %c0_i32 : i32, i32
  }
  func.func @transform_2(%arg0: i32) -> (i32, i32) {
    %c0_i32 = arith.constant 0 : i32
    %c0_i32_0 = arith.constant 0 : i32
    return %arg0, %c0_i32 : i32, i32
  }
  func.func @transform_3(%arg0: i32) -> (i32, i32) {
    %c0_i32 = arith.constant 0 : i32
    %c0_i32_0 = arith.constant 0 : i32
    return %arg0, %c0_i32 : i32, i32
  }
  func.func @transform_4(%arg0: i32) -> (i32, i32) {
    %c0_i32 = arith.constant 0 : i32
    %c0_i32_0 = arith.constant 0 : i32
    return %arg0, %c0_i32 : i32, i32
  }
  func.func @transform_5(%arg0: i32) -> (i32, i32) {
    %c0_i32 = arith.constant 0 : i32
    %c0_i32_0 = arith.constant 0 : i32
    %c0_i32_1 = arith.constant 0 : i32
    return %c0_i32, %c0_i32_0 : i32, i32
  }
  func.func @transform_6(%arg0: i32) -> (i32, i32) {
    %c0_i32 = arith.constant 0 : i32
    %c0_i32_0 = arith.constant 0 : i32
    %c0_i32_1 = arith.constant 0 : i32
    return %c0_i32, %c0_i32_0 : i32, i32
  }
  func.func @transform_7(%arg0: i32) -> (i32, i32) {
    %c0_i32 = arith.constant 0 : i32
    %c0_i32_0 = arith.constant 0 : i32
    %c0_i32_1 = arith.constant 0 : i32
    return %c0_i32, %c0_i32_0 : i32, i32
  }
  func.func @transform_8(%arg0: i32) -> (i32, i32) {
    %c0_i32 = arith.constant 0 : i32
    %c0_i32_0 = arith.constant 0 : i32
    %c0_i32_1 = arith.constant 0 : i32
    return %c0_i32, %c0_i32_0 : i32, i32
  }
  func.func @transform_9(%arg0: i32) -> (i32, i32) {
    %c0_i32 = arith.constant 0 : i32
    %c0_i32_0 = arith.constant 0 : i32
    %c0_i32_1 = arith.constant 0 : i32
    return %c0_i32, %c0_i32_0 : i32, i32
  }
  func.func @transform_10(%arg0: i32) -> (i32, i32) {
    %c0_i32 = arith.constant 0 : i32
    %c0_i32_0 = arith.constant 0 : i32
    %c0_i32_1 = arith.constant 0 : i32
    return %c0_i32, %c0_i32_0 : i32, i32
  }
  func.func @transform_11(%arg0: i32) -> (i32, i32) {
    %c0_i32 = arith.constant 0 : i32
    %c0_i32_0 = arith.constant 0 : i32
    %c0_i32_1 = arith.constant 0 : i32
    return %c0_i32, %c0_i32_0 : i32, i32
  }
  func.func @transform_12(%arg0: i32) -> (i32, i32) {
    %c0_i32 = arith.constant 0 : i32
    %c0_i32_0 = arith.constant 0 : i32
    %c0_i32_1 = arith.constant 0 : i32
    return %c0_i32, %c0_i32_0 : i32, i32
  }
  func.func @transform_13(%arg0: i32) -> (i32, i32) {
    %c0_i32 = arith.constant 0 : i32
    %c0_i32_0 = arith.constant 0 : i32
    return %arg0, %c0_i32 : i32, i32
  }
}

</mosaic_0001>

<sc_bundles>
// kernel: kernel.6.cloned.1.call-start
scs
__scs_entry_jumppad:
0x0: {  	(pc) =	sbr.rel $0x88, $3  }
0x1: {  	(tag) =	ssettag $0x0;
	lr =	simm.s32 $0x1  }
0x2: {  	[smem:$0x3F94] =	sst lr;
	_ =	strace $0xD0000000  }
0x3: {  	_ = 	snop  }
0x4: {  	_ = 	snop  }
0x5: {  	_ = 	snop  }
0x6: {  	_ = 	snop  }
0x7: {  	_ = 	snop  }
__scs_overlays_trampoline_lowered:
0x8: {  	[smem:$0x3FA3] =	sst s0  }
0x9: {  	[smem:$0x3FA4] =	sst s1  }
0xa: {  	[smem:$0x3FA5] =	sst s2  }
0xb: {  	[smem:$0x3FA6] =	sst s3  }
0xc: {  	[smem:$0x3FA7] =	sst s4  }
0xd: {  	[smem:$0x3FA8] =	sst s5  }
0xe: {  	[smem:$0x3FA9] =	sst s6  }
0xf: {  	[smem:$0x3FAA] =	sst s7  }
0x10: {  	[smem:$0x3FAB] =	sst s8  }
0x11: {  	[smem:$0x3FAC] =	sst s9;
	s0 =	simm.s32 @!p0 $0x0  }
0x12: {  	s1 =	sld [smem:$0x3F92];
	s0 =	simm.s32 @p0 $0x1  }
0x13: {  	[smem:$0x3FAD] =	sst s0;
	s0 =	simm.s32 @!p1 $0x0  }
0x14: {  	s2 =	sld [smem:$0x3F91];
	s0 =	simm.s32 @p1 $0x1  }
0x15: {  	[smem:$0x3FAE] =	sst s0;
	s0 =	simm.s32 @!p2 $0x0  }
0x16: {  	s3 =	sld [smem:$0x3FDB];
	s0 =	simm.s32 @p2 $0x1  }
0x17: {  	s4 =	simm.s32 $0x1BF5;
	[smem:$0x3FB0] =	sst s0  }
0x18: {  	s0 =	sld [smem:$0x3F93];
	_ =	swait.ge [sflag:s4], $0x0  }
0x19: {  	s7 =	sld [smem:$0x3F94]  }
0x1a: {  	s8 =	sadd.s32 $0xFFFFE003, lr  }
0x1b: {  	s9 =	sadd.s32 $0xFFFFFEF7, lr;
	s5 =	simm.s32 $0xFFFFFFFF;
	p2 =	slt.u32 s8, $0xFFFFF086  }
0x1c: {  	p1 =	slt.u32 s9, $0xF7A;
	s5 =	simm.s32 @!p2 $0x0  }
0x1d: {  	s5 =	simm.s32 @p1 $0x1;
	p0 =	seq.s32 s7, s2  }
0x1e: {  	s7 =	smul.u32 @!p0 $0xF7A, s2;
	p2 =	seq.s32 @!p0 s5, $0x0  }
0x1f: {  	s9 =	smul.u32 $0xF7A, s1;
	s8 =	simm.s32 @!p0 $0x1BF5;
	p2 =	por !p2, p0  }
0x20: {  	[sflag:s8] =	ssyncset.s32 @!p0 $0xFFFFF086;
	s6 =	sadd.s32 @!p0 s3, s7;
	s7 =	simm.s32 @!p0 $0x108  }
0x21: {  	s3 =	sadd.s32 s3, s9;
	s6 =	sadd.s32 @!p0 $0x88, s6;
	s7 =	simm.s32 @p2 $0x1082  }
0x22: {  	[simem:s7], [sflag:s8] =	dma.local @!p0 [hbm:s6], $0xF7A  }
0x23: {  	s9 =	sor.u32 $0xD0000000, s2;
	s6 =	simm.s32 $0x108;
	_ =	swait.ge @!p0 [sflag:s8], $0x0  }
0x24: {  	s3 =	sadd.s32 $0x88, s3;
	s6 =	simm.s32 @!p1 $0x1082;
	[sflag:s4] =	ssyncset.s32 $0xFFFFF086  }
0x25: {  	[simem:s6], [sflag:s4] =	dma.local [hbm:s3], $0xF7A  }
0x26: {  	[smem:$0x3F94] =	sst s1;
	(tag) =	ssettag s2;
	_ =	strace s9  }
0x27: {  	s1 =	sld [smem:$0x3FA4]  }
0x28: {  	s2 =	sld [smem:$0x3FA5]  }
0x29: {  	s4 =	sld [smem:$0x3FA7]  }
0x2a: {  	p0 =	seq.s32 s5, $0x0;
	s5 =	sld [smem:$0x3FA8]  }
0x2b: {  	s6 =	sld [smem:$0x3FA9]  }
0x2c: {  	s7 =	sld [smem:$0x3FAA]  }
0x2d: {  	s3 =	simm.s32 $0x108;
	s8 =	sld [smem:$0x3FAB]  }
0x2e: {  	s3 =	simm.s32 @!p0 $0x1082;
	s9 =	sld [smem:$0x3FAC]  }
0x2f: {  	lr =	sadd.s32 s0, s3;
	s0 =	sld [smem:$0x3FA3]  }
0x30: {  	s3 =	sld [smem:$0x3FA6]  }
0x31: {  	[smem:$0x3FAF] =	sst s10  }
0x32: {  	s10 =	sld [smem:$0x3FAD];
	_ =	sdelay $0x3  }
0x33: {  	p0 =	seq.s32 s10, $0x1;
	s10 =	sld [smem:$0x3FAF];
	_ =	sdelay $0x3  }
0x34: {  	[smem:$0x3FAF] =	sst s10  }
0x35: {  	s10 =	sld [smem:$0x3FAE];
	_ =	sdelay $0x3  }
0x36: {  	p1 =	seq.s32 s10, $0x1;
	s10 =	sld [smem:$0x3FAF];
	_ =	sdelay $0x3  }
0x37: {  	[smem:$0x3FAF] =	sst s10  }
0x38: {  	s10 =	sld [smem:$0x3FB0]  }
0x39: {  	_ = 	snop;
	(pc) =	sbr.ind lr, $3  }
0x3a: {  	_ = 	snop  }
0x3b: {  	_ = 	snop  }
0x3c: {  	p2 =	seq.s32 s10, $0x1;
	s10 =	sld [smem:$0x3FAF]  }
0x3d: {  	_ =	shalt  }
0x3e: {  	_ =	shalt  }
0x3f: {  	_ =	shalt  }
0x40: {  	_ =	shalt  }
0x41: {  	_ =	shalt  }
0x42: {  	_ =	shalt  }
0x43: {  	_ =	shalt  }
0x44: {  	_ =	shalt  }
0x45: {  	_ =	shalt  }
0x46: {  	_ =	shalt  }
0x47: {  	_ =	shalt  }
0x48: {  	_ =	shalt  }
0x49: {  	_ =	shalt  }
0x4a: {  	_ =	shalt  }
0x4b: {  	_ =	shalt  }
0x4c: {  	_ =	shalt  }
0x4d: {  	_ =	shalt  }
0x4e: {  	_ =	shalt  }
0x4f: {  	_ =	shalt  }
0x50: {  	_ =	shalt  }
0x51: {  	_ =	shalt  }
0x52: {  	_ =	shalt  }
0x53: {  	_ =	shalt  }
0x54: {  	_ =	shalt  }
0x55: {  	_ =	shalt  }
0x56: {  	_ =	shalt  }
0x57: {  	_ =	shalt  }
0x58: {  	_ =	shalt  }
0x59: {  	_ =	shalt  }
0x5a: {  	_ =	shalt  }
0x5b: {  	_ =	shalt  }
0x5c: {  	_ =	shalt  }
0x5d: {  	_ =	shalt  }
0x5e: {  	_ =	shalt  }
0x5f: {  	_ =	shalt  }
0x60: {  	_ =	shalt  }
0x61: {  	_ =	shalt  }
0x62: {  	_ =	shalt  }
0x63: {  	_ =	shalt  }
0x64: {  	_ =	shalt  }
0x65: {  	_ =	shalt  }
0x66: {  	_ =	shalt  }
0x67: {  	_ =	shalt  }
0x68: {  	_ =	shalt  }
0x69: {  	_ =	shalt  }
0x6a: {  	_ =	shalt  }
0x6b: {  	_ =	shalt  }
0x6c: {  	_ =	shalt  }
0x6d: {  	_ =	shalt  }
0x6e: {  	_ =	shalt  }
0x6f: {  	_ =	shalt  }
0x70: {  	_ =	shalt  }
0x71: {  	_ =	shalt  }
0x72: {  	_ =	shalt  }
0x73: {  	_ =	shalt  }
0x74: {  	_ =	shalt  }
0x75: {  	_ =	shalt  }
0x76: {  	_ =	shalt  }
0x77: {  	_ =	shalt  }
0x78: {  	_ =	shalt  }
0x79: {  	_ =	shalt  }
0x7a: {  	_ =	shalt  }
0x7b: {  	_ =	shalt  }
0x7c: {  	_ =	shalt  }
0x7d: {  	_ =	shalt  }
0x7e: {  	_ =	shalt  }
0x7f: {  	_ =	shalt  }
0x80: {  	_ =	shalt  }
0x81: {  	_ =	shalt  }
0x82: {  	_ =	shalt  }
0x83: {  	_ =	shalt  }
0x84: {  	_ =	shalt  }
0x85: {  	_ =	shalt  }
0x86: {  	_ =	shalt  }
0x87: {  	_ =	shalt  }
.Lfunc_end0:
.L_simem_size_0:
called_computation_lowered:
.L_overlay_start_0:
0x88: {  	s2 =	sld [smem:$0x3FD9]  }
0x89: {  	s3 =	sld [smem:$0x3FFE];
	_ =	sdelay $0x1  }
0x8a: {  	s1 =	srdreg.scid  }
0x8b: {  	s0 =	sand.u32 $0x1, s1  }
0x8c: {  	s17 =	sshll.u32 s0, $0xA;
	s2 =	sadd.s32 s3, s2  }
0x8d: {  	s2 =	sadd.s32 s2, s17  }
0x8e: {  	[smem:$0x3FBB] =	sst s2  }
0x8f: {  	_ = 	snop  }
0x90: {  	s2 =	sld [smem:$0x3FD0];
	(tm) =	ssettm $0x1  }
0x91: {  	s18 =	sld [smem:$0x3FFB];
	_ =	sdelay $0x3  }
0x92: {  	_ =	strace s18  }
0x93: {  	s3 =	sld [smem:$0x3FFC];
	_ =	sdelay $0x3  }
0x94: {  	_ =	strace s3  }
0x95: {  	s3 =	sld [smem:$0x3FFD];
	_ =	sdelay $0x3  }
0x96: {  	_ =	strace s3  }
0x97: {  	_ =	strace $0x8FFFFFFF  }
0x98: {  	s19 =	sld [smem:$0x3FDB];
	_ =	sdelay $0x1  }
0x99: {  	s4 =	simm.s32 $_scs_section_size  }
0x9a: {  	s5 =	simm.s32 $_size__tile_overlayer_lowered;
	s6 =	simm.s32 $_tile_overlayer_lowered  }
0x9b: {  	s22 =	simm.s32 $0x1BFF;
	s21 =	sshll.u32 s6, $0x1;
	s3 =	sadd.s32 s4, s19  }
0x9c: {  	s7 =	simm.s32 $0x0;
	s20 =	sshll.u32 s5, $0x1;
	s5 =	sadd.s32 s21, s3  }
0x9d: {  	[timem:s7], [sflag:s22] =	dma.local [hbm:s5], s20  }
0x9e: {  	_ =	swait.ge [sflag:s22], s20  }
0x9f: {  	s4 =	ssub.s32 $0x0, s20;
	[sflag:s22] =	ssyncset.done $0x0  }
0xa0: {  	[sflag:s22] =	ssyncadd.s32 s4;
	_ =	sdelay $0x1  }
0xa1: {  	s23 =	simm.s32 $0x1B8B  }
0xa2: {  	_ =	swait.ge [sflag:s23], $0x1  }
0xa3: {  	[sflag:s23] =	ssyncset.done $0x0  }
0xa4: {  	s25 =	simm.s32 $0x1B8E;
	s24 =	sld [smem:$0x3FFE];
	[sflag:s23] =	ssyncadd.s32 $0xFFFFFFFF  }
0xa5: {  	s26 =	simm.s32 $execute0_lowered;
	[smem:$0x3FD2] =	sst s25  }
0xa6: {  	s5 =	sshll.u32 s26, $0x1;
	_ =	strace $0x80000046;
	[dreg:$0x1] =	wrdreg $0xFFFFFFFF  }
0xa7: {  	s28 =	simm.s32 $_size_execute0_lowered;
	s3 =	sadd.s32 s3, s5;
	[dreg:$0x0] =	wrdreg $0x0  }
0xa8: {  	s5 =	sshll.u32 s28, $0x1;
	[dreg:$0x2] =	wrdreg s3  }
0xa9: {  	[dreg:$0x3] =	wrdreg s5  }
0xaa: {  	[dreg:$0x4] =	wrdreg $0xC0  }
0xab: {  	_ =	task [dreg:s7], $0x5FFFF  }
0xac: {  	[dreg:$0x1] =	wrdreg $0xFFFFFFFF  }
0xad: {  	[dreg:$0x0] =	wrdreg $0x60  }
0xae: {  	[dreg:$0x2] =	wrdreg s2  }
0xaf: {  	[dreg:$0x3] =	wrdreg s24  }
0xb0: {  	[dreg:$0x4] =	wrdreg $0xBAA00  }
0xb1: {  	[dreg:$0x5] =	wrdreg $0x1FAA00  }
0xb2: {  	[dreg:$0x6] =	wrdreg $0x9  }
0xb3: {  	_ =	task.clear_ibuf [dreg:s7], $0x7FFFF;
	_ =	strace $0x90000046  }
0xb4: {  	s29 =	simm.s32 $0x9;
	_ =	strace $0x80000048  }
0xb5: {  	_ =	swait.ge [sflag:s29], $0x1  }
0xb6: {  	[sflag:s29] =	ssyncadd.s32 $0xFFFFFFFF  }
0xb7: {  	_ =	strace $0x90000048  }
0xb8: {  	_ =	sfence  }
0xb9: {  	s30 =	sld [smem:$0x0];
	_ =	sdelay $0x2  }
0xba: {  	s31 =	sshll.u32 s1, $0xD;
	s1 =	sshrl.u32 s1, $0x2  }
0xbb: {  	s3 =	sand.u32 $0x4000, s31;
	s1 =	sadd.s32 s1, s30  }
0xbc: {  	s0 =	sor.u32 s3, s0;
	s1 =	sshll.u32 s1, $0x11  }
0xbd: {  	s0 =	sor.u32 s1, s0  }
0xbe: {  	s0 =	sadd.s32 $0x8F2B, s0  }
0xbf: {  	[sflag:s0] =	ssyncadd.remote.s32 $0x1  }
0xc0: {  	_ =	sfence.sel $0xFFFF  }
0xc1: {  	[dreg:$0x0] =	wrdreg $0xFFFFFFFF;
	(pc) =	sbr.abs _section_cstart, $3  }
0xc2: {  	[dreg:$0x1] =	wrdreg $0xFFFFFFFF  }
0xc3: {  	_ =	task.clear_ibuf [dreg:s7], $0x2FFFF;
	_ =	strace $0x9FFFFFFF  }
0xc4: {  	(tm) =	ssettm $0x7FFFFFFF  }
0xc5: {  	_ =	shalt  }
tec
execute0_lowered:
.L_overlay_start_1:
0x0: {  	(tag) =	ssettag $0x1  }
0x1: {  	s1 =	rddreg [dreg:$0x0]  }
0x2: {  	s0 =	rddreg [dreg:$0x1]  }
0x3: {  	s2 =	rddreg [dreg:$0x2]  }
0x4: {  	s4 =	rddreg [dreg:$0x3]  }
0x5: {  	s5 =	simm.s32 $0x0;
	s12 =	stileid.u32;
	s6 =	srdreg.scid  }
0x6: {  	s30 =	simm.s32 $0x20;
	s31 =	simm.s32 $0x5AA0;
	s28 =	simm.s32 $0x5A20  }
0x7: {  	[smem:$0x7FF] =	sst s5;
	s3 =	smul.u32 $0x14000, s12;
	s7 =	sadd.s32 $0xB600, s0  }
0x8: {  	s8 =	sadd.s32 $0xB000, s0;
	_ =	strace $0x80000047;
	[dreg:$0x5] =	wrdreg s7  }
0x9: {  	s29 =	smul.u32 $0x280, s12;
	s14 =	sadd.s32 $0x15C00, s0;
	[dreg:$0x6] =	wrdreg s8  }
0xa: {  	s6 =	sand.u32 $0x1, s6;
	s15 =	sadd.s32 $0xBC00, s0;
	[dreg:$0x7] =	wrdreg s14  }
0xb: {  	s16 =	sadd.s32 $0x1000, s0;
	s13 =	smul.u32 $0x140000, s6;
	[dreg:$0x8] =	wrdreg s15  }
0xc: {  	s12 =	sshll.u32 s12, $0x1;
	s11 =	smul.u32 $0x2800, s6;
	[dreg:$0x9] =	wrdreg s16  }
0xd: {  	s7 =	simm.s32 $0x6AA0;
	s9 =	sshrl.u32 s3, $0x3;
	s10 =	sshrl.u32 s29, $0x3  }
0xe: {  	s20 =	sadd.s32 s29, s4;
	s8 =	sadd.s32 s3, s13;
	s9 =	sadd.s32 s9, s0  }
0xf: {  	s10 =	sadd.s32 s10, s0;
	s11 =	sadd.s32 s29, s11;
	s13 =	ssub.s32 $0x2, s6  }
0x10: {  	s6 =	sor.u32 s6, s12;
	s3 =	sadd.s32 s3, s2;
	[dreg:$0xc] =	wrdreg s20  }
0x11: {  	s12 =	simm.s32 $0x72A0;
	s8 =	sshrl.u32 s8, $0x3;
	s11 =	sshrl.u32 s11, $0x3  }
0x12: {  	s17 =	sshrl.u32 s13, $0x1;
	[dreg:$0xa] =	wrdreg s3;
	s19 =	sadd.s32 $0x1FC00, s9  }
0x13: {  	s21 =	sadd.s32 $0x47C00, s10;
	s9 =	simm.s32 $0x8;
	s10 =	simm.s32 $0x0  }
0x14: {  	s8 =	sadd.s32 s8, s0;
	s0 =	sadd.s32 s11, s0;
	[dreg:$0xb] =	wrdreg s19  }
0x15: {  	s11 =	smul.u32 $0x2800, s6;
	s18 =	ssub.s32 s13, s17;
	[dreg:$0xd] =	wrdreg s21  }
0x16: {  	s6 =	simm.s32 $0x7AA0;
	s13 =	simm.s32 $0x2;
	s26 =	sadd.s32 $0x48200, s8  }
0x17: {  	s17 =	simm.s32 $0x5;
	s0 =	sadd.s32 $0x98200, s0;
	[dreg:$0x12] =	wrdreg s26  }
0x18: {  	s29 =	smax.u32 s18, $0x1;
	s22 =	sshrl.u32 s11, $0x3;
	[dreg:$0x13] =	wrdreg s0  }
0x19: {  	s25 =	sor.u32 $0x200, s11;
	[dreg:$0x14] =	wrdreg s29;
	s0 =	simm.s32 $0x62A0  }
.Ltmp0:
0x1a: {  	s26 =	simm.s32 $0x3;
	s23 =	sadd.s32 s14, s22;
	(pc) =	sbr.rel .LBB2_1-.Ltmp0, $4  }
0x1b: {  	s24 =	sadd.s32 s15, s22;
	s3 =	sadd.s32 s16, s22;
	[dreg:$0x11] =	wrdreg s25  }
0x1c: {  	s25 =	simm.s32 $0x1;
	s14 =	simm.s32 $0x4;
	[dreg:$0xe] =	wrdreg s23  }
0x1d: {  	v0 =	vimm.s32 $0x0;
	vm0 =	vcmask $0x300;
	s15 =	simm.s32 $0x5A60;
	s16 =	simm.s32 $0x9AA0;
	[dreg:$0xf] =	wrdreg s24  }
0x1e: {  	v0 =	vsel vm0, $0x3, v0;
	[dreg:$0x10] =	wrdreg s3;
	s24 =	simm.s32 $0x2710;
	s3 =	simm.s32 $0x40  }
.LBB2_10:
0x1f: {  	[bflag:$0x0] =	sbarrier.arrive $0xFFFF  }
0x20: {  	s8 =	rddreg [dreg:$0x12]  }
0x21: {  	s10 =	rddreg [dreg:$0x16]  }
0x22: {  	s9 =	rddreg [dreg:$0x17]  }
0x23: {  	[hbm:s8], [sflag:s10] =	dma.local [spmem:s9], $0x2800  }
0x24: {  	s9 =	simm.s32 $0x8  }
0x25: {  	_ =	swait.ge [sflag:s9], $0x2800  }
0x26: {  	[sflag:s9] =	ssyncset.done $0x0;
	s22 =	rddreg [dreg:$0x13]  }
0x27: {  	s18 =	rddreg [dreg:$0x18];
	[sflag:s9] =	ssyncadd.s32 $0xFFFFD800  }
0x28: {  	[hbm:s22], [sflag:s10] =	dma.local [spmem:s18], $0x50  }
0x29: {  	_ =	swait.ge [sflag:s9], $0x50  }
0x2a: {  	s23 =	rddreg [dreg:$0x15]  }
0x2b: {  	s29 =	rddreg [dreg:$0x14];
	s10 =	sadd.s32 $0x1, s23  }
0x2c: {  	p0 =	sne.s32 s10, s29  }
.Ltmp1:
0x2d: {  	_ = 	snop;
	(pc) =	sbr.rel @!p0 .LBB2_11-.Ltmp1, $3  }
0x2e: {  	_ =	sdelay $0x1  }
0x2f: {  	[sflag:s9] =	ssyncset.done $0x0  }
0x30: {  	[sflag:s9] =	ssyncadd.s32 $0xFFFFFFB0  }
.LBB2_1:
0x31: {  	[dreg:$0x15] =	wrdreg s10  }
0x32: {  	s8 =	rddreg [dreg:$0x5]  }
0x33: {  	[tilespmem:s5], [sflag:$0x8] =	stream.linear.gather [hbm4b:s8+s5], $0x2710, $0x38;
	[tilespmem:$0x1FD20] =	vst v63  }
0x34: {  	_ =	swait.ge [sflag:s9], $0x2710  }
0x35: {  	[sflag:s9] =	ssyncset.done $0x0  }
0x36: {  	s10 =	rddreg [dreg:$0x6];
	[sflag:s9] =	ssyncadd.s32 $0xFFFFD8F0  }
0x37: {  	[tilespmem:s24], [sflag:$0x8] =	stream.linear.gather [hbm4b:s10+s5], $0x2710, $0x38;
	[tilespmem:$0x1FD20] =	vst v63  }
0x38: {  	s18 =	stileid.u32;
	_ =	swait.ge [sflag:s9], $0x2710  }
0x39: {  	s8 =	sshll.u32 s18, $0x6;
	s20 =	rddreg [dreg:$0xa]  }
0x3a: {  	[sflag:s9] =	ssyncset.done $0x0;
	s21 =	rddreg [dreg:$0xb];
	s18 =	sshrl.u32 s20, $0x3  }
0x3b: {  	s19 =	sor.u32 $0x1C08, s8;
	[sflag:s9] =	ssyncadd.s32 $0xFFFFD8F0;
	[dreg:$0x17] =	wrdreg s18  }
0x3c: {  	[spmem:s18], [sflag:s19] =	dma.local [hbm:s21], $0x2800  }
0x3d: {  	_ =	swait.ge [sflag:s9], $0x2800;
	[dreg:$0x16] =	wrdreg s19  }
0x3e: {  	s22 =	rddreg [dreg:$0xc]  }
0x3f: {  	[sflag:s9] =	ssyncset.done $0x0;
	s29 =	rddreg [dreg:$0xd];
	s23 =	sshrl.u32 s22, $0x3  }
0x40: {  	[sflag:s9] =	ssyncadd.s32 $0xFFFFD800;
	[dreg:$0x18] =	wrdreg s23  }
0x41: {  	[spmem:s23], [sflag:s19] =	dma.local [hbm:s29], $0x50  }
0x42: {  	_ =	swait.ge [sflag:s9], $0x50  }
0x43: {  	[sflag:s9] =	ssyncset.done $0x0  }
0x44: {  	[sflag:s9] =	ssyncadd.s32 $0xFFFFFFB0  }
0x45: {  	[bflag:$0x0] =	sbarrier.arrive $0xFFFF  }
0x46: {  	s20 =	simm.s32 $0x4E20;
	s19 =	rddreg [dreg:$0xe]  }
0x47: {  	[tilespmem:s20], [sflag:$0x7] =	stream.linear.gather [hbm4b:s19+s5], $0x200, $0x38;
	[tilespmem:$0x1FD20] =	vst v63  }
.Ltmp2:
0x48: {  	_ = 	snop;
	(pc) =	sbr.rel .LBB2_2-.Ltmp2, $4  }
0x49: {  	s22 =	simm.s32 $0x5220;
	s21 =	rddreg [dreg:$0xf]  }
0x4a: {  	[tilespmem:s22], [sflag:$0x7] =	stream.linear.gather [hbm4b:s21+s5], $0x200, $0x38;
	[tilespmem:$0x1FD20] =	vst v63  }
0x4b: {  	s29 =	simm.s32 $0x5620;
	s23 =	rddreg [dreg:$0x10];
	s20 =	simm.s32 $0x0  }
0x4c: {  	[tilespmem:s29], [sflag:$0x7] =	stream.linear.gather [hbm4b:s23+s5], $0x200, $0x38;
	[tilespmem:$0x1FD20] =	vst v63  }
.LBB2_9:
0x4d: {  	s8 =	simm.s32 $0x6  }
0x4e: {  	_ =	swait.ge [sflag:s8], $0x2000  }
0x4f: {  	[sflag:s8] =	ssyncset.done $0x0  }
0x50: {  	[sflag:s8] =	ssyncadd.s32 $0xFFFFE000  }
0x51: {  	_ =	swait.ge [sflag:s8], $0x40  }
0x52: {  	s20 =	rddreg [dreg:$0x19]  }
0x53: {  	s20 =	sadd.s32 $0x1, s20  }
0x54: {  	p0 =	sne.s32 s20, $0x14  }
.Ltmp3:
0x55: {  	_ = 	snop;
	(pc) =	sbr.rel @!p0 .LBB2_10-.Ltmp3, $3  }
0x56: {  	_ =	sdelay $0x1  }
0x57: {  	[sflag:s8] =	ssyncset.done $0x0  }
0x58: {  	[sflag:s8] =	ssyncadd.s32 $0xFFFFFFC0  }
.LBB2_2:
0x59: {  	s10 =	simm.s32 $0x7  }
0x5a: {  	_ =	swait.ge [sflag:s10], $0x200  }
0x5b: {  	[sflag:s10] =	ssyncset.done $0x0  }
0x5c: {  	[sflag:s10] =	ssyncadd.s32 $0xFFFFFE00  }
0x5d: {  	_ =	swait.ge [sflag:s10], $0x200  }
0x5e: {  	[sflag:s10] =	ssyncset.done $0x0  }
0x5f: {  	[sflag:s10] =	ssyncadd.s32 $0xFFFFFE00  }
0x60: {  	p0 =	seq.s32 s20, $0x13;
	_ =	swait.ge [sflag:s10], $0x200  }
0x61: {  	s8 =	sshll.u32 @!p0 s20, $0x9;
	s9 =	rddreg [dreg:$0x11]  }
0x62: {  	s19 =	simm.s32 @!p0 $0x0;
	s21 =	sand.u32 @!p0 $0x200, s8;
	s9 =	sadd.s32 @!p0 s8, s9  }
0x63: {  	[sflag:s10] =	ssyncset.done $0x0;
	s18 =	rddreg [dreg:$0x7];
	s9 =	sshrl.u32 @!p0 s9, $0x3  }
0x64: {  	[sflag:s10] =	ssyncadd.s32 $0xFFFFFE00;
	s10 =	ssub.s32 @!p0 $0x5020, s21;
	s18 =	sadd.s32 @!p0 s18, s9  }
0x65: {  	[tilespmem:s10], [sflag:$0x7] =	stream.linear.gather @!p0 [hbm4b:s18+s19], $0x200, $0x38;
	[tilespmem:$0x1FD20] =	vst v63  }
0x66: {  	s18 =	rddreg [dreg:$0x8]  }
0x67: {  	s10 =	ssub.s32 @!p0 $0x5420, s21;
	s18 =	sadd.s32 @!p0 s18, s9  }
0x68: {  	[tilespmem:s10], [sflag:$0x7] =	stream.linear.gather @!p0 [hbm4b:s18+s19], $0x200, $0x38;
	[tilespmem:$0x1FD20] =	vst v63  }
0x69: {  	s18 =	rddreg [dreg:$0x9]  }
0x6a: {  	s10 =	ssub.s32 @!p0 $0x5820, s21;
	s21 =	simm.s32 @p0 $0x200;
	s9 =	sadd.s32 @!p0 s18, s9  }
0x6b: {  	[tilespmem:s10], [sflag:$0x7] =	stream.linear.gather @!p0 [hbm4b:s9+s19], $0x200, $0x38;
	[tilespmem:$0x1FD20] =	vst v63  }
0x6c: {  	v1 =	vld [tilespmem:s21+$0x4E20]  }
0x6d: {  	v2 =	vld [tilespmem:s21+$0x5220];
	_ =	sdelay $0x5  }
0x6e: {  	s18 =	smov.u32 s20;
	s20 =	simm.s32 $0x0  }
0x6f: {  	v1 =	vld.idx.msk [tilespmem:v1+s20+$0x0], $0xffff  }
0x70: {  	v2 =	vld.idx.msk [tilespmem:v2+s24+$0x0], $0xffff;
	_ =	sdelay $0x1  }
0x71: {  	v3 =	vld [tilespmem:s21+$0x5620];
	_ =	sdelay $0x2  }
0x72: {  	v1 =	vadd.f32 v2, v1;
	_ =	sdelay $0x1  }
0x73: {  	v1 =	vadd.f32 v3, v1;
	_ =	sdelay $0x1  }
0x74: {  	v2 =	vmul.f32 $2.000000030e-01, v1  }
0x75: {  	vm0 =	vge.f32 v1, $0.0e+00  }
0x76: {  	v1 =	vsel vm0, v1, v2  }
0x77: {  	v1 =	vmul.f32 $1.442695020e+00, v1;
	_ =	sdelay $0x1  }
0x78: {  	(erf) = vpow2.f32 v1;
	_ =	sdelay $0x6  }
0x79: {  	s8 =	simm.s32 @p0 $0x2600  }
0x7a: {  	s8 =	sadd.s32 s11, s8  }
0x7b: {  	p3 =	slt.u32 s8, $0x4E200;
	v1 =	vpop (erf)  }
0x7c: {  	v1 =	vpsel !p3, $0x0, v1  }
0x7d: {  	[tilespmem:$0x5A20] =	vst v1  }
0x7e: {  	v1 =	vld [tilespmem:s21+$0x4E30]  }
0x7f: {  	v2 =	vld [tilespmem:s21+$0x5230];
	_ =	sdelay $0x6  }
0x80: {  	v1 =	vld.idx.msk [tilespmem:v1+s20+$0x0], $0xffff  }
0x81: {  	v2 =	vld.idx.msk [tilespmem:v2+s24+$0x0], $0xffff;
	_ =	sdelay $0x1  }
0x82: {  	v3 =	vld [tilespmem:s21+$0x5630];
	_ =	sdelay $0x2  }
0x83: {  	v1 =	vadd.f32 v2, v1;
	_ =	sdelay $0x1  }
0x84: {  	v1 =	vadd.f32 v3, v1;
	_ =	sdelay $0x1  }
0x85: {  	v2 =	vmul.f32 $2.000000030e-01, v1  }
0x86: {  	vm13 =	vge.f32 v1, $0.0e+00  }
0x87: {  	v1 =	vsel vm13, v1, v2  }
0x88: {  	v1 =	vmul.f32 $1.442695020e+00, v1;
	_ =	sdelay $0x1  }
0x89: {  	(erf) = vpow2.f32 v1;
	_ =	sdelay $0x7  }
0x8a: {  	s19 =	sor.u32 $0x10, s8  }
0x8b: {  	p4 =	slt.u32 s19, $0x4E200;
	v1 =	vpop (erf)  }
0x8c: {  	v1 =	vpsel !p4, $0x0, v1  }
0x8d: {  	[tilespmem:$0x5A30] =	vst v1  }
0x8e: {  	v1 =	vld [tilespmem:s21+$0x4E40]  }
0x8f: {  	v2 =	vld [tilespmem:s21+$0x5240];
	_ =	sdelay $0x6  }
0x90: {  	v1 =	vld.idx.msk [tilespmem:v1+s20+$0x0], $0xffff  }
0x91: {  	v2 =	vld.idx.msk [tilespmem:v2+s24+$0x0], $0xffff;
	_ =	sdelay $0x1  }
0x92: {  	v3 =	vld [tilespmem:s21+$0x5640];
	_ =	sdelay $0x2  }
0x93: {  	v1 =	vadd.f32 v2, v1;
	_ =	sdelay $0x1  }
0x94: {  	v1 =	vadd.f32 v3, v1;
	_ =	sdelay $0x1  }
0x95: {  	v2 =	vmul.f32 $2.000000030e-01, v1  }
0x96: {  	vm14 =	vge.f32 v1, $0.0e+00  }
0x97: {  	v1 =	vsel vm14, v1, v2  }
0x98: {  	v1 =	vmul.f32 $1.442695020e+00, v1;
	_ =	sdelay $0x1  }
0x99: {  	(erf) = vpow2.f32 v1;
	_ =	sdelay $0x7  }
0x9a: {  	s22 =	sor.u32 $0x20, s8  }
0x9b: {  	p5 =	slt.u32 s22, $0x4E200;
	v1 =	vpop (erf)  }
0x9c: {  	v1 =	vpsel !p5, $0x0, v1  }
0x9d: {  	[tilespmem:$0x5A40] =	vst v1  }
0x9e: {  	v1 =	vld [tilespmem:s21+$0x4E50]  }
0x9f: {  	v2 =	vld [tilespmem:s21+$0x5250];
	_ =	sdelay $0x6  }
0xa0: {  	v1 =	vld.idx.msk [tilespmem:v1+s20+$0x0], $0xffff  }
0xa1: {  	v2 =	vld.idx.msk [tilespmem:v2+s24+$0x0], $0xffff;
	_ =	sdelay $0x1  }
0xa2: {  	v3 =	vld [tilespmem:s21+$0x5650];
	_ =	sdelay $0x2  }
0xa3: {  	v1 =	vadd.f32 v2, v1;
	_ =	sdelay $0x1  }
0xa4: {  	v1 =	vadd.f32 v3, v1;
	_ =	sdelay $0x1  }
0xa5: {  	v2 =	vmul.f32 $2.000000030e-01, v1  }
0xa6: {  	vm15 =	vge.f32 v1, $0.0e+00  }
0xa7: {  	v1 =	vsel vm15, v1, v2  }
0xa8: {  	v1 =	vmul.f32 $1.442695020e+00, v1;
	_ =	sdelay $0x1  }
0xa9: {  	(erf) = vpow2.f32 v1;
	_ =	sdelay $0x7  }
0xaa: {  	s8 =	sor.u32 $0x30, s8  }
0xab: {  	p6 =	slt.u32 s8, $0x4E200;
	v1 =	vpop (erf)  }
0xac: {  	v1 =	vpsel !p6, $0x0, v1  }
0xad: {  	s23 =	sadd.s32 $0x5220, s21;
	s29 =	sadd.s32 $0x5240, s21;
	[tilespmem:$0x5A50] =	vst v1  }
0xae: {  	[tilespmem:s31], [sflag:$0x1] =	stream.indirect.gather [hbm4b:s1+s30], $0x40, s23, s30, $0xb8;
	[tilespmem:$0x1FD20] =	vst v63  }
0xaf: {  	[dreg:$0x19] =	wrdreg s18;
	s8 =	sshll.u32 s18, $0x3;
	s23 =	sadd.s32 $0x4E20, s21  }
0xb0: {  	v1 =	vmov s21;
	[tilespmem:s0], [sflag:$0x3] =	stream.indirect.gather [hbm4b:s1+s30], $0x40, s29, s30, $0xb8;
	[tilespmem:$0x1FD20] =	vst v63  }
.LBB2_3:
0xb1: {  	_ =	swait.ge [sflag:s25], $0x800  }
0xb2: {  	[sflag:s25] =	ssyncset.done $0x0  }
0xb3: {  	[sflag:s25] =	ssyncadd.s32 $0xFFFFF800  }
0xb4: {  	_ =	swait.ge [sflag:s26], $0x800  }
0xb5: {  	s9 =	simm.s32 $0x5BA0;
	[sflag:s26] =	ssyncset.done $0x0  }
0xb6: {  	s10 =	simm.s32 $0x7CA0;
	s18 =	simm.s32 $0x0;
	[sflag:s26] =	ssyncadd.s32 $0xFFFFF800  }
.LBB2_4:
0xb7: {  	v2 =	vmov s18  }
0xb8: {  	v2 =	vshrl.u32 v2, $0x3  }
0xb9: {  	v2 =	vshll.u32 v2, v0  }
0xba: {  	v2 =	vbroadcast v2, $0x0;
	_ =	sdelay $0x4  }
0xbb: {  	v3 =	vld [tilespmem:s9+$0xFFFFFF00]  }
0xbc: {  	v2 =	vld.idx.msk [tilespmem:v2+s28+$0x0], $0xffff;
	_ =	sdelay $0x3  }
0xbd: {  	v4 =	vshll.u32 v3, $0x10  }
0xbe: {  	v3 =	vand.u32 $0xFFFF0000, v3;
	v4 =	vmul.f32 v4, v2  }
0xbf: {  	v3 =	vmul.f32 v3, v2  }
0xc0: {  	[tilespmem:s10+$0xFFFFFE00] =	vst v4  }
0xc1: {  	[tilespmem:s10+$0xFFFFFE40] =	vst v3  }
0xc2: {  	v3 =	vld [tilespmem:s9+$0xFFFFFF10];
	_ =	sdelay $0x4  }
0xc3: {  	v27 =	vshll.u32 v3, $0x10  }
0xc4: {  	v3 =	vand.u32 $0xFFFF0000, v3;
	v4 =	vmul.f32 v27, v2  }
0xc5: {  	v3 =	vmul.f32 v3, v2  }
0xc6: {  	[tilespmem:s10+$0xFFFFFE10] =	vst v4  }
0xc7: {  	[tilespmem:s10+$0xFFFFFE50] =	vst v3  }
0xc8: {  	v3 =	vld [tilespmem:s9+$0xFFFFFF20];
	_ =	sdelay $0x4  }
0xc9: {  	v28 =	vshll.u32 v3, $0x10  }
0xca: {  	v3 =	vand.u32 $0xFFFF0000, v3;
	v4 =	vmul.f32 v28, v2  }
0xcb: {  	v3 =	vmul.f32 v3, v2  }
0xcc: {  	[tilespmem:s10+$0xFFFFFE20] =	vst v4  }
0xcd: {  	[tilespmem:s10+$0xFFFFFE60] =	vst v3  }
0xce: {  	s19 =	sadd.s32 $0x1, s18;
	v3 =	vld [tilespmem:s9+$0xFFFFFF30]  }
0xcf: {  	v29 =	vmov s19  }
0xd0: {  	v4 =	vshrl.u32 v29, $0x3  }
0xd1: {  	v4 =	vshll.u32 v4, v0  }
0xd2: {  	v4 =	vadd.s32 $0x1, v4  }
0xd3: {  	v4 =	vbroadcast v4, $0x0;
	v5 =	vshll.u32 v3, $0x10  }
0xd4: {  	v3 =	vand.u32 $0xFFFF0000, v3;
	v5 =	vmul.f32 v5, v2  }
0xd5: {  	v2 =	vmul.f32 v3, v2  }
0xd6: {  	[tilespmem:s10+$0xFFFFFE30] =	vst v5  }
0xd7: {  	[tilespmem:s10+$0xFFFFFE70] =	vst v2  }
0xd8: {  	v2 =	vld [tilespmem:s9+$0xFFFFFF40]  }
0xd9: {  	v3 =	vld.idx.msk [tilespmem:v4+s28+$0x0], $0xffff;
	_ =	sdelay $0x3  }
0xda: {  	v30 =	vshll.u32 v2, $0x10  }
0xdb: {  	v2 =	vand.u32 $0xFFFF0000, v2;
	v4 =	vmul.f32 v30, v3  }
0xdc: {  	v2 =	vmul.f32 v2, v3  }
0xdd: {  	[tilespmem:s10+$0xFFFFFE80] =	vst v4  }
0xde: {  	[tilespmem:s10+$0xFFFFFEC0] =	vst v2  }
0xdf: {  	v2 =	vld [tilespmem:s9+$0xFFFFFF50];
	_ =	sdelay $0x4  }
0xe0: {  	v31 =	vshll.u32 v2, $0x10  }
0xe1: {  	v2 =	vand.u32 $0xFFFF0000, v2;
	v4 =	vmul.f32 v31, v3  }
0xe2: {  	v2 =	vmul.f32 v2, v3  }
0xe3: {  	[tilespmem:s10+$0xFFFFFE90] =	vst v4  }
0xe4: {  	[tilespmem:s10+$0xFFFFFED0] =	vst v2  }
0xe5: {  	v2 =	vld [tilespmem:s9+$0xFFFFFF60];
	_ =	sdelay $0x4  }
0xe6: {  	v32 =	vshll.u32 v2, $0x10  }
0xe7: {  	v2 =	vand.u32 $0xFFFF0000, v2;
	v4 =	vmul.f32 v32, v3  }
0xe8: {  	v2 =	vmul.f32 v2, v3  }
0xe9: {  	[tilespmem:s10+$0xFFFFFEA0] =	vst v4  }
0xea: {  	[tilespmem:s10+$0xFFFFFEE0] =	vst v2  }
0xeb: {  	s22 =	sadd.s32 $0x2, s18;
	v2 =	vld [tilespmem:s9+$0xFFFFFF70]  }
0xec: {  	v33 =	vmov s22  }
0xed: {  	v4 =	vshrl.u32 v33, $0x3  }
0xee: {  	v4 =	vshll.u32 v4, v0  }
0xef: {  	v4 =	vadd.s32 $0x2, v4  }
0xf0: {  	v4 =	vbroadcast v4, $0x0;
	v34 =	vshll.u32 v2, $0x10  }
0xf1: {  	v2 =	vand.u32 $0xFFFF0000, v2;
	v5 =	vmul.f32 v34, v3  }
0xf2: {  	v2 =	vmul.f32 v2, v3  }
0xf3: {  	[tilespmem:s10+$0xFFFFFEB0] =	vst v5  }
0xf4: {  	[tilespmem:s10+$0xFFFFFEF0] =	vst v2  }
0xf5: {  	v2 =	vld [tilespmem:s9+$0xFFFFFF80]  }
0xf6: {  	v3 =	vld.idx.msk [tilespmem:v4+s28+$0x0], $0xffff;
	_ =	sdelay $0x3  }
0xf7: {  	v35 =	vshll.u32 v2, $0x10  }
0xf8: {  	v2 =	vand.u32 $0xFFFF0000, v2;
	v4 =	vmul.f32 v35, v3  }
0xf9: {  	v2 =	vmul.f32 v2, v3  }
0xfa: {  	[tilespmem:s10+$0xFFFFFF00] =	vst v4  }
0xfb: {  	[tilespmem:s10+$0xFFFFFF40] =	vst v2  }
0xfc: {  	v2 =	vld [tilespmem:s9+$0xFFFFFF90];
	_ =	sdelay $0x4  }
0xfd: {  	v36 =	vshll.u32 v2, $0x10  }
0xfe: {  	v2 =	vand.u32 $0xFFFF0000, v2;
	v4 =	vmul.f32 v36, v3  }
0xff: {  	v2 =	vmul.f32 v2, v3  }
0x100: {  	[tilespmem:s10+$0xFFFFFF10] =	vst v4  }
0x101: {  	[tilespmem:s10+$0xFFFFFF50] =	vst v2  }
0x102: {  	v2 =	vld [tilespmem:s9+$0xFFFFFFA0];
	_ =	sdelay $0x4  }
0x103: {  	v37 =	vshll.u32 v2, $0x10  }
0x104: {  	v2 =	vand.u32 $0xFFFF0000, v2;
	v4 =	vmul.f32 v37, v3  }
0x105: {  	v2 =	vmul.f32 v2, v3  }
0x106: {  	[tilespmem:s10+$0xFFFFFF20] =	vst v4  }
0x107: {  	[tilespmem:s10+$0xFFFFFF60] =	vst v2  }
0x108: {  	s29 =	sadd.s32 $0x3, s18;
	v2 =	vld [tilespmem:s9+$0xFFFFFFB0]  }
0x109: {  	v38 =	vmov s29  }
0x10a: {  	v4 =	vshrl.u32 v38, $0x3  }
0x10b: {  	v4 =	vshll.u32 v4, v0  }
0x10c: {  	v4 =	vadd.s32 $0x3, v4  }
0x10d: {  	v4 =	vbroadcast v4, $0x0;
	v39 =	vshll.u32 v2, $0x10  }
0x10e: {  	v2 =	vand.u32 $0xFFFF0000, v2;
	v5 =	vmul.f32 v39, v3  }
0x10f: {  	v2 =	vmul.f32 v2, v3  }
0x110: {  	[tilespmem:s10+$0xFFFFFF30] =	vst v5  }
0x111: {  	[tilespmem:s10+$0xFFFFFF70] =	vst v2  }
0x112: {  	v2 =	vld [tilespmem:s9+$0xFFFFFFC0]  }
0x113: {  	v3 =	vld.idx.msk [tilespmem:v4+s28+$0x0], $0xffff;
	_ =	sdelay $0x3  }
0x114: {  	v40 =	vshll.u32 v2, $0x10  }
0x115: {  	v2 =	vand.u32 $0xFFFF0000, v2;
	v4 =	vmul.f32 v40, v3  }
0x116: {  	v2 =	vmul.f32 v2, v3  }
0x117: {  	[tilespmem:s10+$0xFFFFFF80] =	vst v4  }
0x118: {  	[tilespmem:s10+$0xFFFFFFC0] =	vst v2  }
0x119: {  	v2 =	vld [tilespmem:s9+$0xFFFFFFD0];
	_ =	sdelay $0x4  }
0x11a: {  	v41 =	vshll.u32 v2, $0x10  }
0x11b: {  	v2 =	vand.u32 $0xFFFF0000, v2;
	v4 =	vmul.f32 v41, v3  }
0x11c: {  	v2 =	vmul.f32 v2, v3  }
0x11d: {  	[tilespmem:s10+$0xFFFFFF90] =	vst v4  }
0x11e: {  	[tilespmem:s10+$0xFFFFFFD0] =	vst v2  }
0x11f: {  	v2 =	vld [tilespmem:s9+$0xFFFFFFE0];
	_ =	sdelay $0x4  }
0x120: {  	v42 =	vshll.u32 v2, $0x10  }
0x121: {  	v2 =	vand.u32 $0xFFFF0000, v2;
	v4 =	vmul.f32 v42, v3  }
0x122: {  	v2 =	vmul.f32 v2, v3  }
0x123: {  	[tilespmem:s10+$0xFFFFFFA0] =	vst v4  }
0x124: {  	[tilespmem:s10+$0xFFFFFFE0] =	vst v2  }
0x125: {  	s22 =	sadd.s32 $0x4, s18;
	v2 =	vld [tilespmem:s9+$0xFFFFFFF0]  }
0x126: {  	v43 =	vmov s22  }
0x127: {  	v4 =	vshrl.u32 v43, $0x3  }
0x128: {  	v4 =	vshll.u32 v4, v0  }
0x129: {  	v4 =	vadd.s32 $0x4, v4  }
0x12a: {  	v4 =	vbroadcast v4, $0x0;
	v44 =	vshll.u32 v2, $0x10  }
0x12b: {  	v2 =	vand.u32 $0xFFFF0000, v2;
	v5 =	vmul.f32 v44, v3  }
0x12c: {  	v2 =	vmul.f32 v2, v3  }
0x12d: {  	[tilespmem:s10+$0xFFFFFFB0] =	vst v5  }
0x12e: {  	[tilespmem:s10+$0xFFFFFFF0] =	vst v2  }
0x12f: {  	v2 =	vld [tilespmem:s9+$0x0]  }
0x130: {  	v3 =	vld.idx.msk [tilespmem:v4+s28+$0x0], $0xffff;
	_ =	sdelay $0x3  }
0x131: {  	v45 =	vshll.u32 v2, $0x10  }
0x132: {  	v2 =	vand.u32 $0xFFFF0000, v2;
	v4 =	vmul.f32 v45, v3  }
0x133: {  	v2 =	vmul.f32 v2, v3  }
0x134: {  	[tilespmem:s10+$0x0] =	vst v4  }
0x135: {  	[tilespmem:s10+$0x40] =	vst v2  }
0x136: {  	v2 =	vld [tilespmem:s9+$0x10];
	_ =	sdelay $0x4  }
0x137: {  	v46 =	vshll.u32 v2, $0x10  }
0x138: {  	v2 =	vand.u32 $0xFFFF0000, v2;
	v4 =	vmul.f32 v46, v3  }
0x139: {  	v2 =	vmul.f32 v2, v3  }
0x13a: {  	[tilespmem:s10+$0x10] =	vst v4  }
0x13b: {  	[tilespmem:s10+$0x50] =	vst v2  }
0x13c: {  	v2 =	vld [tilespmem:s9+$0x20];
	_ =	sdelay $0x4  }
0x13d: {  	v47 =	vshll.u32 v2, $0x10  }
0x13e: {  	v2 =	vand.u32 $0xFFFF0000, v2;
	v4 =	vmul.f32 v47, v3  }
0x13f: {  	v2 =	vmul.f32 v2, v3  }
0x140: {  	[tilespmem:s10+$0x20] =	vst v4  }
0x141: {  	[tilespmem:s10+$0x60] =	vst v2  }
0x142: {  	s29 =	sadd.s32 $0x5, s18;
	v2 =	vld [tilespmem:s9+$0x30]  }
0x143: {  	v48 =	vmov s29  }
0x144: {  	v4 =	vshrl.u32 v48, $0x3  }
0x145: {  	v4 =	vshll.u32 v4, v0  }
0x146: {  	v4 =	vadd.s32 $0x5, v4  }
0x147: {  	v4 =	vbroadcast v4, $0x0;
	v49 =	vshll.u32 v2, $0x10  }
0x148: {  	v2 =	vand.u32 $0xFFFF0000, v2;
	v5 =	vmul.f32 v49, v3  }
0x149: {  	v2 =	vmul.f32 v2, v3  }
0x14a: {  	[tilespmem:s10+$0x30] =	vst v5  }
0x14b: {  	[tilespmem:s10+$0x70] =	vst v2  }
0x14c: {  	v2 =	vld [tilespmem:s9+$0x40]  }
0x14d: {  	v3 =	vld.idx.msk [tilespmem:v4+s28+$0x0], $0xffff;
	_ =	sdelay $0x3  }
0x14e: {  	v50 =	vshll.u32 v2, $0x10  }
0x14f: {  	v2 =	vand.u32 $0xFFFF0000, v2;
	v4 =	vmul.f32 v50, v3  }
0x150: {  	v2 =	vmul.f32 v2, v3  }
0x151: {  	[tilespmem:s10+$0x80] =	vst v4  }
0x152: {  	[tilespmem:s10+$0xC0] =	vst v2  }
0x153: {  	v2 =	vld [tilespmem:s9+$0x50];
	_ =	sdelay $0x4  }
0x154: {  	v51 =	vshll.u32 v2, $0x10  }
0x155: {  	v2 =	vand.u32 $0xFFFF0000, v2;
	v4 =	vmul.f32 v51, v3  }
0x156: {  	v2 =	vmul.f32 v2, v3  }
0x157: {  	[tilespmem:s10+$0x90] =	vst v4  }
0x158: {  	[tilespmem:s10+$0xD0] =	vst v2  }
0x159: {  	v2 =	vld [tilespmem:s9+$0x60];
	_ =	sdelay $0x4  }
0x15a: {  	v52 =	vshll.u32 v2, $0x10  }
0x15b: {  	v2 =	vand.u32 $0xFFFF0000, v2;
	v4 =	vmul.f32 v52, v3  }
0x15c: {  	v2 =	vmul.f32 v2, v3  }
0x15d: {  	[tilespmem:s10+$0xA0] =	vst v4  }
0x15e: {  	[tilespmem:s10+$0xE0] =	vst v2  }
0x15f: {  	s22 =	sadd.s32 $0x6, s18;
	v2 =	vld [tilespmem:s9+$0x70]  }
0x160: {  	v53 =	vmov s22  }
0x161: {  	v4 =	vshrl.u32 v53, $0x3  }
0x162: {  	v4 =	vshll.u32 v4, v0  }
0x163: {  	v4 =	vadd.s32 $0x6, v4  }
0x164: {  	v4 =	vbroadcast v4, $0x0;
	v54 =	vshll.u32 v2, $0x10  }
0x165: {  	v2 =	vand.u32 $0xFFFF0000, v2;
	v5 =	vmul.f32 v54, v3  }
0x166: {  	v2 =	vmul.f32 v2, v3  }
0x167: {  	[tilespmem:s10+$0xB0] =	vst v5  }
0x168: {  	[tilespmem:s10+$0xF0] =	vst v2  }
0x169: {  	v2 =	vld [tilespmem:s9+$0x80]  }
0x16a: {  	v3 =	vld.idx.msk [tilespmem:v4+s28+$0x0], $0xffff;
	_ =	sdelay $0x3  }
0x16b: {  	v55 =	vshll.u32 v2, $0x10  }
0x16c: {  	v2 =	vand.u32 $0xFFFF0000, v2;
	v4 =	vmul.f32 v55, v3  }
0x16d: {  	v2 =	vmul.f32 v2, v3  }
0x16e: {  	[tilespmem:s10+$0x100] =	vst v4  }
0x16f: {  	[tilespmem:s10+$0x140] =	vst v2  }
0x170: {  	v2 =	vld [tilespmem:s9+$0x90];
	_ =	sdelay $0x4  }
0x171: {  	v56 =	vshll.u32 v2, $0x10  }
0x172: {  	v2 =	vand.u32 $0xFFFF0000, v2;
	v4 =	vmul.f32 v56, v3  }
0x173: {  	v2 =	vmul.f32 v2, v3  }
0x174: {  	[tilespmem:s10+$0x110] =	vst v4  }
0x175: {  	[tilespmem:s10+$0x150] =	vst v2  }
0x176: {  	v2 =	vld [tilespmem:s9+$0xA0];
	_ =	sdelay $0x4  }
0x177: {  	v57 =	vshll.u32 v2, $0x10  }
0x178: {  	v2 =	vand.u32 $0xFFFF0000, v2;
	v4 =	vmul.f32 v57, v3  }
0x179: {  	v2 =	vmul.f32 v2, v3  }
0x17a: {  	[tilespmem:s10+$0x120] =	vst v4  }
0x17b: {  	[tilespmem:s10+$0x160] =	vst v2  }
0x17c: {  	s29 =	sadd.s32 $0x7, s18;
	v2 =	vld [tilespmem:s9+$0xB0]  }
0x17d: {  	v58 =	vmov s29  }
0x17e: {  	v4 =	vshrl.u32 v58, $0x3  }
0x17f: {  	v4 =	vshll.u32 v4, v0  }
0x180: {  	v4 =	vadd.s32 $0x7, v4  }
0x181: {  	v4 =	vbroadcast v4, $0x0;
	v59 =	vshll.u32 v2, $0x10  }
0x182: {  	v2 =	vand.u32 $0xFFFF0000, v2;
	v5 =	vmul.f32 v59, v3  }
0x183: {  	v2 =	vmul.f32 v2, v3  }
0x184: {  	[tilespmem:s10+$0x130] =	vst v5  }
0x185: {  	[tilespmem:s10+$0x170] =	vst v2  }
0x186: {  	v2 =	vld [tilespmem:s9+$0xC0]  }
0x187: {  	v3 =	vld.idx.msk [tilespmem:v4+s28+$0x0], $0xffff;
	_ =	sdelay $0x3  }
0x188: {  	v60 =	vshll.u32 v2, $0x10  }
0x189: {  	v2 =	vand.u32 $0xFFFF0000, v2;
	v4 =	vmul.f32 v60, v3  }
0x18a: {  	v2 =	vmul.f32 v2, v3  }
0x18b: {  	[tilespmem:s10+$0x180] =	vst v4  }
0x18c: {  	[tilespmem:s10+$0x1C0] =	vst v2  }
0x18d: {  	v2 =	vld [tilespmem:s9+$0xD0];
	_ =	sdelay $0x4  }
0x18e: {  	v61 =	vshll.u32 v2, $0x10  }
0x18f: {  	v2 =	vand.u32 $0xFFFF0000, v2;
	v4 =	vmul.f32 v61, v3  }
0x190: {  	v2 =	vmul.f32 v2, v3  }
0x191: {  	[tilespmem:s10+$0x190] =	vst v4  }
0x192: {  	[tilespmem:s10+$0x1D0] =	vst v2  }
0x193: {  	v2 =	vld [tilespmem:s9+$0xE0];
	_ =	sdelay $0x4  }
0x194: {  	v62 =	vshll.u32 v2, $0x10  }
0x195: {  	v2 =	vand.u32 $0xFFFF0000, v2;
	v4 =	vmul.f32 v62, v3  }
0x196: {  	v2 =	vmul.f32 v2, v3  }
0x197: {  	[tilespmem:s10+$0x1A0] =	vst v4  }
0x198: {  	[tilespmem:s10+$0x1E0] =	vst v2  }
0x199: {  	v2 =	vld [tilespmem:s9+$0xF0];
	_ =	sdelay $0x3  }
0x19a: {  	p0 =	slt.u32 s18, $0x38  }
.Ltmp4:
0x19b: {  	v63 =	vshll.u32 v2, $0x10;
	(pc) =	sbr.rel @p0 .LBB2_4-.Ltmp4, $4  }
0x19c: {  	v2 =	vand.u32 $0xFFFF0000, v2;
	v4 =	vmul.f32 v63, v3  }
0x19d: {  	v2 =	vmul.f32 v2, v3  }
0x19e: {  	[tilespmem:s10+$0x1B0] =	vst v4  }
0x19f: {  	s18 =	sadd.s32 $0x8, s18;
	s9 =	sadd.s32 $0x200, s9;
	[tilespmem:s10+$0x1F0] =	vst v2;
	s10 =	sadd.s32 $0x400, s10  }
0x1a0: {  	s9 =	sshll.u32 s20, $0x7  }
0x1a1: {  	s9 =	sand.u32 $0x3FFFFF80, s9  }
0x1a2: {  	p0 =	seq.s32 s20, $0x0;
	s9 =	sadd.s32 s9, s23  }
0x1a3: {  	[spmem:s2] =	stream.indirect.scatter.add.f32 [tilespmem:s6], [sflag:$0x5], $0x80, s9, s3, $0xb8;
	[tilespmem:$0x1FD20] =	vst v63  }
0x1a4: {  	s10 =	simm.s32 @!p0 $0x6  }
0x1a5: {  	[spmem:s4] =	stream.indirect.scatter.add.f32 [tilespmem:s28], [sflag:$0x5], $0x1, s9, s3, $0xb8;
	[tilespmem:$0x1FD20] =	vst v63  }
0x1a6: {  	_ =	swait.ge @!p0 [sflag:s10], $0x2000  }
0x1a7: {  	[sflag:s10] =	ssyncset.done @!p0 $0x0  }
0x1a8: {  	[sflag:s10] =	ssyncadd.s32 @!p0 $0xFFFFE000  }
0x1a9: {  	s9 =	sshll.u32 s20, $0x1;
	_ =	swait.ge @!p0 [sflag:s10], $0x40  }
0x1aa: {  	s19 =	sor.u32 $0x1, s9;
	[sflag:s10] =	ssyncset.done @!p0 $0x0  }
0x1ab: {  	s18 =	sshll.u32 s19, $0x6;
	[sflag:s10] =	ssyncadd.s32 @!p0 $0xFFFFFFC0  }
0x1ac: {  	v2 =	vld.idx.msk [tilespmem:v1+s18+$0x4E20 ss:$0x1], $0xffff  }
0x1ad: {  	v3 =	vld.idx.msk [tilespmem:v1+s18+$0x5220 ss:$0x1], $0xffff;
	_ =	sdelay $0x5  }
0x1ae: {  	s10 =	simm.s32 $0x0  }
0x1af: {  	v2 =	vld.idx.msk [tilespmem:v2+s10+$0x0], $0xffff  }
0x1b0: {  	v3 =	vld.idx.msk [tilespmem:v3+s24+$0x0], $0xffff;
	_ =	sdelay $0x1  }
0x1b1: {  	v4 =	vld.idx.msk [tilespmem:v1+s18+$0x5620 ss:$0x1], $0xffff;
	_ =	sdelay $0x2  }
0x1b2: {  	v2 =	vadd.f32 v3, v2;
	_ =	sdelay $0x1  }
0x1b3: {  	v2 =	vadd.f32 v4, v2;
	_ =	sdelay $0x1  }
0x1b4: {  	v3 =	vmul.f32 $2.000000030e-01, v2  }
0x1b5: {  	vm0 =	vge.f32 v2, $0.0e+00  }
0x1b6: {  	v2 =	vsel vm0, v2, v3  }
0x1b7: {  	v2 =	vmul.f32 $1.442695020e+00, v2;
	_ =	sdelay $0x1  }
0x1b8: {  	(erf) = vpow2.f32 v2;
	_ =	sdelay $0x5  }
0x1b9: {  	s19 =	sadd.s32 s8, s19  }
0x1ba: {  	s19 =	sshll.u32 s19, $0x6  }
0x1bb: {  	s19 =	sadd.s32 s11, s19  }
0x1bc: {  	p3 =	slt.u32 s19, $0x4E200;
	v2 =	vpop (erf)  }
0x1bd: {  	v2 =	vpsel !p3, $0x0, v2  }
0x1be: {  	[tilespmem:$0x5A60] =	vst v2  }
0x1bf: {  	v2 =	vld.idx.msk [tilespmem:v1+s18+$0x4E30 ss:$0x1], $0xffff  }
0x1c0: {  	v3 =	vld.idx.msk [tilespmem:v1+s18+$0x5230 ss:$0x1], $0xffff;
	_ =	sdelay $0x6  }
0x1c1: {  	v2 =	vld.idx.msk [tilespmem:v2+s10+$0x0], $0xffff  }
0x1c2: {  	v3 =	vld.idx.msk [tilespmem:v3+s24+$0x0], $0xffff;
	_ =	sdelay $0x1  }
0x1c3: {  	v61 =	vld.idx.msk [tilespmem:v1+s18+$0x5630 ss:$0x1], $0xffff;
	_ =	sdelay $0x2  }
0x1c4: {  	v2 =	vadd.f32 v3, v2;
	_ =	sdelay $0x1  }
0x1c5: {  	v2 =	vadd.f32 v61, v2;
	_ =	sdelay $0x1  }
0x1c6: {  	v3 =	vmul.f32 $2.000000030e-01, v2  }
0x1c7: {  	vm13 =	vge.f32 v2, $0.0e+00  }
0x1c8: {  	v2 =	vsel vm13, v2, v3  }
0x1c9: {  	v2 =	vmul.f32 $1.442695020e+00, v2;
	_ =	sdelay $0x1  }
0x1ca: {  	(erf) = vpow2.f32 v2;
	_ =	sdelay $0x7  }
0x1cb: {  	s29 =	sor.u32 $0x10, s19  }
0x1cc: {  	p4 =	slt.u32 s29, $0x4E200;
	v2 =	vpop (erf)  }
0x1cd: {  	v2 =	vpsel !p4, $0x0, v2  }
0x1ce: {  	[tilespmem:$0x5A70] =	vst v2  }
0x1cf: {  	v2 =	vld.idx.msk [tilespmem:v1+s18+$0x4E40 ss:$0x1], $0xffff  }
0x1d0: {  	v3 =	vld.idx.msk [tilespmem:v1+s18+$0x5240 ss:$0x1], $0xffff;
	_ =	sdelay $0x6  }
0x1d1: {  	v2 =	vld.idx.msk [tilespmem:v2+s10+$0x0], $0xffff  }
0x1d2: {  	v3 =	vld.idx.msk [tilespmem:v3+s24+$0x0], $0xffff;
	_ =	sdelay $0x1  }
0x1d3: {  	v62 =	vld.idx.msk [tilespmem:v1+s18+$0x5640 ss:$0x1], $0xffff;
	_ =	sdelay $0x2  }
0x1d4: {  	v2 =	vadd.f32 v3, v2;
	_ =	sdelay $0x1  }
0x1d5: {  	v2 =	vadd.f32 v62, v2;
	_ =	sdelay $0x1  }
0x1d6: {  	v3 =	vmul.f32 $2.000000030e-01, v2  }
0x1d7: {  	vm14 =	vge.f32 v2, $0.0e+00  }
0x1d8: {  	v2 =	vsel vm14, v2, v3  }
0x1d9: {  	v2 =	vmul.f32 $1.442695020e+00, v2;
	_ =	sdelay $0x1  }
0x1da: {  	(erf) = vpow2.f32 v2;
	_ =	sdelay $0x7  }
0x1db: {  	s29 =	sor.u32 $0x20, s19  }
0x1dc: {  	p5 =	slt.u32 s29, $0x4E200;
	v2 =	vpop (erf)  }
0x1dd: {  	v2 =	vpsel !p5, $0x0, v2  }
0x1de: {  	[tilespmem:$0x5A80] =	vst v2  }
0x1df: {  	v2 =	vld.idx.msk [tilespmem:v1+s18+$0x4E50 ss:$0x1], $0xffff  }
0x1e0: {  	v3 =	vld.idx.msk [tilespmem:v1+s18+$0x5250 ss:$0x1], $0xffff;
	_ =	sdelay $0x6  }
0x1e1: {  	v2 =	vld.idx.msk [tilespmem:v2+s10+$0x0], $0xffff  }
0x1e2: {  	v3 =	vld.idx.msk [tilespmem:v3+s24+$0x0], $0xffff;
	_ =	sdelay $0x1  }
0x1e3: {  	v63 =	vld.idx.msk [tilespmem:v1+s18+$0x5650 ss:$0x1], $0xffff;
	_ =	sdelay $0x2  }
0x1e4: {  	v2 =	vadd.f32 v3, v2;
	_ =	sdelay $0x1  }
0x1e5: {  	v2 =	vadd.f32 v63, v2;
	_ =	sdelay $0x1  }
0x1e6: {  	v3 =	vmul.f32 $2.000000030e-01, v2  }
0x1e7: {  	vm15 =	vge.f32 v2, $0.0e+00  }
0x1e8: {  	v2 =	vsel vm15, v2, v3  }
0x1e9: {  	v2 =	vmul.f32 $1.442695020e+00, v2;
	_ =	sdelay $0x1  }
0x1ea: {  	(erf) = vpow2.f32 v2;
	_ =	sdelay $0x7  }
0x1eb: {  	s19 =	sor.u32 $0x30, s19  }
0x1ec: {  	p6 =	slt.u32 s19, $0x4E200;
	v2 =	vpop (erf)  }
0x1ed: {  	s18 =	sadd.s32 s21, s18;
	v2 =	vpsel !p6, $0x0, v2  }
0x1ee: {  	s22 =	sadd.s32 $0x5220, s18;
	[tilespmem:$0x5A90] =	vst v2  }
0x1ef: {  	[tilespmem:s7], [sflag:$0x2] =	stream.indirect.gather [hbm4b:s1+s30], $0x40, s22, s30, $0xb8;
	[tilespmem:$0x1FD20] =	vst v63  }
0x1f0: {  	s22 =	sadd.s32 $0x5240, s18  }
0x1f1: {  	[tilespmem:s12], [sflag:$0x4] =	stream.indirect.gather [hbm4b:s1+s30], $0x40, s22, s30, $0xb8;
	[tilespmem:$0x1FD20] =	vst v63  }
0x1f2: {  	_ =	swait.ge [sflag:s13], $0x800  }
0x1f3: {  	[sflag:s13] =	ssyncset.done $0x0  }
0x1f4: {  	[sflag:s13] =	ssyncadd.s32 $0xFFFFF800  }
0x1f5: {  	_ =	swait.ge [sflag:s14], $0x800  }
0x1f6: {  	s29 =	simm.s32 $0x9E90;
	[sflag:s14] =	ssyncset.done $0x0  }
0x1f7: {  	s19 =	sadd.s32 $0x4E20, s18;
	s18 =	simm.s32 $0x6C90;
	[sflag:s14] =	ssyncadd.s32 $0xFFFFF800  }
.LBB2_6:
0x1f8: {  	v2 =	vmov s10  }
0x1f9: {  	v2 =	vshrl.u32 v2, $0x3  }
0x1fa: {  	v2 =	vshll.u32 v2, v0  }
0x1fb: {  	v2 =	vbroadcast v2, $0x0;
	_ =	sdelay $0x4  }
0x1fc: {  	v3 =	vld [tilespmem:s18+$0xFFFFFE10]  }
0x1fd: {  	v2 =	vld.idx.msk [tilespmem:v2+s15+$0x0], $0xffff;
	_ =	sdelay $0x3  }
0x1fe: {  	v4 =	vshll.u32 v3, $0x10  }
0x1ff: {  	v3 =	vand.u32 $0xFFFF0000, v3;
	v4 =	vmul.f32 v4, v2  }
0x200: {  	v3 =	vmul.f32 v3, v2  }
0x201: {  	[tilespmem:s29+$0xFFFFFC10] =	vst v4  }
0x202: {  	[tilespmem:s29+$0xFFFFFC50] =	vst v3  }
0x203: {  	v3 =	vld [tilespmem:s18+$0xFFFFFE20];
	_ =	sdelay $0x4  }
0x204: {  	v27 =	vshll.u32 v3, $0x10  }
0x205: {  	v3 =	vand.u32 $0xFFFF0000, v3;
	v4 =	vmul.f32 v27, v2  }
0x206: {  	v3 =	vmul.f32 v3, v2  }
0x207: {  	[tilespmem:s29+$0xFFFFFC20] =	vst v4  }
0x208: {  	[tilespmem:s29+$0xFFFFFC60] =	vst v3  }
0x209: {  	v3 =	vld [tilespmem:s18+$0xFFFFFE30];
	_ =	sdelay $0x4  }
0x20a: {  	v28 =	vshll.u32 v3, $0x10  }
0x20b: {  	v3 =	vand.u32 $0xFFFF0000, v3;
	v4 =	vmul.f32 v28, v2  }
0x20c: {  	v3 =	vmul.f32 v3, v2  }
0x20d: {  	[tilespmem:s29+$0xFFFFFC30] =	vst v4  }
0x20e: {  	[tilespmem:s29+$0xFFFFFC70] =	vst v3  }
0x20f: {  	s22 =	sadd.s32 $0x1, s10;
	v3 =	vld [tilespmem:s18+$0xFFFFFE40]  }
0x210: {  	v29 =	vmov s22  }
0x211: {  	v4 =	vshrl.u32 v29, $0x3  }
0x212: {  	v4 =	vshll.u32 v4, v0  }
0x213: {  	v4 =	vadd.s32 $0x1, v4  }
0x214: {  	v4 =	vbroadcast v4, $0x0;
	v5 =	vshll.u32 v3, $0x10  }
0x215: {  	v3 =	vand.u32 $0xFFFF0000, v3;
	v5 =	vmul.f32 v5, v2  }
0x216: {  	v2 =	vmul.f32 v3, v2  }
0x217: {  	[tilespmem:s29+$0xFFFFFC40] =	vst v5  }
0x218: {  	[tilespmem:s29+$0xFFFFFC80] =	vst v2  }
0x219: {  	v2 =	vld [tilespmem:s18+$0xFFFFFE50]  }
0x21a: {  	v3 =	vld.idx.msk [tilespmem:v4+s15+$0x0], $0xffff;
	_ =	sdelay $0x3  }
0x21b: {  	v30 =	vshll.u32 v2, $0x10  }
0x21c: {  	v2 =	vand.u32 $0xFFFF0000, v2;
	v4 =	vmul.f32 v30, v3  }
0x21d: {  	v2 =	vmul.f32 v2, v3  }
0x21e: {  	[tilespmem:s29+$0xFFFFFC90] =	vst v4  }
0x21f: {  	[tilespmem:s29+$0xFFFFFCD0] =	vst v2  }
0x220: {  	v2 =	vld [tilespmem:s18+$0xFFFFFE60];
	_ =	sdelay $0x4  }
0x221: {  	v31 =	vshll.u32 v2, $0x10  }
0x222: {  	v2 =	vand.u32 $0xFFFF0000, v2;
	v4 =	vmul.f32 v31, v3  }
0x223: {  	v2 =	vmul.f32 v2, v3  }
0x224: {  	[tilespmem:s29+$0xFFFFFCA0] =	vst v4  }
0x225: {  	[tilespmem:s29+$0xFFFFFCE0] =	vst v2  }
0x226: {  	v2 =	vld [tilespmem:s18+$0xFFFFFE70];
	_ =	sdelay $0x4  }
0x227: {  	v32 =	vshll.u32 v2, $0x10  }
0x228: {  	v2 =	vand.u32 $0xFFFF0000, v2;
	v4 =	vmul.f32 v32, v3  }
0x229: {  	v2 =	vmul.f32 v2, v3  }
0x22a: {  	[tilespmem:s29+$0xFFFFFCB0] =	vst v4  }
0x22b: {  	[tilespmem:s29+$0xFFFFFCF0] =	vst v2  }
0x22c: {  	s22 =	sadd.s32 $0x2, s10;
	v2 =	vld [tilespmem:s18+$0xFFFFFE80]  }
0x22d: {  	v33 =	vmov s22  }
0x22e: {  	v4 =	vshrl.u32 v33, $0x3  }
0x22f: {  	v4 =	vshll.u32 v4, v0  }
0x230: {  	v4 =	vadd.s32 $0x2, v4  }
0x231: {  	v4 =	vbroadcast v4, $0x0;
	v34 =	vshll.u32 v2, $0x10  }
0x232: {  	v2 =	vand.u32 $0xFFFF0000, v2;
	v5 =	vmul.f32 v34, v3  }
0x233: {  	v2 =	vmul.f32 v2, v3  }
0x234: {  	[tilespmem:s29+$0xFFFFFCC0] =	vst v5  }
0x235: {  	[tilespmem:s29+$0xFFFFFD00] =	vst v2  }
0x236: {  	v2 =	vld [tilespmem:s18+$0xFFFFFE90]  }
0x237: {  	v3 =	vld.idx.msk [tilespmem:v4+s15+$0x0], $0xffff;
	_ =	sdelay $0x3  }
0x238: {  	v35 =	vshll.u32 v2, $0x10  }
0x239: {  	v2 =	vand.u32 $0xFFFF0000, v2;
	v4 =	vmul.f32 v35, v3  }
0x23a: {  	v2 =	vmul.f32 v2, v3  }
0x23b: {  	[tilespmem:s29+$0xFFFFFD10] =	vst v4  }
0x23c: {  	[tilespmem:s29+$0xFFFFFD50] =	vst v2  }
0x23d: {  	v2 =	vld [tilespmem:s18+$0xFFFFFEA0];
	_ =	sdelay $0x4  }
0x23e: {  	v36 =	vshll.u32 v2, $0x10  }
0x23f: {  	v2 =	vand.u32 $0xFFFF0000, v2;
	v4 =	vmul.f32 v36, v3  }
0x240: {  	v2 =	vmul.f32 v2, v3  }
0x241: {  	[tilespmem:s29+$0xFFFFFD20] =	vst v4  }
0x242: {  	[tilespmem:s29+$0xFFFFFD60] =	vst v2  }
0x243: {  	v2 =	vld [tilespmem:s18+$0xFFFFFEB0];
	_ =	sdelay $0x4  }
0x244: {  	v37 =	vshll.u32 v2, $0x10  }
0x245: {  	v2 =	vand.u32 $0xFFFF0000, v2;
	v4 =	vmul.f32 v37, v3  }
0x246: {  	v2 =	vmul.f32 v2, v3  }
0x247: {  	[tilespmem:s29+$0xFFFFFD30] =	vst v4  }
0x248: {  	[tilespmem:s29+$0xFFFFFD70] =	vst v2  }
0x249: {  	s22 =	sadd.s32 $0x3, s10;
	v2 =	vld [tilespmem:s18+$0xFFFFFEC0]  }
0x24a: {  	v38 =	vmov s22  }
0x24b: {  	v4 =	vshrl.u32 v38, $0x3  }
0x24c: {  	v4 =	vshll.u32 v4, v0  }
0x24d: {  	v4 =	vadd.s32 $0x3, v4  }
0x24e: {  	v4 =	vbroadcast v4, $0x0;
	v39 =	vshll.u32 v2, $0x10  }
0x24f: {  	v2 =	vand.u32 $0xFFFF0000, v2;
	v5 =	vmul.f32 v39, v3  }
0x250: {  	v2 =	vmul.f32 v2, v3  }
0x251: {  	[tilespmem:s29+$0xFFFFFD40] =	vst v5  }
0x252: {  	[tilespmem:s29+$0xFFFFFD80] =	vst v2  }
0x253: {  	v2 =	vld [tilespmem:s18+$0xFFFFFED0]  }
0x254: {  	v3 =	vld.idx.msk [tilespmem:v4+s15+$0x0], $0xffff;
	_ =	sdelay $0x3  }
0x255: {  	v40 =	vshll.u32 v2, $0x10  }
0x256: {  	v2 =	vand.u32 $0xFFFF0000, v2;
	v4 =	vmul.f32 v40, v3  }
0x257: {  	v2 =	vmul.f32 v2, v3  }
0x258: {  	[tilespmem:s29+$0xFFFFFD90] =	vst v4  }
0x259: {  	[tilespmem:s29+$0xFFFFFDD0] =	vst v2  }
0x25a: {  	v2 =	vld [tilespmem:s18+$0xFFFFFEE0];
	_ =	sdelay $0x4  }
0x25b: {  	v41 =	vshll.u32 v2, $0x10  }
0x25c: {  	v2 =	vand.u32 $0xFFFF0000, v2;
	v4 =	vmul.f32 v41, v3  }
0x25d: {  	v2 =	vmul.f32 v2, v3  }
0x25e: {  	[tilespmem:s29+$0xFFFFFDA0] =	vst v4  }
0x25f: {  	[tilespmem:s29+$0xFFFFFDE0] =	vst v2  }
0x260: {  	v2 =	vld [tilespmem:s18+$0xFFFFFEF0];
	_ =	sdelay $0x4  }
0x261: {  	v42 =	vshll.u32 v2, $0x10  }
0x262: {  	v2 =	vand.u32 $0xFFFF0000, v2;
	v4 =	vmul.f32 v42, v3  }
0x263: {  	v2 =	vmul.f32 v2, v3  }
0x264: {  	[tilespmem:s29+$0xFFFFFDB0] =	vst v4  }
0x265: {  	[tilespmem:s29+$0xFFFFFDF0] =	vst v2  }
0x266: {  	s22 =	sadd.s32 $0x4, s10;
	v2 =	vld [tilespmem:s18+$0xFFFFFF00]  }
0x267: {  	v43 =	vmov s22  }
0x268: {  	v4 =	vshrl.u32 v43, $0x3  }
0x269: {  	v4 =	vshll.u32 v4, v0  }
0x26a: {  	v4 =	vadd.s32 $0x4, v4  }
0x26b: {  	v4 =	vbroadcast v4, $0x0;
	v44 =	vshll.u32 v2, $0x10  }
0x26c: {  	v2 =	vand.u32 $0xFFFF0000, v2;
	v5 =	vmul.f32 v44, v3  }
0x26d: {  	v2 =	vmul.f32 v2, v3  }
0x26e: {  	[tilespmem:s29+$0xFFFFFDC0] =	vst v5  }
0x26f: {  	[tilespmem:s29+$0xFFFFFE00] =	vst v2  }
0x270: {  	v2 =	vld [tilespmem:s18+$0xFFFFFF10]  }
0x271: {  	v3 =	vld.idx.msk [tilespmem:v4+s15+$0x0], $0xffff;
	_ =	sdelay $0x3  }
0x272: {  	v45 =	vshll.u32 v2, $0x10  }
0x273: {  	v2 =	vand.u32 $0xFFFF0000, v2;
	v4 =	vmul.f32 v45, v3  }
0x274: {  	v2 =	vmul.f32 v2, v3  }
0x275: {  	[tilespmem:s29+$0xFFFFFE10] =	vst v4  }
0x276: {  	[tilespmem:s29+$0xFFFFFE50] =	vst v2  }
0x277: {  	v2 =	vld [tilespmem:s18+$0xFFFFFF20];
	_ =	sdelay $0x4  }
0x278: {  	v46 =	vshll.u32 v2, $0x10  }
0x279: {  	v2 =	vand.u32 $0xFFFF0000, v2;
	v4 =	vmul.f32 v46, v3  }
0x27a: {  	v2 =	vmul.f32 v2, v3  }
0x27b: {  	[tilespmem:s29+$0xFFFFFE20] =	vst v4  }
0x27c: {  	[tilespmem:s29+$0xFFFFFE60] =	vst v2  }
0x27d: {  	v2 =	vld [tilespmem:s18+$0xFFFFFF30];
	_ =	sdelay $0x4  }
0x27e: {  	v47 =	vshll.u32 v2, $0x10  }
0x27f: {  	v2 =	vand.u32 $0xFFFF0000, v2;
	v4 =	vmul.f32 v47, v3  }
0x280: {  	v2 =	vmul.f32 v2, v3  }
0x281: {  	[tilespmem:s29+$0xFFFFFE30] =	vst v4  }
0x282: {  	[tilespmem:s29+$0xFFFFFE70] =	vst v2  }
0x283: {  	s22 =	sadd.s32 $0x5, s10;
	v2 =	vld [tilespmem:s18+$0xFFFFFF40]  }
0x284: {  	v48 =	vmov s22  }
0x285: {  	v4 =	vshrl.u32 v48, $0x3  }
0x286: {  	v4 =	vshll.u32 v4, v0  }
0x287: {  	v4 =	vadd.s32 $0x5, v4  }
0x288: {  	v4 =	vbroadcast v4, $0x0;
	v49 =	vshll.u32 v2, $0x10  }
0x289: {  	v2 =	vand.u32 $0xFFFF0000, v2;
	v5 =	vmul.f32 v49, v3  }
0x28a: {  	v2 =	vmul.f32 v2, v3  }
0x28b: {  	[tilespmem:s29+$0xFFFFFE40] =	vst v5  }
0x28c: {  	[tilespmem:s29+$0xFFFFFE80] =	vst v2  }
0x28d: {  	v2 =	vld [tilespmem:s18+$0xFFFFFF50]  }
0x28e: {  	v3 =	vld.idx.msk [tilespmem:v4+s15+$0x0], $0xffff;
	_ =	sdelay $0x3  }
0x28f: {  	v50 =	vshll.u32 v2, $0x10  }
0x290: {  	v2 =	vand.u32 $0xFFFF0000, v2;
	v4 =	vmul.f32 v50, v3  }
0x291: {  	v2 =	vmul.f32 v2, v3  }
0x292: {  	[tilespmem:s29+$0xFFFFFE90] =	vst v4  }
0x293: {  	[tilespmem:s29+$0xFFFFFED0] =	vst v2  }
0x294: {  	v2 =	vld [tilespmem:s18+$0xFFFFFF60];
	_ =	sdelay $0x4  }
0x295: {  	v51 =	vshll.u32 v2, $0x10  }
0x296: {  	v2 =	vand.u32 $0xFFFF0000, v2;
	v4 =	vmul.f32 v51, v3  }
0x297: {  	v2 =	vmul.f32 v2, v3  }
0x298: {  	[tilespmem:s29+$0xFFFFFEA0] =	vst v4  }
0x299: {  	[tilespmem:s29+$0xFFFFFEE0] =	vst v2  }
0x29a: {  	v2 =	vld [tilespmem:s18+$0xFFFFFF70];
	_ =	sdelay $0x4  }
0x29b: {  	v52 =	vshll.u32 v2, $0x10  }
0x29c: {  	v2 =	vand.u32 $0xFFFF0000, v2;
	v4 =	vmul.f32 v52, v3  }
0x29d: {  	v2 =	vmul.f32 v2, v3  }
0x29e: {  	[tilespmem:s29+$0xFFFFFEB0] =	vst v4  }
0x29f: {  	[tilespmem:s29+$0xFFFFFEF0] =	vst v2  }
0x2a0: {  	s22 =	sadd.s32 $0x6, s10;
	v2 =	vld [tilespmem:s18+$0xFFFFFF80]  }
0x2a1: {  	v53 =	vmov s22  }
0x2a2: {  	v4 =	vshrl.u32 v53, $0x3  }
0x2a3: {  	v4 =	vshll.u32 v4, v0  }
0x2a4: {  	v4 =	vadd.s32 $0x6, v4  }
0x2a5: {  	v4 =	vbroadcast v4, $0x0;
	v54 =	vshll.u32 v2, $0x10  }
0x2a6: {  	v2 =	vand.u32 $0xFFFF0000, v2;
	v5 =	vmul.f32 v54, v3  }
0x2a7: {  	v2 =	vmul.f32 v2, v3  }
0x2a8: {  	[tilespmem:s29+$0xFFFFFEC0] =	vst v5  }
0x2a9: {  	[tilespmem:s29+$0xFFFFFF00] =	vst v2  }
0x2aa: {  	v2 =	vld [tilespmem:s18+$0xFFFFFF90]  }
0x2ab: {  	v3 =	vld.idx.msk [tilespmem:v4+s15+$0x0], $0xffff;
	_ =	sdelay $0x3  }
0x2ac: {  	v55 =	vshll.u32 v2, $0x10  }
0x2ad: {  	v2 =	vand.u32 $0xFFFF0000, v2;
	v4 =	vmul.f32 v55, v3  }
0x2ae: {  	v2 =	vmul.f32 v2, v3  }
0x2af: {  	[tilespmem:s29+$0xFFFFFF10] =	vst v4  }
0x2b0: {  	[tilespmem:s29+$0xFFFFFF50] =	vst v2  }
0x2b1: {  	v2 =	vld [tilespmem:s18+$0xFFFFFFA0];
	_ =	sdelay $0x4  }
0x2b2: {  	v56 =	vshll.u32 v2, $0x10  }
0x2b3: {  	v2 =	vand.u32 $0xFFFF0000, v2;
	v4 =	vmul.f32 v56, v3  }
0x2b4: {  	v2 =	vmul.f32 v2, v3  }
0x2b5: {  	[tilespmem:s29+$0xFFFFFF20] =	vst v4  }
0x2b6: {  	[tilespmem:s29+$0xFFFFFF60] =	vst v2  }
0x2b7: {  	v2 =	vld [tilespmem:s18+$0xFFFFFFB0];
	_ =	sdelay $0x4  }
0x2b8: {  	v57 =	vshll.u32 v2, $0x10  }
0x2b9: {  	v2 =	vand.u32 $0xFFFF0000, v2;
	v4 =	vmul.f32 v57, v3  }
0x2ba: {  	v2 =	vmul.f32 v2, v3  }
0x2bb: {  	[tilespmem:s29+$0xFFFFFF30] =	vst v4  }
0x2bc: {  	[tilespmem:s29+$0xFFFFFF70] =	vst v2  }
0x2bd: {  	s22 =	sadd.s32 $0x7, s10;
	v2 =	vld [tilespmem:s18+$0xFFFFFFC0]  }
0x2be: {  	v58 =	vmov s22  }
0x2bf: {  	v4 =	vshrl.u32 v58, $0x3  }
0x2c0: {  	v4 =	vshll.u32 v4, v0  }
0x2c1: {  	v4 =	vadd.s32 $0x7, v4  }
0x2c2: {  	v4 =	vbroadcast v4, $0x0;
	v59 =	vshll.u32 v2, $0x10  }
0x2c3: {  	v2 =	vand.u32 $0xFFFF0000, v2;
	v5 =	vmul.f32 v59, v3  }
0x2c4: {  	v2 =	vmul.f32 v2, v3  }
0x2c5: {  	[tilespmem:s29+$0xFFFFFF40] =	vst v5  }
0x2c6: {  	[tilespmem:s29+$0xFFFFFF80] =	vst v2  }
0x2c7: {  	v2 =	vld [tilespmem:s18+$0xFFFFFFD0]  }
0x2c8: {  	v3 =	vld.idx.msk [tilespmem:v4+s15+$0x0], $0xffff;
	_ =	sdelay $0x3  }
0x2c9: {  	v60 =	vshll.u32 v2, $0x10  }
0x2ca: {  	v2 =	vand.u32 $0xFFFF0000, v2;
	v4 =	vmul.f32 v60, v3  }
0x2cb: {  	v2 =	vmul.f32 v2, v3  }
0x2cc: {  	[tilespmem:s29+$0xFFFFFF90] =	vst v4  }
0x2cd: {  	[tilespmem:s29+$0xFFFFFFD0] =	vst v2  }
0x2ce: {  	v2 =	vld [tilespmem:s18+$0xFFFFFFE0];
	_ =	sdelay $0x4  }
0x2cf: {  	v61 =	vshll.u32 v2, $0x10  }
0x2d0: {  	v2 =	vand.u32 $0xFFFF0000, v2;
	v4 =	vmul.f32 v61, v3  }
0x2d1: {  	v2 =	vmul.f32 v2, v3  }
0x2d2: {  	[tilespmem:s29+$0xFFFFFFA0] =	vst v4  }
0x2d3: {  	[tilespmem:s29+$0xFFFFFFE0] =	vst v2  }
0x2d4: {  	v2 =	vld [tilespmem:s18+$0xFFFFFFF0];
	_ =	sdelay $0x4  }
0x2d5: {  	v62 =	vshll.u32 v2, $0x10  }
0x2d6: {  	v2 =	vand.u32 $0xFFFF0000, v2;
	v4 =	vmul.f32 v62, v3  }
0x2d7: {  	v2 =	vmul.f32 v2, v3  }
0x2d8: {  	[tilespmem:s29+$0xFFFFFFB0] =	vst v4  }
0x2d9: {  	[tilespmem:s29+$0xFFFFFFF0] =	vst v2  }
0x2da: {  	v2 =	vld [tilespmem:s18+$0x0];
	_ =	sdelay $0x3  }
0x2db: {  	p0 =	slt.u32 s10, $0x38  }
.Ltmp5:
0x2dc: {  	v63 =	vshll.u32 v2, $0x10;
	(pc) =	sbr.rel @p0 .LBB2_6-.Ltmp5, $4  }
0x2dd: {  	v2 =	vand.u32 $0xFFFF0000, v2;
	v4 =	vmul.f32 v63, v3  }
0x2de: {  	v2 =	vmul.f32 v2, v3  }
0x2df: {  	[tilespmem:s29+$0xFFFFFFC0] =	vst v4  }
0x2e0: {  	s10 =	sadd.s32 $0x8, s10;
	s18 =	sadd.s32 $0x200, s18;
	[tilespmem:s29+$0x0] =	vst v2;
	s29 =	sadd.s32 $0x400, s29  }
0x2e1: {  	[spmem:s2] =	stream.indirect.scatter.add.f32 [tilespmem:s16], [sflag:$0x6], $0x80, s19, s3, $0xb8;
	[tilespmem:$0x1FD20] =	vst v63  }
0x2e2: {  	_ = 	snop  }
0x2e3: {  	[spmem:s4] =	stream.indirect.scatter.add.f32 [tilespmem:s15], [sflag:$0x6], $0x1, s19, s3, $0xb8;
	[tilespmem:$0x1FD20] =	vst v63  }
0x2e4: {  	p0 =	seq.s32 s20, $0x3;
	_ =	swait.ge [sflag:s17], $0x2000  }
.Ltmp6:
0x2e5: {  	[sflag:s17] =	ssyncset.done $0x0;
	(pc) =	sbr.rel @p0 .LBB2_9-.Ltmp6, $4  }
0x2e6: {  	[sflag:s17] =	ssyncadd.s32 $0xFFFFE000  }
0x2e7: {  	_ =	swait.ge [sflag:s17], $0x40  }
0x2e8: {  	[sflag:s17] =	ssyncset.done $0x0  }
0x2e9: {  	[sflag:s17] =	ssyncadd.s32 $0xFFFFFFC0  }
0x2ea: {  	_ =	sdelay $0x1  }
0x2eb: {  	s10 =	sadd.s32 $0x2, s9  }
0x2ec: {  	s9 =	sshll.u32 s10, $0x6  }
0x2ed: {  	v2 =	vld.idx.msk [tilespmem:v1+s9+$0x4E20 ss:$0x1], $0xffff  }
0x2ee: {  	v3 =	vld.idx.msk [tilespmem:v1+s9+$0x5220 ss:$0x1], $0xffff;
	_ =	sdelay $0x6  }
0x2ef: {  	v2 =	vld.idx.msk [tilespmem:v2+s5+$0x0], $0xffff  }
0x2f0: {  	v3 =	vld.idx.msk [tilespmem:v3+s24+$0x0], $0xffff;
	_ =	sdelay $0x1  }
0x2f1: {  	v4 =	vld.idx.msk [tilespmem:v1+s9+$0x5620 ss:$0x1], $0xffff;
	_ =	sdelay $0x2  }
0x2f2: {  	v2 =	vadd.f32 v3, v2;
	_ =	sdelay $0x1  }
0x2f3: {  	v2 =	vadd.f32 v4, v2;
	_ =	sdelay $0x1  }
0x2f4: {  	v3 =	vmul.f32 $2.000000030e-01, v2  }
0x2f5: {  	vm0 =	vge.f32 v2, $0.0e+00  }
0x2f6: {  	v2 =	vsel vm0, v2, v3  }
0x2f7: {  	v2 =	vmul.f32 $1.442695020e+00, v2;
	_ =	sdelay $0x1  }
0x2f8: {  	(erf) = vpow2.f32 v2;
	_ =	sdelay $0x5  }
0x2f9: {  	s10 =	sadd.s32 s8, s10  }
0x2fa: {  	s10 =	sshll.u32 s10, $0x6  }
0x2fb: {  	s10 =	sadd.s32 s11, s10  }
0x2fc: {  	p0 =	slt.u32 s10, $0x4E200;
	v2 =	vpop (erf)  }
0x2fd: {  	v2 =	vpsel !p0, $0x0, v2  }
0x2fe: {  	[tilespmem:$0x5A20] =	vst v2  }
0x2ff: {  	v2 =	vld.idx.msk [tilespmem:v1+s9+$0x4E30 ss:$0x1], $0xffff  }
0x300: {  	v3 =	vld.idx.msk [tilespmem:v1+s9+$0x5230 ss:$0x1], $0xffff;
	_ =	sdelay $0x6  }
0x301: {  	v2 =	vld.idx.msk [tilespmem:v2+s5+$0x0], $0xffff  }
0x302: {  	v3 =	vld.idx.msk [tilespmem:v3+s24+$0x0], $0xffff;
	_ =	sdelay $0x1  }
0x303: {  	v61 =	vld.idx.msk [tilespmem:v1+s9+$0x5630 ss:$0x1], $0xffff;
	_ =	sdelay $0x2  }
0x304: {  	v2 =	vadd.f32 v3, v2;
	_ =	sdelay $0x1  }
0x305: {  	v2 =	vadd.f32 v61, v2;
	_ =	sdelay $0x1  }
0x306: {  	v3 =	vmul.f32 $2.000000030e-01, v2  }
0x307: {  	vm13 =	vge.f32 v2, $0.0e+00  }
0x308: {  	v2 =	vsel vm13, v2, v3  }
0x309: {  	v2 =	vmul.f32 $1.442695020e+00, v2;
	_ =	sdelay $0x1  }
0x30a: {  	(erf) = vpow2.f32 v2;
	_ =	sdelay $0x7  }
0x30b: {  	s18 =	sor.u32 $0x10, s10  }
0x30c: {  	p4 =	slt.u32 s18, $0x4E200;
	v2 =	vpop (erf)  }
0x30d: {  	v2 =	vpsel !p4, $0x0, v2  }
0x30e: {  	[tilespmem:$0x5A30] =	vst v2  }
0x30f: {  	v2 =	vld.idx.msk [tilespmem:v1+s9+$0x4E40 ss:$0x1], $0xffff  }
0x310: {  	v3 =	vld.idx.msk [tilespmem:v1+s9+$0x5240 ss:$0x1], $0xffff;
	_ =	sdelay $0x6  }
0x311: {  	v2 =	vld.idx.msk [tilespmem:v2+s5+$0x0], $0xffff  }
0x312: {  	v3 =	vld.idx.msk [tilespmem:v3+s24+$0x0], $0xffff;
	_ =	sdelay $0x1  }
0x313: {  	v62 =	vld.idx.msk [tilespmem:v1+s9+$0x5640 ss:$0x1], $0xffff;
	_ =	sdelay $0x2  }
0x314: {  	v2 =	vadd.f32 v3, v2;
	_ =	sdelay $0x1  }
0x315: {  	v2 =	vadd.f32 v62, v2;
	_ =	sdelay $0x1  }
0x316: {  	v3 =	vmul.f32 $2.000000030e-01, v2  }
0x317: {  	vm14 =	vge.f32 v2, $0.0e+00  }
0x318: {  	v2 =	vsel vm14, v2, v3  }
0x319: {  	v2 =	vmul.f32 $1.442695020e+00, v2;
	_ =	sdelay $0x1  }
0x31a: {  	(erf) = vpow2.f32 v2;
	_ =	sdelay $0x7  }
0x31b: {  	s22 =	sor.u32 $0x20, s10  }
0x31c: {  	p5 =	slt.u32 s22, $0x4E200;
	v2 =	vpop (erf)  }
0x31d: {  	v2 =	vpsel !p5, $0x0, v2  }
0x31e: {  	[tilespmem:$0x5A40] =	vst v2  }
0x31f: {  	v2 =	vld.idx.msk [tilespmem:v1+s9+$0x4E50 ss:$0x1], $0xffff  }
0x320: {  	v3 =	vld.idx.msk [tilespmem:v1+s9+$0x5250 ss:$0x1], $0xffff;
	_ =	sdelay $0x6  }
0x321: {  	v2 =	vld.idx.msk [tilespmem:v2+s5+$0x0], $0xffff  }
0x322: {  	v3 =	vld.idx.msk [tilespmem:v3+s24+$0x0], $0xffff;
	_ =	sdelay $0x1  }
0x323: {  	v63 =	vld.idx.msk [tilespmem:v1+s9+$0x5650 ss:$0x1], $0xffff;
	_ =	sdelay $0x2  }
0x324: {  	v2 =	vadd.f32 v3, v2;
	_ =	sdelay $0x1  }
0x325: {  	v2 =	vadd.f32 v63, v2;
	_ =	sdelay $0x1  }
0x326: {  	v3 =	vmul.f32 $2.000000030e-01, v2  }
0x327: {  	vm15 =	vge.f32 v2, $0.0e+00  }
0x328: {  	v2 =	vsel vm15, v2, v3  }
0x329: {  	v2 =	vmul.f32 $1.442695020e+00, v2;
	_ =	sdelay $0x1  }
0x32a: {  	(erf) = vpow2.f32 v2;
	_ =	sdelay $0x7  }
0x32b: {  	s10 =	sor.u32 $0x30, s10  }
0x32c: {  	p6 =	slt.u32 s10, $0x4E200;
	v2 =	vpop (erf)  }
.Ltmp7:
0x32d: {  	s9 =	sadd.s32 s21, s9;
	v2 =	vpsel !p6, $0x0, v2;
	(pc) =	sbr.rel .LBB2_3-.Ltmp7, $4  }
0x32e: {  	s29 =	sadd.s32 $0x5220, s9;
	[tilespmem:$0x5A50] =	vst v2  }
0x32f: {  	[tilespmem:s31], [sflag:$0x1] =	stream.indirect.gather [hbm4b:s1+s30], $0x40, s29, s30, $0xb8;
	[tilespmem:$0x1FD20] =	vst v63  }
0x330: {  	s20 =	sadd.s32 $0x1, s20;
	s9 =	sadd.s32 $0x5240, s9  }
0x331: {  	[tilespmem:s0], [sflag:$0x3] =	stream.indirect.gather [hbm4b:s1+s30], $0x40, s9, s30, $0xb8;
	[tilespmem:$0x1FD20] =	vst v63  }
.LBB2_11:
0x332: {  	_ =	sfence.sel $0x180000  }
0x333: {  	[bflag:$0x0] =	sbarrier.arrive $0xFFFF  }
0x334: {  	_ =	strace $0x90000047  }
0x335: {  	s0 =	stileid.u32;
	[bflag:$0x2] =	sbarrier.arrive $0xFFFF  }
0x336: {  	p0 =	sne.s32 s0, $0x0;
	s0 =	rddreg [dreg:$0x4]  }
0x337: {  	s0 =	sadd.s32 @!p0 $0x100000, s0  }
0x338: {  	[sflag:s0] =	ssyncadd.tile.s32 @!p0 $0x1;
	_ =	shalt  }
.Lfunc_end2:
_tile_overlayer_lowered:
.L_overlay_start_2:
0x339: {  	(tag) =	ssettag $0x2  }
0x33a: {  	s0 =	rddreg [dreg:$0x0];
	s2 =	stileid.u32  }
0x33b: {  	s1 =	rddreg [dreg:$0x1];
	p0 =	sne.s32 s2, $0x0  }
0x33c: {  	s3 =	rddreg [dreg:$0x2];
	[bflag:$0x3] =	sbarrier.arrive $0xFFFF;
	s2 =	simm.s32 @!p0 $0x1C08  }
0x33d: {  	[timem:s3], [sflag:s2] =	dma.local @!p0 [hbm:s0], s1  }
0x33e: {  	s0 =	simm.s32 @!p0 $0x8  }
0x33f: {  	_ =	swait.ge @!p0 [sflag:s0], s1  }
0x340: {  	s1 =	ssub.s32 @!p0 $0x0, s1;
	[sflag:s0] =	ssyncset.done @!p0 $0x0  }
0x341: {  	[sflag:s0] =	ssyncadd.s32 @!p0 s1  }
0x342: {  	[bflag:$0x3] =	sbarrier.arrive $0xFFFF  }
0x343: {  	_ =	shalt  }

</sc_bundles>
